<compile_context>
chip_gen: v7x
topology: tpu7x:2x2x1
jax: 0.10.2.dev20260603
libtpu: 0.0.44.dev20260713+nightly
codegen_flags: <defaults>
</compile_context>

<pallas_src>
import functools

import jax
import jax.numpy as jnp
from jax import lax
from jax.experimental import pallas as pl
from jax.experimental.pallas import tpu as pltpu
from jax.experimental.pallas import tpu_sc as plsc

N_NODES = 10000
N_EDGES = 160000
NODE_DIM = 128
EDGE_DIM = 4
HIDDEN_DIM = 256

NC = 2
NS = 16
B = 16
EA = 16
EDGES_PER_TILE = N_EDGES // NS
NPAD = 10240
NODES_PER_TILE = NPAD // NS
FINB = 40
NFIN = NODES_PER_TILE // FINB
HALF = HIDDEN_DIM // NC
FB = HALF // 16
PROJ = EDGE_DIM * HALF
G = 25
BT = G * B
NBATCH = EDGES_PER_TILE // BT


def _proj_kernel(nf_ref, a_ref, out_ref):
    out_ref[0] = jnp.dot(nf_ref[...], a_ref[0],
                         preferred_element_type=jnp.float32)


def _node_projections(node_features, a2):
    bn = 1000
    return pl.pallas_call(
        _proj_kernel,
        grid=(NC, N_NODES // bn),
        in_specs=[
            pl.BlockSpec((bn, NODE_DIM), lambda c, n: (n, 0)),
            pl.BlockSpec((1, NODE_DIM, PROJ), lambda c, n: (c, 0, 0)),
        ],
        out_specs=pl.BlockSpec((1, bn, PROJ), lambda c, n: (c, n, 0)),
        out_shape=jax.ShapeDtypeStruct((NC, NPAD, PROJ), jnp.float32),
    )(node_features, a2)


def _edge_kernel(p_hbm, srcb_hbm, dst2_hbm, dst_hbm, ea_hbm, b_hbm,
                 acc_hbm, cnt_hbm,
                 idx_v, dst_v, ea_v, rows0_v, rows1_v, msg_v, fin_v,
                 cnt_l, b_v, bh_v, sem0, sem1, acc_sh):
    c = lax.axis_index("c")
    s = lax.axis_index("s")
    iota = lax.iota(jnp.int32, 16)

    pltpu.sync_copy(b_hbm, b_v)
    for blk in range(FB):
        o = blk * 16
        bh_v[pl.ds(o, 16)] = b_v[pl.ds(c * HALF + o, 16)]

    def zfin(i, _):
        for blk in range(FB):
            fin_v[i, pl.ds(blk * 16, 16)] = jnp.zeros((16,), jnp.float32)
        return 0

    lax.fori_loop(0, FINB, zfin, 0)

    def zcnt(i, _):
        cnt_l[pl.ds(i * 16, 16)] = jnp.zeros((16,), jnp.float32)
        return 0

    lax.fori_loop(0, NPAD // 16, zcnt, 0)

    for k in range(NFIN):
        nb = s * NODES_PER_TILE + k * FINB
        pltpu.sync_copy(fin_v, acc_sh.at[pl.ds(nb, FINB)])
    plsc.subcore_barrier()

    bvecs = tuple(bh_v[pl.ds(blk * 16, 16)] for blk in range(FB))
    bufs = (rows0_v, rows1_v)
    sems = (sem0, sem1)

    def batch_body(kb, _):
        ebase = s * EDGES_PER_TILE + kb * BT
        brow = s * NBATCH + kb
        pltpu.sync_copy(srcb_hbm.at[c * (N_EDGES // BT) + brow], idx_v)
        pltpu.sync_copy(dst2_hbm.at[brow], dst_v)
        pltpu.sync_copy(ea_hbm.at[pl.ds(ebase * EA, BT * EA)], ea_v)

        def compute_chunk(j, rows_v):
            eoff = j * (B * EA)

            def edge_body(i, _):
                ev = ea_v[pl.ds(eoff + i * EA, 16)]
                e0 = ev[0]
                e1 = ev[1]
                e2 = ev[2]
                e3 = ev[3]
                for blk in range(FB):
                    o = blk * 16
                    v = bvecs[blk]
                    v = v + e0 * rows_v[i, pl.ds(o, 16)]
                    v = v + e1 * rows_v[i, pl.ds(HALF + o, 16)]
                    v = v + e2 * rows_v[i, pl.ds(2 * HALF + o, 16)]
                    v = v + e3 * rows_v[i, pl.ds(3 * HALF + o, 16)]
                    msg_v[i, pl.ds(o, 16)] = jnp.maximum(v, 0.0)
                return 0

            lax.fori_loop(0, B, edge_body, 0)
            pltpu.sync_copy(msg_v, acc_sh.at[dst_v.at[j]], add=True)

        pltpu.async_copy(p_hbm.at[idx_v.at[0]], bufs[0], sems[0])

        def pipe_body(j, _):
            par = j & 1
            for p_ in (0, 1):
                @pl.when(par == p_)
                def _():
                    @pl.when(j + 1 < G)
                    def _():
                        pltpu.async_copy(p_hbm.at[idx_v.at[j + 1]],
                                         bufs[1 - p_], sems[1 - p_])
                    pltpu.make_async_copy(p_hbm.at[idx_v.at[j]],
                                          bufs[p_], sems[p_]).wait()
                    compute_chunk(j, bufs[p_])
            return 0

        lax.fori_loop(0, G, pipe_body, 0)

        def cnt_body(g, _):
            dv = dst_v[g, :]
            for l in range(16):
                d = dv[l]
                db = (d >> 4) << 4
                oneh = jnp.where(iota == (d & 15), 1.0, 0.0)
                cnt_l[pl.ds(db, 16)] = cnt_l[pl.ds(db, 16)] + oneh
            return 0

        lax.fori_loop(0, G, cnt_body, 0)
        return 0

    lax.fori_loop(0, NBATCH, batch_body, 0)
    plsc.subcore_barrier()

    for k in range(NFIN):
        nb = s * NODES_PER_TILE + k * FINB
        pltpu.sync_copy(acc_sh.at[pl.ds(nb, FINB)], fin_v)
        pltpu.sync_copy(fin_v, acc_hbm.at[pl.ds(c * NPAD + nb, FINB)])
    pltpu.sync_copy(cnt_l, cnt_hbm.at[pl.ds((c * NS + s) * NPAD, NPAD)])


@functools.partial(
    pl.kernel,
    out_type=[
        jax.ShapeDtypeStruct((NC * NPAD, HALF), jnp.float32),
        jax.ShapeDtypeStruct((NC * NS * NPAD,), jnp.float32),
    ],
    mesh=plsc.VectorSubcoreMesh(core_axis_name="c", subcore_axis_name="s"),
    scratch_types=[
        pltpu.VMEM((G, B), jnp.int32),
        pltpu.VMEM((G, B), jnp.int32),
        pltpu.VMEM((BT * EA,), jnp.float32),
        pltpu.VMEM((B, PROJ), jnp.float32),
        pltpu.VMEM((B, PROJ), jnp.float32),
        pltpu.VMEM((B, HALF), jnp.float32),
        pltpu.VMEM((FINB, HALF), jnp.float32),
        pltpu.VMEM((NPAD,), jnp.float32),
        pltpu.VMEM((HIDDEN_DIM,), jnp.float32),
        pltpu.VMEM((HALF,), jnp.float32),
        pltpu.SemaphoreType.DMA,
        pltpu.SemaphoreType.DMA,
        pltpu.VMEM_SHARED((NPAD, HALF), jnp.float32),
    ],
)
def _edge_scatter(p_hbm, srcb_hbm, dst2_hbm, dst_hbm, ea_hbm, b_hbm,
                  acc_hbm, cnt_hbm,
                  idx_v, dst_v, ea_v, rows0_v, rows1_v, msg_v, fin_v,
                  cnt_l, b_v, bh_v, sem0, sem1, acc_sh):
    _edge_kernel(p_hbm, srcb_hbm, dst2_hbm, dst_hbm, ea_hbm, b_hbm,
                 acc_hbm, cnt_hbm,
                 idx_v, dst_v, ea_v, rows0_v, rows1_v, msg_v, fin_v,
                 cnt_l, b_v, bh_v, sem0, sem1, acc_sh)


def _mean_kernel(a0_ref, a1_ref, cnt_ref, out_ref):
    tot = jnp.sum(cnt_ref[:NS], axis=0)
    scale = 1.0 / jnp.maximum(tot, 1.0)
    out_ref[:, :HALF] = jnp.maximum(a0_ref[0], 0.0) * scale[:, None]
    out_ref[:, HALF:] = jnp.maximum(a1_ref[0], 0.0) * scale[:, None]


def _mean_relu(acc3, cnt3):
    bn = 2048
    return pl.pallas_call(
        _mean_kernel,
        grid=(NPAD // bn,),
        in_specs=[
            pl.BlockSpec((1, bn, HALF), lambda n: (0, n, 0)),
            pl.BlockSpec((1, bn, HALF), lambda n: (1, n, 0)),
            pl.BlockSpec((NC * NS, bn), lambda n: (0, n)),
        ],
        out_specs=pl.BlockSpec((bn, HIDDEN_DIM), lambda n: (n, 0)),
        out_shape=jax.ShapeDtypeStruct((NPAD, HIDDEN_DIM), jnp.float32),
    )(acc3, acc3, cnt3)


def kernel(node_features, edge_index, edge_attr, W, b):
    a2 = W.reshape(NC, HALF, EDGE_DIM, NODE_DIM).transpose(0, 3, 2, 1)
    a2 = a2.reshape(NC, NODE_DIM, PROJ)
    src = edge_index[0].astype(jnp.int32)
    dst = edge_index[1].astype(jnp.int32)
    srcb = jnp.concatenate([src, src + NPAD]).reshape(-1, G, B)
    dst2 = dst.reshape(-1, G, B)
    ea16 = jnp.pad(edge_attr, ((0, 0), (0, EA - EDGE_DIM))).reshape(-1)

    p = _node_projections(node_features, a2)
    p_flat = p.reshape(NC * NPAD, PROJ)
    acc, cnt = _edge_scatter(p_flat, srcb, dst2, dst, ea16, b)
    acc3 = acc.reshape(NC, NPAD, HALF)
    cnt3 = cnt.reshape(NC * NS, NPAD)
    return _mean_relu(acc3, cnt3)[:N_NODES]

# --- scband reference (transcript-rebuilt; emitter-appended) ---
"""Pipeline reference for scband-egnnlayer-38620345926115 (READ-ONLY COPY).

The authoritative reference and input builder live on the scoring server;
editing this copy changes nothing except your own understanding.
"""

import jax, jax.numpy as jnp
import numpy as np

N_NODES = 10000
N_EDGES = 160000
NODE_DIM = 128
EDGE_DIM = 4
HIDDEN_DIM = 256


def setup_inputs(seed: int = 0) -> dict:
    key = jax.random.key(seed)
    k1, k2, k3, k4, k5 = jax.random.split(key, 5)
    node_features = jax.random.normal(k1, (N_NODES, NODE_DIM), dtype=jnp.float32)
    edge_index = jax.random.randint(k2, (2, N_EDGES), 0, N_NODES, dtype=jnp.int64)
    edge_attr = jax.random.normal(k3, (N_EDGES, EDGE_DIM), dtype=jnp.float32)
    fan_in = EDGE_DIM * NODE_DIM
    bound = 1.0 / np.sqrt(fan_in)
    W = jax.random.uniform(k4, (HIDDEN_DIM, fan_in), dtype=jnp.float32, minval=-bound, maxval=bound)
    b = jax.random.uniform(k5, (HIDDEN_DIM,), dtype=jnp.float32, minval=-bound, maxval=bound)
    return {"node_features": node_features, "edge_index": edge_index, "edge_attr": edge_attr, "W": W, "b": b}


def reference(node_features, edge_index, edge_attr, W, b):
    # Dropout layers act as identity in eval mode.
    src = edge_index[0]
    dst = edge_index[1]
    h_src = jnp.take(node_features, src, axis=0)  # [E, node_dim]
    # message: e.unsqueeze(-1) * h.unsqueeze(-2).repeat -> outer product [E, edge_dim, node_dim]
    m = edge_attr[:, :, None] * h_src[:, None, :]
    m = m.reshape(-1, EDGE_DIM * NODE_DIM)
    m = m @ W.T + b
    m = jax.nn.relu(m)  # [E, hidden]
    # reduce: mean over incoming edges per dst node, then relu
    sums = jax.ops.segment_sum(m, dst, num_segments=N_NODES)
    counts = jax.ops.segment_sum(jnp.ones((N_EDGES,), dtype=jnp.float32), dst, num_segments=N_NODES)
    mean = sums / jnp.maximum(counts, 1.0)[:, None]
    h_out = jax.nn.relu(mean)
    return h_out

if __name__ == "__main__":
    import jax
    _d = setup_inputs()
    print(jax.jit(kernel)(*tuple(_d.values())))

</pallas_src>

<mosaic_0001>
#map = affine_map<(d0, d1) -> (0, 0)>
#map1 = affine_map<(d0, d1) -> (0, 0, 0)>
#map2 = affine_map<(d0, d1) -> (0)>
module attributes {stable_mosaic.version = 14 : i64} {
  func.func @_edge_scatter(%arg0: i32, %arg1: i32, %arg2: memref<20480x512xf32, #tpu.memory_space<hbm>>, %arg3: memref<800x25x16xi32, #tpu.memory_space<hbm>>, %arg4: memref<400x25x16xi32, #tpu.memory_space<hbm>>, %arg5: memref<160000xi32, #tpu.memory_space<hbm>>, %arg6: memref<2560000xf32, #tpu.memory_space<hbm>>, %arg7: memref<256xf32, #tpu.memory_space<hbm>>, %arg8: memref<20480x128xf32, #tpu.memory_space<hbm>>, %arg9: memref<327680xf32, #tpu.memory_space<hbm>>, %arg10: memref<25x16xi32, #tpu.memory_space<vmem>>, %arg11: memref<25x16xi32, #tpu.memory_space<vmem>>, %arg12: memref<6400xf32, #tpu.memory_space<vmem>>, %arg13: memref<16x512xf32, #tpu.memory_space<vmem>>, %arg14: memref<16x512xf32, #tpu.memory_space<vmem>>, %arg15: memref<16x128xf32, #tpu.memory_space<vmem>>, %arg16: memref<40x128xf32, #tpu.memory_space<vmem>>, %arg17: memref<10240xf32, #tpu.memory_space<vmem>>, %arg18: memref<256xf32, #tpu.memory_space<vmem>>, %arg19: memref<128xf32, #tpu.memory_space<vmem>>, %arg20: memref<!tpu.dma_semaphore, #tpu.memory_space<semaphore_mem>>, %arg21: memref<!tpu.dma_semaphore, #tpu.memory_space<semaphore_mem>>, %arg22: memref<10240x128xf32, #tpu.memory_space<vmem_shared>>) attributes {dimension_semantics = [#tpu.dimension_semantics<core_parallel>, #tpu.dimension_semantics<subcore_parallel>], iteration_bounds = array<i64: 2, 16>, scalar_prefetch = 0 : i64, scratch_operands = 13 : i64, tpu.core_type = #tpu.core_type<sc_vector_subcore>, window_params = [{transform_indices = #map}, {transform_indices = #map1}, {transform_indices = #map1}, {transform_indices = #map2}, {transform_indices = #map2}, {transform_indices = #map2}, {transform_indices = #map}, {transform_indices = #map2}]} {
    %iota3A = tpu.iota {dimensions = array<i32: 0>} : vector<16xi32>
    "tpu.region"() ({
      %run_scoped3A = tpu.sem_alloc : memref<!tpu.dma_semaphore, #tpu.memory_space<semaphore_mem>>
      tpu.enqueue_dma source(%arg7 : memref<256xf32, #tpu.memory_space<hbm>>) target(%arg18 : memref<256xf32, #tpu.memory_space<vmem>>) target_semaphore(%run_scoped3A : memref<!tpu.dma_semaphore, #tpu.memory_space<semaphore_mem>>)
      tpu.wait_dma2 semaphore(%run_scoped3A : memref<!tpu.dma_semaphore, #tpu.memory_space<semaphore_mem>>) src(%arg7 : memref<256xf32, #tpu.memory_space<hbm>>) dst(%arg18 : memref<256xf32, #tpu.memory_space<vmem>>)
      tpu.yield
    }) : () -> ()
    %mul3A = arith.constant 128 : i32
    %mul3A_0 = arith.muli %arg0, %mul3A : i32
    %add3A = arith.constant 0 : i32
    %add3A_1 = arith.addi %mul3A_0, %add3A : i32
    %get3A = arith.index_cast %add3A_1 : i32 to index
    %get3A_2 = tpu.vector_load %arg18[%get3A] {strides = array<i32>} : memref<256xf32, #tpu.memory_space<vmem>>, vector<16xf32>,
    %get3A_3 = vector.shape_cast %get3A_2 : vector<16xf32> to vector<16xf32>
    %swap3A = arith.constant 0 : index
    %swap3A_4 = tpu.vector_load %arg19[%swap3A] {strides = array<i32>} : memref<128xf32, #tpu.memory_space<vmem>>, vector<16xf32>,
    %swap3A_5 = vector.shape_cast %swap3A_4 : vector<16xf32> to vector<16xf32>
    %swap3A_6 = vector.shape_cast %get3A_3 : vector<16xf32> to vector<16xf32>
    tpu.vector_store %arg19[%swap3A], %swap3A_6 {strides = array<i32>} : memref<128xf32, #tpu.memory_space<vmem>>, vector<16xf32>,
    %mul3A_7 = arith.constant 128 : i32
    %mul3A_8 = arith.muli %arg0, %mul3A_7 : i32
    %add3A_9 = arith.constant 16 : i32
    %add3A_10 = arith.addi %mul3A_8, %add3A_9 : i32
    %get3A_11 = arith.index_cast %add3A_10 : i32 to index
    %get3A_12 = tpu.vector_load %arg18[%get3A_11] {strides = array<i32>} : memref<256xf32, #tpu.memory_space<vmem>>, vector<16xf32>,
    %get3A_13 = vector.shape_cast %get3A_12 : vector<16xf32> to vector<16xf32>
    %swap3A_14 = arith.constant 16 : index
    %swap3A_15 = tpu.vector_load %arg19[%swap3A_14] {strides = array<i32>} : memref<128xf32, #tpu.memory_space<vmem>>, vector<16xf32>,
    %swap3A_16 = vector.shape_cast %swap3A_15 : vector<16xf32> to vector<16xf32>
    %swap3A_17 = vector.shape_cast %get3A_13 : vector<16xf32> to vector<16xf32>
    tpu.vector_store %arg19[%swap3A_14], %swap3A_17 {strides = array<i32>} : memref<128xf32, #tpu.memory_space<vmem>>, vector<16xf32>,
    %mul3A_18 = arith.constant 128 : i32
    %mul3A_19 = arith.muli %arg0, %mul3A_18 : i32
    %add3A_20 = arith.constant 32 : i32
    %add3A_21 = arith.addi %mul3A_19, %add3A_20 : i32
    %get3A_22 = arith.index_cast %add3A_21 : i32 to index
    %get3A_23 = tpu.vector_load %arg18[%get3A_22] {strides = array<i32>} : memref<256xf32, #tpu.memory_space<vmem>>, vector<16xf32>,
    %get3A_24 = vector.shape_cast %get3A_23 : vector<16xf32> to vector<16xf32>
    %swap3A_25 = arith.constant 32 : index
    %swap3A_26 = tpu.vector_load %arg19[%swap3A_25] {strides = array<i32>} : memref<128xf32, #tpu.memory_space<vmem>>, vector<16xf32>,
    %swap3A_27 = vector.shape_cast %swap3A_26 : vector<16xf32> to vector<16xf32>
    %swap3A_28 = vector.shape_cast %get3A_24 : vector<16xf32> to vector<16xf32>
    tpu.vector_store %arg19[%swap3A_25], %swap3A_28 {strides = array<i32>} : memref<128xf32, #tpu.memory_space<vmem>>, vector<16xf32>,
    %mul3A_29 = arith.constant 128 : i32
    %mul3A_30 = arith.muli %arg0, %mul3A_29 : i32
    %add3A_31 = arith.constant 48 : i32
    %add3A_32 = arith.addi %mul3A_30, %add3A_31 : i32
    %get3A_33 = arith.index_cast %add3A_32 : i32 to index
    %get3A_34 = tpu.vector_load %arg18[%get3A_33] {strides = array<i32>} : memref<256xf32, #tpu.memory_space<vmem>>, vector<16xf32>,
    %get3A_35 = vector.shape_cast %get3A_34 : vector<16xf32> to vector<16xf32>
    %swap3A_36 = arith.constant 48 : index
    %swap3A_37 = tpu.vector_load %arg19[%swap3A_36] {strides = array<i32>} : memref<128xf32, #tpu.memory_space<vmem>>, vector<16xf32>,
    %swap3A_38 = vector.shape_cast %swap3A_37 : vector<16xf32> to vector<16xf32>
    %swap3A_39 = vector.shape_cast %get3A_35 : vector<16xf32> to vector<16xf32>
    tpu.vector_store %arg19[%swap3A_36], %swap3A_39 {strides = array<i32>} : memref<128xf32, #tpu.memory_space<vmem>>, vector<16xf32>,
    %mul3A_40 = arith.constant 128 : i32
    %mul3A_41 = arith.muli %arg0, %mul3A_40 : i32
    %add3A_42 = arith.constant 64 : i32
    %add3A_43 = arith.addi %mul3A_41, %add3A_42 : i32
    %get3A_44 = arith.index_cast %add3A_43 : i32 to index
    %get3A_45 = tpu.vector_load %arg18[%get3A_44] {strides = array<i32>} : memref<256xf32, #tpu.memory_space<vmem>>, vector<16xf32>,
    %get3A_46 = vector.shape_cast %get3A_45 : vector<16xf32> to vector<16xf32>
    %swap3A_47 = arith.constant 64 : index
    %swap3A_48 = tpu.vector_load %arg19[%swap3A_47] {strides = array<i32>} : memref<128xf32, #tpu.memory_space<vmem>>, vector<16xf32>,
    %swap3A_49 = vector.shape_cast %swap3A_48 : vector<16xf32> to vector<16xf32>
    %swap3A_50 = vector.shape_cast %get3A_46 : vector<16xf32> to vector<16xf32>
    tpu.vector_store %arg19[%swap3A_47], %swap3A_50 {strides = array<i32>} : memref<128xf32, #tpu.memory_space<vmem>>, vector<16xf32>,
    %mul3A_51 = arith.constant 128 : i32
    %mul3A_52 = arith.muli %arg0, %mul3A_51 : i32
    %add3A_53 = arith.constant 80 : i32
    %add3A_54 = arith.addi %mul3A_52, %add3A_53 : i32
    %get3A_55 = arith.index_cast %add3A_54 : i32 to index
    %get3A_56 = tpu.vector_load %arg18[%get3A_55] {strides = array<i32>} : memref<256xf32, #tpu.memory_space<vmem>>, vector<16xf32>,
    %get3A_57 = vector.shape_cast %get3A_56 : vector<16xf32> to vector<16xf32>
    %swap3A_58 = arith.constant 80 : index
    %swap3A_59 = tpu.vector_load %arg19[%swap3A_58] {strides = array<i32>} : memref<128xf32, #tpu.memory_space<vmem>>, vector<16xf32>,
    %swap3A_60 = vector.shape_cast %swap3A_59 : vector<16xf32> to vector<16xf32>
    %swap3A_61 = vector.shape_cast %get3A_57 : vector<16xf32> to vector<16xf32>
    tpu.vector_store %arg19[%swap3A_58], %swap3A_61 {strides = array<i32>} : memref<128xf32, #tpu.memory_space<vmem>>, vector<16xf32>,
    %mul3A_62 = arith.constant 128 : i32
    %mul3A_63 = arith.muli %arg0, %mul3A_62 : i32
    %add3A_64 = arith.constant 96 : i32
    %add3A_65 = arith.addi %mul3A_63, %add3A_64 : i32
    %get3A_66 = arith.index_cast %add3A_65 : i32 to index
    %get3A_67 = tpu.vector_load %arg18[%get3A_66] {strides = array<i32>} : memref<256xf32, #tpu.memory_space<vmem>>, vector<16xf32>,
    %get3A_68 = vector.shape_cast %get3A_67 : vector<16xf32> to vector<16xf32>
    %swap3A_69 = arith.constant 96 : index
    %swap3A_70 = tpu.vector_load %arg19[%swap3A_69] {strides = array<i32>} : memref<128xf32, #tpu.memory_space<vmem>>, vector<16xf32>,
    %swap3A_71 = vector.shape_cast %swap3A_70 : vector<16xf32> to vector<16xf32>
    %swap3A_72 = vector.shape_cast %get3A_68 : vector<16xf32> to vector<16xf32>
    tpu.vector_store %arg19[%swap3A_69], %swap3A_72 {strides = array<i32>} : memref<128xf32, #tpu.memory_space<vmem>>, vector<16xf32>,
    %mul3A_73 = arith.constant 128 : i32
    %mul3A_74 = arith.muli %arg0, %mul3A_73 : i32
    %add3A_75 = arith.constant 112 : i32
    %add3A_76 = arith.addi %mul3A_74, %add3A_75 : i32
    %get3A_77 = arith.index_cast %add3A_76 : i32 to index
    %get3A_78 = tpu.vector_load %arg18[%get3A_77] {strides = array<i32>} : memref<256xf32, #tpu.memory_space<vmem>>, vector<16xf32>,
    %get3A_79 = vector.shape_cast %get3A_78 : vector<16xf32> to vector<16xf32>
    %swap3A_80 = arith.constant 112 : index
    %swap3A_81 = tpu.vector_load %arg19[%swap3A_80] {strides = array<i32>} : memref<128xf32, #tpu.memory_space<vmem>>, vector<16xf32>,
    %swap3A_82 = vector.shape_cast %swap3A_81 : vector<16xf32> to vector<16xf32>
    %swap3A_83 = vector.shape_cast %get3A_79 : vector<16xf32> to vector<16xf32>
    tpu.vector_store %arg19[%swap3A_80], %swap3A_83 {strides = array<i32>} : memref<128xf32, #tpu.memory_space<vmem>>, vector<16xf32>,
    %scan3A = arith.constant 0 : i32
    %scan3A_84 = arith.constant 0 : i32
    %scan3A_85 = arith.constant 40 : i32
    %scan3A_86 = arith.addi %scan3A_84, %scan3A_85 : i32
    %scan3A_87 = arith.constant 1 : i32
    %scan3A_88 = scf.for %scan3A_310 = %scan3A_84 to %scan3A_86 step %scan3A_87 iter_args(%scan3A_311 = %scan3A) -> (i32)  : i32 {
      %broadcast_in_dim3A = arith.constant 0.000000e+00 : f32
      %broadcast_in_dim3A_312 = vector.broadcast %broadcast_in_dim3A : f32 to vector<16xf32>
      %swap3A_313 = arith.index_cast %scan3A_310 : i32 to index
      %swap3A_314 = arith.constant 0 : index
      %swap3A_315 = tpu.vector_load %arg16[%swap3A_313, %swap3A_314] {strides = array<i32>} : memref<40x128xf32, #tpu.memory_space<vmem>>, vector<1x16xf32>,
      %swap3A_316 = vector.shape_cast %swap3A_315 : vector<1x16xf32> to vector<16xf32>
      %swap3A_317 = vector.shape_cast %broadcast_in_dim3A_312 : vector<16xf32> to vector<1x16xf32>
      tpu.vector_store %arg16[%swap3A_313, %swap3A_314], %swap3A_317 {strides = array<i32>} : memref<40x128xf32, #tpu.memory_space<vmem>>, vector<1x16xf32>,
      %broadcast_in_dim3A_318 = arith.constant 0.000000e+00 : f32
      %broadcast_in_dim3A_319 = vector.broadcast %broadcast_in_dim3A_318 : f32 to vector<16xf32>
      %swap3A_320 = arith.index_cast %scan3A_310 : i32 to index
      %swap3A_321 = arith.constant 16 : index
      %swap3A_322 = tpu.vector_load %arg16[%swap3A_320, %swap3A_321] {strides = array<i32>} : memref<40x128xf32, #tpu.memory_space<vmem>>, vector<1x16xf32>,
      %swap3A_323 = vector.shape_cast %swap3A_322 : vector<1x16xf32> to vector<16xf32>
      %swap3A_324 = vector.shape_cast %broadcast_in_dim3A_319 : vector<16xf32> to vector<1x16xf32>
      tpu.vector_store %arg16[%swap3A_320, %swap3A_321], %swap3A_324 {strides = array<i32>} : memref<40x128xf32, #tpu.memory_space<vmem>>, vector<1x16xf32>,
      %broadcast_in_dim3A_325 = arith.constant 0.000000e+00 : f32
      %broadcast_in_dim3A_326 = vector.broadcast %broadcast_in_dim3A_325 : f32 to vector<16xf32>
      %swap3A_327 = arith.index_cast %scan3A_310 : i32 to index
      %swap3A_328 = arith.constant 32 : index
      %swap3A_329 = tpu.vector_load %arg16[%swap3A_327, %swap3A_328] {strides = array<i32>} : memref<40x128xf32, #tpu.memory_space<vmem>>, vector<1x16xf32>,
      %swap3A_330 = vector.shape_cast %swap3A_329 : vector<1x16xf32> to vector<16xf32>
      %swap3A_331 = vector.shape_cast %broadcast_in_dim3A_326 : vector<16xf32> to vector<1x16xf32>
      tpu.vector_store %arg16[%swap3A_327, %swap3A_328], %swap3A_331 {strides = array<i32>} : memref<40x128xf32, #tpu.memory_space<vmem>>, vector<1x16xf32>,
      %broadcast_in_dim3A_332 = arith.constant 0.000000e+00 : f32
      %broadcast_in_dim3A_333 = vector.broadcast %broadcast_in_dim3A_332 : f32 to vector<16xf32>
      %swap3A_334 = arith.index_cast %scan3A_310 : i32 to index
      %swap3A_335 = arith.constant 48 : index
      %swap3A_336 = tpu.vector_load %arg16[%swap3A_334, %swap3A_335] {strides = array<i32>} : memref<40x128xf32, #tpu.memory_space<vmem>>, vector<1x16xf32>,
      %swap3A_337 = vector.shape_cast %swap3A_336 : vector<1x16xf32> to vector<16xf32>
      %swap3A_338 = vector.shape_cast %broadcast_in_dim3A_333 : vector<16xf32> to vector<1x16xf32>
      tpu.vector_store %arg16[%swap3A_334, %swap3A_335], %swap3A_338 {strides = array<i32>} : memref<40x128xf32, #tpu.memory_space<vmem>>, vector<1x16xf32>,
      %broadcast_in_dim3A_339 = arith.constant 0.000000e+00 : f32
      %broadcast_in_dim3A_340 = vector.broadcast %broadcast_in_dim3A_339 : f32 to vector<16xf32>
      %swap3A_341 = arith.index_cast %scan3A_310 : i32 to index
      %swap3A_342 = arith.constant 64 : index
      %swap3A_343 = tpu.vector_load %arg16[%swap3A_341, %swap3A_342] {strides = array<i32>} : memref<40x128xf32, #tpu.memory_space<vmem>>, vector<1x16xf32>,
      %swap3A_344 = vector.shape_cast %swap3A_343 : vector<1x16xf32> to vector<16xf32>
      %swap3A_345 = vector.shape_cast %broadcast_in_dim3A_340 : vector<16xf32> to vector<1x16xf32>
      tpu.vector_store %arg16[%swap3A_341, %swap3A_342], %swap3A_345 {strides = array<i32>} : memref<40x128xf32, #tpu.memory_space<vmem>>, vector<1x16xf32>,
      %broadcast_in_dim3A_346 = arith.constant 0.000000e+00 : f32
      %broadcast_in_dim3A_347 = vector.broadcast %broadcast_in_dim3A_346 : f32 to vector<16xf32>
      %swap3A_348 = arith.index_cast %scan3A_310 : i32 to index
      %swap3A_349 = arith.constant 80 : index
      %swap3A_350 = tpu.vector_load %arg16[%swap3A_348, %swap3A_349] {strides = array<i32>} : memref<40x128xf32, #tpu.memory_space<vmem>>, vector<1x16xf32>,
      %swap3A_351 = vector.shape_cast %swap3A_350 : vector<1x16xf32> to vector<16xf32>
      %swap3A_352 = vector.shape_cast %broadcast_in_dim3A_347 : vector<16xf32> to vector<1x16xf32>
      tpu.vector_store %arg16[%swap3A_348, %swap3A_349], %swap3A_352 {strides = array<i32>} : memref<40x128xf32, #tpu.memory_space<vmem>>, vector<1x16xf32>,
      %broadcast_in_dim3A_353 = arith.constant 0.000000e+00 : f32
      %broadcast_in_dim3A_354 = vector.broadcast %broadcast_in_dim3A_353 : f32 to vector<16xf32>
      %swap3A_355 = arith.index_cast %scan3A_310 : i32 to index
      %swap3A_356 = arith.constant 96 : index
      %swap3A_357 = tpu.vector_load %arg16[%swap3A_355, %swap3A_356] {strides = array<i32>} : memref<40x128xf32, #tpu.memory_space<vmem>>, vector<1x16xf32>,
      %swap3A_358 = vector.shape_cast %swap3A_357 : vector<1x16xf32> to vector<16xf32>
      %swap3A_359 = vector.shape_cast %broadcast_in_dim3A_354 : vector<16xf32> to vector<1x16xf32>
      tpu.vector_store %arg16[%swap3A_355, %swap3A_356], %swap3A_359 {strides = array<i32>} : memref<40x128xf32, #tpu.memory_space<vmem>>, vector<1x16xf32>,
      %broadcast_in_dim3A_360 = arith.constant 0.000000e+00 : f32
      %broadcast_in_dim3A_361 = vector.broadcast %broadcast_in_dim3A_360 : f32 to vector<16xf32>
      %swap3A_362 = arith.index_cast %scan3A_310 : i32 to index
      %swap3A_363 = arith.constant 112 : index
      %swap3A_364 = tpu.vector_load %arg16[%swap3A_362, %swap3A_363] {strides = array<i32>} : memref<40x128xf32, #tpu.memory_space<vmem>>, vector<1x16xf32>,
      %swap3A_365 = vector.shape_cast %swap3A_364 : vector<1x16xf32> to vector<16xf32>
      %swap3A_366 = vector.shape_cast %broadcast_in_dim3A_361 : vector<16xf32> to vector<1x16xf32>
      tpu.vector_store %arg16[%swap3A_362, %swap3A_363], %swap3A_366 {strides = array<i32>} : memref<40x128xf32, #tpu.memory_space<vmem>>, vector<1x16xf32>,
      %scan3A_367 = arith.constant 0 : i32
      scf.yield %scan3A_367 : i32
    }
    %scan3A_89 = arith.constant 40 : i32
    %scan3A_90 = arith.constant 0 : i32
    %scan3A_91 = arith.constant 0 : i32
    %scan3A_92 = arith.constant 640 : i32
    %scan3A_93 = arith.addi %scan3A_91, %scan3A_92 : i32
    %scan3A_94 = arith.constant 1 : i32
    %scan3A_95 = scf.for %scan3A_310 = %scan3A_91 to %scan3A_93 step %scan3A_94 iter_args(%scan3A_311 = %scan3A_90) -> (i32)  : i32 {
      %broadcast_in_dim3A = arith.constant 0.000000e+00 : f32
      %broadcast_in_dim3A_312 = vector.broadcast %broadcast_in_dim3A : f32 to vector<16xf32>
      %mul3A_313 = arith.constant 16 : i32
      %mul3A_314 = arith.muli %scan3A_310, %mul3A_313 : i32
      %swap3A_315 = arith.index_cast %mul3A_314 : i32 to index
      %swap3A_316 = tpu.vector_load %arg17[%swap3A_315] {strides = array<i32>} : memref<10240xf32, #tpu.memory_space<vmem>>, vector<16xf32>,
      %swap3A_317 = vector.shape_cast %swap3A_316 : vector<16xf32> to vector<16xf32>
      %swap3A_318 = vector.shape_cast %broadcast_in_dim3A_312 : vector<16xf32> to vector<16xf32>
      tpu.vector_store %arg17[%swap3A_315], %swap3A_318 {strides = array<i32>} : memref<10240xf32, #tpu.memory_space<vmem>>, vector<16xf32>,
      %scan3A_319 = arith.constant 0 : i32
      scf.yield %scan3A_319 : i32
    }
    %scan3A_96 = arith.constant 640 : i32
    %mul3A_97 = arith.constant 640 : i32
    %mul3A_98 = arith.muli %arg1, %mul3A_97 : i32
    %add3A_99 = arith.constant 0 : i32
    %add3A_100 = arith.addi %mul3A_98, %add3A_99 : i32
    "tpu.region"() ({
      %run_scoped3A = tpu.sem_alloc : memref<!tpu.dma_semaphore, #tpu.memory_space<semaphore_mem>>
      %dma_start3A = arith.constant 0 : i32
      %dma_start3A_310 = tpu.memref_slice %arg22[%add3A_100, %dma_start3A] : memref<10240x128xf32, #tpu.memory_space<vmem_shared>> -> memref<40x128xf32, #tpu.memory_space<vmem_shared>>
      %dma_start3A_311 = arith.constant 0 : i32
      %dma_start3A_312 = tpu.memref_slice %arg22[%add3A_100, %dma_start3A_311] : memref<10240x128xf32, #tpu.memory_space<vmem_shared>> -> memref<40x128xf32, #tpu.memory_space<vmem_shared>>
      tpu.enqueue_dma source(%arg16 : memref<40x128xf32, #tpu.memory_space<vmem>>) target(%dma_start3A_312 : memref<40x128xf32, #tpu.memory_space<vmem_shared>>) target_semaphore(%run_scoped3A : memref<!tpu.dma_semaphore, #tpu.memory_space<semaphore_mem>>)
      %dma_wait3A = arith.constant 0 : i32
      %dma_wait3A_313 = tpu.memref_slice %arg22[%add3A_100, %dma_wait3A] : memref<10240x128xf32, #tpu.memory_space<vmem_shared>> -> memref<40x128xf32, #tpu.memory_space<vmem_shared>>
      %dma_wait3A_314 = arith.constant 0 : i32
      %dma_wait3A_315 = tpu.memref_slice %arg22[%add3A_100, %dma_wait3A_314] : memref<10240x128xf32, #tpu.memory_space<vmem_shared>> -> memref<40x128xf32, #tpu.memory_space<vmem_shared>>
      tpu.wait_dma2 semaphore(%run_scoped3A : memref<!tpu.dma_semaphore, #tpu.memory_space<semaphore_mem>>) src(%arg16 : memref<40x128xf32, #tpu.memory_space<vmem>>) dst(%dma_wait3A_315 : memref<40x128xf32, #tpu.memory_space<vmem_shared>>)
      tpu.yield
    }) : () -> ()
    %mul3A_101 = arith.constant 640 : i32
    %mul3A_102 = arith.muli %arg1, %mul3A_101 : i32
    %add3A_103 = arith.constant 40 : i32
    %add3A_104 = arith.addi %mul3A_102, %add3A_103 : i32
    "tpu.region"() ({
      %run_scoped3A = tpu.sem_alloc : memref<!tpu.dma_semaphore, #tpu.memory_space<semaphore_mem>>
      %dma_start3A = arith.constant 0 : i32
      %dma_start3A_310 = tpu.memref_slice %arg22[%add3A_104, %dma_start3A] : memref<10240x128xf32, #tpu.memory_space<vmem_shared>> -> memref<40x128xf32, #tpu.memory_space<vmem_shared>>
      %dma_start3A_311 = arith.constant 0 : i32
      %dma_start3A_312 = tpu.memref_slice %arg22[%add3A_104, %dma_start3A_311] : memref<10240x128xf32, #tpu.memory_space<vmem_shared>> -> memref<40x128xf32, #tpu.memory_space<vmem_shared>>
      tpu.enqueue_dma source(%arg16 : memref<40x128xf32, #tpu.memory_space<vmem>>) target(%dma_start3A_312 : memref<40x128xf32, #tpu.memory_space<vmem_shared>>) target_semaphore(%run_scoped3A : memref<!tpu.dma_semaphore, #tpu.memory_space<semaphore_mem>>)
      %dma_wait3A = arith.constant 0 : i32
      %dma_wait3A_313 = tpu.memref_slice %arg22[%add3A_104, %dma_wait3A] : memref<10240x128xf32, #tpu.memory_space<vmem_shared>> -> memref<40x128xf32, #tpu.memory_space<vmem_shared>>
      %dma_wait3A_314 = arith.constant 0 : i32
      %dma_wait3A_315 = tpu.memref_slice %arg22[%add3A_104, %dma_wait3A_314] : memref<10240x128xf32, #tpu.memory_space<vmem_shared>> -> memref<40x128xf32, #tpu.memory_space<vmem_shared>>
      tpu.wait_dma2 semaphore(%run_scoped3A : memref<!tpu.dma_semaphore, #tpu.memory_space<semaphore_mem>>) src(%arg16 : memref<40x128xf32, #tpu.memory_space<vmem>>) dst(%dma_wait3A_315 : memref<40x128xf32, #tpu.memory_space<vmem_shared>>)
      tpu.yield
    }) : () -> ()
    %mul3A_105 = arith.constant 640 : i32
    %mul3A_106 = arith.muli %arg1, %mul3A_105 : i32
    %add3A_107 = arith.constant 80 : i32
    %add3A_108 = arith.addi %mul3A_106, %add3A_107 : i32
    "tpu.region"() ({
      %run_scoped3A = tpu.sem_alloc : memref<!tpu.dma_semaphore, #tpu.memory_space<semaphore_mem>>
      %dma_start3A = arith.constant 0 : i32
      %dma_start3A_310 = tpu.memref_slice %arg22[%add3A_108, %dma_start3A] : memref<10240x128xf32, #tpu.memory_space<vmem_shared>> -> memref<40x128xf32, #tpu.memory_space<vmem_shared>>
      %dma_start3A_311 = arith.constant 0 : i32
      %dma_start3A_312 = tpu.memref_slice %arg22[%add3A_108, %dma_start3A_311] : memref<10240x128xf32, #tpu.memory_space<vmem_shared>> -> memref<40x128xf32, #tpu.memory_space<vmem_shared>>
      tpu.enqueue_dma source(%arg16 : memref<40x128xf32, #tpu.memory_space<vmem>>) target(%dma_start3A_312 : memref<40x128xf32, #tpu.memory_space<vmem_shared>>) target_semaphore(%run_scoped3A : memref<!tpu.dma_semaphore, #tpu.memory_space<semaphore_mem>>)
      %dma_wait3A = arith.constant 0 : i32
      %dma_wait3A_313 = tpu.memref_slice %arg22[%add3A_108, %dma_wait3A] : memref<10240x128xf32, #tpu.memory_space<vmem_shared>> -> memref<40x128xf32, #tpu.memory_space<vmem_shared>>
      %dma_wait3A_314 = arith.constant 0 : i32
      %dma_wait3A_315 = tpu.memref_slice %arg22[%add3A_108, %dma_wait3A_314] : memref<10240x128xf32, #tpu.memory_space<vmem_shared>> -> memref<40x128xf32, #tpu.memory_space<vmem_shared>>
      tpu.wait_dma2 semaphore(%run_scoped3A : memref<!tpu.dma_semaphore, #tpu.memory_space<semaphore_mem>>) src(%arg16 : memref<40x128xf32, #tpu.memory_space<vmem>>) dst(%dma_wait3A_315 : memref<40x128xf32, #tpu.memory_space<vmem_shared>>)
      tpu.yield
    }) : () -> ()
    %mul3A_109 = arith.constant 640 : i32
    %mul3A_110 = arith.muli %arg1, %mul3A_109 : i32
    %add3A_111 = arith.constant 120 : i32
    %add3A_112 = arith.addi %mul3A_110, %add3A_111 : i32
    "tpu.region"() ({
      %run_scoped3A = tpu.sem_alloc : memref<!tpu.dma_semaphore, #tpu.memory_space<semaphore_mem>>
      %dma_start3A = arith.constant 0 : i32
      %dma_start3A_310 = tpu.memref_slice %arg22[%add3A_112, %dma_start3A] : memref<10240x128xf32, #tpu.memory_space<vmem_shared>> -> memref<40x128xf32, #tpu.memory_space<vmem_shared>>
      %dma_start3A_311 = arith.constant 0 : i32
      %dma_start3A_312 = tpu.memref_slice %arg22[%add3A_112, %dma_start3A_311] : memref<10240x128xf32, #tpu.memory_space<vmem_shared>> -> memref<40x128xf32, #tpu.memory_space<vmem_shared>>
      tpu.enqueue_dma source(%arg16 : memref<40x128xf32, #tpu.memory_space<vmem>>) target(%dma_start3A_312 : memref<40x128xf32, #tpu.memory_space<vmem_shared>>) target_semaphore(%run_scoped3A : memref<!tpu.dma_semaphore, #tpu.memory_space<semaphore_mem>>)
      %dma_wait3A = arith.constant 0 : i32
      %dma_wait3A_313 = tpu.memref_slice %arg22[%add3A_112, %dma_wait3A] : memref<10240x128xf32, #tpu.memory_space<vmem_shared>> -> memref<40x128xf32, #tpu.memory_space<vmem_shared>>
      %dma_wait3A_314 = arith.constant 0 : i32
      %dma_wait3A_315 = tpu.memref_slice %arg22[%add3A_112, %dma_wait3A_314] : memref<10240x128xf32, #tpu.memory_space<vmem_shared>> -> memref<40x128xf32, #tpu.memory_space<vmem_shared>>
      tpu.wait_dma2 semaphore(%run_scoped3A : memref<!tpu.dma_semaphore, #tpu.memory_space<semaphore_mem>>) src(%arg16 : memref<40x128xf32, #tpu.memory_space<vmem>>) dst(%dma_wait3A_315 : memref<40x128xf32, #tpu.memory_space<vmem_shared>>)
      tpu.yield
    }) : () -> ()
    %mul3A_113 = arith.constant 640 : i32
    %mul3A_114 = arith.muli %arg1, %mul3A_113 : i32
    %add3A_115 = arith.constant 160 : i32
    %add3A_116 = arith.addi %mul3A_114, %add3A_115 : i32
    "tpu.region"() ({
      %run_scoped3A = tpu.sem_alloc : memref<!tpu.dma_semaphore, #tpu.memory_space<semaphore_mem>>
      %dma_start3A = arith.constant 0 : i32
      %dma_start3A_310 = tpu.memref_slice %arg22[%add3A_116, %dma_start3A] : memref<10240x128xf32, #tpu.memory_space<vmem_shared>> -> memref<40x128xf32, #tpu.memory_space<vmem_shared>>
      %dma_start3A_311 = arith.constant 0 : i32
      %dma_start3A_312 = tpu.memref_slice %arg22[%add3A_116, %dma_start3A_311] : memref<10240x128xf32, #tpu.memory_space<vmem_shared>> -> memref<40x128xf32, #tpu.memory_space<vmem_shared>>
      tpu.enqueue_dma source(%arg16 : memref<40x128xf32, #tpu.memory_space<vmem>>) target(%dma_start3A_312 : memref<40x128xf32, #tpu.memory_space<vmem_shared>>) target_semaphore(%run_scoped3A : memref<!tpu.dma_semaphore, #tpu.memory_space<semaphore_mem>>)
      %dma_wait3A = arith.constant 0 : i32
      %dma_wait3A_313 = tpu.memref_slice %arg22[%add3A_116, %dma_wait3A] : memref<10240x128xf32, #tpu.memory_space<vmem_shared>> -> memref<40x128xf32, #tpu.memory_space<vmem_shared>>
      %dma_wait3A_314 = arith.constant 0 : i32
      %dma_wait3A_315 = tpu.memref_slice %arg22[%add3A_116, %dma_wait3A_314] : memref<10240x128xf32, #tpu.memory_space<vmem_shared>> -> memref<40x128xf32, #tpu.memory_space<vmem_shared>>
      tpu.wait_dma2 semaphore(%run_scoped3A : memref<!tpu.dma_semaphore, #tpu.memory_space<semaphore_mem>>) src(%arg16 : memref<40x128xf32, #tpu.memory_space<vmem>>) dst(%dma_wait3A_315 : memref<40x128xf32, #tpu.memory_space<vmem_shared>>)
      tpu.yield
    }) : () -> ()
    %mul3A_117 = arith.constant 640 : i32
    %mul3A_118 = arith.muli %arg1, %mul3A_117 : i32
    %add3A_119 = arith.constant 200 : i32
    %add3A_120 = arith.addi %mul3A_118, %add3A_119 : i32
    "tpu.region"() ({
      %run_scoped3A = tpu.sem_alloc : memref<!tpu.dma_semaphore, #tpu.memory_space<semaphore_mem>>
      %dma_start3A = arith.constant 0 : i32
      %dma_start3A_310 = tpu.memref_slice %arg22[%add3A_120, %dma_start3A] : memref<10240x128xf32, #tpu.memory_space<vmem_shared>> -> memref<40x128xf32, #tpu.memory_space<vmem_shared>>
      %dma_start3A_311 = arith.constant 0 : i32
      %dma_start3A_312 = tpu.memref_slice %arg22[%add3A_120, %dma_start3A_311] : memref<10240x128xf32, #tpu.memory_space<vmem_shared>> -> memref<40x128xf32, #tpu.memory_space<vmem_shared>>
      tpu.enqueue_dma source(%arg16 : memref<40x128xf32, #tpu.memory_space<vmem>>) target(%dma_start3A_312 : memref<40x128xf32, #tpu.memory_space<vmem_shared>>) target_semaphore(%run_scoped3A : memref<!tpu.dma_semaphore, #tpu.memory_space<semaphore_mem>>)
      %dma_wait3A = arith.constant 0 : i32
      %dma_wait3A_313 = tpu.memref_slice %arg22[%add3A_120, %dma_wait3A] : memref<10240x128xf32, #tpu.memory_space<vmem_shared>> -> memref<40x128xf32, #tpu.memory_space<vmem_shared>>
      %dma_wait3A_314 = arith.constant 0 : i32
      %dma_wait3A_315 = tpu.memref_slice %arg22[%add3A_120, %dma_wait3A_314] : memref<10240x128xf32, #tpu.memory_space<vmem_shared>> -> memref<40x128xf32, #tpu.memory_space<vmem_shared>>
      tpu.wait_dma2 semaphore(%run_scoped3A : memref<!tpu.dma_semaphore, #tpu.memory_space<semaphore_mem>>) src(%arg16 : memref<40x128xf32, #tpu.memory_space<vmem>>) dst(%dma_wait3A_315 : memref<40x128xf32, #tpu.memory_space<vmem_shared>>)
      tpu.yield
    }) : () -> ()
    %mul3A_121 = arith.constant 640 : i32
    %mul3A_122 = arith.muli %arg1, %mul3A_121 : i32
    %add3A_123 = arith.constant 240 : i32
    %add3A_124 = arith.addi %mul3A_122, %add3A_123 : i32
    "tpu.region"() ({
      %run_scoped3A = tpu.sem_alloc : memref<!tpu.dma_semaphore, #tpu.memory_space<semaphore_mem>>
      %dma_start3A = arith.constant 0 : i32
      %dma_start3A_310 = tpu.memref_slice %arg22[%add3A_124, %dma_start3A] : memref<10240x128xf32, #tpu.memory_space<vmem_shared>> -> memref<40x128xf32, #tpu.memory_space<vmem_shared>>
      %dma_start3A_311 = arith.constant 0 : i32
      %dma_start3A_312 = tpu.memref_slice %arg22[%add3A_124, %dma_start3A_311] : memref<10240x128xf32, #tpu.memory_space<vmem_shared>> -> memref<40x128xf32, #tpu.memory_space<vmem_shared>>
      tpu.enqueue_dma source(%arg16 : memref<40x128xf32, #tpu.memory_space<vmem>>) target(%dma_start3A_312 : memref<40x128xf32, #tpu.memory_space<vmem_shared>>) target_semaphore(%run_scoped3A : memref<!tpu.dma_semaphore, #tpu.memory_space<semaphore_mem>>)
      %dma_wait3A = arith.constant 0 : i32
      %dma_wait3A_313 = tpu.memref_slice %arg22[%add3A_124, %dma_wait3A] : memref<10240x128xf32, #tpu.memory_space<vmem_shared>> -> memref<40x128xf32, #tpu.memory_space<vmem_shared>>
      %dma_wait3A_314 = arith.constant 0 : i32
      %dma_wait3A_315 = tpu.memref_slice %arg22[%add3A_124, %dma_wait3A_314] : memref<10240x128xf32, #tpu.memory_space<vmem_shared>> -> memref<40x128xf32, #tpu.memory_space<vmem_shared>>
      tpu.wait_dma2 semaphore(%run_scoped3A : memref<!tpu.dma_semaphore, #tpu.memory_space<semaphore_mem>>) src(%arg16 : memref<40x128xf32, #tpu.memory_space<vmem>>) dst(%dma_wait3A_315 : memref<40x128xf32, #tpu.memory_space<vmem_shared>>)
      tpu.yield
    }) : () -> ()
    %mul3A_125 = arith.constant 640 : i32
    %mul3A_126 = arith.muli %arg1, %mul3A_125 : i32
    %add3A_127 = arith.constant 280 : i32
    %add3A_128 = arith.addi %mul3A_126, %add3A_127 : i32
    "tpu.region"() ({
      %run_scoped3A = tpu.sem_alloc : memref<!tpu.dma_semaphore, #tpu.memory_space<semaphore_mem>>
      %dma_start3A = arith.constant 0 : i32
      %dma_start3A_310 = tpu.memref_slice %arg22[%add3A_128, %dma_start3A] : memref<10240x128xf32, #tpu.memory_space<vmem_shared>> -> memref<40x128xf32, #tpu.memory_space<vmem_shared>>
      %dma_start3A_311 = arith.constant 0 : i32
      %dma_start3A_312 = tpu.memref_slice %arg22[%add3A_128, %dma_start3A_311] : memref<10240x128xf32, #tpu.memory_space<vmem_shared>> -> memref<40x128xf32, #tpu.memory_space<vmem_shared>>
      tpu.enqueue_dma source(%arg16 : memref<40x128xf32, #tpu.memory_space<vmem>>) target(%dma_start3A_312 : memref<40x128xf32, #tpu.memory_space<vmem_shared>>) target_semaphore(%run_scoped3A : memref<!tpu.dma_semaphore, #tpu.memory_space<semaphore_mem>>)
      %dma_wait3A = arith.constant 0 : i32
      %dma_wait3A_313 = tpu.memref_slice %arg22[%add3A_128, %dma_wait3A] : memref<10240x128xf32, #tpu.memory_space<vmem_shared>> -> memref<40x128xf32, #tpu.memory_space<vmem_shared>>
      %dma_wait3A_314 = arith.constant 0 : i32
      %dma_wait3A_315 = tpu.memref_slice %arg22[%add3A_128, %dma_wait3A_314] : memref<10240x128xf32, #tpu.memory_space<vmem_shared>> -> memref<40x128xf32, #tpu.memory_space<vmem_shared>>
      tpu.wait_dma2 semaphore(%run_scoped3A : memref<!tpu.dma_semaphore, #tpu.memory_space<semaphore_mem>>) src(%arg16 : memref<40x128xf32, #tpu.memory_space<vmem>>) dst(%dma_wait3A_315 : memref<40x128xf32, #tpu.memory_space<vmem_shared>>)
      tpu.yield
    }) : () -> ()
    %mul3A_129 = arith.constant 640 : i32
    %mul3A_130 = arith.muli %arg1, %mul3A_129 : i32
    %add3A_131 = arith.constant 320 : i32
    %add3A_132 = arith.addi %mul3A_130, %add3A_131 : i32
    "tpu.region"() ({
      %run_scoped3A = tpu.sem_alloc : memref<!tpu.dma_semaphore, #tpu.memory_space<semaphore_mem>>
      %dma_start3A = arith.constant 0 : i32
      %dma_start3A_310 = tpu.memref_slice %arg22[%add3A_132, %dma_start3A] : memref<10240x128xf32, #tpu.memory_space<vmem_shared>> -> memref<40x128xf32, #tpu.memory_space<vmem_shared>>
      %dma_start3A_311 = arith.constant 0 : i32
      %dma_start3A_312 = tpu.memref_slice %arg22[%add3A_132, %dma_start3A_311] : memref<10240x128xf32, #tpu.memory_space<vmem_shared>> -> memref<40x128xf32, #tpu.memory_space<vmem_shared>>
      tpu.enqueue_dma source(%arg16 : memref<40x128xf32, #tpu.memory_space<vmem>>) target(%dma_start3A_312 : memref<40x128xf32, #tpu.memory_space<vmem_shared>>) target_semaphore(%run_scoped3A : memref<!tpu.dma_semaphore, #tpu.memory_space<semaphore_mem>>)
      %dma_wait3A = arith.constant 0 : i32
      %dma_wait3A_313 = tpu.memref_slice %arg22[%add3A_132, %dma_wait3A] : memref<10240x128xf32, #tpu.memory_space<vmem_shared>> -> memref<40x128xf32, #tpu.memory_space<vmem_shared>>
      %dma_wait3A_314 = arith.constant 0 : i32
      %dma_wait3A_315 = tpu.memref_slice %arg22[%add3A_132, %dma_wait3A_314] : memref<10240x128xf32, #tpu.memory_space<vmem_shared>> -> memref<40x128xf32, #tpu.memory_space<vmem_shared>>
      tpu.wait_dma2 semaphore(%run_scoped3A : memref<!tpu.dma_semaphore, #tpu.memory_space<semaphore_mem>>) src(%arg16 : memref<40x128xf32, #tpu.memory_space<vmem>>) dst(%dma_wait3A_315 : memref<40x128xf32, #tpu.memory_space<vmem_shared>>)
      tpu.yield
    }) : () -> ()
    %mul3A_133 = arith.constant 640 : i32
    %mul3A_134 = arith.muli %arg1, %mul3A_133 : i32
    %add3A_135 = arith.constant 360 : i32
    %add3A_136 = arith.addi %mul3A_134, %add3A_135 : i32
    "tpu.region"() ({
      %run_scoped3A = tpu.sem_alloc : memref<!tpu.dma_semaphore, #tpu.memory_space<semaphore_mem>>
      %dma_start3A = arith.constant 0 : i32
      %dma_start3A_310 = tpu.memref_slice %arg22[%add3A_136, %dma_start3A] : memref<10240x128xf32, #tpu.memory_space<vmem_shared>> -> memref<40x128xf32, #tpu.memory_space<vmem_shared>>
      %dma_start3A_311 = arith.constant 0 : i32
      %dma_start3A_312 = tpu.memref_slice %arg22[%add3A_136, %dma_start3A_311] : memref<10240x128xf32, #tpu.memory_space<vmem_shared>> -> memref<40x128xf32, #tpu.memory_space<vmem_shared>>
      tpu.enqueue_dma source(%arg16 : memref<40x128xf32, #tpu.memory_space<vmem>>) target(%dma_start3A_312 : memref<40x128xf32, #tpu.memory_space<vmem_shared>>) target_semaphore(%run_scoped3A : memref<!tpu.dma_semaphore, #tpu.memory_space<semaphore_mem>>)
      %dma_wait3A = arith.constant 0 : i32
      %dma_wait3A_313 = tpu.memref_slice %arg22[%add3A_136, %dma_wait3A] : memref<10240x128xf32, #tpu.memory_space<vmem_shared>> -> memref<40x128xf32, #tpu.memory_space<vmem_shared>>
      %dma_wait3A_314 = arith.constant 0 : i32
      %dma_wait3A_315 = tpu.memref_slice %arg22[%add3A_136, %dma_wait3A_314] : memref<10240x128xf32, #tpu.memory_space<vmem_shared>> -> memref<40x128xf32, #tpu.memory_space<vmem_shared>>
      tpu.wait_dma2 semaphore(%run_scoped3A : memref<!tpu.dma_semaphore, #tpu.memory_space<semaphore_mem>>) src(%arg16 : memref<40x128xf32, #tpu.memory_space<vmem>>) dst(%dma_wait3A_315 : memref<40x128xf32, #tpu.memory_space<vmem_shared>>)
      tpu.yield
    }) : () -> ()
    %mul3A_137 = arith.constant 640 : i32
    %mul3A_138 = arith.muli %arg1, %mul3A_137 : i32
    %add3A_139 = arith.constant 400 : i32
    %add3A_140 = arith.addi %mul3A_138, %add3A_139 : i32
    "tpu.region"() ({
      %run_scoped3A = tpu.sem_alloc : memref<!tpu.dma_semaphore, #tpu.memory_space<semaphore_mem>>
      %dma_start3A = arith.constant 0 : i32
      %dma_start3A_310 = tpu.memref_slice %arg22[%add3A_140, %dma_start3A] : memref<10240x128xf32, #tpu.memory_space<vmem_shared>> -> memref<40x128xf32, #tpu.memory_space<vmem_shared>>
      %dma_start3A_311 = arith.constant 0 : i32
      %dma_start3A_312 = tpu.memref_slice %arg22[%add3A_140, %dma_start3A_311] : memref<10240x128xf32, #tpu.memory_space<vmem_shared>> -> memref<40x128xf32, #tpu.memory_space<vmem_shared>>
      tpu.enqueue_dma source(%arg16 : memref<40x128xf32, #tpu.memory_space<vmem>>) target(%dma_start3A_312 : memref<40x128xf32, #tpu.memory_space<vmem_shared>>) target_semaphore(%run_scoped3A : memref<!tpu.dma_semaphore, #tpu.memory_space<semaphore_mem>>)
      %dma_wait3A = arith.constant 0 : i32
      %dma_wait3A_313 = tpu.memref_slice %arg22[%add3A_140, %dma_wait3A] : memref<10240x128xf32, #tpu.memory_space<vmem_shared>> -> memref<40x128xf32, #tpu.memory_space<vmem_shared>>
      %dma_wait3A_314 = arith.constant 0 : i32
      %dma_wait3A_315 = tpu.memref_slice %arg22[%add3A_140, %dma_wait3A_314] : memref<10240x128xf32, #tpu.memory_space<vmem_shared>> -> memref<40x128xf32, #tpu.memory_space<vmem_shared>>
      tpu.wait_dma2 semaphore(%run_scoped3A : memref<!tpu.dma_semaphore, #tpu.memory_space<semaphore_mem>>) src(%arg16 : memref<40x128xf32, #tpu.memory_space<vmem>>) dst(%dma_wait3A_315 : memref<40x128xf32, #tpu.memory_space<vmem_shared>>)
      tpu.yield
    }) : () -> ()
    %mul3A_141 = arith.constant 640 : i32
    %mul3A_142 = arith.muli %arg1, %mul3A_141 : i32
    %add3A_143 = arith.constant 440 : i32
    %add3A_144 = arith.addi %mul3A_142, %add3A_143 : i32
    "tpu.region"() ({
      %run_scoped3A = tpu.sem_alloc : memref<!tpu.dma_semaphore, #tpu.memory_space<semaphore_mem>>
      %dma_start3A = arith.constant 0 : i32
      %dma_start3A_310 = tpu.memref_slice %arg22[%add3A_144, %dma_start3A] : memref<10240x128xf32, #tpu.memory_space<vmem_shared>> -> memref<40x128xf32, #tpu.memory_space<vmem_shared>>
      %dma_start3A_311 = arith.constant 0 : i32
      %dma_start3A_312 = tpu.memref_slice %arg22[%add3A_144, %dma_start3A_311] : memref<10240x128xf32, #tpu.memory_space<vmem_shared>> -> memref<40x128xf32, #tpu.memory_space<vmem_shared>>
      tpu.enqueue_dma source(%arg16 : memref<40x128xf32, #tpu.memory_space<vmem>>) target(%dma_start3A_312 : memref<40x128xf32, #tpu.memory_space<vmem_shared>>) target_semaphore(%run_scoped3A : memref<!tpu.dma_semaphore, #tpu.memory_space<semaphore_mem>>)
      %dma_wait3A = arith.constant 0 : i32
      %dma_wait3A_313 = tpu.memref_slice %arg22[%add3A_144, %dma_wait3A] : memref<10240x128xf32, #tpu.memory_space<vmem_shared>> -> memref<40x128xf32, #tpu.memory_space<vmem_shared>>
      %dma_wait3A_314 = arith.constant 0 : i32
      %dma_wait3A_315 = tpu.memref_slice %arg22[%add3A_144, %dma_wait3A_314] : memref<10240x128xf32, #tpu.memory_space<vmem_shared>> -> memref<40x128xf32, #tpu.memory_space<vmem_shared>>
      tpu.wait_dma2 semaphore(%run_scoped3A : memref<!tpu.dma_semaphore, #tpu.memory_space<semaphore_mem>>) src(%arg16 : memref<40x128xf32, #tpu.memory_space<vmem>>) dst(%dma_wait3A_315 : memref<40x128xf32, #tpu.memory_space<vmem_shared>>)
      tpu.yield
    }) : () -> ()
    %mul3A_145 = arith.constant 640 : i32
    %mul3A_146 = arith.muli %arg1, %mul3A_145 : i32
    %add3A_147 = arith.constant 480 : i32
    %add3A_148 = arith.addi %mul3A_146, %add3A_147 : i32
    "tpu.region"() ({
      %run_scoped3A = tpu.sem_alloc : memref<!tpu.dma_semaphore, #tpu.memory_space<semaphore_mem>>
      %dma_start3A = arith.constant 0 : i32
      %dma_start3A_310 = tpu.memref_slice %arg22[%add3A_148, %dma_start3A] : memref<10240x128xf32, #tpu.memory_space<vmem_shared>> -> memref<40x128xf32, #tpu.memory_space<vmem_shared>>
      %dma_start3A_311 = arith.constant 0 : i32
      %dma_start3A_312 = tpu.memref_slice %arg22[%add3A_148, %dma_start3A_311] : memref<10240x128xf32, #tpu.memory_space<vmem_shared>> -> memref<40x128xf32, #tpu.memory_space<vmem_shared>>
      tpu.enqueue_dma source(%arg16 : memref<40x128xf32, #tpu.memory_space<vmem>>) target(%dma_start3A_312 : memref<40x128xf32, #tpu.memory_space<vmem_shared>>) target_semaphore(%run_scoped3A : memref<!tpu.dma_semaphore, #tpu.memory_space<semaphore_mem>>)
      %dma_wait3A = arith.constant 0 : i32
      %dma_wait3A_313 = tpu.memref_slice %arg22[%add3A_148, %dma_wait3A] : memref<10240x128xf32, #tpu.memory_space<vmem_shared>> -> memref<40x128xf32, #tpu.memory_space<vmem_shared>>
      %dma_wait3A_314 = arith.constant 0 : i32
      %dma_wait3A_315 = tpu.memref_slice %arg22[%add3A_148, %dma_wait3A_314] : memref<10240x128xf32, #tpu.memory_space<vmem_shared>> -> memref<40x128xf32, #tpu.memory_space<vmem_shared>>
      tpu.wait_dma2 semaphore(%run_scoped3A : memref<!tpu.dma_semaphore, #tpu.memory_space<semaphore_mem>>) src(%arg16 : memref<40x128xf32, #tpu.memory_space<vmem>>) dst(%dma_wait3A_315 : memref<40x128xf32, #tpu.memory_space<vmem_shared>>)
      tpu.yield
    }) : () -> ()
    %mul3A_149 = arith.constant 640 : i32
    %mul3A_150 = arith.muli %arg1, %mul3A_149 : i32
    %add3A_151 = arith.constant 520 : i32
    %add3A_152 = arith.addi %mul3A_150, %add3A_151 : i32
    "tpu.region"() ({
      %run_scoped3A = tpu.sem_alloc : memref<!tpu.dma_semaphore, #tpu.memory_space<semaphore_mem>>
      %dma_start3A = arith.constant 0 : i32
      %dma_start3A_310 = tpu.memref_slice %arg22[%add3A_152, %dma_start3A] : memref<10240x128xf32, #tpu.memory_space<vmem_shared>> -> memref<40x128xf32, #tpu.memory_space<vmem_shared>>
      %dma_start3A_311 = arith.constant 0 : i32
      %dma_start3A_312 = tpu.memref_slice %arg22[%add3A_152, %dma_start3A_311] : memref<10240x128xf32, #tpu.memory_space<vmem_shared>> -> memref<40x128xf32, #tpu.memory_space<vmem_shared>>
      tpu.enqueue_dma source(%arg16 : memref<40x128xf32, #tpu.memory_space<vmem>>) target(%dma_start3A_312 : memref<40x128xf32, #tpu.memory_space<vmem_shared>>) target_semaphore(%run_scoped3A : memref<!tpu.dma_semaphore, #tpu.memory_space<semaphore_mem>>)
      %dma_wait3A = arith.constant 0 : i32
      %dma_wait3A_313 = tpu.memref_slice %arg22[%add3A_152, %dma_wait3A] : memref<10240x128xf32, #tpu.memory_space<vmem_shared>> -> memref<40x128xf32, #tpu.memory_space<vmem_shared>>
      %dma_wait3A_314 = arith.constant 0 : i32
      %dma_wait3A_315 = tpu.memref_slice %arg22[%add3A_152, %dma_wait3A_314] : memref<10240x128xf32, #tpu.memory_space<vmem_shared>> -> memref<40x128xf32, #tpu.memory_space<vmem_shared>>
      tpu.wait_dma2 semaphore(%run_scoped3A : memref<!tpu.dma_semaphore, #tpu.memory_space<semaphore_mem>>) src(%arg16 : memref<40x128xf32, #tpu.memory_space<vmem>>) dst(%dma_wait3A_315 : memref<40x128xf32, #tpu.memory_space<vmem_shared>>)
      tpu.yield
    }) : () -> ()
    %mul3A_153 = arith.constant 640 : i32
    %mul3A_154 = arith.muli %arg1, %mul3A_153 : i32
    %add3A_155 = arith.constant 560 : i32
    %add3A_156 = arith.addi %mul3A_154, %add3A_155 : i32
    "tpu.region"() ({
      %run_scoped3A = tpu.sem_alloc : memref<!tpu.dma_semaphore, #tpu.memory_space<semaphore_mem>>
      %dma_start3A = arith.constant 0 : i32
      %dma_start3A_310 = tpu.memref_slice %arg22[%add3A_156, %dma_start3A] : memref<10240x128xf32, #tpu.memory_space<vmem_shared>> -> memref<40x128xf32, #tpu.memory_space<vmem_shared>>
      %dma_start3A_311 = arith.constant 0 : i32
      %dma_start3A_312 = tpu.memref_slice %arg22[%add3A_156, %dma_start3A_311] : memref<10240x128xf32, #tpu.memory_space<vmem_shared>> -> memref<40x128xf32, #tpu.memory_space<vmem_shared>>
      tpu.enqueue_dma source(%arg16 : memref<40x128xf32, #tpu.memory_space<vmem>>) target(%dma_start3A_312 : memref<40x128xf32, #tpu.memory_space<vmem_shared>>) target_semaphore(%run_scoped3A : memref<!tpu.dma_semaphore, #tpu.memory_space<semaphore_mem>>)
      %dma_wait3A = arith.constant 0 : i32
      %dma_wait3A_313 = tpu.memref_slice %arg22[%add3A_156, %dma_wait3A] : memref<10240x128xf32, #tpu.memory_space<vmem_shared>> -> memref<40x128xf32, #tpu.memory_space<vmem_shared>>
      %dma_wait3A_314 = arith.constant 0 : i32
      %dma_wait3A_315 = tpu.memref_slice %arg22[%add3A_156, %dma_wait3A_314] : memref<10240x128xf32, #tpu.memory_space<vmem_shared>> -> memref<40x128xf32, #tpu.memory_space<vmem_shared>>
      tpu.wait_dma2 semaphore(%run_scoped3A : memref<!tpu.dma_semaphore, #tpu.memory_space<semaphore_mem>>) src(%arg16 : memref<40x128xf32, #tpu.memory_space<vmem>>) dst(%dma_wait3A_315 : memref<40x128xf32, #tpu.memory_space<vmem_shared>>)
      tpu.yield
    }) : () -> ()
    %mul3A_157 = arith.constant 640 : i32
    %mul3A_158 = arith.muli %arg1, %mul3A_157 : i32
    %add3A_159 = arith.constant 600 : i32
    %add3A_160 = arith.addi %mul3A_158, %add3A_159 : i32
    "tpu.region"() ({
      %run_scoped3A = tpu.sem_alloc : memref<!tpu.dma_semaphore, #tpu.memory_space<semaphore_mem>>
      %dma_start3A = arith.constant 0 : i32
      %dma_start3A_310 = tpu.memref_slice %arg22[%add3A_160, %dma_start3A] : memref<10240x128xf32, #tpu.memory_space<vmem_shared>> -> memref<40x128xf32, #tpu.memory_space<vmem_shared>>
      %dma_start3A_311 = arith.constant 0 : i32
      %dma_start3A_312 = tpu.memref_slice %arg22[%add3A_160, %dma_start3A_311] : memref<10240x128xf32, #tpu.memory_space<vmem_shared>> -> memref<40x128xf32, #tpu.memory_space<vmem_shared>>
      tpu.enqueue_dma source(%arg16 : memref<40x128xf32, #tpu.memory_space<vmem>>) target(%dma_start3A_312 : memref<40x128xf32, #tpu.memory_space<vmem_shared>>) target_semaphore(%run_scoped3A : memref<!tpu.dma_semaphore, #tpu.memory_space<semaphore_mem>>)
      %dma_wait3A = arith.constant 0 : i32
      %dma_wait3A_313 = tpu.memref_slice %arg22[%add3A_160, %dma_wait3A] : memref<10240x128xf32, #tpu.memory_space<vmem_shared>> -> memref<40x128xf32, #tpu.memory_space<vmem_shared>>
      %dma_wait3A_314 = arith.constant 0 : i32
      %dma_wait3A_315 = tpu.memref_slice %arg22[%add3A_160, %dma_wait3A_314] : memref<10240x128xf32, #tpu.memory_space<vmem_shared>> -> memref<40x128xf32, #tpu.memory_space<vmem_shared>>
      tpu.wait_dma2 semaphore(%run_scoped3A : memref<!tpu.dma_semaphore, #tpu.memory_space<semaphore_mem>>) src(%arg16 : memref<40x128xf32, #tpu.memory_space<vmem>>) dst(%dma_wait3A_315 : memref<40x128xf32, #tpu.memory_space<vmem_shared>>)
      tpu.yield
    }) : () -> ()
    %barrier3A = arith.constant 0 : index
    tpu.barrier barrier_id(%barrier3A)
    %get3A_161 = arith.constant 0 : index
    %get3A_162 = tpu.vector_load %arg19[%get3A_161] {strides = array<i32>} : memref<128xf32, #tpu.memory_space<vmem>>, vector<16xf32>,
    %get3A_163 = vector.shape_cast %get3A_162 : vector<16xf32> to vector<16xf32>
    %get3A_164 = arith.constant 16 : index
    %get3A_165 = tpu.vector_load %arg19[%get3A_164] {strides = array<i32>} : memref<128xf32, #tpu.memory_space<vmem>>, vector<16xf32>,
    %get3A_166 = vector.shape_cast %get3A_165 : vector<16xf32> to vector<16xf32>
    %get3A_167 = arith.constant 32 : index
    %get3A_168 = tpu.vector_load %arg19[%get3A_167] {strides = array<i32>} : memref<128xf32, #tpu.memory_space<vmem>>, vector<16xf32>,
    %get3A_169 = vector.shape_cast %get3A_168 : vector<16xf32> to vector<16xf32>
    %get3A_170 = arith.constant 48 : index
    %get3A_171 = tpu.vector_load %arg19[%get3A_170] {strides = array<i32>} : memref<128xf32, #tpu.memory_space<vmem>>, vector<16xf32>,
    %get3A_172 = vector.shape_cast %get3A_171 : vector<16xf32> to vector<16xf32>
    %get3A_173 = arith.constant 64 : index
    %get3A_174 = tpu.vector_load %arg19[%get3A_173] {strides = array<i32>} : memref<128xf32, #tpu.memory_space<vmem>>, vector<16xf32>,
    %get3A_175 = vector.shape_cast %get3A_174 : vector<16xf32> to vector<16xf32>
    %get3A_176 = arith.constant 80 : index
    %get3A_177 = tpu.vector_load %arg19[%get3A_176] {strides = array<i32>} : memref<128xf32, #tpu.memory_space<vmem>>, vector<16xf32>,
    %get3A_178 = vector.shape_cast %get3A_177 : vector<16xf32> to vector<16xf32>
    %get3A_179 = arith.constant 96 : index
    %get3A_180 = tpu.vector_load %arg19[%get3A_179] {strides = array<i32>} : memref<128xf32, #tpu.memory_space<vmem>>, vector<16xf32>,
    %get3A_181 = vector.shape_cast %get3A_180 : vector<16xf32> to vector<16xf32>
    %get3A_182 = arith.constant 112 : index
    %get3A_183 = tpu.vector_load %arg19[%get3A_182] {strides = array<i32>} : memref<128xf32, #tpu.memory_space<vmem>>, vector<16xf32>,
    %get3A_184 = vector.shape_cast %get3A_183 : vector<16xf32> to vector<16xf32>
    %scan3A_185 = arith.constant 0 : i32
    %scan3A_186 = arith.constant 0 : i32
    %scan3A_187 = arith.constant 25 : i32
    %scan3A_188 = arith.addi %scan3A_186, %scan3A_187 : i32
    %scan3A_189 = arith.constant 1 : i32
    %scan3A_190 = scf.for %scan3A_310 = %scan3A_186 to %scan3A_188 step %scan3A_189 iter_args(%scan3A_311 = %scan3A_185) -> (i32)  : i32 {
      %mul3A_312 = arith.constant 10000 : i32
      %mul3A_313 = arith.muli %arg1, %mul3A_312 : i32
      %mul3A_314 = arith.constant 400 : i32
      %mul3A_315 = arith.muli %scan3A_310, %mul3A_314 : i32
      %add3A_316 = arith.addi %mul3A_313, %mul3A_315 : i32
      %mul3A_317 = arith.constant 25 : i32
      %mul3A_318 = arith.muli %arg1, %mul3A_317 : i32
      %add3A_319 = arith.addi %mul3A_318, %scan3A_310 : i32
      %mul3A_320 = arith.constant 400 : i32
      %mul3A_321 = arith.muli %arg0, %mul3A_320 : i32
      %add3A_322 = arith.addi %mul3A_321, %add3A_319 : i32
      "tpu.region"() ({
        %run_scoped3A = tpu.sem_alloc : memref<!tpu.dma_semaphore, #tpu.memory_space<semaphore_mem>>
        %dma_start3A_346 = arith.constant 0 : i32
        %dma_start3A_347 = arith.constant 0 : i32
        %dma_start3A_348 = tpu.memref_slice %arg3[%add3A_322, %dma_start3A_346, %dma_start3A_347] : memref<800x25x16xi32, #tpu.memory_space<hbm>> -> memref<1x25x16xi32, #tpu.memory_space<hbm>>
        %dma_start3A_349 = tpu.memref_squeeze %dma_start3A_348 : memref<1x25x16xi32, #tpu.memory_space<hbm>> -> memref<25x16xi32, #tpu.memory_space<hbm>>
        %dma_start3A_350 = arith.constant 0 : i32
        %dma_start3A_351 = arith.constant 0 : i32
        %dma_start3A_352 = tpu.memref_slice %arg3[%add3A_322, %dma_start3A_350, %dma_start3A_351] : memref<800x25x16xi32, #tpu.memory_space<hbm>> -> memref<1x25x16xi32, #tpu.memory_space<hbm>>
        %dma_start3A_353 = tpu.memref_squeeze %dma_start3A_352 : memref<1x25x16xi32, #tpu.memory_space<hbm>> -> memref<25x16xi32, #tpu.memory_space<hbm>>
        tpu.enqueue_dma source(%dma_start3A_353 : memref<25x16xi32, #tpu.memory_space<hbm>>) target(%arg10 : memref<25x16xi32, #tpu.memory_space<vmem>>) target_semaphore(%run_scoped3A : memref<!tpu.dma_semaphore, #tpu.memory_space<semaphore_mem>>)
        %dma_wait3A = arith.constant 0 : i32
        %dma_wait3A_354 = arith.constant 0 : i32
        %dma_wait3A_355 = tpu.memref_slice %arg3[%add3A_322, %dma_wait3A, %dma_wait3A_354] : memref<800x25x16xi32, #tpu.memory_space<hbm>> -> memref<1x25x16xi32, #tpu.memory_space<hbm>>
        %dma_wait3A_356 = tpu.memref_squeeze %dma_wait3A_355 : memref<1x25x16xi32, #tpu.memory_space<hbm>> -> memref<25x16xi32, #tpu.memory_space<hbm>>
        %dma_wait3A_357 = arith.constant 0 : i32
        %dma_wait3A_358 = arith.constant 0 : i32
        %dma_wait3A_359 = tpu.memref_slice %arg3[%add3A_322, %dma_wait3A_357, %dma_wait3A_358] : memref<800x25x16xi32, #tpu.memory_space<hbm>> -> memref<1x25x16xi32, #tpu.memory_space<hbm>>
        %dma_wait3A_360 = tpu.memref_squeeze %dma_wait3A_359 : memref<1x25x16xi32, #tpu.memory_space<hbm>> -> memref<25x16xi32, #tpu.memory_space<hbm>>
        tpu.wait_dma2 semaphore(%run_scoped3A : memref<!tpu.dma_semaphore, #tpu.memory_space<semaphore_mem>>) src(%dma_wait3A_360 : memref<25x16xi32, #tpu.memory_space<hbm>>) dst(%arg10 : memref<25x16xi32, #tpu.memory_space<vmem>>)
        tpu.yield
      }) : () -> ()
      "tpu.region"() ({
        %run_scoped3A = tpu.sem_alloc : memref<!tpu.dma_semaphore, #tpu.memory_space<semaphore_mem>>
        %dma_start3A_346 = arith.constant 0 : i32
        %dma_start3A_347 = arith.constant 0 : i32
        %dma_start3A_348 = tpu.memref_slice %arg4[%add3A_319, %dma_start3A_346, %dma_start3A_347] : memref<400x25x16xi32, #tpu.memory_space<hbm>> -> memref<1x25x16xi32, #tpu.memory_space<hbm>>
        %dma_start3A_349 = tpu.memref_squeeze %dma_start3A_348 : memref<1x25x16xi32, #tpu.memory_space<hbm>> -> memref<25x16xi32, #tpu.memory_space<hbm>>
        %dma_start3A_350 = arith.constant 0 : i32
        %dma_start3A_351 = arith.constant 0 : i32
        %dma_start3A_352 = tpu.memref_slice %arg4[%add3A_319, %dma_start3A_350, %dma_start3A_351] : memref<400x25x16xi32, #tpu.memory_space<hbm>> -> memref<1x25x16xi32, #tpu.memory_space<hbm>>
        %dma_start3A_353 = tpu.memref_squeeze %dma_start3A_352 : memref<1x25x16xi32, #tpu.memory_space<hbm>> -> memref<25x16xi32, #tpu.memory_space<hbm>>
        tpu.enqueue_dma source(%dma_start3A_353 : memref<25x16xi32, #tpu.memory_space<hbm>>) target(%arg11 : memref<25x16xi32, #tpu.memory_space<vmem>>) target_semaphore(%run_scoped3A : memref<!tpu.dma_semaphore, #tpu.memory_space<semaphore_mem>>)
        %dma_wait3A = arith.constant 0 : i32
        %dma_wait3A_354 = arith.constant 0 : i32
        %dma_wait3A_355 = tpu.memref_slice %arg4[%add3A_319, %dma_wait3A, %dma_wait3A_354] : memref<400x25x16xi32, #tpu.memory_space<hbm>> -> memref<1x25x16xi32, #tpu.memory_space<hbm>>
        %dma_wait3A_356 = tpu.memref_squeeze %dma_wait3A_355 : memref<1x25x16xi32, #tpu.memory_space<hbm>> -> memref<25x16xi32, #tpu.memory_space<hbm>>
        %dma_wait3A_357 = arith.constant 0 : i32
        %dma_wait3A_358 = arith.constant 0 : i32
        %dma_wait3A_359 = tpu.memref_slice %arg4[%add3A_319, %dma_wait3A_357, %dma_wait3A_358] : memref<400x25x16xi32, #tpu.memory_space<hbm>> -> memref<1x25x16xi32, #tpu.memory_space<hbm>>
        %dma_wait3A_360 = tpu.memref_squeeze %dma_wait3A_359 : memref<1x25x16xi32, #tpu.memory_space<hbm>> -> memref<25x16xi32, #tpu.memory_space<hbm>>
        tpu.wait_dma2 semaphore(%run_scoped3A : memref<!tpu.dma_semaphore, #tpu.memory_space<semaphore_mem>>) src(%dma_wait3A_360 : memref<25x16xi32, #tpu.memory_space<hbm>>) dst(%arg11 : memref<25x16xi32, #tpu.memory_space<vmem>>)
        tpu.yield
      }) : () -> ()
      %mul3A_323 = arith.constant 16 : i32
      %mul3A_324 = arith.muli %add3A_316, %mul3A_323 : i32
      "tpu.region"() ({
        %run_scoped3A = tpu.sem_alloc : memref<!tpu.dma_semaphore, #tpu.memory_space<semaphore_mem>>
        %dma_start3A_346 = tpu.memref_slice %arg6[%mul3A_324] : memref<2560000xf32, #tpu.memory_space<hbm>> -> memref<6400xf32, #tpu.memory_space<hbm>>
        %dma_start3A_347 = tpu.memref_slice %arg6[%mul3A_324] : memref<2560000xf32, #tpu.memory_space<hbm>> -> memref<6400xf32, #tpu.memory_space<hbm>>
        tpu.enqueue_dma source(%dma_start3A_347 : memref<6400xf32, #tpu.memory_space<hbm>>) target(%arg12 : memref<6400xf32, #tpu.memory_space<vmem>>) target_semaphore(%run_scoped3A : memref<!tpu.dma_semaphore, #tpu.memory_space<semaphore_mem>>)
        %dma_wait3A = tpu.memref_slice %arg6[%mul3A_324] : memref<2560000xf32, #tpu.memory_space<hbm>> -> memref<6400xf32, #tpu.memory_space<hbm>>
        %dma_wait3A_348 = tpu.memref_slice %arg6[%mul3A_324] : memref<2560000xf32, #tpu.memory_space<hbm>> -> memref<6400xf32, #tpu.memory_space<hbm>>
        tpu.wait_dma2 semaphore(%run_scoped3A : memref<!tpu.dma_semaphore, #tpu.memory_space<semaphore_mem>>) src(%dma_wait3A_348 : memref<6400xf32, #tpu.memory_space<hbm>>) dst(%arg12 : memref<6400xf32, #tpu.memory_space<vmem>>)
        tpu.yield
      }) : () -> ()
      %dma_start3A = arith.constant 0 : i32
      %dma_start3A_325 = arith.constant 0 : i32
      %dma_start3A_326 = tpu.memref_slice %arg10[%dma_start3A, %dma_start3A_325] : memref<25x16xi32, #tpu.memory_space<vmem>> -> memref<1x16xi32, #tpu.memory_space<vmem>>
      %dma_start3A_327 = tpu.memref_squeeze %dma_start3A_326 : memref<1x16xi32, #tpu.memory_space<vmem>> -> memref<16xi32, #tpu.memory_space<vmem>>
      %dma_start3A_328 = arith.constant 0 : i32
      %dma_start3A_329 = arith.constant 0 : i32
      %dma_start3A_330 = tpu.memref_slice %arg2[%dma_start3A_328, %dma_start3A_329] : memref<20480x512xf32, #tpu.memory_space<hbm>> -> memref<20480x512xf32, #tpu.memory_space<hbm>>
      tpu.enqueue_indirect_dma source(%dma_start3A_330 : memref<20480x512xf32, #tpu.memory_space<hbm>>) target(%arg13 : memref<16x512xf32, #tpu.memory_space<vmem>>) offsets(%dma_start3A_327 : memref<16xi32, #tpu.memory_space<vmem>>) semaphore(%arg20 : memref<!tpu.dma_semaphore, #tpu.memory_space<semaphore_mem>>)
      %scan3A_331 = arith.constant 0 : i32
      %scan3A_332 = arith.constant 0 : i32
      %scan3A_333 = arith.constant 25 : i32
      %scan3A_334 = arith.addi %scan3A_332, %scan3A_333 : i32
      %scan3A_335 = arith.constant 1 : i32
      %scan3A_336 = scf.for %scan3A_346 = %scan3A_332 to %scan3A_334 step %scan3A_335 iter_args(%scan3A_347 = %scan3A_331) -> (i32)  : i32 {
        %and3A = arith.constant 1 : i32
        %and3A_348 = arith.andi %scan3A_346, %and3A : i32
        %eq3A = arith.constant 0 : i32
        %eq3A_349 = arith.cmpi eq, %and3A_348, %eq3A : i32
        %convert_element_type3A = arith.extui %eq3A_349 : i1 to i32
        %cond3A = arith.constant 0 : i32
        %cond3A_350 = arith.cmpi ne, %convert_element_type3A, %cond3A : i32
        scf.if %cond3A_350 {
          %add3A_357 = arith.constant 1 : i32
          %add3A_358 = arith.addi %scan3A_346, %add3A_357 : i32
          %lt3A = arith.constant 25 : i32
          %lt3A_359 = arith.cmpi slt, %add3A_358, %lt3A : i32
          %convert_element_type3A_360 = arith.extui %lt3A_359 : i1 to i32
          %cond3A_361 = arith.constant 0 : i32
          %cond3A_362 = arith.cmpi ne, %convert_element_type3A_360, %cond3A_361 : i32
          scf.if %cond3A_362 {
            %add3A_377 = arith.constant 1 : i32
            %add3A_378 = arith.addi %scan3A_346, %add3A_377 : i32
            %dma_start3A_379 = arith.constant 0 : i32
            %dma_start3A_380 = tpu.memref_slice %arg10[%add3A_378, %dma_start3A_379] : memref<25x16xi32, #tpu.memory_space<vmem>> -> memref<1x16xi32, #tpu.memory_space<vmem>>
            %dma_start3A_381 = tpu.memref_squeeze %dma_start3A_380 : memref<1x16xi32, #tpu.memory_space<vmem>> -> memref<16xi32, #tpu.memory_space<vmem>>
            %dma_start3A_382 = arith.constant 0 : i32
            %dma_start3A_383 = arith.constant 0 : i32
            %dma_start3A_384 = tpu.memref_slice %arg2[%dma_start3A_382, %dma_start3A_383] : memref<20480x512xf32, #tpu.memory_space<hbm>> -> memref<20480x512xf32, #tpu.memory_space<hbm>>
            tpu.enqueue_indirect_dma source(%dma_start3A_384 : memref<20480x512xf32, #tpu.memory_space<hbm>>) target(%arg14 : memref<16x512xf32, #tpu.memory_space<vmem>>) offsets(%dma_start3A_381 : memref<16xi32, #tpu.memory_space<vmem>>) semaphore(%arg21 : memref<!tpu.dma_semaphore, #tpu.memory_space<semaphore_mem>>)
          } else {
          }
          %dma_wait3A = arith.constant 0 : i32
          %dma_wait3A_363 = tpu.memref_slice %arg10[%scan3A_346, %dma_wait3A] : memref<25x16xi32, #tpu.memory_space<vmem>> -> memref<1x16xi32, #tpu.memory_space<vmem>>
          %dma_wait3A_364 = tpu.memref_squeeze %dma_wait3A_363 : memref<1x16xi32, #tpu.memory_space<vmem>> -> memref<16xi32, #tpu.memory_space<vmem>>
          %dma_wait3A_365 = arith.constant 0 : i32
          %dma_wait3A_366 = arith.constant 0 : i32
          %dma_wait3A_367 = tpu.memref_slice %arg2[%dma_wait3A_365, %dma_wait3A_366] : memref<20480x512xf32, #tpu.memory_space<hbm>> -> memref<20480x512xf32, #tpu.memory_space<hbm>>
          tpu.wait_indirect_dma semaphore(%arg20 : memref<!tpu.dma_semaphore, #tpu.memory_space<semaphore_mem>>) src(%dma_wait3A_367 : memref<20480x512xf32, #tpu.memory_space<hbm>>) dst(%arg13 : memref<16x512xf32, #tpu.memory_space<vmem>>)
          %mul3A_368 = arith.constant 256 : i32
          %mul3A_369 = arith.muli %scan3A_346, %mul3A_368 : i32
          %scan3A_370 = arith.constant 0 : i32
          %scan3A_371 = arith.constant 0 : i32
          %scan3A_372 = arith.constant 16 : i32
          %scan3A_373 = arith.addi %scan3A_371, %scan3A_372 : i32
          %scan3A_374 = arith.constant 1 : i32
          %scan3A_375 = scf.for %scan3A_377 = %scan3A_371 to %scan3A_373 step %scan3A_374 iter_args(%scan3A_378 = %scan3A_370) -> (i32)  : i32 {
            %mul3A_379 = arith.constant 16 : i32
            %mul3A_380 = arith.muli %scan3A_377, %mul3A_379 : i32
            %add3A_381 = arith.addi %mul3A_369, %mul3A_380 : i32
            %get3A_382 = arith.index_cast %add3A_381 : i32 to index
            %get3A_383 = tpu.vector_load %arg12[%get3A_382] {strides = array<i32>} : memref<6400xf32, #tpu.memory_space<vmem>>, vector<16xf32>,
            %get3A_384 = vector.shape_cast %get3A_383 : vector<16xf32> to vector<16xf32>
            %slice3A = vector.extract_strided_slice %get3A_384 {offsets = [0], sizes = [1], strides = [1]} : vector<16xf32> to vector<1xf32>
            %squeeze3A = vector.extract %slice3A[0] : f32 from vector<1xf32>
            %slice3A_385 = vector.extract_strided_slice %get3A_384 {offsets = [1], sizes = [1], strides = [1]} : vector<16xf32> to vector<1xf32>
            %squeeze3A_386 = vector.extract %slice3A_385[0] : f32 from vector<1xf32>
            %slice3A_387 = vector.extract_strided_slice %get3A_384 {offsets = [2], sizes = [1], strides = [1]} : vector<16xf32> to vector<1xf32>
            %squeeze3A_388 = vector.extract %slice3A_387[0] : f32 from vector<1xf32>
            %slice3A_389 = vector.extract_strided_slice %get3A_384 {offsets = [3], sizes = [1], strides = [1]} : vector<16xf32> to vector<1xf32>
            %squeeze3A_390 = vector.extract %slice3A_389[0] : f32 from vector<1xf32>
            %get3A_391 = arith.index_cast %scan3A_377 : i32 to index
            %get3A_392 = arith.constant 0 : index
            %get3A_393 = tpu.vector_load %arg13[%get3A_391, %get3A_392] {strides = array<i32>} : memref<16x512xf32, #tpu.memory_space<vmem>>, vector<1x16xf32>,
            %get3A_394 = vector.shape_cast %get3A_393 : vector<1x16xf32> to vector<16xf32>
            %mul3A_395 = vector.broadcast %squeeze3A : f32 to vector<16xf32>
            %mul3A_396 = arith.mulf %mul3A_395, %get3A_394 : vector<16xf32>
            %add3A_397 = arith.addf %get3A_163, %mul3A_396 : vector<16xf32>
            %get3A_398 = arith.index_cast %scan3A_377 : i32 to index
            %get3A_399 = arith.constant 128 : index
            %get3A_400 = tpu.vector_load %arg13[%get3A_398, %get3A_399] {strides = array<i32>} : memref<16x512xf32, #tpu.memory_space<vmem>>, vector<1x16xf32>,
            %get3A_401 = vector.shape_cast %get3A_400 : vector<1x16xf32> to vector<16xf32>
            %mul3A_402 = vector.broadcast %squeeze3A_386 : f32 to vector<16xf32>
            %mul3A_403 = arith.mulf %mul3A_402, %get3A_401 : vector<16xf32>
            %add3A_404 = arith.addf %add3A_397, %mul3A_403 : vector<16xf32>
            %get3A_405 = arith.index_cast %scan3A_377 : i32 to index
            %get3A_406 = arith.constant 256 : index
            %get3A_407 = tpu.vector_load %arg13[%get3A_405, %get3A_406] {strides = array<i32>} : memref<16x512xf32, #tpu.memory_space<vmem>>, vector<1x16xf32>,
            %get3A_408 = vector.shape_cast %get3A_407 : vector<1x16xf32> to vector<16xf32>
            %mul3A_409 = vector.broadcast %squeeze3A_388 : f32 to vector<16xf32>
            %mul3A_410 = arith.mulf %mul3A_409, %get3A_408 : vector<16xf32>
            %add3A_411 = arith.addf %add3A_404, %mul3A_410 : vector<16xf32>
            %get3A_412 = arith.index_cast %scan3A_377 : i32 to index
            %get3A_413 = arith.constant 384 : index
            %get3A_414 = tpu.vector_load %arg13[%get3A_412, %get3A_413] {strides = array<i32>} : memref<16x512xf32, #tpu.memory_space<vmem>>, vector<1x16xf32>,
            %get3A_415 = vector.shape_cast %get3A_414 : vector<1x16xf32> to vector<16xf32>
            %mul3A_416 = vector.broadcast %squeeze3A_390 : f32 to vector<16xf32>
            %mul3A_417 = arith.mulf %mul3A_416, %get3A_415 : vector<16xf32>
            %add3A_418 = arith.addf %add3A_411, %mul3A_417 : vector<16xf32>
            %max3A = arith.constant 0.000000e+00 : f32
            %max3A_419 = vector.broadcast %max3A : f32 to vector<16xf32>
            %max3A_420 = arith.maximumf %add3A_418, %max3A_419 : vector<16xf32>
            %swap3A_421 = arith.index_cast %scan3A_377 : i32 to index
            %swap3A_422 = arith.constant 0 : index
            %swap3A_423 = tpu.vector_load %arg15[%swap3A_421, %swap3A_422] {strides = array<i32>} : memref<16x128xf32, #tpu.memory_space<vmem>>, vector<1x16xf32>,
            %swap3A_424 = vector.shape_cast %swap3A_423 : vector<1x16xf32> to vector<16xf32>
            %swap3A_425 = vector.shape_cast %max3A_420 : vector<16xf32> to vector<1x16xf32>
            tpu.vector_store %arg15[%swap3A_421, %swap3A_422], %swap3A_425 {strides = array<i32>} : memref<16x128xf32, #tpu.memory_space<vmem>>, vector<1x16xf32>,
            %get3A_426 = arith.index_cast %scan3A_377 : i32 to index
            %get3A_427 = arith.constant 16 : index
            %get3A_428 = tpu.vector_load %arg13[%get3A_426, %get3A_427] {strides = array<i32>} : memref<16x512xf32, #tpu.memory_space<vmem>>, vector<1x16xf32>,
            %get3A_429 = vector.shape_cast %get3A_428 : vector<1x16xf32> to vector<16xf32>
            %mul3A_430 = vector.broadcast %squeeze3A : f32 to vector<16xf32>
            %mul3A_431 = arith.mulf %mul3A_430, %get3A_429 : vector<16xf32>
            %add3A_432 = arith.addf %get3A_166, %mul3A_431 : vector<16xf32>
            %get3A_433 = arith.index_cast %scan3A_377 : i32 to index
            %get3A_434 = arith.constant 144 : index
            %get3A_435 = tpu.vector_load %arg13[%get3A_433, %get3A_434] {strides = array<i32>} : memref<16x512xf32, #tpu.memory_space<vmem>>, vector<1x16xf32>,
            %get3A_436 = vector.shape_cast %get3A_435 : vector<1x16xf32> to vector<16xf32>
            %mul3A_437 = vector.broadcast %squeeze3A_386 : f32 to vector<16xf32>
            %mul3A_438 = arith.mulf %mul3A_437, %get3A_436 : vector<16xf32>
            %add3A_439 = arith.addf %add3A_432, %mul3A_438 : vector<16xf32>
            %get3A_440 = arith.index_cast %scan3A_377 : i32 to index
            %get3A_441 = arith.constant 272 : index
            %get3A_442 = tpu.vector_load %arg13[%get3A_440, %get3A_441] {strides = array<i32>} : memref<16x512xf32, #tpu.memory_space<vmem>>, vector<1x16xf32>,
            %get3A_443 = vector.shape_cast %get3A_442 : vector<1x16xf32> to vector<16xf32>
            %mul3A_444 = vector.broadcast %squeeze3A_388 : f32 to vector<16xf32>
            %mul3A_445 = arith.mulf %mul3A_444, %get3A_443 : vector<16xf32>
            %add3A_446 = arith.addf %add3A_439, %mul3A_445 : vector<16xf32>
            %get3A_447 = arith.index_cast %scan3A_377 : i32 to index
            %get3A_448 = arith.constant 400 : index
            %get3A_449 = tpu.vector_load %arg13[%get3A_447, %get3A_448] {strides = array<i32>} : memref<16x512xf32, #tpu.memory_space<vmem>>, vector<1x16xf32>,
            %get3A_450 = vector.shape_cast %get3A_449 : vector<1x16xf32> to vector<16xf32>
            %mul3A_451 = vector.broadcast %squeeze3A_390 : f32 to vector<16xf32>
            %mul3A_452 = arith.mulf %mul3A_451, %get3A_450 : vector<16xf32>
            %add3A_453 = arith.addf %add3A_446, %mul3A_452 : vector<16xf32>
            %max3A_454 = arith.constant 0.000000e+00 : f32
            %max3A_455 = vector.broadcast %max3A_454 : f32 to vector<16xf32>
            %max3A_456 = arith.maximumf %add3A_453, %max3A_455 : vector<16xf32>
            %swap3A_457 = arith.index_cast %scan3A_377 : i32 to index
            %swap3A_458 = arith.constant 16 : index
            %swap3A_459 = tpu.vector_load %arg15[%swap3A_457, %swap3A_458] {strides = array<i32>} : memref<16x128xf32, #tpu.memory_space<vmem>>, vector<1x16xf32>,
            %swap3A_460 = vector.shape_cast %swap3A_459 : vector<1x16xf32> to vector<16xf32>
            %swap3A_461 = vector.shape_cast %max3A_456 : vector<16xf32> to vector<1x16xf32>
            tpu.vector_store %arg15[%swap3A_457, %swap3A_458], %swap3A_461 {strides = array<i32>} : memref<16x128xf32, #tpu.memory_space<vmem>>, vector<1x16xf32>,
            %get3A_462 = arith.index_cast %scan3A_377 : i32 to index
            %get3A_463 = arith.constant 32 : index
            %get3A_464 = tpu.vector_load %arg13[%get3A_462, %get3A_463] {strides = array<i32>} : memref<16x512xf32, #tpu.memory_space<vmem>>, vector<1x16xf32>,
            %get3A_465 = vector.shape_cast %get3A_464 : vector<1x16xf32> to vector<16xf32>
            %mul3A_466 = vector.broadcast %squeeze3A : f32 to vector<16xf32>
            %mul3A_467 = arith.mulf %mul3A_466, %get3A_465 : vector<16xf32>
            %add3A_468 = arith.addf %get3A_169, %mul3A_467 : vector<16xf32>
            %get3A_469 = arith.index_cast %scan3A_377 : i32 to index
            %get3A_470 = arith.constant 160 : index
            %get3A_471 = tpu.vector_load %arg13[%get3A_469, %get3A_470] {strides = array<i32>} : memref<16x512xf32, #tpu.memory_space<vmem>>, vector<1x16xf32>,
            %get3A_472 = vector.shape_cast %get3A_471 : vector<1x16xf32> to vector<16xf32>
            %mul3A_473 = vector.broadcast %squeeze3A_386 : f32 to vector<16xf32>
            %mul3A_474 = arith.mulf %mul3A_473, %get3A_472 : vector<16xf32>
            %add3A_475 = arith.addf %add3A_468, %mul3A_474 : vector<16xf32>
            %get3A_476 = arith.index_cast %scan3A_377 : i32 to index
            %get3A_477 = arith.constant 288 : index
            %get3A_478 = tpu.vector_load %arg13[%get3A_476, %get3A_477] {strides = array<i32>} : memref<16x512xf32, #tpu.memory_space<vmem>>, vector<1x16xf32>,
            %get3A_479 = vector.shape_cast %get3A_478 : vector<1x16xf32> to vector<16xf32>
            %mul3A_480 = vector.broadcast %squeeze3A_388 : f32 to vector<16xf32>
            %mul3A_481 = arith.mulf %mul3A_480, %get3A_479 : vector<16xf32>
            %add3A_482 = arith.addf %add3A_475, %mul3A_481 : vector<16xf32>
            %get3A_483 = arith.index_cast %scan3A_377 : i32 to index
            %get3A_484 = arith.constant 416 : index
            %get3A_485 = tpu.vector_load %arg13[%get3A_483, %get3A_484] {strides = array<i32>} : memref<16x512xf32, #tpu.memory_space<vmem>>, vector<1x16xf32>,
            %get3A_486 = vector.shape_cast %get3A_485 : vector<1x16xf32> to vector<16xf32>
            %mul3A_487 = vector.broadcast %squeeze3A_390 : f32 to vector<16xf32>
            %mul3A_488 = arith.mulf %mul3A_487, %get3A_486 : vector<16xf32>
            %add3A_489 = arith.addf %add3A_482, %mul3A_488 : vector<16xf32>
            %max3A_490 = arith.constant 0.000000e+00 : f32
            %max3A_491 = vector.broadcast %max3A_490 : f32 to vector<16xf32>
            %max3A_492 = arith.maximumf %add3A_489, %max3A_491 : vector<16xf32>
            %swap3A_493 = arith.index_cast %scan3A_377 : i32 to index
            %swap3A_494 = arith.constant 32 : index
            %swap3A_495 = tpu.vector_load %arg15[%swap3A_493, %swap3A_494] {strides = array<i32>} : memref<16x128xf32, #tpu.memory_space<vmem>>, vector<1x16xf32>,
            %swap3A_496 = vector.shape_cast %swap3A_495 : vector<1x16xf32> to vector<16xf32>
            %swap3A_497 = vector.shape_cast %max3A_492 : vector<16xf32> to vector<1x16xf32>
            tpu.vector_store %arg15[%swap3A_493, %swap3A_494], %swap3A_497 {strides = array<i32>} : memref<16x128xf32, #tpu.memory_space<vmem>>, vector<1x16xf32>,
            %get3A_498 = arith.index_cast %scan3A_377 : i32 to index
            %get3A_499 = arith.constant 48 : index
            %get3A_500 = tpu.vector_load %arg13[%get3A_498, %get3A_499] {strides = array<i32>} : memref<16x512xf32, #tpu.memory_space<vmem>>, vector<1x16xf32>,
            %get3A_501 = vector.shape_cast %get3A_500 : vector<1x16xf32> to vector<16xf32>
            %mul3A_502 = vector.broadcast %squeeze3A : f32 to vector<16xf32>
            %mul3A_503 = arith.mulf %mul3A_502, %get3A_501 : vector<16xf32>
            %add3A_504 = arith.addf %get3A_172, %mul3A_503 : vector<16xf32>
            %get3A_505 = arith.index_cast %scan3A_377 : i32 to index
            %get3A_506 = arith.constant 176 : index
            %get3A_507 = tpu.vector_load %arg13[%get3A_505, %get3A_506] {strides = array<i32>} : memref<16x512xf32, #tpu.memory_space<vmem>>, vector<1x16xf32>,
            %get3A_508 = vector.shape_cast %get3A_507 : vector<1x16xf32> to vector<16xf32>
            %mul3A_509 = vector.broadcast %squeeze3A_386 : f32 to vector<16xf32>
            %mul3A_510 = arith.mulf %mul3A_509, %get3A_508 : vector<16xf32>
            %add3A_511 = arith.addf %add3A_504, %mul3A_510 : vector<16xf32>
            %get3A_512 = arith.index_cast %scan3A_377 : i32 to index
            %get3A_513 = arith.constant 304 : index
            %get3A_514 = tpu.vector_load %arg13[%get3A_512, %get3A_513] {strides = array<i32>} : memref<16x512xf32, #tpu.memory_space<vmem>>, vector<1x16xf32>,
            %get3A_515 = vector.shape_cast %get3A_514 : vector<1x16xf32> to vector<16xf32>
            %mul3A_516 = vector.broadcast %squeeze3A_388 : f32 to vector<16xf32>
            %mul3A_517 = arith.mulf %mul3A_516, %get3A_515 : vector<16xf32>
            %add3A_518 = arith.addf %add3A_511, %mul3A_517 : vector<16xf32>
            %get3A_519 = arith.index_cast %scan3A_377 : i32 to index
            %get3A_520 = arith.constant 432 : index
            %get3A_521 = tpu.vector_load %arg13[%get3A_519, %get3A_520] {strides = array<i32>} : memref<16x512xf32, #tpu.memory_space<vmem>>, vector<1x16xf32>,
            %get3A_522 = vector.shape_cast %get3A_521 : vector<1x16xf32> to vector<16xf32>
            %mul3A_523 = vector.broadcast %squeeze3A_390 : f32 to vector<16xf32>
            %mul3A_524 = arith.mulf %mul3A_523, %get3A_522 : vector<16xf32>
            %add3A_525 = arith.addf %add3A_518, %mul3A_524 : vector<16xf32>
            %max3A_526 = arith.constant 0.000000e+00 : f32
            %max3A_527 = vector.broadcast %max3A_526 : f32 to vector<16xf32>
            %max3A_528 = arith.maximumf %add3A_525, %max3A_527 : vector<16xf32>
            %swap3A_529 = arith.index_cast %scan3A_377 : i32 to index
            %swap3A_530 = arith.constant 48 : index
            %swap3A_531 = tpu.vector_load %arg15[%swap3A_529, %swap3A_530] {strides = array<i32>} : memref<16x128xf32, #tpu.memory_space<vmem>>, vector<1x16xf32>,
            %swap3A_532 = vector.shape_cast %swap3A_531 : vector<1x16xf32> to vector<16xf32>
            %swap3A_533 = vector.shape_cast %max3A_528 : vector<16xf32> to vector<1x16xf32>
            tpu.vector_store %arg15[%swap3A_529, %swap3A_530], %swap3A_533 {strides = array<i32>} : memref<16x128xf32, #tpu.memory_space<vmem>>, vector<1x16xf32>,
            %get3A_534 = arith.index_cast %scan3A_377 : i32 to index
            %get3A_535 = arith.constant 64 : index
            %get3A_536 = tpu.vector_load %arg13[%get3A_534, %get3A_535] {strides = array<i32>} : memref<16x512xf32, #tpu.memory_space<vmem>>, vector<1x16xf32>,
            %get3A_537 = vector.shape_cast %get3A_536 : vector<1x16xf32> to vector<16xf32>
            %mul3A_538 = vector.broadcast %squeeze3A : f32 to vector<16xf32>
            %mul3A_539 = arith.mulf %mul3A_538, %get3A_537 : vector<16xf32>
            %add3A_540 = arith.addf %get3A_175, %mul3A_539 : vector<16xf32>
            %get3A_541 = arith.index_cast %scan3A_377 : i32 to index
            %get3A_542 = arith.constant 192 : index
            %get3A_543 = tpu.vector_load %arg13[%get3A_541, %get3A_542] {strides = array<i32>} : memref<16x512xf32, #tpu.memory_space<vmem>>, vector<1x16xf32>,
            %get3A_544 = vector.shape_cast %get3A_543 : vector<1x16xf32> to vector<16xf32>
            %mul3A_545 = vector.broadcast %squeeze3A_386 : f32 to vector<16xf32>
            %mul3A_546 = arith.mulf %mul3A_545, %get3A_544 : vector<16xf32>
            %add3A_547 = arith.addf %add3A_540, %mul3A_546 : vector<16xf32>
            %get3A_548 = arith.index_cast %scan3A_377 : i32 to index
            %get3A_549 = arith.constant 320 : index
            %get3A_550 = tpu.vector_load %arg13[%get3A_548, %get3A_549] {strides = array<i32>} : memref<16x512xf32, #tpu.memory_space<vmem>>, vector<1x16xf32>,
            %get3A_551 = vector.shape_cast %get3A_550 : vector<1x16xf32> to vector<16xf32>
            %mul3A_552 = vector.broadcast %squeeze3A_388 : f32 to vector<16xf32>
            %mul3A_553 = arith.mulf %mul3A_552, %get3A_551 : vector<16xf32>
            %add3A_554 = arith.addf %add3A_547, %mul3A_553 : vector<16xf32>
            %get3A_555 = arith.index_cast %scan3A_377 : i32 to index
            %get3A_556 = arith.constant 448 : index
            %get3A_557 = tpu.vector_load %arg13[%get3A_555, %get3A_556] {strides = array<i32>} : memref<16x512xf32, #tpu.memory_space<vmem>>, vector<1x16xf32>,
            %get3A_558 = vector.shape_cast %get3A_557 : vector<1x16xf32> to vector<16xf32>
            %mul3A_559 = vector.broadcast %squeeze3A_390 : f32 to vector<16xf32>
            %mul3A_560 = arith.mulf %mul3A_559, %get3A_558 : vector<16xf32>
            %add3A_561 = arith.addf %add3A_554, %mul3A_560 : vector<16xf32>
            %max3A_562 = arith.constant 0.000000e+00 : f32
            %max3A_563 = vector.broadcast %max3A_562 : f32 to vector<16xf32>
            %max3A_564 = arith.maximumf %add3A_561, %max3A_563 : vector<16xf32>
            %swap3A_565 = arith.index_cast %scan3A_377 : i32 to index
            %swap3A_566 = arith.constant 64 : index
            %swap3A_567 = tpu.vector_load %arg15[%swap3A_565, %swap3A_566] {strides = array<i32>} : memref<16x128xf32, #tpu.memory_space<vmem>>, vector<1x16xf32>,
            %swap3A_568 = vector.shape_cast %swap3A_567 : vector<1x16xf32> to vector<16xf32>
            %swap3A_569 = vector.shape_cast %max3A_564 : vector<16xf32> to vector<1x16xf32>
            tpu.vector_store %arg15[%swap3A_565, %swap3A_566], %swap3A_569 {strides = array<i32>} : memref<16x128xf32, #tpu.memory_space<vmem>>, vector<1x16xf32>,
            %get3A_570 = arith.index_cast %scan3A_377 : i32 to index
            %get3A_571 = arith.constant 80 : index
            %get3A_572 = tpu.vector_load %arg13[%get3A_570, %get3A_571] {strides = array<i32>} : memref<16x512xf32, #tpu.memory_space<vmem>>, vector<1x16xf32>,
            %get3A_573 = vector.shape_cast %get3A_572 : vector<1x16xf32> to vector<16xf32>
            %mul3A_574 = vector.broadcast %squeeze3A : f32 to vector<16xf32>
            %mul3A_575 = arith.mulf %mul3A_574, %get3A_573 : vector<16xf32>
            %add3A_576 = arith.addf %get3A_178, %mul3A_575 : vector<16xf32>
            %get3A_577 = arith.index_cast %scan3A_377 : i32 to index
            %get3A_578 = arith.constant 208 : index
            %get3A_579 = tpu.vector_load %arg13[%get3A_577, %get3A_578] {strides = array<i32>} : memref<16x512xf32, #tpu.memory_space<vmem>>, vector<1x16xf32>,
            %get3A_580 = vector.shape_cast %get3A_579 : vector<1x16xf32> to vector<16xf32>
            %mul3A_581 = vector.broadcast %squeeze3A_386 : f32 to vector<16xf32>
            %mul3A_582 = arith.mulf %mul3A_581, %get3A_580 : vector<16xf32>
            %add3A_583 = arith.addf %add3A_576, %mul3A_582 : vector<16xf32>
            %get3A_584 = arith.index_cast %scan3A_377 : i32 to index
            %get3A_585 = arith.constant 336 : index
            %get3A_586 = tpu.vector_load %arg13[%get3A_584, %get3A_585] {strides = array<i32>} : memref<16x512xf32, #tpu.memory_space<vmem>>, vector<1x16xf32>,
            %get3A_587 = vector.shape_cast %get3A_586 : vector<1x16xf32> to vector<16xf32>
            %mul3A_588 = vector.broadcast %squeeze3A_388 : f32 to vector<16xf32>
            %mul3A_589 = arith.mulf %mul3A_588, %get3A_587 : vector<16xf32>
            %add3A_590 = arith.addf %add3A_583, %mul3A_589 : vector<16xf32>
            %get3A_591 = arith.index_cast %scan3A_377 : i32 to index
            %get3A_592 = arith.constant 464 : index
            %get3A_593 = tpu.vector_load %arg13[%get3A_591, %get3A_592] {strides = array<i32>} : memref<16x512xf32, #tpu.memory_space<vmem>>, vector<1x16xf32>,
            %get3A_594 = vector.shape_cast %get3A_593 : vector<1x16xf32> to vector<16xf32>
            %mul3A_595 = vector.broadcast %squeeze3A_390 : f32 to vector<16xf32>
            %mul3A_596 = arith.mulf %mul3A_595, %get3A_594 : vector<16xf32>
            %add3A_597 = arith.addf %add3A_590, %mul3A_596 : vector<16xf32>
            %max3A_598 = arith.constant 0.000000e+00 : f32
            %max3A_599 = vector.broadcast %max3A_598 : f32 to vector<16xf32>
            %max3A_600 = arith.maximumf %add3A_597, %max3A_599 : vector<16xf32>
            %swap3A_601 = arith.index_cast %scan3A_377 : i32 to index
            %swap3A_602 = arith.constant 80 : index
            %swap3A_603 = tpu.vector_load %arg15[%swap3A_601, %swap3A_602] {strides = array<i32>} : memref<16x128xf32, #tpu.memory_space<vmem>>, vector<1x16xf32>,
            %swap3A_604 = vector.shape_cast %swap3A_603 : vector<1x16xf32> to vector<16xf32>
            %swap3A_605 = vector.shape_cast %max3A_600 : vector<16xf32> to vector<1x16xf32>
            tpu.vector_store %arg15[%swap3A_601, %swap3A_602], %swap3A_605 {strides = array<i32>} : memref<16x128xf32, #tpu.memory_space<vmem>>, vector<1x16xf32>,
            %get3A_606 = arith.index_cast %scan3A_377 : i32 to index
            %get3A_607 = arith.constant 96 : index
            %get3A_608 = tpu.vector_load %arg13[%get3A_606, %get3A_607] {strides = array<i32>} : memref<16x512xf32, #tpu.memory_space<vmem>>, vector<1x16xf32>,
            %get3A_609 = vector.shape_cast %get3A_608 : vector<1x16xf32> to vector<16xf32>
            %mul3A_610 = vector.broadcast %squeeze3A : f32 to vector<16xf32>
            %mul3A_611 = arith.mulf %mul3A_610, %get3A_609 : vector<16xf32>
            %add3A_612 = arith.addf %get3A_181, %mul3A_611 : vector<16xf32>
            %get3A_613 = arith.index_cast %scan3A_377 : i32 to index
            %get3A_614 = arith.constant 224 : index
            %get3A_615 = tpu.vector_load %arg13[%get3A_613, %get3A_614] {strides = array<i32>} : memref<16x512xf32, #tpu.memory_space<vmem>>, vector<1x16xf32>,
            %get3A_616 = vector.shape_cast %get3A_615 : vector<1x16xf32> to vector<16xf32>
            %mul3A_617 = vector.broadcast %squeeze3A_386 : f32 to vector<16xf32>
            %mul3A_618 = arith.mulf %mul3A_617, %get3A_616 : vector<16xf32>
            %add3A_619 = arith.addf %add3A_612, %mul3A_618 : vector<16xf32>
            %get3A_620 = arith.index_cast %scan3A_377 : i32 to index
            %get3A_621 = arith.constant 352 : index
            %get3A_622 = tpu.vector_load %arg13[%get3A_620, %get3A_621] {strides = array<i32>} : memref<16x512xf32, #tpu.memory_space<vmem>>, vector<1x16xf32>,
            %get3A_623 = vector.shape_cast %get3A_622 : vector<1x16xf32> to vector<16xf32>
            %mul3A_624 = vector.broadcast %squeeze3A_388 : f32 to vector<16xf32>
            %mul3A_625 = arith.mulf %mul3A_624, %get3A_623 : vector<16xf32>
            %add3A_626 = arith.addf %add3A_619, %mul3A_625 : vector<16xf32>
            %get3A_627 = arith.index_cast %scan3A_377 : i32 to index
            %get3A_628 = arith.constant 480 : index
            %get3A_629 = tpu.vector_load %arg13[%get3A_627, %get3A_628] {strides = array<i32>} : memref<16x512xf32, #tpu.memory_space<vmem>>, vector<1x16xf32>,
            %get3A_630 = vector.shape_cast %get3A_629 : vector<1x16xf32> to vector<16xf32>
            %mul3A_631 = vector.broadcast %squeeze3A_390 : f32 to vector<16xf32>
            %mul3A_632 = arith.mulf %mul3A_631, %get3A_630 : vector<16xf32>
            %add3A_633 = arith.addf %add3A_626, %mul3A_632 : vector<16xf32>
            %max3A_634 = arith.constant 0.000000e+00 : f32
            %max3A_635 = vector.broadcast %max3A_634 : f32 to vector<16xf32>
            %max3A_636 = arith.maximumf %add3A_633, %max3A_635 : vector<16xf32>
            %swap3A_637 = arith.index_cast %scan3A_377 : i32 to index
            %swap3A_638 = arith.constant 96 : index
            %swap3A_639 = tpu.vector_load %arg15[%swap3A_637, %swap3A_638] {strides = array<i32>} : memref<16x128xf32, #tpu.memory_space<vmem>>, vector<1x16xf32>,
            %swap3A_640 = vector.shape_cast %swap3A_639 : vector<1x16xf32> to vector<16xf32>
            %swap3A_641 = vector.shape_cast %max3A_636 : vector<16xf32> to vector<1x16xf32>
            tpu.vector_store %arg15[%swap3A_637, %swap3A_638], %swap3A_641 {strides = array<i32>} : memref<16x128xf32, #tpu.memory_space<vmem>>, vector<1x16xf32>,
            %get3A_642 = arith.index_cast %scan3A_377 : i32 to index
            %get3A_643 = arith.constant 112 : index
            %get3A_644 = tpu.vector_load %arg13[%get3A_642, %get3A_643] {strides = array<i32>} : memref<16x512xf32, #tpu.memory_space<vmem>>, vector<1x16xf32>,
            %get3A_645 = vector.shape_cast %get3A_644 : vector<1x16xf32> to vector<16xf32>
            %mul3A_646 = vector.broadcast %squeeze3A : f32 to vector<16xf32>
            %mul3A_647 = arith.mulf %mul3A_646, %get3A_645 : vector<16xf32>
            %add3A_648 = arith.addf %get3A_184, %mul3A_647 : vector<16xf32>
            %get3A_649 = arith.index_cast %scan3A_377 : i32 to index
            %get3A_650 = arith.constant 240 : index
            %get3A_651 = tpu.vector_load %arg13[%get3A_649, %get3A_650] {strides = array<i32>} : memref<16x512xf32, #tpu.memory_space<vmem>>, vector<1x16xf32>,
            %get3A_652 = vector.shape_cast %get3A_651 : vector<1x16xf32> to vector<16xf32>
            %mul3A_653 = vector.broadcast %squeeze3A_386 : f32 to vector<16xf32>
            %mul3A_654 = arith.mulf %mul3A_653, %get3A_652 : vector<16xf32>
            %add3A_655 = arith.addf %add3A_648, %mul3A_654 : vector<16xf32>
            %get3A_656 = arith.index_cast %scan3A_377 : i32 to index
            %get3A_657 = arith.constant 368 : index
            %get3A_658 = tpu.vector_load %arg13[%get3A_656, %get3A_657] {strides = array<i32>} : memref<16x512xf32, #tpu.memory_space<vmem>>, vector<1x16xf32>,
            %get3A_659 = vector.shape_cast %get3A_658 : vector<1x16xf32> to vector<16xf32>
            %mul3A_660 = vector.broadcast %squeeze3A_388 : f32 to vector<16xf32>
            %mul3A_661 = arith.mulf %mul3A_660, %get3A_659 : vector<16xf32>
            %add3A_662 = arith.addf %add3A_655, %mul3A_661 : vector<16xf32>
            %get3A_663 = arith.index_cast %scan3A_377 : i32 to index
            %get3A_664 = arith.constant 496 : index
            %get3A_665 = tpu.vector_load %arg13[%get3A_663, %get3A_664] {strides = array<i32>} : memref<16x512xf32, #tpu.memory_space<vmem>>, vector<1x16xf32>,
            %get3A_666 = vector.shape_cast %get3A_665 : vector<1x16xf32> to vector<16xf32>
            %mul3A_667 = vector.broadcast %squeeze3A_390 : f32 to vector<16xf32>
            %mul3A_668 = arith.mulf %mul3A_667, %get3A_666 : vector<16xf32>
            %add3A_669 = arith.addf %add3A_662, %mul3A_668 : vector<16xf32>
            %max3A_670 = arith.constant 0.000000e+00 : f32
            %max3A_671 = vector.broadcast %max3A_670 : f32 to vector<16xf32>
            %max3A_672 = arith.maximumf %add3A_669, %max3A_671 : vector<16xf32>
            %swap3A_673 = arith.index_cast %scan3A_377 : i32 to index
            %swap3A_674 = arith.constant 112 : index
            %swap3A_675 = tpu.vector_load %arg15[%swap3A_673, %swap3A_674] {strides = array<i32>} : memref<16x128xf32, #tpu.memory_space<vmem>>, vector<1x16xf32>,
            %swap3A_676 = vector.shape_cast %swap3A_675 : vector<1x16xf32> to vector<16xf32>
            %swap3A_677 = vector.shape_cast %max3A_672 : vector<16xf32> to vector<1x16xf32>
            tpu.vector_store %arg15[%swap3A_673, %swap3A_674], %swap3A_677 {strides = array<i32>} : memref<16x128xf32, #tpu.memory_space<vmem>>, vector<1x16xf32>,
            %scan3A_678 = arith.constant 0 : i32
            scf.yield %scan3A_678 : i32
          }
          %scan3A_376 = arith.constant 16 : i32
          "tpu.region"() ({
            %run_scoped3A = tpu.sem_alloc : memref<!tpu.dma_semaphore, #tpu.memory_space<semaphore_mem>>
            %dma_start3A_377 = arith.constant 0 : i32
            %dma_start3A_378 = tpu.memref_slice %arg11[%scan3A_346, %dma_start3A_377] : memref<25x16xi32, #tpu.memory_space<vmem>> -> memref<1x16xi32, #tpu.memory_space<vmem>>
            %dma_start3A_379 = tpu.memref_squeeze %dma_start3A_378 : memref<1x16xi32, #tpu.memory_space<vmem>> -> memref<16xi32, #tpu.memory_space<vmem>>
            %dma_start3A_380 = arith.constant 0 : i32
            %dma_start3A_381 = arith.constant 0 : i32
            %dma_start3A_382 = tpu.memref_slice %arg22[%dma_start3A_380, %dma_start3A_381] : memref<10240x128xf32, #tpu.memory_space<vmem_shared>> -> memref<10240x128xf32, #tpu.memory_space<vmem_shared>>
            tpu.enqueue_indirect_dma source(%arg15 : memref<16x128xf32, #tpu.memory_space<vmem>>) target(%dma_start3A_382 : memref<10240x128xf32, #tpu.memory_space<vmem_shared>>) offsets(%dma_start3A_379 : memref<16xi32, #tpu.memory_space<vmem>>) semaphore(%run_scoped3A : memref<!tpu.dma_semaphore, #tpu.memory_space<semaphore_mem>>) {add = true}
            %dma_wait3A_383 = arith.constant 0 : i32
            %dma_wait3A_384 = tpu.memref_slice %arg11[%scan3A_346, %dma_wait3A_383] : memref<25x16xi32, #tpu.memory_space<vmem>> -> memref<1x16xi32, #tpu.memory_space<vmem>>
            %dma_wait3A_385 = tpu.memref_squeeze %dma_wait3A_384 : memref<1x16xi32, #tpu.memory_space<vmem>> -> memref<16xi32, #tpu.memory_space<vmem>>
            %dma_wait3A_386 = arith.constant 0 : i32
            %dma_wait3A_387 = arith.constant 0 : i32
            %dma_wait3A_388 = tpu.memref_slice %arg22[%dma_wait3A_386, %dma_wait3A_387] : memref<10240x128xf32, #tpu.memory_space<vmem_shared>> -> memref<10240x128xf32, #tpu.memory_space<vmem_shared>>
            tpu.wait_indirect_dma semaphore(%run_scoped3A : memref<!tpu.dma_semaphore, #tpu.memory_space<semaphore_mem>>) src(%arg15 : memref<16x128xf32, #tpu.memory_space<vmem>>) dst(%dma_wait3A_388 : memref<10240x128xf32, #tpu.memory_space<vmem_shared>>)
            tpu.yield
          }) : () -> ()
        } else {
        }
        %eq3A_351 = arith.constant 1 : i32
        %eq3A_352 = arith.cmpi eq, %and3A_348, %eq3A_351 : i32
        %convert_element_type3A_353 = arith.extui %eq3A_352 : i1 to i32
        %cond3A_354 = arith.constant 0 : i32
        %cond3A_355 = arith.cmpi ne, %convert_element_type3A_353, %cond3A_354 : i32
        scf.if %cond3A_355 {
          %add3A_357 = arith.constant 1 : i32
          %add3A_358 = arith.addi %scan3A_346, %add3A_357 : i32
          %lt3A = arith.constant 25 : i32
          %lt3A_359 = arith.cmpi slt, %add3A_358, %lt3A : i32
          %convert_element_type3A_360 = arith.extui %lt3A_359 : i1 to i32
          %cond3A_361 = arith.constant 0 : i32
          %cond3A_362 = arith.cmpi ne, %convert_element_type3A_360, %cond3A_361 : i32
          scf.if %cond3A_362 {
            %add3A_377 = arith.constant 1 : i32
            %add3A_378 = arith.addi %scan3A_346, %add3A_377 : i32
            %dma_start3A_379 = arith.constant 0 : i32
            %dma_start3A_380 = tpu.memref_slice %arg10[%add3A_378, %dma_start3A_379] : memref<25x16xi32, #tpu.memory_space<vmem>> -> memref<1x16xi32, #tpu.memory_space<vmem>>
            %dma_start3A_381 = tpu.memref_squeeze %dma_start3A_380 : memref<1x16xi32, #tpu.memory_space<vmem>> -> memref<16xi32, #tpu.memory_space<vmem>>
            %dma_start3A_382 = arith.constant 0 : i32
            %dma_start3A_383 = arith.constant 0 : i32
            %dma_start3A_384 = tpu.memref_slice %arg2[%dma_start3A_382, %dma_start3A_383] : memref<20480x512xf32, #tpu.memory_space<hbm>> -> memref<20480x512xf32, #tpu.memory_space<hbm>>
            tpu.enqueue_indirect_dma source(%dma_start3A_384 : memref<20480x512xf32, #tpu.memory_space<hbm>>) target(%arg13 : memref<16x512xf32, #tpu.memory_space<vmem>>) offsets(%dma_start3A_381 : memref<16xi32, #tpu.memory_space<vmem>>) semaphore(%arg20 : memref<!tpu.dma_semaphore, #tpu.memory_space<semaphore_mem>>)
          } else {
          }
          %dma_wait3A = arith.constant 0 : i32
          %dma_wait3A_363 = tpu.memref_slice %arg10[%scan3A_346, %dma_wait3A] : memref<25x16xi32, #tpu.memory_space<vmem>> -> memref<1x16xi32, #tpu.memory_space<vmem>>
          %dma_wait3A_364 = tpu.memref_squeeze %dma_wait3A_363 : memref<1x16xi32, #tpu.memory_space<vmem>> -> memref<16xi32, #tpu.memory_space<vmem>>
          %dma_wait3A_365 = arith.constant 0 : i32
          %dma_wait3A_366 = arith.constant 0 : i32
          %dma_wait3A_367 = tpu.memref_slice %arg2[%dma_wait3A_365, %dma_wait3A_366] : memref<20480x512xf32, #tpu.memory_space<hbm>> -> memref<20480x512xf32, #tpu.memory_space<hbm>>
          tpu.wait_indirect_dma semaphore(%arg21 : memref<!tpu.dma_semaphore, #tpu.memory_space<semaphore_mem>>) src(%dma_wait3A_367 : memref<20480x512xf32, #tpu.memory_space<hbm>>) dst(%arg14 : memref<16x512xf32, #tpu.memory_space<vmem>>)
          %mul3A_368 = arith.constant 256 : i32
          %mul3A_369 = arith.muli %scan3A_346, %mul3A_368 : i32
          %scan3A_370 = arith.constant 0 : i32
          %scan3A_371 = arith.constant 0 : i32
          %scan3A_372 = arith.constant 16 : i32
          %scan3A_373 = arith.addi %scan3A_371, %scan3A_372 : i32
          %scan3A_374 = arith.constant 1 : i32
          %scan3A_375 = scf.for %scan3A_377 = %scan3A_371 to %scan3A_373 step %scan3A_374 iter_args(%scan3A_378 = %scan3A_370) -> (i32)  : i32 {
            %mul3A_379 = arith.constant 16 : i32
            %mul3A_380 = arith.muli %scan3A_377, %mul3A_379 : i32
            %add3A_381 = arith.addi %mul3A_369, %mul3A_380 : i32
            %get3A_382 = arith.index_cast %add3A_381 : i32 to index
            %get3A_383 = tpu.vector_load %arg12[%get3A_382] {strides = array<i32>} : memref<6400xf32, #tpu.memory_space<vmem>>, vector<16xf32>,
            %get3A_384 = vector.shape_cast %get3A_383 : vector<16xf32> to vector<16xf32>
            %slice3A = vector.extract_strided_slice %get3A_384 {offsets = [0], sizes = [1], strides = [1]} : vector<16xf32> to vector<1xf32>
            %squeeze3A = vector.extract %slice3A[0] : f32 from vector<1xf32>
            %slice3A_385 = vector.extract_strided_slice %get3A_384 {offsets = [1], sizes = [1], strides = [1]} : vector<16xf32> to vector<1xf32>
            %squeeze3A_386 = vector.extract %slice3A_385[0] : f32 from vector<1xf32>
            %slice3A_387 = vector.extract_strided_slice %get3A_384 {offsets = [2], sizes = [1], strides = [1]} : vector<16xf32> to vector<1xf32>
            %squeeze3A_388 = vector.extract %slice3A_387[0] : f32 from vector<1xf32>
            %slice3A_389 = vector.extract_strided_slice %get3A_384 {offsets = [3], sizes = [1], strides = [1]} : vector<16xf32> to vector<1xf32>
            %squeeze3A_390 = vector.extract %slice3A_389[0] : f32 from vector<1xf32>
            %get3A_391 = arith.index_cast %scan3A_377 : i32 to index
            %get3A_392 = arith.constant 0 : index
            %get3A_393 = tpu.vector_load %arg14[%get3A_391, %get3A_392] {strides = array<i32>} : memref<16x512xf32, #tpu.memory_space<vmem>>, vector<1x16xf32>,
            %get3A_394 = vector.shape_cast %get3A_393 : vector<1x16xf32> to vector<16xf32>
            %mul3A_395 = vector.broadcast %squeeze3A : f32 to vector<16xf32>
            %mul3A_396 = arith.mulf %mul3A_395, %get3A_394 : vector<16xf32>
            %add3A_397 = arith.addf %get3A_163, %mul3A_396 : vector<16xf32>
            %get3A_398 = arith.index_cast %scan3A_377 : i32 to index
            %get3A_399 = arith.constant 128 : index
            %get3A_400 = tpu.vector_load %arg14[%get3A_398, %get3A_399] {strides = array<i32>} : memref<16x512xf32, #tpu.memory_space<vmem>>, vector<1x16xf32>,
            %get3A_401 = vector.shape_cast %get3A_400 : vector<1x16xf32> to vector<16xf32>
            %mul3A_402 = vector.broadcast %squeeze3A_386 : f32 to vector<16xf32>
            %mul3A_403 = arith.mulf %mul3A_402, %get3A_401 : vector<16xf32>
            %add3A_404 = arith.addf %add3A_397, %mul3A_403 : vector<16xf32>
            %get3A_405 = arith.index_cast %scan3A_377 : i32 to index
            %get3A_406 = arith.constant 256 : index
            %get3A_407 = tpu.vector_load %arg14[%get3A_405, %get3A_406] {strides = array<i32>} : memref<16x512xf32, #tpu.memory_space<vmem>>, vector<1x16xf32>,
            %get3A_408 = vector.shape_cast %get3A_407 : vector<1x16xf32> to vector<16xf32>
            %mul3A_409 = vector.broadcast %squeeze3A_388 : f32 to vector<16xf32>
            %mul3A_410 = arith.mulf %mul3A_409, %get3A_408 : vector<16xf32>
            %add3A_411 = arith.addf %add3A_404, %mul3A_410 : vector<16xf32>
            %get3A_412 = arith.index_cast %scan3A_377 : i32 to index
            %get3A_413 = arith.constant 384 : index
            %get3A_414 = tpu.vector_load %arg14[%get3A_412, %get3A_413] {strides = array<i32>} : memref<16x512xf32, #tpu.memory_space<vmem>>, vector<1x16xf32>,
            %get3A_415 = vector.shape_cast %get3A_414 : vector<1x16xf32> to vector<16xf32>
            %mul3A_416 = vector.broadcast %squeeze3A_390 : f32 to vector<16xf32>
            %mul3A_417 = arith.mulf %mul3A_416, %get3A_415 : vector<16xf32>
            %add3A_418 = arith.addf %add3A_411, %mul3A_417 : vector<16xf32>
            %max3A = arith.constant 0.000000e+00 : f32
            %max3A_419 = vector.broadcast %max3A : f32 to vector<16xf32>
            %max3A_420 = arith.maximumf %add3A_418, %max3A_419 : vector<16xf32>
            %swap3A_421 = arith.index_cast %scan3A_377 : i32 to index
            %swap3A_422 = arith.constant 0 : index
            %swap3A_423 = tpu.vector_load %arg15[%swap3A_421, %swap3A_422] {strides = array<i32>} : memref<16x128xf32, #tpu.memory_space<vmem>>, vector<1x16xf32>,
            %swap3A_424 = vector.shape_cast %swap3A_423 : vector<1x16xf32> to vector<16xf32>
            %swap3A_425 = vector.shape_cast %max3A_420 : vector<16xf32> to vector<1x16xf32>
            tpu.vector_store %arg15[%swap3A_421, %swap3A_422], %swap3A_425 {strides = array<i32>} : memref<16x128xf32, #tpu.memory_space<vmem>>, vector<1x16xf32>,
            %get3A_426 = arith.index_cast %scan3A_377 : i32 to index
            %get3A_427 = arith.constant 16 : index
            %get3A_428 = tpu.vector_load %arg14[%get3A_426, %get3A_427] {strides = array<i32>} : memref<16x512xf32, #tpu.memory_space<vmem>>, vector<1x16xf32>,
            %get3A_429 = vector.shape_cast %get3A_428 : vector<1x16xf32> to vector<16xf32>
            %mul3A_430 = vector.broadcast %squeeze3A : f32 to vector<16xf32>
            %mul3A_431 = arith.mulf %mul3A_430, %get3A_429 : vector<16xf32>
            %add3A_432 = arith.addf %get3A_166, %mul3A_431 : vector<16xf32>
            %get3A_433 = arith.index_cast %scan3A_377 : i32 to index
            %get3A_434 = arith.constant 144 : index
            %get3A_435 = tpu.vector_load %arg14[%get3A_433, %get3A_434] {strides = array<i32>} : memref<16x512xf32, #tpu.memory_space<vmem>>, vector<1x16xf32>,
            %get3A_436 = vector.shape_cast %get3A_435 : vector<1x16xf32> to vector<16xf32>
            %mul3A_437 = vector.broadcast %squeeze3A_386 : f32 to vector<16xf32>
            %mul3A_438 = arith.mulf %mul3A_437, %get3A_436 : vector<16xf32>
            %add3A_439 = arith.addf %add3A_432, %mul3A_438 : vector<16xf32>
            %get3A_440 = arith.index_cast %scan3A_377 : i32 to index
            %get3A_441 = arith.constant 272 : index
            %get3A_442 = tpu.vector_load %arg14[%get3A_440, %get3A_441] {strides = array<i32>} : memref<16x512xf32, #tpu.memory_space<vmem>>, vector<1x16xf32>,
            %get3A_443 = vector.shape_cast %get3A_442 : vector<1x16xf32> to vector<16xf32>
            %mul3A_444 = vector.broadcast %squeeze3A_388 : f32 to vector<16xf32>
            %mul3A_445 = arith.mulf %mul3A_444, %get3A_443 : vector<16xf32>
            %add3A_446 = arith.addf %add3A_439, %mul3A_445 : vector<16xf32>
            %get3A_447 = arith.index_cast %scan3A_377 : i32 to index
            %get3A_448 = arith.constant 400 : index
            %get3A_449 = tpu.vector_load %arg14[%get3A_447, %get3A_448] {strides = array<i32>} : memref<16x512xf32, #tpu.memory_space<vmem>>, vector<1x16xf32>,
            %get3A_450 = vector.shape_cast %get3A_449 : vector<1x16xf32> to vector<16xf32>
            %mul3A_451 = vector.broadcast %squeeze3A_390 : f32 to vector<16xf32>
            %mul3A_452 = arith.mulf %mul3A_451, %get3A_450 : vector<16xf32>
            %add3A_453 = arith.addf %add3A_446, %mul3A_452 : vector<16xf32>
            %max3A_454 = arith.constant 0.000000e+00 : f32
            %max3A_455 = vector.broadcast %max3A_454 : f32 to vector<16xf32>
            %max3A_456 = arith.maximumf %add3A_453, %max3A_455 : vector<16xf32>
            %swap3A_457 = arith.index_cast %scan3A_377 : i32 to index
            %swap3A_458 = arith.constant 16 : index
            %swap3A_459 = tpu.vector_load %arg15[%swap3A_457, %swap3A_458] {strides = array<i32>} : memref<16x128xf32, #tpu.memory_space<vmem>>, vector<1x16xf32>,
            %swap3A_460 = vector.shape_cast %swap3A_459 : vector<1x16xf32> to vector<16xf32>
            %swap3A_461 = vector.shape_cast %max3A_456 : vector<16xf32> to vector<1x16xf32>
            tpu.vector_store %arg15[%swap3A_457, %swap3A_458], %swap3A_461 {strides = array<i32>} : memref<16x128xf32, #tpu.memory_space<vmem>>, vector<1x16xf32>,
            %get3A_462 = arith.index_cast %scan3A_377 : i32 to index
            %get3A_463 = arith.constant 32 : index
            %get3A_464 = tpu.vector_load %arg14[%get3A_462, %get3A_463] {strides = array<i32>} : memref<16x512xf32, #tpu.memory_space<vmem>>, vector<1x16xf32>,
            %get3A_465 = vector.shape_cast %get3A_464 : vector<1x16xf32> to vector<16xf32>
            %mul3A_466 = vector.broadcast %squeeze3A : f32 to vector<16xf32>
            %mul3A_467 = arith.mulf %mul3A_466, %get3A_465 : vector<16xf32>
            %add3A_468 = arith.addf %get3A_169, %mul3A_467 : vector<16xf32>
            %get3A_469 = arith.index_cast %scan3A_377 : i32 to index
            %get3A_470 = arith.constant 160 : index
            %get3A_471 = tpu.vector_load %arg14[%get3A_469, %get3A_470] {strides = array<i32>} : memref<16x512xf32, #tpu.memory_space<vmem>>, vector<1x16xf32>,
            %get3A_472 = vector.shape_cast %get3A_471 : vector<1x16xf32> to vector<16xf32>
            %mul3A_473 = vector.broadcast %squeeze3A_386 : f32 to vector<16xf32>
            %mul3A_474 = arith.mulf %mul3A_473, %get3A_472 : vector<16xf32>
            %add3A_475 = arith.addf %add3A_468, %mul3A_474 : vector<16xf32>
            %get3A_476 = arith.index_cast %scan3A_377 : i32 to index
            %get3A_477 = arith.constant 288 : index
            %get3A_478 = tpu.vector_load %arg14[%get3A_476, %get3A_477] {strides = array<i32>} : memref<16x512xf32, #tpu.memory_space<vmem>>, vector<1x16xf32>,
            %get3A_479 = vector.shape_cast %get3A_478 : vector<1x16xf32> to vector<16xf32>
            %mul3A_480 = vector.broadcast %squeeze3A_388 : f32 to vector<16xf32>
            %mul3A_481 = arith.mulf %mul3A_480, %get3A_479 : vector<16xf32>
            %add3A_482 = arith.addf %add3A_475, %mul3A_481 : vector<16xf32>
            %get3A_483 = arith.index_cast %scan3A_377 : i32 to index
            %get3A_484 = arith.constant 416 : index
            %get3A_485 = tpu.vector_load %arg14[%get3A_483, %get3A_484] {strides = array<i32>} : memref<16x512xf32, #tpu.memory_space<vmem>>, vector<1x16xf32>,
            %get3A_486 = vector.shape_cast %get3A_485 : vector<1x16xf32> to vector<16xf32>
            %mul3A_487 = vector.broadcast %squeeze3A_390 : f32 to vector<16xf32>
            %mul3A_488 = arith.mulf %mul3A_487, %get3A_486 : vector<16xf32>
            %add3A_489 = arith.addf %add3A_482, %mul3A_488 : vector<16xf32>
            %max3A_490 = arith.constant 0.000000e+00 : f32
            %max3A_491 = vector.broadcast %max3A_490 : f32 to vector<16xf32>
            %max3A_492 = arith.maximumf %add3A_489, %max3A_491 : vector<16xf32>
            %swap3A_493 = arith.index_cast %scan3A_377 : i32 to index
            %swap3A_494 = arith.constant 32 : index
            %swap3A_495 = tpu.vector_load %arg15[%swap3A_493, %swap3A_494] {strides = array<i32>} : memref<16x128xf32, #tpu.memory_space<vmem>>, vector<1x16xf32>,
            %swap3A_496 = vector.shape_cast %swap3A_495 : vector<1x16xf32> to vector<16xf32>
            %swap3A_497 = vector.shape_cast %max3A_492 : vector<16xf32> to vector<1x16xf32>
            tpu.vector_store %arg15[%swap3A_493, %swap3A_494], %swap3A_497 {strides = array<i32>} : memref<16x128xf32, #tpu.memory_space<vmem>>, vector<1x16xf32>,
            %get3A_498 = arith.index_cast %scan3A_377 : i32 to index
            %get3A_499 = arith.constant 48 : index
            %get3A_500 = tpu.vector_load %arg14[%get3A_498, %get3A_499] {strides = array<i32>} : memref<16x512xf32, #tpu.memory_space<vmem>>, vector<1x16xf32>,
            %get3A_501 = vector.shape_cast %get3A_500 : vector<1x16xf32> to vector<16xf32>
            %mul3A_502 = vector.broadcast %squeeze3A : f32 to vector<16xf32>
            %mul3A_503 = arith.mulf %mul3A_502, %get3A_501 : vector<16xf32>
            %add3A_504 = arith.addf %get3A_172, %mul3A_503 : vector<16xf32>
            %get3A_505 = arith.index_cast %scan3A_377 : i32 to index
            %get3A_506 = arith.constant 176 : index
            %get3A_507 = tpu.vector_load %arg14[%get3A_505, %get3A_506] {strides = array<i32>} : memref<16x512xf32, #tpu.memory_space<vmem>>, vector<1x16xf32>,
            %get3A_508 = vector.shape_cast %get3A_507 : vector<1x16xf32> to vector<16xf32>
            %mul3A_509 = vector.broadcast %squeeze3A_386 : f32 to vector<16xf32>
            %mul3A_510 = arith.mulf %mul3A_509, %get3A_508 : vector<16xf32>
            %add3A_511 = arith.addf %add3A_504, %mul3A_510 : vector<16xf32>
            %get3A_512 = arith.index_cast %scan3A_377 : i32 to index
            %get3A_513 = arith.constant 304 : index
            %get3A_514 = tpu.vector_load %arg14[%get3A_512, %get3A_513] {strides = array<i32>} : memref<16x512xf32, #tpu.memory_space<vmem>>, vector<1x16xf32>,
            %get3A_515 = vector.shape_cast %get3A_514 : vector<1x16xf32> to vector<16xf32>
            %mul3A_516 = vector.broadcast %squeeze3A_388 : f32 to vector<16xf32>
            %mul3A_517 = arith.mulf %mul3A_516, %get3A_515 : vector<16xf32>
            %add3A_518 = arith.addf %add3A_511, %mul3A_517 : vector<16xf32>
            %get3A_519 = arith.index_cast %scan3A_377 : i32 to index
            %get3A_520 = arith.constant 432 : index
            %get3A_521 = tpu.vector_load %arg14[%get3A_519, %get3A_520] {strides = array<i32>} : memref<16x512xf32, #tpu.memory_space<vmem>>, vector<1x16xf32>,
            %get3A_522 = vector.shape_cast %get3A_521 : vector<1x16xf32> to vector<16xf32>
            %mul3A_523 = vector.broadcast %squeeze3A_390 : f32 to vector<16xf32>
            %mul3A_524 = arith.mulf %mul3A_523, %get3A_522 : vector<16xf32>
            %add3A_525 = arith.addf %add3A_518, %mul3A_524 : vector<16xf32>
            %max3A_526 = arith.constant 0.000000e+00 : f32
            %max3A_527 = vector.broadcast %max3A_526 : f32 to vector<16xf32>
            %max3A_528 = arith.maximumf %add3A_525, %max3A_527 : vector<16xf32>
            %swap3A_529 = arith.index_cast %scan3A_377 : i32 to index
            %swap3A_530 = arith.constant 48 : index
            %swap3A_531 = tpu.vector_load %arg15[%swap3A_529, %swap3A_530] {strides = array<i32>} : memref<16x128xf32, #tpu.memory_space<vmem>>, vector<1x16xf32>,
            %swap3A_532 = vector.shape_cast %swap3A_531 : vector<1x16xf32> to vector<16xf32>
            %swap3A_533 = vector.shape_cast %max3A_528 : vector<16xf32> to vector<1x16xf32>
            tpu.vector_store %arg15[%swap3A_529, %swap3A_530], %swap3A_533 {strides = array<i32>} : memref<16x128xf32, #tpu.memory_space<vmem>>, vector<1x16xf32>,
            %get3A_534 = arith.index_cast %scan3A_377 : i32 to index
            %get3A_535 = arith.constant 64 : index
            %get3A_536 = tpu.vector_load %arg14[%get3A_534, %get3A_535] {strides = array<i32>} : memref<16x512xf32, #tpu.memory_space<vmem>>, vector<1x16xf32>,
            %get3A_537 = vector.shape_cast %get3A_536 : vector<1x16xf32> to vector<16xf32>
            %mul3A_538 = vector.broadcast %squeeze3A : f32 to vector<16xf32>
            %mul3A_539 = arith.mulf %mul3A_538, %get3A_537 : vector<16xf32>
            %add3A_540 = arith.addf %get3A_175, %mul3A_539 : vector<16xf32>
            %get3A_541 = arith.index_cast %scan3A_377 : i32 to index
            %get3A_542 = arith.constant 192 : index
            %get3A_543 = tpu.vector_load %arg14[%get3A_541, %get3A_542] {strides = array<i32>} : memref<16x512xf32, #tpu.memory_space<vmem>>, vector<1x16xf32>,
            %get3A_544 = vector.shape_cast %get3A_543 : vector<1x16xf32> to vector<16xf32>
            %mul3A_545 = vector.broadcast %squeeze3A_386 : f32 to vector<16xf32>
            %mul3A_546 = arith.mulf %mul3A_545, %get3A_544 : vector<16xf32>
            %add3A_547 = arith.addf %add3A_540, %mul3A_546 : vector<16xf32>
            %get3A_548 = arith.index_cast %scan3A_377 : i32 to index
            %get3A_549 = arith.constant 320 : index
            %get3A_550 = tpu.vector_load %arg14[%get3A_548, %get3A_549] {strides = array<i32>} : memref<16x512xf32, #tpu.memory_space<vmem>>, vector<1x16xf32>,
            %get3A_551 = vector.shape_cast %get3A_550 : vector<1x16xf32> to vector<16xf32>
            %mul3A_552 = vector.broadcast %squeeze3A_388 : f32 to vector<16xf32>
            %mul3A_553 = arith.mulf %mul3A_552, %get3A_551 : vector<16xf32>
            %add3A_554 = arith.addf %add3A_547, %mul3A_553 : vector<16xf32>
            %get3A_555 = arith.index_cast %scan3A_377 : i32 to index
            %get3A_556 = arith.constant 448 : index
            %get3A_557 = tpu.vector_load %arg14[%get3A_555, %get3A_556] {strides = array<i32>} : memref<16x512xf32, #tpu.memory_space<vmem>>, vector<1x16xf32>,
            %get3A_558 = vector.shape_cast %get3A_557 : vector<1x16xf32> to vector<16xf32>
            %mul3A_559 = vector.broadcast %squeeze3A_390 : f32 to vector<16xf32>
            %mul3A_560 = arith.mulf %mul3A_559, %get3A_558 : vector<16xf32>
            %add3A_561 = arith.addf %add3A_554, %mul3A_560 : vector<16xf32>
            %max3A_562 = arith.constant 0.000000e+00 : f32
            %max3A_563 = vector.broadcast %max3A_562 : f32 to vector<16xf32>
            %max3A_564 = arith.maximumf %add3A_561, %max3A_563 : vector<16xf32>
            %swap3A_565 = arith.index_cast %scan3A_377 : i32 to index
            %swap3A_566 = arith.constant 64 : index
            %swap3A_567 = tpu.vector_load %arg15[%swap3A_565, %swap3A_566] {strides = array<i32>} : memref<16x128xf32, #tpu.memory_space<vmem>>, vector<1x16xf32>,
            %swap3A_568 = vector.shape_cast %swap3A_567 : vector<1x16xf32> to vector<16xf32>
            %swap3A_569 = vector.shape_cast %max3A_564 : vector<16xf32> to vector<1x16xf32>
            tpu.vector_store %arg15[%swap3A_565, %swap3A_566], %swap3A_569 {strides = array<i32>} : memref<16x128xf32, #tpu.memory_space<vmem>>, vector<1x16xf32>,
            %get3A_570 = arith.index_cast %scan3A_377 : i32 to index
            %get3A_571 = arith.constant 80 : index
            %get3A_572 = tpu.vector_load %arg14[%get3A_570, %get3A_571] {strides = array<i32>} : memref<16x512xf32, #tpu.memory_space<vmem>>, vector<1x16xf32>,
            %get3A_573 = vector.shape_cast %get3A_572 : vector<1x16xf32> to vector<16xf32>
            %mul3A_574 = vector.broadcast %squeeze3A : f32 to vector<16xf32>
            %mul3A_575 = arith.mulf %mul3A_574, %get3A_573 : vector<16xf32>
            %add3A_576 = arith.addf %get3A_178, %mul3A_575 : vector<16xf32>
            %get3A_577 = arith.index_cast %scan3A_377 : i32 to index
            %get3A_578 = arith.constant 208 : index
            %get3A_579 = tpu.vector_load %arg14[%get3A_577, %get3A_578] {strides = array<i32>} : memref<16x512xf32, #tpu.memory_space<vmem>>, vector<1x16xf32>,
            %get3A_580 = vector.shape_cast %get3A_579 : vector<1x16xf32> to vector<16xf32>
            %mul3A_581 = vector.broadcast %squeeze3A_386 : f32 to vector<16xf32>
            %mul3A_582 = arith.mulf %mul3A_581, %get3A_580 : vector<16xf32>
            %add3A_583 = arith.addf %add3A_576, %mul3A_582 : vector<16xf32>
            %get3A_584 = arith.index_cast %scan3A_377 : i32 to index
            %get3A_585 = arith.constant 336 : index
            %get3A_586 = tpu.vector_load %arg14[%get3A_584, %get3A_585] {strides = array<i32>} : memref<16x512xf32, #tpu.memory_space<vmem>>, vector<1x16xf32>,
            %get3A_587 = vector.shape_cast %get3A_586 : vector<1x16xf32> to vector<16xf32>
            %mul3A_588 = vector.broadcast %squeeze3A_388 : f32 to vector<16xf32>
            %mul3A_589 = arith.mulf %mul3A_588, %get3A_587 : vector<16xf32>
            %add3A_590 = arith.addf %add3A_583, %mul3A_589 : vector<16xf32>
            %get3A_591 = arith.index_cast %scan3A_377 : i32 to index
            %get3A_592 = arith.constant 464 : index
            %get3A_593 = tpu.vector_load %arg14[%get3A_591, %get3A_592] {strides = array<i32>} : memref<16x512xf32, #tpu.memory_space<vmem>>, vector<1x16xf32>,
            %get3A_594 = vector.shape_cast %get3A_593 : vector<1x16xf32> to vector<16xf32>
            %mul3A_595 = vector.broadcast %squeeze3A_390 : f32 to vector<16xf32>
            %mul3A_596 = arith.mulf %mul3A_595, %get3A_594 : vector<16xf32>
            %add3A_597 = arith.addf %add3A_590, %mul3A_596 : vector<16xf32>
            %max3A_598 = arith.constant 0.000000e+00 : f32
            %max3A_599 = vector.broadcast %max3A_598 : f32 to vector<16xf32>
            %max3A_600 = arith.maximumf %add3A_597, %max3A_599 : vector<16xf32>
            %swap3A_601 = arith.index_cast %scan3A_377 : i32 to index
            %swap3A_602 = arith.constant 80 : index
            %swap3A_603 = tpu.vector_load %arg15[%swap3A_601, %swap3A_602] {strides = array<i32>} : memref<16x128xf32, #tpu.memory_space<vmem>>, vector<1x16xf32>,
            %swap3A_604 = vector.shape_cast %swap3A_603 : vector<1x16xf32> to vector<16xf32>
            %swap3A_605 = vector.shape_cast %max3A_600 : vector<16xf32> to vector<1x16xf32>
            tpu.vector_store %arg15[%swap3A_601, %swap3A_602], %swap3A_605 {strides = array<i32>} : memref<16x128xf32, #tpu.memory_space<vmem>>, vector<1x16xf32>,
            %get3A_606 = arith.index_cast %scan3A_377 : i32 to index
            %get3A_607 = arith.constant 96 : index
            %get3A_608 = tpu.vector_load %arg14[%get3A_606, %get3A_607] {strides = array<i32>} : memref<16x512xf32, #tpu.memory_space<vmem>>, vector<1x16xf32>,
            %get3A_609 = vector.shape_cast %get3A_608 : vector<1x16xf32> to vector<16xf32>
            %mul3A_610 = vector.broadcast %squeeze3A : f32 to vector<16xf32>
            %mul3A_611 = arith.mulf %mul3A_610, %get3A_609 : vector<16xf32>
            %add3A_612 = arith.addf %get3A_181, %mul3A_611 : vector<16xf32>
            %get3A_613 = arith.index_cast %scan3A_377 : i32 to index
            %get3A_614 = arith.constant 224 : index
            %get3A_615 = tpu.vector_load %arg14[%get3A_613, %get3A_614] {strides = array<i32>} : memref<16x512xf32, #tpu.memory_space<vmem>>, vector<1x16xf32>,
            %get3A_616 = vector.shape_cast %get3A_615 : vector<1x16xf32> to vector<16xf32>
            %mul3A_617 = vector.broadcast %squeeze3A_386 : f32 to vector<16xf32>
            %mul3A_618 = arith.mulf %mul3A_617, %get3A_616 : vector<16xf32>
            %add3A_619 = arith.addf %add3A_612, %mul3A_618 : vector<16xf32>
            %get3A_620 = arith.index_cast %scan3A_377 : i32 to index
            %get3A_621 = arith.constant 352 : index
            %get3A_622 = tpu.vector_load %arg14[%get3A_620, %get3A_621] {strides = array<i32>} : memref<16x512xf32, #tpu.memory_space<vmem>>, vector<1x16xf32>,
            %get3A_623 = vector.shape_cast %get3A_622 : vector<1x16xf32> to vector<16xf32>
            %mul3A_624 = vector.broadcast %squeeze3A_388 : f32 to vector<16xf32>
            %mul3A_625 = arith.mulf %mul3A_624, %get3A_623 : vector<16xf32>
            %add3A_626 = arith.addf %add3A_619, %mul3A_625 : vector<16xf32>
            %get3A_627 = arith.index_cast %scan3A_377 : i32 to index
            %get3A_628 = arith.constant 480 : index
            %get3A_629 = tpu.vector_load %arg14[%get3A_627, %get3A_628] {strides = array<i32>} : memref<16x512xf32, #tpu.memory_space<vmem>>, vector<1x16xf32>,
            %get3A_630 = vector.shape_cast %get3A_629 : vector<1x16xf32> to vector<16xf32>
            %mul3A_631 = vector.broadcast %squeeze3A_390 : f32 to vector<16xf32>
            %mul3A_632 = arith.mulf %mul3A_631, %get3A_630 : vector<16xf32>
            %add3A_633 = arith.addf %add3A_626, %mul3A_632 : vector<16xf32>
            %max3A_634 = arith.constant 0.000000e+00 : f32
            %max3A_635 = vector.broadcast %max3A_634 : f32 to vector<16xf32>
            %max3A_636 = arith.maximumf %add3A_633, %max3A_635 : vector<16xf32>
            %swap3A_637 = arith.index_cast %scan3A_377 : i32 to index
            %swap3A_638 = arith.constant 96 : index
            %swap3A_639 = tpu.vector_load %arg15[%swap3A_637, %swap3A_638] {strides = array<i32>} : memref<16x128xf32, #tpu.memory_space<vmem>>, vector<1x16xf32>,
            %swap3A_640 = vector.shape_cast %swap3A_639 : vector<1x16xf32> to vector<16xf32>
            %swap3A_641 = vector.shape_cast %max3A_636 : vector<16xf32> to vector<1x16xf32>
            tpu.vector_store %arg15[%swap3A_637, %swap3A_638], %swap3A_641 {strides = array<i32>} : memref<16x128xf32, #tpu.memory_space<vmem>>, vector<1x16xf32>,
            %get3A_642 = arith.index_cast %scan3A_377 : i32 to index
            %get3A_643 = arith.constant 112 : index
            %get3A_644 = tpu.vector_load %arg14[%get3A_642, %get3A_643] {strides = array<i32>} : memref<16x512xf32, #tpu.memory_space<vmem>>, vector<1x16xf32>,
            %get3A_645 = vector.shape_cast %get3A_644 : vector<1x16xf32> to vector<16xf32>
            %mul3A_646 = vector.broadcast %squeeze3A : f32 to vector<16xf32>
            %mul3A_647 = arith.mulf %mul3A_646, %get3A_645 : vector<16xf32>
            %add3A_648 = arith.addf %get3A_184, %mul3A_647 : vector<16xf32>
            %get3A_649 = arith.index_cast %scan3A_377 : i32 to index
            %get3A_650 = arith.constant 240 : index
            %get3A_651 = tpu.vector_load %arg14[%get3A_649, %get3A_650] {strides = array<i32>} : memref<16x512xf32, #tpu.memory_space<vmem>>, vector<1x16xf32>,
            %get3A_652 = vector.shape_cast %get3A_651 : vector<1x16xf32> to vector<16xf32>
            %mul3A_653 = vector.broadcast %squeeze3A_386 : f32 to vector<16xf32>
            %mul3A_654 = arith.mulf %mul3A_653, %get3A_652 : vector<16xf32>
            %add3A_655 = arith.addf %add3A_648, %mul3A_654 : vector<16xf32>
            %get3A_656 = arith.index_cast %scan3A_377 : i32 to index
            %get3A_657 = arith.constant 368 : index
            %get3A_658 = tpu.vector_load %arg14[%get3A_656, %get3A_657] {strides = array<i32>} : memref<16x512xf32, #tpu.memory_space<vmem>>, vector<1x16xf32>,
            %get3A_659 = vector.shape_cast %get3A_658 : vector<1x16xf32> to vector<16xf32>
            %mul3A_660 = vector.broadcast %squeeze3A_388 : f32 to vector<16xf32>
            %mul3A_661 = arith.mulf %mul3A_660, %get3A_659 : vector<16xf32>
            %add3A_662 = arith.addf %add3A_655, %mul3A_661 : vector<16xf32>
            %get3A_663 = arith.index_cast %scan3A_377 : i32 to index
            %get3A_664 = arith.constant 496 : index
            %get3A_665 = tpu.vector_load %arg14[%get3A_663, %get3A_664] {strides = array<i32>} : memref<16x512xf32, #tpu.memory_space<vmem>>, vector<1x16xf32>,
            %get3A_666 = vector.shape_cast %get3A_665 : vector<1x16xf32> to vector<16xf32>
            %mul3A_667 = vector.broadcast %squeeze3A_390 : f32 to vector<16xf32>
            %mul3A_668 = arith.mulf %mul3A_667, %get3A_666 : vector<16xf32>
            %add3A_669 = arith.addf %add3A_662, %mul3A_668 : vector<16xf32>
            %max3A_670 = arith.constant 0.000000e+00 : f32
            %max3A_671 = vector.broadcast %max3A_670 : f32 to vector<16xf32>
            %max3A_672 = arith.maximumf %add3A_669, %max3A_671 : vector<16xf32>
            %swap3A_673 = arith.index_cast %scan3A_377 : i32 to index
            %swap3A_674 = arith.constant 112 : index
            %swap3A_675 = tpu.vector_load %arg15[%swap3A_673, %swap3A_674] {strides = array<i32>} : memref<16x128xf32, #tpu.memory_space<vmem>>, vector<1x16xf32>,
            %swap3A_676 = vector.shape_cast %swap3A_675 : vector<1x16xf32> to vector<16xf32>
            %swap3A_677 = vector.shape_cast %max3A_672 : vector<16xf32> to vector<1x16xf32>
            tpu.vector_store %arg15[%swap3A_673, %swap3A_674], %swap3A_677 {strides = array<i32>} : memref<16x128xf32, #tpu.memory_space<vmem>>, vector<1x16xf32>,
            %scan3A_678 = arith.constant 0 : i32
            scf.yield %scan3A_678 : i32
          }
          %scan3A_376 = arith.constant 16 : i32
          "tpu.region"() ({
            %run_scoped3A = tpu.sem_alloc : memref<!tpu.dma_semaphore, #tpu.memory_space<semaphore_mem>>
            %dma_start3A_377 = arith.constant 0 : i32
            %dma_start3A_378 = tpu.memref_slice %arg11[%scan3A_346, %dma_start3A_377] : memref<25x16xi32, #tpu.memory_space<vmem>> -> memref<1x16xi32, #tpu.memory_space<vmem>>
            %dma_start3A_379 = tpu.memref_squeeze %dma_start3A_378 : memref<1x16xi32, #tpu.memory_space<vmem>> -> memref<16xi32, #tpu.memory_space<vmem>>
            %dma_start3A_380 = arith.constant 0 : i32
            %dma_start3A_381 = arith.constant 0 : i32
            %dma_start3A_382 = tpu.memref_slice %arg22[%dma_start3A_380, %dma_start3A_381] : memref<10240x128xf32, #tpu.memory_space<vmem_shared>> -> memref<10240x128xf32, #tpu.memory_space<vmem_shared>>
            tpu.enqueue_indirect_dma source(%arg15 : memref<16x128xf32, #tpu.memory_space<vmem>>) target(%dma_start3A_382 : memref<10240x128xf32, #tpu.memory_space<vmem_shared>>) offsets(%dma_start3A_379 : memref<16xi32, #tpu.memory_space<vmem>>) semaphore(%run_scoped3A : memref<!tpu.dma_semaphore, #tpu.memory_space<semaphore_mem>>) {add = true}
            %dma_wait3A_383 = arith.constant 0 : i32
            %dma_wait3A_384 = tpu.memref_slice %arg11[%scan3A_346, %dma_wait3A_383] : memref<25x16xi32, #tpu.memory_space<vmem>> -> memref<1x16xi32, #tpu.memory_space<vmem>>
            %dma_wait3A_385 = tpu.memref_squeeze %dma_wait3A_384 : memref<1x16xi32, #tpu.memory_space<vmem>> -> memref<16xi32, #tpu.memory_space<vmem>>
            %dma_wait3A_386 = arith.constant 0 : i32
            %dma_wait3A_387 = arith.constant 0 : i32
            %dma_wait3A_388 = tpu.memref_slice %arg22[%dma_wait3A_386, %dma_wait3A_387] : memref<10240x128xf32, #tpu.memory_space<vmem_shared>> -> memref<10240x128xf32, #tpu.memory_space<vmem_shared>>
            tpu.wait_indirect_dma semaphore(%run_scoped3A : memref<!tpu.dma_semaphore, #tpu.memory_space<semaphore_mem>>) src(%arg15 : memref<16x128xf32, #tpu.memory_space<vmem>>) dst(%dma_wait3A_388 : memref<10240x128xf32, #tpu.memory_space<vmem_shared>>)
            tpu.yield
          }) : () -> ()
        } else {
        }
        %scan3A_356 = arith.constant 0 : i32
        scf.yield %scan3A_356 : i32
      }
      %scan3A_337 = arith.constant 25 : i32
      %scan3A_338 = arith.constant 0 : i32
      %scan3A_339 = arith.constant 0 : i32
      %scan3A_340 = arith.constant 25 : i32
      %scan3A_341 = arith.addi %scan3A_339, %scan3A_340 : i32
      %scan3A_342 = arith.constant 1 : i32
      %scan3A_343 = scf.for %scan3A_346 = %scan3A_339 to %scan3A_341 step %scan3A_342 iter_args(%scan3A_347 = %scan3A_338) -> (i32)  : i32 {
        %get3A_348 = arith.index_cast %scan3A_346 : i32 to index
        %get3A_349 = arith.constant 0 : index
        %get3A_350 = tpu.vector_load %arg11[%get3A_348, %get3A_349] {strides = array<i32>} : memref<25x16xi32, #tpu.memory_space<vmem>>, vector<1x16xi32>,
        %get3A_351 = vector.shape_cast %get3A_350 : vector<1x16xi32> to vector<16xi32>
        %slice3A = vector.extract_strided_slice %get3A_351 {offsets = [0], sizes = [1], strides = [1]} : vector<16xi32> to vector<1xi32>
        %squeeze3A = vector.extract %slice3A[0] : i32 from vector<1xi32>
        %shift_right_arithmetic3A = arith.constant 4 : i32
        %shift_right_arithmetic3A_352 = arith.shrsi %squeeze3A, %shift_right_arithmetic3A : i32
        %shift_left3A = arith.constant 4 : i32
        %shift_left3A_353 = arith.shli %shift_right_arithmetic3A_352, %shift_left3A : i32
        %and3A = arith.constant 15 : i32
        %and3A_354 = arith.andi %squeeze3A, %and3A : i32
        %eq3A = vector.broadcast %and3A_354 : i32 to vector<16xi32>
        %eq3A_355 = arith.cmpi eq, %iota3A, %eq3A : vector<16xi32>
        %jit3A = arith.constant 1.000000e+00 : f32
        %jit3A_356 = arith.constant 0.000000e+00 : f32
        %broadcast_in_dim3A = vector.broadcast %jit3A : f32 to vector<16xf32>
        %broadcast_in_dim3A_357 = vector.broadcast %jit3A_356 : f32 to vector<16xf32>
        %select_n3A = arith.select %eq3A_355, %broadcast_in_dim3A, %broadcast_in_dim3A_357 : vector<16xi1>, vector<16xf32>
        %get3A_358 = arith.index_cast %shift_left3A_353 : i32 to index
        %get3A_359 = tpu.vector_load %arg17[%get3A_358] {strides = array<i32>} : memref<10240xf32, #tpu.memory_space<vmem>>, vector<16xf32>,
        %get3A_360 = vector.shape_cast %get3A_359 : vector<16xf32> to vector<16xf32>
        %add3A_361 = arith.addf %get3A_360, %select_n3A : vector<16xf32>
        %swap3A_362 = arith.index_cast %shift_left3A_353 : i32 to index
        %swap3A_363 = tpu.vector_load %arg17[%swap3A_362] {strides = array<i32>} : memref<10240xf32, #tpu.memory_space<vmem>>, vector<16xf32>,
        %swap3A_364 = vector.shape_cast %swap3A_363 : vector<16xf32> to vector<16xf32>
        %swap3A_365 = vector.shape_cast %add3A_361 : vector<16xf32> to vector<16xf32>
        tpu.vector_store %arg17[%swap3A_362], %swap3A_365 {strides = array<i32>} : memref<10240xf32, #tpu.memory_space<vmem>>, vector<16xf32>,
        %slice3A_366 = vector.extract_strided_slice %get3A_351 {offsets = [1], sizes = [1], strides = [1]} : vector<16xi32> to vector<1xi32>
        %squeeze3A_367 = vector.extract %slice3A_366[0] : i32 from vector<1xi32>
        %shift_right_arithmetic3A_368 = arith.constant 4 : i32
        %shift_right_arithmetic3A_369 = arith.shrsi %squeeze3A_367, %shift_right_arithmetic3A_368 : i32
        %shift_left3A_370 = arith.constant 4 : i32
        %shift_left3A_371 = arith.shli %shift_right_arithmetic3A_369, %shift_left3A_370 : i32
        %and3A_372 = arith.constant 15 : i32
        %and3A_373 = arith.andi %squeeze3A_367, %and3A_372 : i32
        %eq3A_374 = vector.broadcast %and3A_373 : i32 to vector<16xi32>
        %eq3A_375 = arith.cmpi eq, %iota3A, %eq3A_374 : vector<16xi32>
        %jit3A_376 = arith.constant 1.000000e+00 : f32
        %jit3A_377 = arith.constant 0.000000e+00 : f32
        %broadcast_in_dim3A_378 = vector.broadcast %jit3A_376 : f32 to vector<16xf32>
        %broadcast_in_dim3A_379 = vector.broadcast %jit3A_377 : f32 to vector<16xf32>
        %select_n3A_380 = arith.select %eq3A_375, %broadcast_in_dim3A_378, %broadcast_in_dim3A_379 : vector<16xi1>, vector<16xf32>
        %get3A_381 = arith.index_cast %shift_left3A_371 : i32 to index
        %get3A_382 = tpu.vector_load %arg17[%get3A_381] {strides = array<i32>} : memref<10240xf32, #tpu.memory_space<vmem>>, vector<16xf32>,
        %get3A_383 = vector.shape_cast %get3A_382 : vector<16xf32> to vector<16xf32>
        %add3A_384 = arith.addf %get3A_383, %select_n3A_380 : vector<16xf32>
        %swap3A_385 = arith.index_cast %shift_left3A_371 : i32 to index
        %swap3A_386 = tpu.vector_load %arg17[%swap3A_385] {strides = array<i32>} : memref<10240xf32, #tpu.memory_space<vmem>>, vector<16xf32>,
        %swap3A_387 = vector.shape_cast %swap3A_386 : vector<16xf32> to vector<16xf32>
        %swap3A_388 = vector.shape_cast %add3A_384 : vector<16xf32> to vector<16xf32>
        tpu.vector_store %arg17[%swap3A_385], %swap3A_388 {strides = array<i32>} : memref<10240xf32, #tpu.memory_space<vmem>>, vector<16xf32>,
        %slice3A_389 = vector.extract_strided_slice %get3A_351 {offsets = [2], sizes = [1], strides = [1]} : vector<16xi32> to vector<1xi32>
        %squeeze3A_390 = vector.extract %slice3A_389[0] : i32 from vector<1xi32>
        %shift_right_arithmetic3A_391 = arith.constant 4 : i32
        %shift_right_arithmetic3A_392 = arith.shrsi %squeeze3A_390, %shift_right_arithmetic3A_391 : i32
        %shift_left3A_393 = arith.constant 4 : i32
        %shift_left3A_394 = arith.shli %shift_right_arithmetic3A_392, %shift_left3A_393 : i32
        %and3A_395 = arith.constant 15 : i32
        %and3A_396 = arith.andi %squeeze3A_390, %and3A_395 : i32
        %eq3A_397 = vector.broadcast %and3A_396 : i32 to vector<16xi32>
        %eq3A_398 = arith.cmpi eq, %iota3A, %eq3A_397 : vector<16xi32>
        %jit3A_399 = arith.constant 1.000000e+00 : f32
        %jit3A_400 = arith.constant 0.000000e+00 : f32
        %broadcast_in_dim3A_401 = vector.broadcast %jit3A_399 : f32 to vector<16xf32>
        %broadcast_in_dim3A_402 = vector.broadcast %jit3A_400 : f32 to vector<16xf32>
        %select_n3A_403 = arith.select %eq3A_398, %broadcast_in_dim3A_401, %broadcast_in_dim3A_402 : vector<16xi1>, vector<16xf32>
        %get3A_404 = arith.index_cast %shift_left3A_394 : i32 to index
        %get3A_405 = tpu.vector_load %arg17[%get3A_404] {strides = array<i32>} : memref<10240xf32, #tpu.memory_space<vmem>>, vector<16xf32>,
        %get3A_406 = vector.shape_cast %get3A_405 : vector<16xf32> to vector<16xf32>
        %add3A_407 = arith.addf %get3A_406, %select_n3A_403 : vector<16xf32>
        %swap3A_408 = arith.index_cast %shift_left3A_394 : i32 to index
        %swap3A_409 = tpu.vector_load %arg17[%swap3A_408] {strides = array<i32>} : memref<10240xf32, #tpu.memory_space<vmem>>, vector<16xf32>,
        %swap3A_410 = vector.shape_cast %swap3A_409 : vector<16xf32> to vector<16xf32>
        %swap3A_411 = vector.shape_cast %add3A_407 : vector<16xf32> to vector<16xf32>
        tpu.vector_store %arg17[%swap3A_408], %swap3A_411 {strides = array<i32>} : memref<10240xf32, #tpu.memory_space<vmem>>, vector<16xf32>,
        %slice3A_412 = vector.extract_strided_slice %get3A_351 {offsets = [3], sizes = [1], strides = [1]} : vector<16xi32> to vector<1xi32>
        %squeeze3A_413 = vector.extract %slice3A_412[0] : i32 from vector<1xi32>
        %shift_right_arithmetic3A_414 = arith.constant 4 : i32
        %shift_right_arithmetic3A_415 = arith.shrsi %squeeze3A_413, %shift_right_arithmetic3A_414 : i32
        %shift_left3A_416 = arith.constant 4 : i32
        %shift_left3A_417 = arith.shli %shift_right_arithmetic3A_415, %shift_left3A_416 : i32
        %and3A_418 = arith.constant 15 : i32
        %and3A_419 = arith.andi %squeeze3A_413, %and3A_418 : i32
        %eq3A_420 = vector.broadcast %and3A_419 : i32 to vector<16xi32>
        %eq3A_421 = arith.cmpi eq, %iota3A, %eq3A_420 : vector<16xi32>
        %jit3A_422 = arith.constant 1.000000e+00 : f32
        %jit3A_423 = arith.constant 0.000000e+00 : f32
        %broadcast_in_dim3A_424 = vector.broadcast %jit3A_422 : f32 to vector<16xf32>
        %broadcast_in_dim3A_425 = vector.broadcast %jit3A_423 : f32 to vector<16xf32>
        %select_n3A_426 = arith.select %eq3A_421, %broadcast_in_dim3A_424, %broadcast_in_dim3A_425 : vector<16xi1>, vector<16xf32>
        %get3A_427 = arith.index_cast %shift_left3A_417 : i32 to index
        %get3A_428 = tpu.vector_load %arg17[%get3A_427] {strides = array<i32>} : memref<10240xf32, #tpu.memory_space<vmem>>, vector<16xf32>,
        %get3A_429 = vector.shape_cast %get3A_428 : vector<16xf32> to vector<16xf32>
        %add3A_430 = arith.addf %get3A_429, %select_n3A_426 : vector<16xf32>
        %swap3A_431 = arith.index_cast %shift_left3A_417 : i32 to index
        %swap3A_432 = tpu.vector_load %arg17[%swap3A_431] {strides = array<i32>} : memref<10240xf32, #tpu.memory_space<vmem>>, vector<16xf32>,
        %swap3A_433 = vector.shape_cast %swap3A_432 : vector<16xf32> to vector<16xf32>
        %swap3A_434 = vector.shape_cast %add3A_430 : vector<16xf32> to vector<16xf32>
        tpu.vector_store %arg17[%swap3A_431], %swap3A_434 {strides = array<i32>} : memref<10240xf32, #tpu.memory_space<vmem>>, vector<16xf32>,
        %slice3A_435 = vector.extract_strided_slice %get3A_351 {offsets = [4], sizes = [1], strides = [1]} : vector<16xi32> to vector<1xi32>
        %squeeze3A_436 = vector.extract %slice3A_435[0] : i32 from vector<1xi32>
        %shift_right_arithmetic3A_437 = arith.constant 4 : i32
        %shift_right_arithmetic3A_438 = arith.shrsi %squeeze3A_436, %shift_right_arithmetic3A_437 : i32
        %shift_left3A_439 = arith.constant 4 : i32
        %shift_left3A_440 = arith.shli %shift_right_arithmetic3A_438, %shift_left3A_439 : i32
        %and3A_441 = arith.constant 15 : i32
        %and3A_442 = arith.andi %squeeze3A_436, %and3A_441 : i32
        %eq3A_443 = vector.broadcast %and3A_442 : i32 to vector<16xi32>
        %eq3A_444 = arith.cmpi eq, %iota3A, %eq3A_443 : vector<16xi32>
        %jit3A_445 = arith.constant 1.000000e+00 : f32
        %jit3A_446 = arith.constant 0.000000e+00 : f32
        %broadcast_in_dim3A_447 = vector.broadcast %jit3A_445 : f32 to vector<16xf32>
        %broadcast_in_dim3A_448 = vector.broadcast %jit3A_446 : f32 to vector<16xf32>
        %select_n3A_449 = arith.select %eq3A_444, %broadcast_in_dim3A_447, %broadcast_in_dim3A_448 : vector<16xi1>, vector<16xf32>
        %get3A_450 = arith.index_cast %shift_left3A_440 : i32 to index
        %get3A_451 = tpu.vector_load %arg17[%get3A_450] {strides = array<i32>} : memref<10240xf32, #tpu.memory_space<vmem>>, vector<16xf32>,
        %get3A_452 = vector.shape_cast %get3A_451 : vector<16xf32> to vector<16xf32>
        %add3A_453 = arith.addf %get3A_452, %select_n3A_449 : vector<16xf32>
        %swap3A_454 = arith.index_cast %shift_left3A_440 : i32 to index
        %swap3A_455 = tpu.vector_load %arg17[%swap3A_454] {strides = array<i32>} : memref<10240xf32, #tpu.memory_space<vmem>>, vector<16xf32>,
        %swap3A_456 = vector.shape_cast %swap3A_455 : vector<16xf32> to vector<16xf32>
        %swap3A_457 = vector.shape_cast %add3A_453 : vector<16xf32> to vector<16xf32>
        tpu.vector_store %arg17[%swap3A_454], %swap3A_457 {strides = array<i32>} : memref<10240xf32, #tpu.memory_space<vmem>>, vector<16xf32>,
        %slice3A_458 = vector.extract_strided_slice %get3A_351 {offsets = [5], sizes = [1], strides = [1]} : vector<16xi32> to vector<1xi32>
        %squeeze3A_459 = vector.extract %slice3A_458[0] : i32 from vector<1xi32>
        %shift_right_arithmetic3A_460 = arith.constant 4 : i32
        %shift_right_arithmetic3A_461 = arith.shrsi %squeeze3A_459, %shift_right_arithmetic3A_460 : i32
        %shift_left3A_462 = arith.constant 4 : i32
        %shift_left3A_463 = arith.shli %shift_right_arithmetic3A_461, %shift_left3A_462 : i32
        %and3A_464 = arith.constant 15 : i32
        %and3A_465 = arith.andi %squeeze3A_459, %and3A_464 : i32
        %eq3A_466 = vector.broadcast %and3A_465 : i32 to vector<16xi32>
        %eq3A_467 = arith.cmpi eq, %iota3A, %eq3A_466 : vector<16xi32>
        %jit3A_468 = arith.constant 1.000000e+00 : f32
        %jit3A_469 = arith.constant 0.000000e+00 : f32
        %broadcast_in_dim3A_470 = vector.broadcast %jit3A_468 : f32 to vector<16xf32>
        %broadcast_in_dim3A_471 = vector.broadcast %jit3A_469 : f32 to vector<16xf32>
        %select_n3A_472 = arith.select %eq3A_467, %broadcast_in_dim3A_470, %broadcast_in_dim3A_471 : vector<16xi1>, vector<16xf32>
        %get3A_473 = arith.index_cast %shift_left3A_463 : i32 to index
        %get3A_474 = tpu.vector_load %arg17[%get3A_473] {strides = array<i32>} : memref<10240xf32, #tpu.memory_space<vmem>>, vector<16xf32>,
        %get3A_475 = vector.shape_cast %get3A_474 : vector<16xf32> to vector<16xf32>
        %add3A_476 = arith.addf %get3A_475, %select_n3A_472 : vector<16xf32>
        %swap3A_477 = arith.index_cast %shift_left3A_463 : i32 to index
        %swap3A_478 = tpu.vector_load %arg17[%swap3A_477] {strides = array<i32>} : memref<10240xf32, #tpu.memory_space<vmem>>, vector<16xf32>,
        %swap3A_479 = vector.shape_cast %swap3A_478 : vector<16xf32> to vector<16xf32>
        %swap3A_480 = vector.shape_cast %add3A_476 : vector<16xf32> to vector<16xf32>
        tpu.vector_store %arg17[%swap3A_477], %swap3A_480 {strides = array<i32>} : memref<10240xf32, #tpu.memory_space<vmem>>, vector<16xf32>,
        %slice3A_481 = vector.extract_strided_slice %get3A_351 {offsets = [6], sizes = [1], strides = [1]} : vector<16xi32> to vector<1xi32>
        %squeeze3A_482 = vector.extract %slice3A_481[0] : i32 from vector<1xi32>
        %shift_right_arithmetic3A_483 = arith.constant 4 : i32
        %shift_right_arithmetic3A_484 = arith.shrsi %squeeze3A_482, %shift_right_arithmetic3A_483 : i32
        %shift_left3A_485 = arith.constant 4 : i32
        %shift_left3A_486 = arith.shli %shift_right_arithmetic3A_484, %shift_left3A_485 : i32
        %and3A_487 = arith.constant 15 : i32
        %and3A_488 = arith.andi %squeeze3A_482, %and3A_487 : i32
        %eq3A_489 = vector.broadcast %and3A_488 : i32 to vector<16xi32>
        %eq3A_490 = arith.cmpi eq, %iota3A, %eq3A_489 : vector<16xi32>
        %jit3A_491 = arith.constant 1.000000e+00 : f32
        %jit3A_492 = arith.constant 0.000000e+00 : f32
        %broadcast_in_dim3A_493 = vector.broadcast %jit3A_491 : f32 to vector<16xf32>
        %broadcast_in_dim3A_494 = vector.broadcast %jit3A_492 : f32 to vector<16xf32>
        %select_n3A_495 = arith.select %eq3A_490, %broadcast_in_dim3A_493, %broadcast_in_dim3A_494 : vector<16xi1>, vector<16xf32>
        %get3A_496 = arith.index_cast %shift_left3A_486 : i32 to index
        %get3A_497 = tpu.vector_load %arg17[%get3A_496] {strides = array<i32>} : memref<10240xf32, #tpu.memory_space<vmem>>, vector<16xf32>,
        %get3A_498 = vector.shape_cast %get3A_497 : vector<16xf32> to vector<16xf32>
        %add3A_499 = arith.addf %get3A_498, %select_n3A_495 : vector<16xf32>
        %swap3A_500 = arith.index_cast %shift_left3A_486 : i32 to index
        %swap3A_501 = tpu.vector_load %arg17[%swap3A_500] {strides = array<i32>} : memref<10240xf32, #tpu.memory_space<vmem>>, vector<16xf32>,
        %swap3A_502 = vector.shape_cast %swap3A_501 : vector<16xf32> to vector<16xf32>
        %swap3A_503 = vector.shape_cast %add3A_499 : vector<16xf32> to vector<16xf32>
        tpu.vector_store %arg17[%swap3A_500], %swap3A_503 {strides = array<i32>} : memref<10240xf32, #tpu.memory_space<vmem>>, vector<16xf32>,
        %slice3A_504 = vector.extract_strided_slice %get3A_351 {offsets = [7], sizes = [1], strides = [1]} : vector<16xi32> to vector<1xi32>
        %squeeze3A_505 = vector.extract %slice3A_504[0] : i32 from vector<1xi32>
        %shift_right_arithmetic3A_506 = arith.constant 4 : i32
        %shift_right_arithmetic3A_507 = arith.shrsi %squeeze3A_505, %shift_right_arithmetic3A_506 : i32
        %shift_left3A_508 = arith.constant 4 : i32
        %shift_left3A_509 = arith.shli %shift_right_arithmetic3A_507, %shift_left3A_508 : i32
        %and3A_510 = arith.constant 15 : i32
        %and3A_511 = arith.andi %squeeze3A_505, %and3A_510 : i32
        %eq3A_512 = vector.broadcast %and3A_511 : i32 to vector<16xi32>
        %eq3A_513 = arith.cmpi eq, %iota3A, %eq3A_512 : vector<16xi32>
        %jit3A_514 = arith.constant 1.000000e+00 : f32
        %jit3A_515 = arith.constant 0.000000e+00 : f32
        %broadcast_in_dim3A_516 = vector.broadcast %jit3A_514 : f32 to vector<16xf32>
        %broadcast_in_dim3A_517 = vector.broadcast %jit3A_515 : f32 to vector<16xf32>
        %select_n3A_518 = arith.select %eq3A_513, %broadcast_in_dim3A_516, %broadcast_in_dim3A_517 : vector<16xi1>, vector<16xf32>
        %get3A_519 = arith.index_cast %shift_left3A_509 : i32 to index
        %get3A_520 = tpu.vector_load %arg17[%get3A_519] {strides = array<i32>} : memref<10240xf32, #tpu.memory_space<vmem>>, vector<16xf32>,
        %get3A_521 = vector.shape_cast %get3A_520 : vector<16xf32> to vector<16xf32>
        %add3A_522 = arith.addf %get3A_521, %select_n3A_518 : vector<16xf32>
        %swap3A_523 = arith.index_cast %shift_left3A_509 : i32 to index
        %swap3A_524 = tpu.vector_load %arg17[%swap3A_523] {strides = array<i32>} : memref<10240xf32, #tpu.memory_space<vmem>>, vector<16xf32>,
        %swap3A_525 = vector.shape_cast %swap3A_524 : vector<16xf32> to vector<16xf32>
        %swap3A_526 = vector.shape_cast %add3A_522 : vector<16xf32> to vector<16xf32>
        tpu.vector_store %arg17[%swap3A_523], %swap3A_526 {strides = array<i32>} : memref<10240xf32, #tpu.memory_space<vmem>>, vector<16xf32>,
        %slice3A_527 = vector.extract_strided_slice %get3A_351 {offsets = [8], sizes = [1], strides = [1]} : vector<16xi32> to vector<1xi32>
        %squeeze3A_528 = vector.extract %slice3A_527[0] : i32 from vector<1xi32>
        %shift_right_arithmetic3A_529 = arith.constant 4 : i32
        %shift_right_arithmetic3A_530 = arith.shrsi %squeeze3A_528, %shift_right_arithmetic3A_529 : i32
        %shift_left3A_531 = arith.constant 4 : i32
        %shift_left3A_532 = arith.shli %shift_right_arithmetic3A_530, %shift_left3A_531 : i32
        %and3A_533 = arith.constant 15 : i32
        %and3A_534 = arith.andi %squeeze3A_528, %and3A_533 : i32
        %eq3A_535 = vector.broadcast %and3A_534 : i32 to vector<16xi32>
        %eq3A_536 = arith.cmpi eq, %iota3A, %eq3A_535 : vector<16xi32>
        %jit3A_537 = arith.constant 1.000000e+00 : f32
        %jit3A_538 = arith.constant 0.000000e+00 : f32
        %broadcast_in_dim3A_539 = vector.broadcast %jit3A_537 : f32 to vector<16xf32>
        %broadcast_in_dim3A_540 = vector.broadcast %jit3A_538 : f32 to vector<16xf32>
        %select_n3A_541 = arith.select %eq3A_536, %broadcast_in_dim3A_539, %broadcast_in_dim3A_540 : vector<16xi1>, vector<16xf32>
        %get3A_542 = arith.index_cast %shift_left3A_532 : i32 to index
        %get3A_543 = tpu.vector_load %arg17[%get3A_542] {strides = array<i32>} : memref<10240xf32, #tpu.memory_space<vmem>>, vector<16xf32>,
        %get3A_544 = vector.shape_cast %get3A_543 : vector<16xf32> to vector<16xf32>
        %add3A_545 = arith.addf %get3A_544, %select_n3A_541 : vector<16xf32>
        %swap3A_546 = arith.index_cast %shift_left3A_532 : i32 to index
        %swap3A_547 = tpu.vector_load %arg17[%swap3A_546] {strides = array<i32>} : memref<10240xf32, #tpu.memory_space<vmem>>, vector<16xf32>,
        %swap3A_548 = vector.shape_cast %swap3A_547 : vector<16xf32> to vector<16xf32>
        %swap3A_549 = vector.shape_cast %add3A_545 : vector<16xf32> to vector<16xf32>
        tpu.vector_store %arg17[%swap3A_546], %swap3A_549 {strides = array<i32>} : memref<10240xf32, #tpu.memory_space<vmem>>, vector<16xf32>,
        %slice3A_550 = vector.extract_strided_slice %get3A_351 {offsets = [9], sizes = [1], strides = [1]} : vector<16xi32> to vector<1xi32>
        %squeeze3A_551 = vector.extract %slice3A_550[0] : i32 from vector<1xi32>
        %shift_right_arithmetic3A_552 = arith.constant 4 : i32
        %shift_right_arithmetic3A_553 = arith.shrsi %squeeze3A_551, %shift_right_arithmetic3A_552 : i32
        %shift_left3A_554 = arith.constant 4 : i32
        %shift_left3A_555 = arith.shli %shift_right_arithmetic3A_553, %shift_left3A_554 : i32
        %and3A_556 = arith.constant 15 : i32
        %and3A_557 = arith.andi %squeeze3A_551, %and3A_556 : i32
        %eq3A_558 = vector.broadcast %and3A_557 : i32 to vector<16xi32>
        %eq3A_559 = arith.cmpi eq, %iota3A, %eq3A_558 : vector<16xi32>
        %jit3A_560 = arith.constant 1.000000e+00 : f32
        %jit3A_561 = arith.constant 0.000000e+00 : f32
        %broadcast_in_dim3A_562 = vector.broadcast %jit3A_560 : f32 to vector<16xf32>
        %broadcast_in_dim3A_563 = vector.broadcast %jit3A_561 : f32 to vector<16xf32>
        %select_n3A_564 = arith.select %eq3A_559, %broadcast_in_dim3A_562, %broadcast_in_dim3A_563 : vector<16xi1>, vector<16xf32>
        %get3A_565 = arith.index_cast %shift_left3A_555 : i32 to index
        %get3A_566 = tpu.vector_load %arg17[%get3A_565] {strides = array<i32>} : memref<10240xf32, #tpu.memory_space<vmem>>, vector<16xf32>,
        %get3A_567 = vector.shape_cast %get3A_566 : vector<16xf32> to vector<16xf32>
        %add3A_568 = arith.addf %get3A_567, %select_n3A_564 : vector<16xf32>
        %swap3A_569 = arith.index_cast %shift_left3A_555 : i32 to index
        %swap3A_570 = tpu.vector_load %arg17[%swap3A_569] {strides = array<i32>} : memref<10240xf32, #tpu.memory_space<vmem>>, vector<16xf32>,
        %swap3A_571 = vector.shape_cast %swap3A_570 : vector<16xf32> to vector<16xf32>
        %swap3A_572 = vector.shape_cast %add3A_568 : vector<16xf32> to vector<16xf32>
        tpu.vector_store %arg17[%swap3A_569], %swap3A_572 {strides = array<i32>} : memref<10240xf32, #tpu.memory_space<vmem>>, vector<16xf32>,
        %slice3A_573 = vector.extract_strided_slice %get3A_351 {offsets = [10], sizes = [1], strides = [1]} : vector<16xi32> to vector<1xi32>
        %squeeze3A_574 = vector.extract %slice3A_573[0] : i32 from vector<1xi32>
        %shift_right_arithmetic3A_575 = arith.constant 4 : i32
        %shift_right_arithmetic3A_576 = arith.shrsi %squeeze3A_574, %shift_right_arithmetic3A_575 : i32
        %shift_left3A_577 = arith.constant 4 : i32
        %shift_left3A_578 = arith.shli %shift_right_arithmetic3A_576, %shift_left3A_577 : i32
        %and3A_579 = arith.constant 15 : i32
        %and3A_580 = arith.andi %squeeze3A_574, %and3A_579 : i32
        %eq3A_581 = vector.broadcast %and3A_580 : i32 to vector<16xi32>
        %eq3A_582 = arith.cmpi eq, %iota3A, %eq3A_581 : vector<16xi32>
        %jit3A_583 = arith.constant 1.000000e+00 : f32
        %jit3A_584 = arith.constant 0.000000e+00 : f32
        %broadcast_in_dim3A_585 = vector.broadcast %jit3A_583 : f32 to vector<16xf32>
        %broadcast_in_dim3A_586 = vector.broadcast %jit3A_584 : f32 to vector<16xf32>
        %select_n3A_587 = arith.select %eq3A_582, %broadcast_in_dim3A_585, %broadcast_in_dim3A_586 : vector<16xi1>, vector<16xf32>
        %get3A_588 = arith.index_cast %shift_left3A_578 : i32 to index
        %get3A_589 = tpu.vector_load %arg17[%get3A_588] {strides = array<i32>} : memref<10240xf32, #tpu.memory_space<vmem>>, vector<16xf32>,
        %get3A_590 = vector.shape_cast %get3A_589 : vector<16xf32> to vector<16xf32>
        %add3A_591 = arith.addf %get3A_590, %select_n3A_587 : vector<16xf32>
        %swap3A_592 = arith.index_cast %shift_left3A_578 : i32 to index
        %swap3A_593 = tpu.vector_load %arg17[%swap3A_592] {strides = array<i32>} : memref<10240xf32, #tpu.memory_space<vmem>>, vector<16xf32>,
        %swap3A_594 = vector.shape_cast %swap3A_593 : vector<16xf32> to vector<16xf32>
        %swap3A_595 = vector.shape_cast %add3A_591 : vector<16xf32> to vector<16xf32>
        tpu.vector_store %arg17[%swap3A_592], %swap3A_595 {strides = array<i32>} : memref<10240xf32, #tpu.memory_space<vmem>>, vector<16xf32>,
        %slice3A_596 = vector.extract_strided_slice %get3A_351 {offsets = [11], sizes = [1], strides = [1]} : vector<16xi32> to vector<1xi32>
        %squeeze3A_597 = vector.extract %slice3A_596[0] : i32 from vector<1xi32>
        %shift_right_arithmetic3A_598 = arith.constant 4 : i32
        %shift_right_arithmetic3A_599 = arith.shrsi %squeeze3A_597, %shift_right_arithmetic3A_598 : i32
        %shift_left3A_600 = arith.constant 4 : i32
        %shift_left3A_601 = arith.shli %shift_right_arithmetic3A_599, %shift_left3A_600 : i32
        %and3A_602 = arith.constant 15 : i32
        %and3A_603 = arith.andi %squeeze3A_597, %and3A_602 : i32
        %eq3A_604 = vector.broadcast %and3A_603 : i32 to vector<16xi32>
        %eq3A_605 = arith.cmpi eq, %iota3A, %eq3A_604 : vector<16xi32>
        %jit3A_606 = arith.constant 1.000000e+00 : f32
        %jit3A_607 = arith.constant 0.000000e+00 : f32
        %broadcast_in_dim3A_608 = vector.broadcast %jit3A_606 : f32 to vector<16xf32>
        %broadcast_in_dim3A_609 = vector.broadcast %jit3A_607 : f32 to vector<16xf32>
        %select_n3A_610 = arith.select %eq3A_605, %broadcast_in_dim3A_608, %broadcast_in_dim3A_609 : vector<16xi1>, vector<16xf32>
        %get3A_611 = arith.index_cast %shift_left3A_601 : i32 to index
        %get3A_612 = tpu.vector_load %arg17[%get3A_611] {strides = array<i32>} : memref<10240xf32, #tpu.memory_space<vmem>>, vector<16xf32>,
        %get3A_613 = vector.shape_cast %get3A_612 : vector<16xf32> to vector<16xf32>
        %add3A_614 = arith.addf %get3A_613, %select_n3A_610 : vector<16xf32>
        %swap3A_615 = arith.index_cast %shift_left3A_601 : i32 to index
        %swap3A_616 = tpu.vector_load %arg17[%swap3A_615] {strides = array<i32>} : memref<10240xf32, #tpu.memory_space<vmem>>, vector<16xf32>,
        %swap3A_617 = vector.shape_cast %swap3A_616 : vector<16xf32> to vector<16xf32>
        %swap3A_618 = vector.shape_cast %add3A_614 : vector<16xf32> to vector<16xf32>
        tpu.vector_store %arg17[%swap3A_615], %swap3A_618 {strides = array<i32>} : memref<10240xf32, #tpu.memory_space<vmem>>, vector<16xf32>,
        %slice3A_619 = vector.extract_strided_slice %get3A_351 {offsets = [12], sizes = [1], strides = [1]} : vector<16xi32> to vector<1xi32>
        %squeeze3A_620 = vector.extract %slice3A_619[0] : i32 from vector<1xi32>
        %shift_right_arithmetic3A_621 = arith.constant 4 : i32
        %shift_right_arithmetic3A_622 = arith.shrsi %squeeze3A_620, %shift_right_arithmetic3A_621 : i32
        %shift_left3A_623 = arith.constant 4 : i32
        %shift_left3A_624 = arith.shli %shift_right_arithmetic3A_622, %shift_left3A_623 : i32
        %and3A_625 = arith.constant 15 : i32
        %and3A_626 = arith.andi %squeeze3A_620, %and3A_625 : i32
        %eq3A_627 = vector.broadcast %and3A_626 : i32 to vector<16xi32>
        %eq3A_628 = arith.cmpi eq, %iota3A, %eq3A_627 : vector<16xi32>
        %jit3A_629 = arith.constant 1.000000e+00 : f32
        %jit3A_630 = arith.constant 0.000000e+00 : f32
        %broadcast_in_dim3A_631 = vector.broadcast %jit3A_629 : f32 to vector<16xf32>
        %broadcast_in_dim3A_632 = vector.broadcast %jit3A_630 : f32 to vector<16xf32>
        %select_n3A_633 = arith.select %eq3A_628, %broadcast_in_dim3A_631, %broadcast_in_dim3A_632 : vector<16xi1>, vector<16xf32>
        %get3A_634 = arith.index_cast %shift_left3A_624 : i32 to index
        %get3A_635 = tpu.vector_load %arg17[%get3A_634] {strides = array<i32>} : memref<10240xf32, #tpu.memory_space<vmem>>, vector<16xf32>,
        %get3A_636 = vector.shape_cast %get3A_635 : vector<16xf32> to vector<16xf32>
        %add3A_637 = arith.addf %get3A_636, %select_n3A_633 : vector<16xf32>
        %swap3A_638 = arith.index_cast %shift_left3A_624 : i32 to index
        %swap3A_639 = tpu.vector_load %arg17[%swap3A_638] {strides = array<i32>} : memref<10240xf32, #tpu.memory_space<vmem>>, vector<16xf32>,
        %swap3A_640 = vector.shape_cast %swap3A_639 : vector<16xf32> to vector<16xf32>
        %swap3A_641 = vector.shape_cast %add3A_637 : vector<16xf32> to vector<16xf32>
        tpu.vector_store %arg17[%swap3A_638], %swap3A_641 {strides = array<i32>} : memref<10240xf32, #tpu.memory_space<vmem>>, vector<16xf32>,
        %slice3A_642 = vector.extract_strided_slice %get3A_351 {offsets = [13], sizes = [1], strides = [1]} : vector<16xi32> to vector<1xi32>
        %squeeze3A_643 = vector.extract %slice3A_642[0] : i32 from vector<1xi32>
        %shift_right_arithmetic3A_644 = arith.constant 4 : i32
        %shift_right_arithmetic3A_645 = arith.shrsi %squeeze3A_643, %shift_right_arithmetic3A_644 : i32
        %shift_left3A_646 = arith.constant 4 : i32
        %shift_left3A_647 = arith.shli %shift_right_arithmetic3A_645, %shift_left3A_646 : i32
        %and3A_648 = arith.constant 15 : i32
        %and3A_649 = arith.andi %squeeze3A_643, %and3A_648 : i32
        %eq3A_650 = vector.broadcast %and3A_649 : i32 to vector<16xi32>
        %eq3A_651 = arith.cmpi eq, %iota3A, %eq3A_650 : vector<16xi32>
        %jit3A_652 = arith.constant 1.000000e+00 : f32
        %jit3A_653 = arith.constant 0.000000e+00 : f32
        %broadcast_in_dim3A_654 = vector.broadcast %jit3A_652 : f32 to vector<16xf32>
        %broadcast_in_dim3A_655 = vector.broadcast %jit3A_653 : f32 to vector<16xf32>
        %select_n3A_656 = arith.select %eq3A_651, %broadcast_in_dim3A_654, %broadcast_in_dim3A_655 : vector<16xi1>, vector<16xf32>
        %get3A_657 = arith.index_cast %shift_left3A_647 : i32 to index
        %get3A_658 = tpu.vector_load %arg17[%get3A_657] {strides = array<i32>} : memref<10240xf32, #tpu.memory_space<vmem>>, vector<16xf32>,
        %get3A_659 = vector.shape_cast %get3A_658 : vector<16xf32> to vector<16xf32>
        %add3A_660 = arith.addf %get3A_659, %select_n3A_656 : vector<16xf32>
        %swap3A_661 = arith.index_cast %shift_left3A_647 : i32 to index
        %swap3A_662 = tpu.vector_load %arg17[%swap3A_661] {strides = array<i32>} : memref<10240xf32, #tpu.memory_space<vmem>>, vector<16xf32>,
        %swap3A_663 = vector.shape_cast %swap3A_662 : vector<16xf32> to vector<16xf32>
        %swap3A_664 = vector.shape_cast %add3A_660 : vector<16xf32> to vector<16xf32>
        tpu.vector_store %arg17[%swap3A_661], %swap3A_664 {strides = array<i32>} : memref<10240xf32, #tpu.memory_space<vmem>>, vector<16xf32>,
        %slice3A_665 = vector.extract_strided_slice %get3A_351 {offsets = [14], sizes = [1], strides = [1]} : vector<16xi32> to vector<1xi32>
        %squeeze3A_666 = vector.extract %slice3A_665[0] : i32 from vector<1xi32>
        %shift_right_arithmetic3A_667 = arith.constant 4 : i32
        %shift_right_arithmetic3A_668 = arith.shrsi %squeeze3A_666, %shift_right_arithmetic3A_667 : i32
        %shift_left3A_669 = arith.constant 4 : i32
        %shift_left3A_670 = arith.shli %shift_right_arithmetic3A_668, %shift_left3A_669 : i32
        %and3A_671 = arith.constant 15 : i32
        %and3A_672 = arith.andi %squeeze3A_666, %and3A_671 : i32
        %eq3A_673 = vector.broadcast %and3A_672 : i32 to vector<16xi32>
        %eq3A_674 = arith.cmpi eq, %iota3A, %eq3A_673 : vector<16xi32>
        %jit3A_675 = arith.constant 1.000000e+00 : f32
        %jit3A_676 = arith.constant 0.000000e+00 : f32
        %broadcast_in_dim3A_677 = vector.broadcast %jit3A_675 : f32 to vector<16xf32>
        %broadcast_in_dim3A_678 = vector.broadcast %jit3A_676 : f32 to vector<16xf32>
        %select_n3A_679 = arith.select %eq3A_674, %broadcast_in_dim3A_677, %broadcast_in_dim3A_678 : vector<16xi1>, vector<16xf32>
        %get3A_680 = arith.index_cast %shift_left3A_670 : i32 to index
        %get3A_681 = tpu.vector_load %arg17[%get3A_680] {strides = array<i32>} : memref<10240xf32, #tpu.memory_space<vmem>>, vector<16xf32>,
        %get3A_682 = vector.shape_cast %get3A_681 : vector<16xf32> to vector<16xf32>
        %add3A_683 = arith.addf %get3A_682, %select_n3A_679 : vector<16xf32>
        %swap3A_684 = arith.index_cast %shift_left3A_670 : i32 to index
        %swap3A_685 = tpu.vector_load %arg17[%swap3A_684] {strides = array<i32>} : memref<10240xf32, #tpu.memory_space<vmem>>, vector<16xf32>,
        %swap3A_686 = vector.shape_cast %swap3A_685 : vector<16xf32> to vector<16xf32>
        %swap3A_687 = vector.shape_cast %add3A_683 : vector<16xf32> to vector<16xf32>
        tpu.vector_store %arg17[%swap3A_684], %swap3A_687 {strides = array<i32>} : memref<10240xf32, #tpu.memory_space<vmem>>, vector<16xf32>,
        %slice3A_688 = vector.extract_strided_slice %get3A_351 {offsets = [15], sizes = [1], strides = [1]} : vector<16xi32> to vector<1xi32>
        %squeeze3A_689 = vector.extract %slice3A_688[0] : i32 from vector<1xi32>
        %shift_right_arithmetic3A_690 = arith.constant 4 : i32
        %shift_right_arithmetic3A_691 = arith.shrsi %squeeze3A_689, %shift_right_arithmetic3A_690 : i32
        %shift_left3A_692 = arith.constant 4 : i32
        %shift_left3A_693 = arith.shli %shift_right_arithmetic3A_691, %shift_left3A_692 : i32
        %and3A_694 = arith.constant 15 : i32
        %and3A_695 = arith.andi %squeeze3A_689, %and3A_694 : i32
        %eq3A_696 = vector.broadcast %and3A_695 : i32 to vector<16xi32>
        %eq3A_697 = arith.cmpi eq, %iota3A, %eq3A_696 : vector<16xi32>
        %jit3A_698 = arith.constant 1.000000e+00 : f32
        %jit3A_699 = arith.constant 0.000000e+00 : f32
        %broadcast_in_dim3A_700 = vector.broadcast %jit3A_698 : f32 to vector<16xf32>
        %broadcast_in_dim3A_701 = vector.broadcast %jit3A_699 : f32 to vector<16xf32>
        %select_n3A_702 = arith.select %eq3A_697, %broadcast_in_dim3A_700, %broadcast_in_dim3A_701 : vector<16xi1>, vector<16xf32>
        %get3A_703 = arith.index_cast %shift_left3A_693 : i32 to index
        %get3A_704 = tpu.vector_load %arg17[%get3A_703] {strides = array<i32>} : memref<10240xf32, #tpu.memory_space<vmem>>, vector<16xf32>,
        %get3A_705 = vector.shape_cast %get3A_704 : vector<16xf32> to vector<16xf32>
        %add3A_706 = arith.addf %get3A_705, %select_n3A_702 : vector<16xf32>
        %swap3A_707 = arith.index_cast %shift_left3A_693 : i32 to index
        %swap3A_708 = tpu.vector_load %arg17[%swap3A_707] {strides = array<i32>} : memref<10240xf32, #tpu.memory_space<vmem>>, vector<16xf32>,
        %swap3A_709 = vector.shape_cast %swap3A_708 : vector<16xf32> to vector<16xf32>
        %swap3A_710 = vector.shape_cast %add3A_706 : vector<16xf32> to vector<16xf32>
        tpu.vector_store %arg17[%swap3A_707], %swap3A_710 {strides = array<i32>} : memref<10240xf32, #tpu.memory_space<vmem>>, vector<16xf32>,
        %scan3A_711 = arith.constant 0 : i32
        scf.yield %scan3A_711 : i32
      }
      %scan3A_344 = arith.constant 25 : i32
      %scan3A_345 = arith.constant 0 : i32
      scf.yield %scan3A_345 : i32
    }
    %scan3A_191 = arith.constant 25 : i32
    %barrier3A_192 = arith.constant 0 : index
    tpu.barrier barrier_id(%barrier3A_192)
    %mul3A_193 = arith.constant 640 : i32
    %mul3A_194 = arith.muli %arg1, %mul3A_193 : i32
    %add3A_195 = arith.constant 0 : i32
    %add3A_196 = arith.addi %mul3A_194, %add3A_195 : i32
    "tpu.region"() ({
      %run_scoped3A = tpu.sem_alloc : memref<!tpu.dma_semaphore, #tpu.memory_space<semaphore_mem>>
      %dma_start3A = arith.constant 0 : i32
      %dma_start3A_310 = tpu.memref_slice %arg22[%add3A_196, %dma_start3A] : memref<10240x128xf32, #tpu.memory_space<vmem_shared>> -> memref<40x128xf32, #tpu.memory_space<vmem_shared>>
      %dma_start3A_311 = arith.constant 0 : i32
      %dma_start3A_312 = tpu.memref_slice %arg22[%add3A_196, %dma_start3A_311] : memref<10240x128xf32, #tpu.memory_space<vmem_shared>> -> memref<40x128xf32, #tpu.memory_space<vmem_shared>>
      tpu.enqueue_dma source(%dma_start3A_312 : memref<40x128xf32, #tpu.memory_space<vmem_shared>>) target(%arg16 : memref<40x128xf32, #tpu.memory_space<vmem>>) target_semaphore(%run_scoped3A : memref<!tpu.dma_semaphore, #tpu.memory_space<semaphore_mem>>)
      %dma_wait3A = arith.constant 0 : i32
      %dma_wait3A_313 = tpu.memref_slice %arg22[%add3A_196, %dma_wait3A] : memref<10240x128xf32, #tpu.memory_space<vmem_shared>> -> memref<40x128xf32, #tpu.memory_space<vmem_shared>>
      %dma_wait3A_314 = arith.constant 0 : i32
      %dma_wait3A_315 = tpu.memref_slice %arg22[%add3A_196, %dma_wait3A_314] : memref<10240x128xf32, #tpu.memory_space<vmem_shared>> -> memref<40x128xf32, #tpu.memory_space<vmem_shared>>
      tpu.wait_dma2 semaphore(%run_scoped3A : memref<!tpu.dma_semaphore, #tpu.memory_space<semaphore_mem>>) src(%dma_wait3A_315 : memref<40x128xf32, #tpu.memory_space<vmem_shared>>) dst(%arg16 : memref<40x128xf32, #tpu.memory_space<vmem>>)
      tpu.yield
    }) : () -> ()
    %mul3A_197 = arith.constant 10240 : i32
    %mul3A_198 = arith.muli %arg0, %mul3A_197 : i32
    %add3A_199 = arith.addi %mul3A_198, %add3A_196 : i32
    "tpu.region"() ({
      %run_scoped3A = tpu.sem_alloc : memref<!tpu.dma_semaphore, #tpu.memory_space<semaphore_mem>>
      %dma_start3A = arith.constant 0 : i32
      %dma_start3A_310 = tpu.memref_slice %arg8[%add3A_199, %dma_start3A] : memref<20480x128xf32, #tpu.memory_space<hbm>> -> memref<40x128xf32, #tpu.memory_space<hbm>>
      %dma_start3A_311 = arith.constant 0 : i32
      %dma_start3A_312 = tpu.memref_slice %arg8[%add3A_199, %dma_start3A_311] : memref<20480x128xf32, #tpu.memory_space<hbm>> -> memref<40x128xf32, #tpu.memory_space<hbm>>
      tpu.enqueue_dma source(%arg16 : memref<40x128xf32, #tpu.memory_space<vmem>>) target(%dma_start3A_312 : memref<40x128xf32, #tpu.memory_space<hbm>>) target_semaphore(%run_scoped3A : memref<!tpu.dma_semaphore, #tpu.memory_space<semaphore_mem>>)
      %dma_wait3A = arith.constant 0 : i32
      %dma_wait3A_313 = tpu.memref_slice %arg8[%add3A_199, %dma_wait3A] : memref<20480x128xf32, #tpu.memory_space<hbm>> -> memref<40x128xf32, #tpu.memory_space<hbm>>
      %dma_wait3A_314 = arith.constant 0 : i32
      %dma_wait3A_315 = tpu.memref_slice %arg8[%add3A_199, %dma_wait3A_314] : memref<20480x128xf32, #tpu.memory_space<hbm>> -> memref<40x128xf32, #tpu.memory_space<hbm>>
      tpu.wait_dma2 semaphore(%run_scoped3A : memref<!tpu.dma_semaphore, #tpu.memory_space<semaphore_mem>>) src(%arg16 : memref<40x128xf32, #tpu.memory_space<vmem>>) dst(%dma_wait3A_315 : memref<40x128xf32, #tpu.memory_space<hbm>>)
      tpu.yield
    }) : () -> ()
    %mul3A_200 = arith.constant 640 : i32
    %mul3A_201 = arith.muli %arg1, %mul3A_200 : i32
    %add3A_202 = arith.constant 40 : i32
    %add3A_203 = arith.addi %mul3A_201, %add3A_202 : i32
    "tpu.region"() ({
      %run_scoped3A = tpu.sem_alloc : memref<!tpu.dma_semaphore, #tpu.memory_space<semaphore_mem>>
      %dma_start3A = arith.constant 0 : i32
      %dma_start3A_310 = tpu.memref_slice %arg22[%add3A_203, %dma_start3A] : memref<10240x128xf32, #tpu.memory_space<vmem_shared>> -> memref<40x128xf32, #tpu.memory_space<vmem_shared>>
      %dma_start3A_311 = arith.constant 0 : i32
      %dma_start3A_312 = tpu.memref_slice %arg22[%add3A_203, %dma_start3A_311] : memref<10240x128xf32, #tpu.memory_space<vmem_shared>> -> memref<40x128xf32, #tpu.memory_space<vmem_shared>>
      tpu.enqueue_dma source(%dma_start3A_312 : memref<40x128xf32, #tpu.memory_space<vmem_shared>>) target(%arg16 : memref<40x128xf32, #tpu.memory_space<vmem>>) target_semaphore(%run_scoped3A : memref<!tpu.dma_semaphore, #tpu.memory_space<semaphore_mem>>)
      %dma_wait3A = arith.constant 0 : i32
      %dma_wait3A_313 = tpu.memref_slice %arg22[%add3A_203, %dma_wait3A] : memref<10240x128xf32, #tpu.memory_space<vmem_shared>> -> memref<40x128xf32, #tpu.memory_space<vmem_shared>>
      %dma_wait3A_314 = arith.constant 0 : i32
      %dma_wait3A_315 = tpu.memref_slice %arg22[%add3A_203, %dma_wait3A_314] : memref<10240x128xf32, #tpu.memory_space<vmem_shared>> -> memref<40x128xf32, #tpu.memory_space<vmem_shared>>
      tpu.wait_dma2 semaphore(%run_scoped3A : memref<!tpu.dma_semaphore, #tpu.memory_space<semaphore_mem>>) src(%dma_wait3A_315 : memref<40x128xf32, #tpu.memory_space<vmem_shared>>) dst(%arg16 : memref<40x128xf32, #tpu.memory_space<vmem>>)
      tpu.yield
    }) : () -> ()
    %mul3A_204 = arith.constant 10240 : i32
    %mul3A_205 = arith.muli %arg0, %mul3A_204 : i32
    %add3A_206 = arith.addi %mul3A_205, %add3A_203 : i32
    "tpu.region"() ({
      %run_scoped3A = tpu.sem_alloc : memref<!tpu.dma_semaphore, #tpu.memory_space<semaphore_mem>>
      %dma_start3A = arith.constant 0 : i32
      %dma_start3A_310 = tpu.memref_slice %arg8[%add3A_206, %dma_start3A] : memref<20480x128xf32, #tpu.memory_space<hbm>> -> memref<40x128xf32, #tpu.memory_space<hbm>>
      %dma_start3A_311 = arith.constant 0 : i32
      %dma_start3A_312 = tpu.memref_slice %arg8[%add3A_206, %dma_start3A_311] : memref<20480x128xf32, #tpu.memory_space<hbm>> -> memref<40x128xf32, #tpu.memory_space<hbm>>
      tpu.enqueue_dma source(%arg16 : memref<40x128xf32, #tpu.memory_space<vmem>>) target(%dma_start3A_312 : memref<40x128xf32, #tpu.memory_space<hbm>>) target_semaphore(%run_scoped3A : memref<!tpu.dma_semaphore, #tpu.memory_space<semaphore_mem>>)
      %dma_wait3A = arith.constant 0 : i32
      %dma_wait3A_313 = tpu.memref_slice %arg8[%add3A_206, %dma_wait3A] : memref<20480x128xf32, #tpu.memory_space<hbm>> -> memref<40x128xf32, #tpu.memory_space<hbm>>
      %dma_wait3A_314 = arith.constant 0 : i32
      %dma_wait3A_315 = tpu.memref_slice %arg8[%add3A_206, %dma_wait3A_314] : memref<20480x128xf32, #tpu.memory_space<hbm>> -> memref<40x128xf32, #tpu.memory_space<hbm>>
      tpu.wait_dma2 semaphore(%run_scoped3A : memref<!tpu.dma_semaphore, #tpu.memory_space<semaphore_mem>>) src(%arg16 : memref<40x128xf32, #tpu.memory_space<vmem>>) dst(%dma_wait3A_315 : memref<40x128xf32, #tpu.memory_space<hbm>>)
      tpu.yield
    }) : () -> ()
    %mul3A_207 = arith.constant 640 : i32
    %mul3A_208 = arith.muli %arg1, %mul3A_207 : i32
    %add3A_209 = arith.constant 80 : i32
    %add3A_210 = arith.addi %mul3A_208, %add3A_209 : i32
    "tpu.region"() ({
      %run_scoped3A = tpu.sem_alloc : memref<!tpu.dma_semaphore, #tpu.memory_space<semaphore_mem>>
      %dma_start3A = arith.constant 0 : i32
      %dma_start3A_310 = tpu.memref_slice %arg22[%add3A_210, %dma_start3A] : memref<10240x128xf32, #tpu.memory_space<vmem_shared>> -> memref<40x128xf32, #tpu.memory_space<vmem_shared>>
      %dma_start3A_311 = arith.constant 0 : i32
      %dma_start3A_312 = tpu.memref_slice %arg22[%add3A_210, %dma_start3A_311] : memref<10240x128xf32, #tpu.memory_space<vmem_shared>> -> memref<40x128xf32, #tpu.memory_space<vmem_shared>>
      tpu.enqueue_dma source(%dma_start3A_312 : memref<40x128xf32, #tpu.memory_space<vmem_shared>>) target(%arg16 : memref<40x128xf32, #tpu.memory_space<vmem>>) target_semaphore(%run_scoped3A : memref<!tpu.dma_semaphore, #tpu.memory_space<semaphore_mem>>)
      %dma_wait3A = arith.constant 0 : i32
      %dma_wait3A_313 = tpu.memref_slice %arg22[%add3A_210, %dma_wait3A] : memref<10240x128xf32, #tpu.memory_space<vmem_shared>> -> memref<40x128xf32, #tpu.memory_space<vmem_shared>>
      %dma_wait3A_314 = arith.constant 0 : i32
      %dma_wait3A_315 = tpu.memref_slice %arg22[%add3A_210, %dma_wait3A_314] : memref<10240x128xf32, #tpu.memory_space<vmem_shared>> -> memref<40x128xf32, #tpu.memory_space<vmem_shared>>
      tpu.wait_dma2 semaphore(%run_scoped3A : memref<!tpu.dma_semaphore, #tpu.memory_space<semaphore_mem>>) src(%dma_wait3A_315 : memref<40x128xf32, #tpu.memory_space<vmem_shared>>) dst(%arg16 : memref<40x128xf32, #tpu.memory_space<vmem>>)
      tpu.yield
    }) : () -> ()
    %mul3A_211 = arith.constant 10240 : i32
    %mul3A_212 = arith.muli %arg0, %mul3A_211 : i32
    %add3A_213 = arith.addi %mul3A_212, %add3A_210 : i32
    "tpu.region"() ({
      %run_scoped3A = tpu.sem_alloc : memref<!tpu.dma_semaphore, #tpu.memory_space<semaphore_mem>>
      %dma_start3A = arith.constant 0 : i32
      %dma_start3A_310 = tpu.memref_slice %arg8[%add3A_213, %dma_start3A] : memref<20480x128xf32, #tpu.memory_space<hbm>> -> memref<40x128xf32, #tpu.memory_space<hbm>>
      %dma_start3A_311 = arith.constant 0 : i32
      %dma_start3A_312 = tpu.memref_slice %arg8[%add3A_213, %dma_start3A_311] : memref<20480x128xf32, #tpu.memory_space<hbm>> -> memref<40x128xf32, #tpu.memory_space<hbm>>
      tpu.enqueue_dma source(%arg16 : memref<40x128xf32, #tpu.memory_space<vmem>>) target(%dma_start3A_312 : memref<40x128xf32, #tpu.memory_space<hbm>>) target_semaphore(%run_scoped3A : memref<!tpu.dma_semaphore, #tpu.memory_space<semaphore_mem>>)
      %dma_wait3A = arith.constant 0 : i32
      %dma_wait3A_313 = tpu.memref_slice %arg8[%add3A_213, %dma_wait3A] : memref<20480x128xf32, #tpu.memory_space<hbm>> -> memref<40x128xf32, #tpu.memory_space<hbm>>
      %dma_wait3A_314 = arith.constant 0 : i32
      %dma_wait3A_315 = tpu.memref_slice %arg8[%add3A_213, %dma_wait3A_314] : memref<20480x128xf32, #tpu.memory_space<hbm>> -> memref<40x128xf32, #tpu.memory_space<hbm>>
      tpu.wait_dma2 semaphore(%run_scoped3A : memref<!tpu.dma_semaphore, #tpu.memory_space<semaphore_mem>>) src(%arg16 : memref<40x128xf32, #tpu.memory_space<vmem>>) dst(%dma_wait3A_315 : memref<40x128xf32, #tpu.memory_space<hbm>>)
      tpu.yield
    }) : () -> ()
    %mul3A_214 = arith.constant 640 : i32
    %mul3A_215 = arith.muli %arg1, %mul3A_214 : i32
    %add3A_216 = arith.constant 120 : i32
    %add3A_217 = arith.addi %mul3A_215, %add3A_216 : i32
    "tpu.region"() ({
      %run_scoped3A = tpu.sem_alloc : memref<!tpu.dma_semaphore, #tpu.memory_space<semaphore_mem>>
      %dma_start3A = arith.constant 0 : i32
      %dma_start3A_310 = tpu.memref_slice %arg22[%add3A_217, %dma_start3A] : memref<10240x128xf32, #tpu.memory_space<vmem_shared>> -> memref<40x128xf32, #tpu.memory_space<vmem_shared>>
      %dma_start3A_311 = arith.constant 0 : i32
      %dma_start3A_312 = tpu.memref_slice %arg22[%add3A_217, %dma_start3A_311] : memref<10240x128xf32, #tpu.memory_space<vmem_shared>> -> memref<40x128xf32, #tpu.memory_space<vmem_shared>>
      tpu.enqueue_dma source(%dma_start3A_312 : memref<40x128xf32, #tpu.memory_space<vmem_shared>>) target(%arg16 : memref<40x128xf32, #tpu.memory_space<vmem>>) target_semaphore(%run_scoped3A : memref<!tpu.dma_semaphore, #tpu.memory_space<semaphore_mem>>)
      %dma_wait3A = arith.constant 0 : i32
      %dma_wait3A_313 = tpu.memref_slice %arg22[%add3A_217, %dma_wait3A] : memref<10240x128xf32, #tpu.memory_space<vmem_shared>> -> memref<40x128xf32, #tpu.memory_space<vmem_shared>>
      %dma_wait3A_314 = arith.constant 0 : i32
      %dma_wait3A_315 = tpu.memref_slice %arg22[%add3A_217, %dma_wait3A_314] : memref<10240x128xf32, #tpu.memory_space<vmem_shared>> -> memref<40x128xf32, #tpu.memory_space<vmem_shared>>
      tpu.wait_dma2 semaphore(%run_scoped3A : memref<!tpu.dma_semaphore, #tpu.memory_space<semaphore_mem>>) src(%dma_wait3A_315 : memref<40x128xf32, #tpu.memory_space<vmem_shared>>) dst(%arg16 : memref<40x128xf32, #tpu.memory_space<vmem>>)
      tpu.yield
    }) : () -> ()
    %mul3A_218 = arith.constant 10240 : i32
    %mul3A_219 = arith.muli %arg0, %mul3A_218 : i32
    %add3A_220 = arith.addi %mul3A_219, %add3A_217 : i32
    "tpu.region"() ({
      %run_scoped3A = tpu.sem_alloc : memref<!tpu.dma_semaphore, #tpu.memory_space<semaphore_mem>>
      %dma_start3A = arith.constant 0 : i32
      %dma_start3A_310 = tpu.memref_slice %arg8[%add3A_220, %dma_start3A] : memref<20480x128xf32, #tpu.memory_space<hbm>> -> memref<40x128xf32, #tpu.memory_space<hbm>>
      %dma_start3A_311 = arith.constant 0 : i32
      %dma_start3A_312 = tpu.memref_slice %arg8[%add3A_220, %dma_start3A_311] : memref<20480x128xf32, #tpu.memory_space<hbm>> -> memref<40x128xf32, #tpu.memory_space<hbm>>
      tpu.enqueue_dma source(%arg16 : memref<40x128xf32, #tpu.memory_space<vmem>>) target(%dma_start3A_312 : memref<40x128xf32, #tpu.memory_space<hbm>>) target_semaphore(%run_scoped3A : memref<!tpu.dma_semaphore, #tpu.memory_space<semaphore_mem>>)
      %dma_wait3A = arith.constant 0 : i32
      %dma_wait3A_313 = tpu.memref_slice %arg8[%add3A_220, %dma_wait3A] : memref<20480x128xf32, #tpu.memory_space<hbm>> -> memref<40x128xf32, #tpu.memory_space<hbm>>
      %dma_wait3A_314 = arith.constant 0 : i32
      %dma_wait3A_315 = tpu.memref_slice %arg8[%add3A_220, %dma_wait3A_314] : memref<20480x128xf32, #tpu.memory_space<hbm>> -> memref<40x128xf32, #tpu.memory_space<hbm>>
      tpu.wait_dma2 semaphore(%run_scoped3A : memref<!tpu.dma_semaphore, #tpu.memory_space<semaphore_mem>>) src(%arg16 : memref<40x128xf32, #tpu.memory_space<vmem>>) dst(%dma_wait3A_315 : memref<40x128xf32, #tpu.memory_space<hbm>>)
      tpu.yield
    }) : () -> ()
    %mul3A_221 = arith.constant 640 : i32
    %mul3A_222 = arith.muli %arg1, %mul3A_221 : i32
    %add3A_223 = arith.constant 160 : i32
    %add3A_224 = arith.addi %mul3A_222, %add3A_223 : i32
    "tpu.region"() ({
      %run_scoped3A = tpu.sem_alloc : memref<!tpu.dma_semaphore, #tpu.memory_space<semaphore_mem>>
      %dma_start3A = arith.constant 0 : i32
      %dma_start3A_310 = tpu.memref_slice %arg22[%add3A_224, %dma_start3A] : memref<10240x128xf32, #tpu.memory_space<vmem_shared>> -> memref<40x128xf32, #tpu.memory_space<vmem_shared>>
      %dma_start3A_311 = arith.constant 0 : i32
      %dma_start3A_312 = tpu.memref_slice %arg22[%add3A_224, %dma_start3A_311] : memref<10240x128xf32, #tpu.memory_space<vmem_shared>> -> memref<40x128xf32, #tpu.memory_space<vmem_shared>>
      tpu.enqueue_dma source(%dma_start3A_312 : memref<40x128xf32, #tpu.memory_space<vmem_shared>>) target(%arg16 : memref<40x128xf32, #tpu.memory_space<vmem>>) target_semaphore(%run_scoped3A : memref<!tpu.dma_semaphore, #tpu.memory_space<semaphore_mem>>)
      %dma_wait3A = arith.constant 0 : i32
      %dma_wait3A_313 = tpu.memref_slice %arg22[%add3A_224, %dma_wait3A] : memref<10240x128xf32, #tpu.memory_space<vmem_shared>> -> memref<40x128xf32, #tpu.memory_space<vmem_shared>>
      %dma_wait3A_314 = arith.constant 0 : i32
      %dma_wait3A_315 = tpu.memref_slice %arg22[%add3A_224, %dma_wait3A_314] : memref<10240x128xf32, #tpu.memory_space<vmem_shared>> -> memref<40x128xf32, #tpu.memory_space<vmem_shared>>
      tpu.wait_dma2 semaphore(%run_scoped3A : memref<!tpu.dma_semaphore, #tpu.memory_space<semaphore_mem>>) src(%dma_wait3A_315 : memref<40x128xf32, #tpu.memory_space<vmem_shared>>) dst(%arg16 : memref<40x128xf32, #tpu.memory_space<vmem>>)
      tpu.yield
    }) : () -> ()
    %mul3A_225 = arith.constant 10240 : i32
    %mul3A_226 = arith.muli %arg0, %mul3A_225 : i32
    %add3A_227 = arith.addi %mul3A_226, %add3A_224 : i32
    "tpu.region"() ({
      %run_scoped3A = tpu.sem_alloc : memref<!tpu.dma_semaphore, #tpu.memory_space<semaphore_mem>>
      %dma_start3A = arith.constant 0 : i32
      %dma_start3A_310 = tpu.memref_slice %arg8[%add3A_227, %dma_start3A] : memref<20480x128xf32, #tpu.memory_space<hbm>> -> memref<40x128xf32, #tpu.memory_space<hbm>>
      %dma_start3A_311 = arith.constant 0 : i32
      %dma_start3A_312 = tpu.memref_slice %arg8[%add3A_227, %dma_start3A_311] : memref<20480x128xf32, #tpu.memory_space<hbm>> -> memref<40x128xf32, #tpu.memory_space<hbm>>
      tpu.enqueue_dma source(%arg16 : memref<40x128xf32, #tpu.memory_space<vmem>>) target(%dma_start3A_312 : memref<40x128xf32, #tpu.memory_space<hbm>>) target_semaphore(%run_scoped3A : memref<!tpu.dma_semaphore, #tpu.memory_space<semaphore_mem>>)
      %dma_wait3A = arith.constant 0 : i32
      %dma_wait3A_313 = tpu.memref_slice %arg8[%add3A_227, %dma_wait3A] : memref<20480x128xf32, #tpu.memory_space<hbm>> -> memref<40x128xf32, #tpu.memory_space<hbm>>
      %dma_wait3A_314 = arith.constant 0 : i32
      %dma_wait3A_315 = tpu.memref_slice %arg8[%add3A_227, %dma_wait3A_314] : memref<20480x128xf32, #tpu.memory_space<hbm>> -> memref<40x128xf32, #tpu.memory_space<hbm>>
      tpu.wait_dma2 semaphore(%run_scoped3A : memref<!tpu.dma_semaphore, #tpu.memory_space<semaphore_mem>>) src(%arg16 : memref<40x128xf32, #tpu.memory_space<vmem>>) dst(%dma_wait3A_315 : memref<40x128xf32, #tpu.memory_space<hbm>>)
      tpu.yield
    }) : () -> ()
    %mul3A_228 = arith.constant 640 : i32
    %mul3A_229 = arith.muli %arg1, %mul3A_228 : i32
    %add3A_230 = arith.constant 200 : i32
    %add3A_231 = arith.addi %mul3A_229, %add3A_230 : i32
    "tpu.region"() ({
      %run_scoped3A = tpu.sem_alloc : memref<!tpu.dma_semaphore, #tpu.memory_space<semaphore_mem>>
      %dma_start3A = arith.constant 0 : i32
      %dma_start3A_310 = tpu.memref_slice %arg22[%add3A_231, %dma_start3A] : memref<10240x128xf32, #tpu.memory_space<vmem_shared>> -> memref<40x128xf32, #tpu.memory_space<vmem_shared>>
      %dma_start3A_311 = arith.constant 0 : i32
      %dma_start3A_312 = tpu.memref_slice %arg22[%add3A_231, %dma_start3A_311] : memref<10240x128xf32, #tpu.memory_space<vmem_shared>> -> memref<40x128xf32, #tpu.memory_space<vmem_shared>>
      tpu.enqueue_dma source(%dma_start3A_312 : memref<40x128xf32, #tpu.memory_space<vmem_shared>>) target(%arg16 : memref<40x128xf32, #tpu.memory_space<vmem>>) target_semaphore(%run_scoped3A : memref<!tpu.dma_semaphore, #tpu.memory_space<semaphore_mem>>)
      %dma_wait3A = arith.constant 0 : i32
      %dma_wait3A_313 = tpu.memref_slice %arg22[%add3A_231, %dma_wait3A] : memref<10240x128xf32, #tpu.memory_space<vmem_shared>> -> memref<40x128xf32, #tpu.memory_space<vmem_shared>>
      %dma_wait3A_314 = arith.constant 0 : i32
      %dma_wait3A_315 = tpu.memref_slice %arg22[%add3A_231, %dma_wait3A_314] : memref<10240x128xf32, #tpu.memory_space<vmem_shared>> -> memref<40x128xf32, #tpu.memory_space<vmem_shared>>
      tpu.wait_dma2 semaphore(%run_scoped3A : memref<!tpu.dma_semaphore, #tpu.memory_space<semaphore_mem>>) src(%dma_wait3A_315 : memref<40x128xf32, #tpu.memory_space<vmem_shared>>) dst(%arg16 : memref<40x128xf32, #tpu.memory_space<vmem>>)
      tpu.yield
    }) : () -> ()
    %mul3A_232 = arith.constant 10240 : i32
    %mul3A_233 = arith.muli %arg0, %mul3A_232 : i32
    %add3A_234 = arith.addi %mul3A_233, %add3A_231 : i32
    "tpu.region"() ({
      %run_scoped3A = tpu.sem_alloc : memref<!tpu.dma_semaphore, #tpu.memory_space<semaphore_mem>>
      %dma_start3A = arith.constant 0 : i32
      %dma_start3A_310 = tpu.memref_slice %arg8[%add3A_234, %dma_start3A] : memref<20480x128xf32, #tpu.memory_space<hbm>> -> memref<40x128xf32, #tpu.memory_space<hbm>>
      %dma_start3A_311 = arith.constant 0 : i32
      %dma_start3A_312 = tpu.memref_slice %arg8[%add3A_234, %dma_start3A_311] : memref<20480x128xf32, #tpu.memory_space<hbm>> -> memref<40x128xf32, #tpu.memory_space<hbm>>
      tpu.enqueue_dma source(%arg16 : memref<40x128xf32, #tpu.memory_space<vmem>>) target(%dma_start3A_312 : memref<40x128xf32, #tpu.memory_space<hbm>>) target_semaphore(%run_scoped3A : memref<!tpu.dma_semaphore, #tpu.memory_space<semaphore_mem>>)
      %dma_wait3A = arith.constant 0 : i32
      %dma_wait3A_313 = tpu.memref_slice %arg8[%add3A_234, %dma_wait3A] : memref<20480x128xf32, #tpu.memory_space<hbm>> -> memref<40x128xf32, #tpu.memory_space<hbm>>
      %dma_wait3A_314 = arith.constant 0 : i32
      %dma_wait3A_315 = tpu.memref_slice %arg8[%add3A_234, %dma_wait3A_314] : memref<20480x128xf32, #tpu.memory_space<hbm>> -> memref<40x128xf32, #tpu.memory_space<hbm>>
      tpu.wait_dma2 semaphore(%run_scoped3A : memref<!tpu.dma_semaphore, #tpu.memory_space<semaphore_mem>>) src(%arg16 : memref<40x128xf32, #tpu.memory_space<vmem>>) dst(%dma_wait3A_315 : memref<40x128xf32, #tpu.memory_space<hbm>>)
      tpu.yield
    }) : () -> ()
    %mul3A_235 = arith.constant 640 : i32
    %mul3A_236 = arith.muli %arg1, %mul3A_235 : i32
    %add3A_237 = arith.constant 240 : i32
    %add3A_238 = arith.addi %mul3A_236, %add3A_237 : i32
    "tpu.region"() ({
      %run_scoped3A = tpu.sem_alloc : memref<!tpu.dma_semaphore, #tpu.memory_space<semaphore_mem>>
      %dma_start3A = arith.constant 0 : i32
      %dma_start3A_310 = tpu.memref_slice %arg22[%add3A_238, %dma_start3A] : memref<10240x128xf32, #tpu.memory_space<vmem_shared>> -> memref<40x128xf32, #tpu.memory_space<vmem_shared>>
      %dma_start3A_311 = arith.constant 0 : i32
      %dma_start3A_312 = tpu.memref_slice %arg22[%add3A_238, %dma_start3A_311] : memref<10240x128xf32, #tpu.memory_space<vmem_shared>> -> memref<40x128xf32, #tpu.memory_space<vmem_shared>>
      tpu.enqueue_dma source(%dma_start3A_312 : memref<40x128xf32, #tpu.memory_space<vmem_shared>>) target(%arg16 : memref<40x128xf32, #tpu.memory_space<vmem>>) target_semaphore(%run_scoped3A : memref<!tpu.dma_semaphore, #tpu.memory_space<semaphore_mem>>)
      %dma_wait3A = arith.constant 0 : i32
      %dma_wait3A_313 = tpu.memref_slice %arg22[%add3A_238, %dma_wait3A] : memref<10240x128xf32, #tpu.memory_space<vmem_shared>> -> memref<40x128xf32, #tpu.memory_space<vmem_shared>>
      %dma_wait3A_314 = arith.constant 0 : i32
      %dma_wait3A_315 = tpu.memref_slice %arg22[%add3A_238, %dma_wait3A_314] : memref<10240x128xf32, #tpu.memory_space<vmem_shared>> -> memref<40x128xf32, #tpu.memory_space<vmem_shared>>
      tpu.wait_dma2 semaphore(%run_scoped3A : memref<!tpu.dma_semaphore, #tpu.memory_space<semaphore_mem>>) src(%dma_wait3A_315 : memref<40x128xf32, #tpu.memory_space<vmem_shared>>) dst(%arg16 : memref<40x128xf32, #tpu.memory_space<vmem>>)
      tpu.yield
    }) : () -> ()
    %mul3A_239 = arith.constant 10240 : i32
    %mul3A_240 = arith.muli %arg0, %mul3A_239 : i32
    %add3A_241 = arith.addi %mul3A_240, %add3A_238 : i32
    "tpu.region"() ({
      %run_scoped3A = tpu.sem_alloc : memref<!tpu.dma_semaphore, #tpu.memory_space<semaphore_mem>>
      %dma_start3A = arith.constant 0 : i32
      %dma_start3A_310 = tpu.memref_slice %arg8[%add3A_241, %dma_start3A] : memref<20480x128xf32, #tpu.memory_space<hbm>> -> memref<40x128xf32, #tpu.memory_space<hbm>>
      %dma_start3A_311 = arith.constant 0 : i32
      %dma_start3A_312 = tpu.memref_slice %arg8[%add3A_241, %dma_start3A_311] : memref<20480x128xf32, #tpu.memory_space<hbm>> -> memref<40x128xf32, #tpu.memory_space<hbm>>
      tpu.enqueue_dma source(%arg16 : memref<40x128xf32, #tpu.memory_space<vmem>>) target(%dma_start3A_312 : memref<40x128xf32, #tpu.memory_space<hbm>>) target_semaphore(%run_scoped3A : memref<!tpu.dma_semaphore, #tpu.memory_space<semaphore_mem>>)
      %dma_wait3A = arith.constant 0 : i32
      %dma_wait3A_313 = tpu.memref_slice %arg8[%add3A_241, %dma_wait3A] : memref<20480x128xf32, #tpu.memory_space<hbm>> -> memref<40x128xf32, #tpu.memory_space<hbm>>
      %dma_wait3A_314 = arith.constant 0 : i32
      %dma_wait3A_315 = tpu.memref_slice %arg8[%add3A_241, %dma_wait3A_314] : memref<20480x128xf32, #tpu.memory_space<hbm>> -> memref<40x128xf32, #tpu.memory_space<hbm>>
      tpu.wait_dma2 semaphore(%run_scoped3A : memref<!tpu.dma_semaphore, #tpu.memory_space<semaphore_mem>>) src(%arg16 : memref<40x128xf32, #tpu.memory_space<vmem>>) dst(%dma_wait3A_315 : memref<40x128xf32, #tpu.memory_space<hbm>>)
      tpu.yield
    }) : () -> ()
    %mul3A_242 = arith.constant 640 : i32
    %mul3A_243 = arith.muli %arg1, %mul3A_242 : i32
    %add3A_244 = arith.constant 280 : i32
    %add3A_245 = arith.addi %mul3A_243, %add3A_244 : i32
    "tpu.region"() ({
      %run_scoped3A = tpu.sem_alloc : memref<!tpu.dma_semaphore, #tpu.memory_space<semaphore_mem>>
      %dma_start3A = arith.constant 0 : i32
      %dma_start3A_310 = tpu.memref_slice %arg22[%add3A_245, %dma_start3A] : memref<10240x128xf32, #tpu.memory_space<vmem_shared>> -> memref<40x128xf32, #tpu.memory_space<vmem_shared>>
      %dma_start3A_311 = arith.constant 0 : i32
      %dma_start3A_312 = tpu.memref_slice %arg22[%add3A_245, %dma_start3A_311] : memref<10240x128xf32, #tpu.memory_space<vmem_shared>> -> memref<40x128xf32, #tpu.memory_space<vmem_shared>>
      tpu.enqueue_dma source(%dma_start3A_312 : memref<40x128xf32, #tpu.memory_space<vmem_shared>>) target(%arg16 : memref<40x128xf32, #tpu.memory_space<vmem>>) target_semaphore(%run_scoped3A : memref<!tpu.dma_semaphore, #tpu.memory_space<semaphore_mem>>)
      %dma_wait3A = arith.constant 0 : i32
      %dma_wait3A_313 = tpu.memref_slice %arg22[%add3A_245, %dma_wait3A] : memref<10240x128xf32, #tpu.memory_space<vmem_shared>> -> memref<40x128xf32, #tpu.memory_space<vmem_shared>>
      %dma_wait3A_314 = arith.constant 0 : i32
      %dma_wait3A_315 = tpu.memref_slice %arg22[%add3A_245, %dma_wait3A_314] : memref<10240x128xf32, #tpu.memory_space<vmem_shared>> -> memref<40x128xf32, #tpu.memory_space<vmem_shared>>
      tpu.wait_dma2 semaphore(%run_scoped3A : memref<!tpu.dma_semaphore, #tpu.memory_space<semaphore_mem>>) src(%dma_wait3A_315 : memref<40x128xf32, #tpu.memory_space<vmem_shared>>) dst(%arg16 : memref<40x128xf32, #tpu.memory_space<vmem>>)
      tpu.yield
    }) : () -> ()
    %mul3A_246 = arith.constant 10240 : i32
    %mul3A_247 = arith.muli %arg0, %mul3A_246 : i32
    %add3A_248 = arith.addi %mul3A_247, %add3A_245 : i32
    "tpu.region"() ({
      %run_scoped3A = tpu.sem_alloc : memref<!tpu.dma_semaphore, #tpu.memory_space<semaphore_mem>>
      %dma_start3A = arith.constant 0 : i32
      %dma_start3A_310 = tpu.memref_slice %arg8[%add3A_248, %dma_start3A] : memref<20480x128xf32, #tpu.memory_space<hbm>> -> memref<40x128xf32, #tpu.memory_space<hbm>>
      %dma_start3A_311 = arith.constant 0 : i32
      %dma_start3A_312 = tpu.memref_slice %arg8[%add3A_248, %dma_start3A_311] : memref<20480x128xf32, #tpu.memory_space<hbm>> -> memref<40x128xf32, #tpu.memory_space<hbm>>
      tpu.enqueue_dma source(%arg16 : memref<40x128xf32, #tpu.memory_space<vmem>>) target(%dma_start3A_312 : memref<40x128xf32, #tpu.memory_space<hbm>>) target_semaphore(%run_scoped3A : memref<!tpu.dma_semaphore, #tpu.memory_space<semaphore_mem>>)
      %dma_wait3A = arith.constant 0 : i32
      %dma_wait3A_313 = tpu.memref_slice %arg8[%add3A_248, %dma_wait3A] : memref<20480x128xf32, #tpu.memory_space<hbm>> -> memref<40x128xf32, #tpu.memory_space<hbm>>
      %dma_wait3A_314 = arith.constant 0 : i32
      %dma_wait3A_315 = tpu.memref_slice %arg8[%add3A_248, %dma_wait3A_314] : memref<20480x128xf32, #tpu.memory_space<hbm>> -> memref<40x128xf32, #tpu.memory_space<hbm>>
      tpu.wait_dma2 semaphore(%run_scoped3A : memref<!tpu.dma_semaphore, #tpu.memory_space<semaphore_mem>>) src(%arg16 : memref<40x128xf32, #tpu.memory_space<vmem>>) dst(%dma_wait3A_315 : memref<40x128xf32, #tpu.memory_space<hbm>>)
      tpu.yield
    }) : () -> ()
    %mul3A_249 = arith.constant 640 : i32
    %mul3A_250 = arith.muli %arg1, %mul3A_249 : i32
    %add3A_251 = arith.constant 320 : i32
    %add3A_252 = arith.addi %mul3A_250, %add3A_251 : i32
    "tpu.region"() ({
      %run_scoped3A = tpu.sem_alloc : memref<!tpu.dma_semaphore, #tpu.memory_space<semaphore_mem>>
      %dma_start3A = arith.constant 0 : i32
      %dma_start3A_310 = tpu.memref_slice %arg22[%add3A_252, %dma_start3A] : memref<10240x128xf32, #tpu.memory_space<vmem_shared>> -> memref<40x128xf32, #tpu.memory_space<vmem_shared>>
      %dma_start3A_311 = arith.constant 0 : i32
      %dma_start3A_312 = tpu.memref_slice %arg22[%add3A_252, %dma_start3A_311] : memref<10240x128xf32, #tpu.memory_space<vmem_shared>> -> memref<40x128xf32, #tpu.memory_space<vmem_shared>>
      tpu.enqueue_dma source(%dma_start3A_312 : memref<40x128xf32, #tpu.memory_space<vmem_shared>>) target(%arg16 : memref<40x128xf32, #tpu.memory_space<vmem>>) target_semaphore(%run_scoped3A : memref<!tpu.dma_semaphore, #tpu.memory_space<semaphore_mem>>)
      %dma_wait3A = arith.constant 0 : i32
      %dma_wait3A_313 = tpu.memref_slice %arg22[%add3A_252, %dma_wait3A] : memref<10240x128xf32, #tpu.memory_space<vmem_shared>> -> memref<40x128xf32, #tpu.memory_space<vmem_shared>>
      %dma_wait3A_314 = arith.constant 0 : i32
      %dma_wait3A_315 = tpu.memref_slice %arg22[%add3A_252, %dma_wait3A_314] : memref<10240x128xf32, #tpu.memory_space<vmem_shared>> -> memref<40x128xf32, #tpu.memory_space<vmem_shared>>
      tpu.wait_dma2 semaphore(%run_scoped3A : memref<!tpu.dma_semaphore, #tpu.memory_space<semaphore_mem>>) src(%dma_wait3A_315 : memref<40x128xf32, #tpu.memory_space<vmem_shared>>) dst(%arg16 : memref<40x128xf32, #tpu.memory_space<vmem>>)
      tpu.yield
    }) : () -> ()
    %mul3A_253 = arith.constant 10240 : i32
    %mul3A_254 = arith.muli %arg0, %mul3A_253 : i32
    %add3A_255 = arith.addi %mul3A_254, %add3A_252 : i32
    "tpu.region"() ({
      %run_scoped3A = tpu.sem_alloc : memref<!tpu.dma_semaphore, #tpu.memory_space<semaphore_mem>>
      %dma_start3A = arith.constant 0 : i32
      %dma_start3A_310 = tpu.memref_slice %arg8[%add3A_255, %dma_start3A] : memref<20480x128xf32, #tpu.memory_space<hbm>> -> memref<40x128xf32, #tpu.memory_space<hbm>>
      %dma_start3A_311 = arith.constant 0 : i32
      %dma_start3A_312 = tpu.memref_slice %arg8[%add3A_255, %dma_start3A_311] : memref<20480x128xf32, #tpu.memory_space<hbm>> -> memref<40x128xf32, #tpu.memory_space<hbm>>
      tpu.enqueue_dma source(%arg16 : memref<40x128xf32, #tpu.memory_space<vmem>>) target(%dma_start3A_312 : memref<40x128xf32, #tpu.memory_space<hbm>>) target_semaphore(%run_scoped3A : memref<!tpu.dma_semaphore, #tpu.memory_space<semaphore_mem>>)
      %dma_wait3A = arith.constant 0 : i32
      %dma_wait3A_313 = tpu.memref_slice %arg8[%add3A_255, %dma_wait3A] : memref<20480x128xf32, #tpu.memory_space<hbm>> -> memref<40x128xf32, #tpu.memory_space<hbm>>
      %dma_wait3A_314 = arith.constant 0 : i32
      %dma_wait3A_315 = tpu.memref_slice %arg8[%add3A_255, %dma_wait3A_314] : memref<20480x128xf32, #tpu.memory_space<hbm>> -> memref<40x128xf32, #tpu.memory_space<hbm>>
      tpu.wait_dma2 semaphore(%run_scoped3A : memref<!tpu.dma_semaphore, #tpu.memory_space<semaphore_mem>>) src(%arg16 : memref<40x128xf32, #tpu.memory_space<vmem>>) dst(%dma_wait3A_315 : memref<40x128xf32, #tpu.memory_space<hbm>>)
      tpu.yield
    }) : () -> ()
    %mul3A_256 = arith.constant 640 : i32
    %mul3A_257 = arith.muli %arg1, %mul3A_256 : i32
    %add3A_258 = arith.constant 360 : i32
    %add3A_259 = arith.addi %mul3A_257, %add3A_258 : i32
    "tpu.region"() ({
      %run_scoped3A = tpu.sem_alloc : memref<!tpu.dma_semaphore, #tpu.memory_space<semaphore_mem>>
      %dma_start3A = arith.constant 0 : i32
      %dma_start3A_310 = tpu.memref_slice %arg22[%add3A_259, %dma_start3A] : memref<10240x128xf32, #tpu.memory_space<vmem_shared>> -> memref<40x128xf32, #tpu.memory_space<vmem_shared>>
      %dma_start3A_311 = arith.constant 0 : i32
      %dma_start3A_312 = tpu.memref_slice %arg22[%add3A_259, %dma_start3A_311] : memref<10240x128xf32, #tpu.memory_space<vmem_shared>> -> memref<40x128xf32, #tpu.memory_space<vmem_shared>>
      tpu.enqueue_dma source(%dma_start3A_312 : memref<40x128xf32, #tpu.memory_space<vmem_shared>>) target(%arg16 : memref<40x128xf32, #tpu.memory_space<vmem>>) target_semaphore(%run_scoped3A : memref<!tpu.dma_semaphore, #tpu.memory_space<semaphore_mem>>)
      %dma_wait3A = arith.constant 0 : i32
      %dma_wait3A_313 = tpu.memref_slice %arg22[%add3A_259, %dma_wait3A] : memref<10240x128xf32, #tpu.memory_space<vmem_shared>> -> memref<40x128xf32, #tpu.memory_space<vmem_shared>>
      %dma_wait3A_314 = arith.constant 0 : i32
      %dma_wait3A_315 = tpu.memref_slice %arg22[%add3A_259, %dma_wait3A_314] : memref<10240x128xf32, #tpu.memory_space<vmem_shared>> -> memref<40x128xf32, #tpu.memory_space<vmem_shared>>
      tpu.wait_dma2 semaphore(%run_scoped3A : memref<!tpu.dma_semaphore, #tpu.memory_space<semaphore_mem>>) src(%dma_wait3A_315 : memref<40x128xf32, #tpu.memory_space<vmem_shared>>) dst(%arg16 : memref<40x128xf32, #tpu.memory_space<vmem>>)
      tpu.yield
    }) : () -> ()
    %mul3A_260 = arith.constant 10240 : i32
    %mul3A_261 = arith.muli %arg0, %mul3A_260 : i32
    %add3A_262 = arith.addi %mul3A_261, %add3A_259 : i32
    "tpu.region"() ({
      %run_scoped3A = tpu.sem_alloc : memref<!tpu.dma_semaphore, #tpu.memory_space<semaphore_mem>>
      %dma_start3A = arith.constant 0 : i32
      %dma_start3A_310 = tpu.memref_slice %arg8[%add3A_262, %dma_start3A] : memref<20480x128xf32, #tpu.memory_space<hbm>> -> memref<40x128xf32, #tpu.memory_space<hbm>>
      %dma_start3A_311 = arith.constant 0 : i32
      %dma_start3A_312 = tpu.memref_slice %arg8[%add3A_262, %dma_start3A_311] : memref<20480x128xf32, #tpu.memory_space<hbm>> -> memref<40x128xf32, #tpu.memory_space<hbm>>
      tpu.enqueue_dma source(%arg16 : memref<40x128xf32, #tpu.memory_space<vmem>>) target(%dma_start3A_312 : memref<40x128xf32, #tpu.memory_space<hbm>>) target_semaphore(%run_scoped3A : memref<!tpu.dma_semaphore, #tpu.memory_space<semaphore_mem>>)
      %dma_wait3A = arith.constant 0 : i32
      %dma_wait3A_313 = tpu.memref_slice %arg8[%add3A_262, %dma_wait3A] : memref<20480x128xf32, #tpu.memory_space<hbm>> -> memref<40x128xf32, #tpu.memory_space<hbm>>
      %dma_wait3A_314 = arith.constant 0 : i32
      %dma_wait3A_315 = tpu.memref_slice %arg8[%add3A_262, %dma_wait3A_314] : memref<20480x128xf32, #tpu.memory_space<hbm>> -> memref<40x128xf32, #tpu.memory_space<hbm>>
      tpu.wait_dma2 semaphore(%run_scoped3A : memref<!tpu.dma_semaphore, #tpu.memory_space<semaphore_mem>>) src(%arg16 : memref<40x128xf32, #tpu.memory_space<vmem>>) dst(%dma_wait3A_315 : memref<40x128xf32, #tpu.memory_space<hbm>>)
      tpu.yield
    }) : () -> ()
    %mul3A_263 = arith.constant 640 : i32
    %mul3A_264 = arith.muli %arg1, %mul3A_263 : i32
    %add3A_265 = arith.constant 400 : i32
    %add3A_266 = arith.addi %mul3A_264, %add3A_265 : i32
    "tpu.region"() ({
      %run_scoped3A = tpu.sem_alloc : memref<!tpu.dma_semaphore, #tpu.memory_space<semaphore_mem>>
      %dma_start3A = arith.constant 0 : i32
      %dma_start3A_310 = tpu.memref_slice %arg22[%add3A_266, %dma_start3A] : memref<10240x128xf32, #tpu.memory_space<vmem_shared>> -> memref<40x128xf32, #tpu.memory_space<vmem_shared>>
      %dma_start3A_311 = arith.constant 0 : i32
      %dma_start3A_312 = tpu.memref_slice %arg22[%add3A_266, %dma_start3A_311] : memref<10240x128xf32, #tpu.memory_space<vmem_shared>> -> memref<40x128xf32, #tpu.memory_space<vmem_shared>>
      tpu.enqueue_dma source(%dma_start3A_312 : memref<40x128xf32, #tpu.memory_space<vmem_shared>>) target(%arg16 : memref<40x128xf32, #tpu.memory_space<vmem>>) target_semaphore(%run_scoped3A : memref<!tpu.dma_semaphore, #tpu.memory_space<semaphore_mem>>)
      %dma_wait3A = arith.constant 0 : i32
      %dma_wait3A_313 = tpu.memref_slice %arg22[%add3A_266, %dma_wait3A] : memref<10240x128xf32, #tpu.memory_space<vmem_shared>> -> memref<40x128xf32, #tpu.memory_space<vmem_shared>>
      %dma_wait3A_314 = arith.constant 0 : i32
      %dma_wait3A_315 = tpu.memref_slice %arg22[%add3A_266, %dma_wait3A_314] : memref<10240x128xf32, #tpu.memory_space<vmem_shared>> -> memref<40x128xf32, #tpu.memory_space<vmem_shared>>
      tpu.wait_dma2 semaphore(%run_scoped3A : memref<!tpu.dma_semaphore, #tpu.memory_space<semaphore_mem>>) src(%dma_wait3A_315 : memref<40x128xf32, #tpu.memory_space<vmem_shared>>) dst(%arg16 : memref<40x128xf32, #tpu.memory_space<vmem>>)
      tpu.yield
    }) : () -> ()
    %mul3A_267 = arith.constant 10240 : i32
    %mul3A_268 = arith.muli %arg0, %mul3A_267 : i32
    %add3A_269 = arith.addi %mul3A_268, %add3A_266 : i32
    "tpu.region"() ({
      %run_scoped3A = tpu.sem_alloc : memref<!tpu.dma_semaphore, #tpu.memory_space<semaphore_mem>>
      %dma_start3A = arith.constant 0 : i32
      %dma_start3A_310 = tpu.memref_slice %arg8[%add3A_269, %dma_start3A] : memref<20480x128xf32, #tpu.memory_space<hbm>> -> memref<40x128xf32, #tpu.memory_space<hbm>>
      %dma_start3A_311 = arith.constant 0 : i32
      %dma_start3A_312 = tpu.memref_slice %arg8[%add3A_269, %dma_start3A_311] : memref<20480x128xf32, #tpu.memory_space<hbm>> -> memref<40x128xf32, #tpu.memory_space<hbm>>
      tpu.enqueue_dma source(%arg16 : memref<40x128xf32, #tpu.memory_space<vmem>>) target(%dma_start3A_312 : memref<40x128xf32, #tpu.memory_space<hbm>>) target_semaphore(%run_scoped3A : memref<!tpu.dma_semaphore, #tpu.memory_space<semaphore_mem>>)
      %dma_wait3A = arith.constant 0 : i32
      %dma_wait3A_313 = tpu.memref_slice %arg8[%add3A_269, %dma_wait3A] : memref<20480x128xf32, #tpu.memory_space<hbm>> -> memref<40x128xf32, #tpu.memory_space<hbm>>
      %dma_wait3A_314 = arith.constant 0 : i32
      %dma_wait3A_315 = tpu.memref_slice %arg8[%add3A_269, %dma_wait3A_314] : memref<20480x128xf32, #tpu.memory_space<hbm>> -> memref<40x128xf32, #tpu.memory_space<hbm>>
      tpu.wait_dma2 semaphore(%run_scoped3A : memref<!tpu.dma_semaphore, #tpu.memory_space<semaphore_mem>>) src(%arg16 : memref<40x128xf32, #tpu.memory_space<vmem>>) dst(%dma_wait3A_315 : memref<40x128xf32, #tpu.memory_space<hbm>>)
      tpu.yield
    }) : () -> ()
    %mul3A_270 = arith.constant 640 : i32
    %mul3A_271 = arith.muli %arg1, %mul3A_270 : i32
    %add3A_272 = arith.constant 440 : i32
    %add3A_273 = arith.addi %mul3A_271, %add3A_272 : i32
    "tpu.region"() ({
      %run_scoped3A = tpu.sem_alloc : memref<!tpu.dma_semaphore, #tpu.memory_space<semaphore_mem>>
      %dma_start3A = arith.constant 0 : i32
      %dma_start3A_310 = tpu.memref_slice %arg22[%add3A_273, %dma_start3A] : memref<10240x128xf32, #tpu.memory_space<vmem_shared>> -> memref<40x128xf32, #tpu.memory_space<vmem_shared>>
      %dma_start3A_311 = arith.constant 0 : i32
      %dma_start3A_312 = tpu.memref_slice %arg22[%add3A_273, %dma_start3A_311] : memref<10240x128xf32, #tpu.memory_space<vmem_shared>> -> memref<40x128xf32, #tpu.memory_space<vmem_shared>>
      tpu.enqueue_dma source(%dma_start3A_312 : memref<40x128xf32, #tpu.memory_space<vmem_shared>>) target(%arg16 : memref<40x128xf32, #tpu.memory_space<vmem>>) target_semaphore(%run_scoped3A : memref<!tpu.dma_semaphore, #tpu.memory_space<semaphore_mem>>)
      %dma_wait3A = arith.constant 0 : i32
      %dma_wait3A_313 = tpu.memref_slice %arg22[%add3A_273, %dma_wait3A] : memref<10240x128xf32, #tpu.memory_space<vmem_shared>> -> memref<40x128xf32, #tpu.memory_space<vmem_shared>>
      %dma_wait3A_314 = arith.constant 0 : i32
      %dma_wait3A_315 = tpu.memref_slice %arg22[%add3A_273, %dma_wait3A_314] : memref<10240x128xf32, #tpu.memory_space<vmem_shared>> -> memref<40x128xf32, #tpu.memory_space<vmem_shared>>
      tpu.wait_dma2 semaphore(%run_scoped3A : memref<!tpu.dma_semaphore, #tpu.memory_space<semaphore_mem>>) src(%dma_wait3A_315 : memref<40x128xf32, #tpu.memory_space<vmem_shared>>) dst(%arg16 : memref<40x128xf32, #tpu.memory_space<vmem>>)
      tpu.yield
    }) : () -> ()
    %mul3A_274 = arith.constant 10240 : i32
    %mul3A_275 = arith.muli %arg0, %mul3A_274 : i32
    %add3A_276 = arith.addi %mul3A_275, %add3A_273 : i32
    "tpu.region"() ({
      %run_scoped3A = tpu.sem_alloc : memref<!tpu.dma_semaphore, #tpu.memory_space<semaphore_mem>>
      %dma_start3A = arith.constant 0 : i32
      %dma_start3A_310 = tpu.memref_slice %arg8[%add3A_276, %dma_start3A] : memref<20480x128xf32, #tpu.memory_space<hbm>> -> memref<40x128xf32, #tpu.memory_space<hbm>>
      %dma_start3A_311 = arith.constant 0 : i32
      %dma_start3A_312 = tpu.memref_slice %arg8[%add3A_276, %dma_start3A_311] : memref<20480x128xf32, #tpu.memory_space<hbm>> -> memref<40x128xf32, #tpu.memory_space<hbm>>
      tpu.enqueue_dma source(%arg16 : memref<40x128xf32, #tpu.memory_space<vmem>>) target(%dma_start3A_312 : memref<40x128xf32, #tpu.memory_space<hbm>>) target_semaphore(%run_scoped3A : memref<!tpu.dma_semaphore, #tpu.memory_space<semaphore_mem>>)
      %dma_wait3A = arith.constant 0 : i32
      %dma_wait3A_313 = tpu.memref_slice %arg8[%add3A_276, %dma_wait3A] : memref<20480x128xf32, #tpu.memory_space<hbm>> -> memref<40x128xf32, #tpu.memory_space<hbm>>
      %dma_wait3A_314 = arith.constant 0 : i32
      %dma_wait3A_315 = tpu.memref_slice %arg8[%add3A_276, %dma_wait3A_314] : memref<20480x128xf32, #tpu.memory_space<hbm>> -> memref<40x128xf32, #tpu.memory_space<hbm>>
      tpu.wait_dma2 semaphore(%run_scoped3A : memref<!tpu.dma_semaphore, #tpu.memory_space<semaphore_mem>>) src(%arg16 : memref<40x128xf32, #tpu.memory_space<vmem>>) dst(%dma_wait3A_315 : memref<40x128xf32, #tpu.memory_space<hbm>>)
      tpu.yield
    }) : () -> ()
    %mul3A_277 = arith.constant 640 : i32
    %mul3A_278 = arith.muli %arg1, %mul3A_277 : i32
    %add3A_279 = arith.constant 480 : i32
    %add3A_280 = arith.addi %mul3A_278, %add3A_279 : i32
    "tpu.region"() ({
      %run_scoped3A = tpu.sem_alloc : memref<!tpu.dma_semaphore, #tpu.memory_space<semaphore_mem>>
      %dma_start3A = arith.constant 0 : i32
      %dma_start3A_310 = tpu.memref_slice %arg22[%add3A_280, %dma_start3A] : memref<10240x128xf32, #tpu.memory_space<vmem_shared>> -> memref<40x128xf32, #tpu.memory_space<vmem_shared>>
      %dma_start3A_311 = arith.constant 0 : i32
      %dma_start3A_312 = tpu.memref_slice %arg22[%add3A_280, %dma_start3A_311] : memref<10240x128xf32, #tpu.memory_space<vmem_shared>> -> memref<40x128xf32, #tpu.memory_space<vmem_shared>>
      tpu.enqueue_dma source(%dma_start3A_312 : memref<40x128xf32, #tpu.memory_space<vmem_shared>>) target(%arg16 : memref<40x128xf32, #tpu.memory_space<vmem>>) target_semaphore(%run_scoped3A : memref<!tpu.dma_semaphore, #tpu.memory_space<semaphore_mem>>)
      %dma_wait3A = arith.constant 0 : i32
      %dma_wait3A_313 = tpu.memref_slice %arg22[%add3A_280, %dma_wait3A] : memref<10240x128xf32, #tpu.memory_space<vmem_shared>> -> memref<40x128xf32, #tpu.memory_space<vmem_shared>>
      %dma_wait3A_314 = arith.constant 0 : i32
      %dma_wait3A_315 = tpu.memref_slice %arg22[%add3A_280, %dma_wait3A_314] : memref<10240x128xf32, #tpu.memory_space<vmem_shared>> -> memref<40x128xf32, #tpu.memory_space<vmem_shared>>
      tpu.wait_dma2 semaphore(%run_scoped3A : memref<!tpu.dma_semaphore, #tpu.memory_space<semaphore_mem>>) src(%dma_wait3A_315 : memref<40x128xf32, #tpu.memory_space<vmem_shared>>) dst(%arg16 : memref<40x128xf32, #tpu.memory_space<vmem>>)
      tpu.yield
    }) : () -> ()
    %mul3A_281 = arith.constant 10240 : i32
    %mul3A_282 = arith.muli %arg0, %mul3A_281 : i32
    %add3A_283 = arith.addi %mul3A_282, %add3A_280 : i32
    "tpu.region"() ({
      %run_scoped3A = tpu.sem_alloc : memref<!tpu.dma_semaphore, #tpu.memory_space<semaphore_mem>>
      %dma_start3A = arith.constant 0 : i32
      %dma_start3A_310 = tpu.memref_slice %arg8[%add3A_283, %dma_start3A] : memref<20480x128xf32, #tpu.memory_space<hbm>> -> memref<40x128xf32, #tpu.memory_space<hbm>>
      %dma_start3A_311 = arith.constant 0 : i32
      %dma_start3A_312 = tpu.memref_slice %arg8[%add3A_283, %dma_start3A_311] : memref<20480x128xf32, #tpu.memory_space<hbm>> -> memref<40x128xf32, #tpu.memory_space<hbm>>
      tpu.enqueue_dma source(%arg16 : memref<40x128xf32, #tpu.memory_space<vmem>>) target(%dma_start3A_312 : memref<40x128xf32, #tpu.memory_space<hbm>>) target_semaphore(%run_scoped3A : memref<!tpu.dma_semaphore, #tpu.memory_space<semaphore_mem>>)
      %dma_wait3A = arith.constant 0 : i32
      %dma_wait3A_313 = tpu.memref_slice %arg8[%add3A_283, %dma_wait3A] : memref<20480x128xf32, #tpu.memory_space<hbm>> -> memref<40x128xf32, #tpu.memory_space<hbm>>
      %dma_wait3A_314 = arith.constant 0 : i32
      %dma_wait3A_315 = tpu.memref_slice %arg8[%add3A_283, %dma_wait3A_314] : memref<20480x128xf32, #tpu.memory_space<hbm>> -> memref<40x128xf32, #tpu.memory_space<hbm>>
      tpu.wait_dma2 semaphore(%run_scoped3A : memref<!tpu.dma_semaphore, #tpu.memory_space<semaphore_mem>>) src(%arg16 : memref<40x128xf32, #tpu.memory_space<vmem>>) dst(%dma_wait3A_315 : memref<40x128xf32, #tpu.memory_space<hbm>>)
      tpu.yield
    }) : () -> ()
    %mul3A_284 = arith.constant 640 : i32
    %mul3A_285 = arith.muli %arg1, %mul3A_284 : i32
    %add3A_286 = arith.constant 520 : i32
    %add3A_287 = arith.addi %mul3A_285, %add3A_286 : i32
    "tpu.region"() ({
      %run_scoped3A = tpu.sem_alloc : memref<!tpu.dma_semaphore, #tpu.memory_space<semaphore_mem>>
      %dma_start3A = arith.constant 0 : i32
      %dma_start3A_310 = tpu.memref_slice %arg22[%add3A_287, %dma_start3A] : memref<10240x128xf32, #tpu.memory_space<vmem_shared>> -> memref<40x128xf32, #tpu.memory_space<vmem_shared>>
      %dma_start3A_311 = arith.constant 0 : i32
      %dma_start3A_312 = tpu.memref_slice %arg22[%add3A_287, %dma_start3A_311] : memref<10240x128xf32, #tpu.memory_space<vmem_shared>> -> memref<40x128xf32, #tpu.memory_space<vmem_shared>>
      tpu.enqueue_dma source(%dma_start3A_312 : memref<40x128xf32, #tpu.memory_space<vmem_shared>>) target(%arg16 : memref<40x128xf32, #tpu.memory_space<vmem>>) target_semaphore(%run_scoped3A : memref<!tpu.dma_semaphore, #tpu.memory_space<semaphore_mem>>)
      %dma_wait3A = arith.constant 0 : i32
      %dma_wait3A_313 = tpu.memref_slice %arg22[%add3A_287, %dma_wait3A] : memref<10240x128xf32, #tpu.memory_space<vmem_shared>> -> memref<40x128xf32, #tpu.memory_space<vmem_shared>>
      %dma_wait3A_314 = arith.constant 0 : i32
      %dma_wait3A_315 = tpu.memref_slice %arg22[%add3A_287, %dma_wait3A_314] : memref<10240x128xf32, #tpu.memory_space<vmem_shared>> -> memref<40x128xf32, #tpu.memory_space<vmem_shared>>
      tpu.wait_dma2 semaphore(%run_scoped3A : memref<!tpu.dma_semaphore, #tpu.memory_space<semaphore_mem>>) src(%dma_wait3A_315 : memref<40x128xf32, #tpu.memory_space<vmem_shared>>) dst(%arg16 : memref<40x128xf32, #tpu.memory_space<vmem>>)
      tpu.yield
    }) : () -> ()
    %mul3A_288 = arith.constant 10240 : i32
    %mul3A_289 = arith.muli %arg0, %mul3A_288 : i32
    %add3A_290 = arith.addi %mul3A_289, %add3A_287 : i32
    "tpu.region"() ({
      %run_scoped3A = tpu.sem_alloc : memref<!tpu.dma_semaphore, #tpu.memory_space<semaphore_mem>>
      %dma_start3A = arith.constant 0 : i32
      %dma_start3A_310 = tpu.memref_slice %arg8[%add3A_290, %dma_start3A] : memref<20480x128xf32, #tpu.memory_space<hbm>> -> memref<40x128xf32, #tpu.memory_space<hbm>>
      %dma_start3A_311 = arith.constant 0 : i32
      %dma_start3A_312 = tpu.memref_slice %arg8[%add3A_290, %dma_start3A_311] : memref<20480x128xf32, #tpu.memory_space<hbm>> -> memref<40x128xf32, #tpu.memory_space<hbm>>
      tpu.enqueue_dma source(%arg16 : memref<40x128xf32, #tpu.memory_space<vmem>>) target(%dma_start3A_312 : memref<40x128xf32, #tpu.memory_space<hbm>>) target_semaphore(%run_scoped3A : memref<!tpu.dma_semaphore, #tpu.memory_space<semaphore_mem>>)
      %dma_wait3A = arith.constant 0 : i32
      %dma_wait3A_313 = tpu.memref_slice %arg8[%add3A_290, %dma_wait3A] : memref<20480x128xf32, #tpu.memory_space<hbm>> -> memref<40x128xf32, #tpu.memory_space<hbm>>
      %dma_wait3A_314 = arith.constant 0 : i32
      %dma_wait3A_315 = tpu.memref_slice %arg8[%add3A_290, %dma_wait3A_314] : memref<20480x128xf32, #tpu.memory_space<hbm>> -> memref<40x128xf32, #tpu.memory_space<hbm>>
      tpu.wait_dma2 semaphore(%run_scoped3A : memref<!tpu.dma_semaphore, #tpu.memory_space<semaphore_mem>>) src(%arg16 : memref<40x128xf32, #tpu.memory_space<vmem>>) dst(%dma_wait3A_315 : memref<40x128xf32, #tpu.memory_space<hbm>>)
      tpu.yield
    }) : () -> ()
    %mul3A_291 = arith.constant 640 : i32
    %mul3A_292 = arith.muli %arg1, %mul3A_291 : i32
    %add3A_293 = arith.constant 560 : i32
    %add3A_294 = arith.addi %mul3A_292, %add3A_293 : i32
    "tpu.region"() ({
      %run_scoped3A = tpu.sem_alloc : memref<!tpu.dma_semaphore, #tpu.memory_space<semaphore_mem>>
      %dma_start3A = arith.constant 0 : i32
      %dma_start3A_310 = tpu.memref_slice %arg22[%add3A_294, %dma_start3A] : memref<10240x128xf32, #tpu.memory_space<vmem_shared>> -> memref<40x128xf32, #tpu.memory_space<vmem_shared>>
      %dma_start3A_311 = arith.constant 0 : i32
      %dma_start3A_312 = tpu.memref_slice %arg22[%add3A_294, %dma_start3A_311] : memref<10240x128xf32, #tpu.memory_space<vmem_shared>> -> memref<40x128xf32, #tpu.memory_space<vmem_shared>>
      tpu.enqueue_dma source(%dma_start3A_312 : memref<40x128xf32, #tpu.memory_space<vmem_shared>>) target(%arg16 : memref<40x128xf32, #tpu.memory_space<vmem>>) target_semaphore(%run_scoped3A : memref<!tpu.dma_semaphore, #tpu.memory_space<semaphore_mem>>)
      %dma_wait3A = arith.constant 0 : i32
      %dma_wait3A_313 = tpu.memref_slice %arg22[%add3A_294, %dma_wait3A] : memref<10240x128xf32, #tpu.memory_space<vmem_shared>> -> memref<40x128xf32, #tpu.memory_space<vmem_shared>>
      %dma_wait3A_314 = arith.constant 0 : i32
      %dma_wait3A_315 = tpu.memref_slice %arg22[%add3A_294, %dma_wait3A_314] : memref<10240x128xf32, #tpu.memory_space<vmem_shared>> -> memref<40x128xf32, #tpu.memory_space<vmem_shared>>
      tpu.wait_dma2 semaphore(%run_scoped3A : memref<!tpu.dma_semaphore, #tpu.memory_space<semaphore_mem>>) src(%dma_wait3A_315 : memref<40x128xf32, #tpu.memory_space<vmem_shared>>) dst(%arg16 : memref<40x128xf32, #tpu.memory_space<vmem>>)
      tpu.yield
    }) : () -> ()
    %mul3A_295 = arith.constant 10240 : i32
    %mul3A_296 = arith.muli %arg0, %mul3A_295 : i32
    %add3A_297 = arith.addi %mul3A_296, %add3A_294 : i32
    "tpu.region"() ({
      %run_scoped3A = tpu.sem_alloc : memref<!tpu.dma_semaphore, #tpu.memory_space<semaphore_mem>>
      %dma_start3A = arith.constant 0 : i32
      %dma_start3A_310 = tpu.memref_slice %arg8[%add3A_297, %dma_start3A] : memref<20480x128xf32, #tpu.memory_space<hbm>> -> memref<40x128xf32, #tpu.memory_space<hbm>>
      %dma_start3A_311 = arith.constant 0 : i32
      %dma_start3A_312 = tpu.memref_slice %arg8[%add3A_297, %dma_start3A_311] : memref<20480x128xf32, #tpu.memory_space<hbm>> -> memref<40x128xf32, #tpu.memory_space<hbm>>
      tpu.enqueue_dma source(%arg16 : memref<40x128xf32, #tpu.memory_space<vmem>>) target(%dma_start3A_312 : memref<40x128xf32, #tpu.memory_space<hbm>>) target_semaphore(%run_scoped3A : memref<!tpu.dma_semaphore, #tpu.memory_space<semaphore_mem>>)
      %dma_wait3A = arith.constant 0 : i32
      %dma_wait3A_313 = tpu.memref_slice %arg8[%add3A_297, %dma_wait3A] : memref<20480x128xf32, #tpu.memory_space<hbm>> -> memref<40x128xf32, #tpu.memory_space<hbm>>
      %dma_wait3A_314 = arith.constant 0 : i32
      %dma_wait3A_315 = tpu.memref_slice %arg8[%add3A_297, %dma_wait3A_314] : memref<20480x128xf32, #tpu.memory_space<hbm>> -> memref<40x128xf32, #tpu.memory_space<hbm>>
      tpu.wait_dma2 semaphore(%run_scoped3A : memref<!tpu.dma_semaphore, #tpu.memory_space<semaphore_mem>>) src(%arg16 : memref<40x128xf32, #tpu.memory_space<vmem>>) dst(%dma_wait3A_315 : memref<40x128xf32, #tpu.memory_space<hbm>>)
      tpu.yield
    }) : () -> ()
    %mul3A_298 = arith.constant 640 : i32
    %mul3A_299 = arith.muli %arg1, %mul3A_298 : i32
    %add3A_300 = arith.constant 600 : i32
    %add3A_301 = arith.addi %mul3A_299, %add3A_300 : i32
    "tpu.region"() ({
      %run_scoped3A = tpu.sem_alloc : memref<!tpu.dma_semaphore, #tpu.memory_space<semaphore_mem>>
      %dma_start3A = arith.constant 0 : i32
      %dma_start3A_310 = tpu.memref_slice %arg22[%add3A_301, %dma_start3A] : memref<10240x128xf32, #tpu.memory_space<vmem_shared>> -> memref<40x128xf32, #tpu.memory_space<vmem_shared>>
      %dma_start3A_311 = arith.constant 0 : i32
      %dma_start3A_312 = tpu.memref_slice %arg22[%add3A_301, %dma_start3A_311] : memref<10240x128xf32, #tpu.memory_space<vmem_shared>> -> memref<40x128xf32, #tpu.memory_space<vmem_shared>>
      tpu.enqueue_dma source(%dma_start3A_312 : memref<40x128xf32, #tpu.memory_space<vmem_shared>>) target(%arg16 : memref<40x128xf32, #tpu.memory_space<vmem>>) target_semaphore(%run_scoped3A : memref<!tpu.dma_semaphore, #tpu.memory_space<semaphore_mem>>)
      %dma_wait3A = arith.constant 0 : i32
      %dma_wait3A_313 = tpu.memref_slice %arg22[%add3A_301, %dma_wait3A] : memref<10240x128xf32, #tpu.memory_space<vmem_shared>> -> memref<40x128xf32, #tpu.memory_space<vmem_shared>>
      %dma_wait3A_314 = arith.constant 0 : i32
      %dma_wait3A_315 = tpu.memref_slice %arg22[%add3A_301, %dma_wait3A_314] : memref<10240x128xf32, #tpu.memory_space<vmem_shared>> -> memref<40x128xf32, #tpu.memory_space<vmem_shared>>
      tpu.wait_dma2 semaphore(%run_scoped3A : memref<!tpu.dma_semaphore, #tpu.memory_space<semaphore_mem>>) src(%dma_wait3A_315 : memref<40x128xf32, #tpu.memory_space<vmem_shared>>) dst(%arg16 : memref<40x128xf32, #tpu.memory_space<vmem>>)
      tpu.yield
    }) : () -> ()
    %mul3A_302 = arith.constant 10240 : i32
    %mul3A_303 = arith.muli %arg0, %mul3A_302 : i32
    %add3A_304 = arith.addi %mul3A_303, %add3A_301 : i32
    "tpu.region"() ({
      %run_scoped3A = tpu.sem_alloc : memref<!tpu.dma_semaphore, #tpu.memory_space<semaphore_mem>>
      %dma_start3A = arith.constant 0 : i32
      %dma_start3A_310 = tpu.memref_slice %arg8[%add3A_304, %dma_start3A] : memref<20480x128xf32, #tpu.memory_space<hbm>> -> memref<40x128xf32, #tpu.memory_space<hbm>>
      %dma_start3A_311 = arith.constant 0 : i32
      %dma_start3A_312 = tpu.memref_slice %arg8[%add3A_304, %dma_start3A_311] : memref<20480x128xf32, #tpu.memory_space<hbm>> -> memref<40x128xf32, #tpu.memory_space<hbm>>
      tpu.enqueue_dma source(%arg16 : memref<40x128xf32, #tpu.memory_space<vmem>>) target(%dma_start3A_312 : memref<40x128xf32, #tpu.memory_space<hbm>>) target_semaphore(%run_scoped3A : memref<!tpu.dma_semaphore, #tpu.memory_space<semaphore_mem>>)
      %dma_wait3A = arith.constant 0 : i32
      %dma_wait3A_313 = tpu.memref_slice %arg8[%add3A_304, %dma_wait3A] : memref<20480x128xf32, #tpu.memory_space<hbm>> -> memref<40x128xf32, #tpu.memory_space<hbm>>
      %dma_wait3A_314 = arith.constant 0 : i32
      %dma_wait3A_315 = tpu.memref_slice %arg8[%add3A_304, %dma_wait3A_314] : memref<20480x128xf32, #tpu.memory_space<hbm>> -> memref<40x128xf32, #tpu.memory_space<hbm>>
      tpu.wait_dma2 semaphore(%run_scoped3A : memref<!tpu.dma_semaphore, #tpu.memory_space<semaphore_mem>>) src(%arg16 : memref<40x128xf32, #tpu.memory_space<vmem>>) dst(%dma_wait3A_315 : memref<40x128xf32, #tpu.memory_space<hbm>>)
      tpu.yield
    }) : () -> ()
    %mul3A_305 = arith.constant 16 : i32
    %mul3A_306 = arith.muli %arg0, %mul3A_305 : i32
    %add3A_307 = arith.addi %mul3A_306, %arg1 : i32
    %mul3A_308 = arith.constant 10240 : i32
    %mul3A_309 = arith.muli %add3A_307, %mul3A_308 : i32
    "tpu.region"() ({
      %run_scoped3A = tpu.sem_alloc : memref<!tpu.dma_semaphore, #tpu.memory_space<semaphore_mem>>
      %dma_start3A = tpu.memref_slice %arg9[%mul3A_309] : memref<327680xf32, #tpu.memory_space<hbm>> -> memref<10240xf32, #tpu.memory_space<hbm>>
      %dma_start3A_310 = tpu.memref_slice %arg9[%mul3A_309] : memref<327680xf32, #tpu.memory_space<hbm>> -> memref<10240xf32, #tpu.memory_space<hbm>>
      tpu.enqueue_dma source(%arg17 : memref<10240xf32, #tpu.memory_space<vmem>>) target(%dma_start3A_310 : memref<10240xf32, #tpu.memory_space<hbm>>) target_semaphore(%run_scoped3A : memref<!tpu.dma_semaphore, #tpu.memory_space<semaphore_mem>>)
      %dma_wait3A = tpu.memref_slice %arg9[%mul3A_309] : memref<327680xf32, #tpu.memory_space<hbm>> -> memref<10240xf32, #tpu.memory_space<hbm>>
      %dma_wait3A_311 = tpu.memref_slice %arg9[%mul3A_309] : memref<327680xf32, #tpu.memory_space<hbm>> -> memref<10240xf32, #tpu.memory_space<hbm>>
      tpu.wait_dma2 semaphore(%run_scoped3A : memref<!tpu.dma_semaphore, #tpu.memory_space<semaphore_mem>>) src(%arg17 : memref<10240xf32, #tpu.memory_space<vmem>>) dst(%dma_wait3A_311 : memref<10240xf32, #tpu.memory_space<hbm>>)
      tpu.yield
    }) : () -> ()
    return
  }
}

module attributes {stable_mosaic.version = 14 : i64} {
  func.func @_proj_kernel(%arg0: i32, %arg1: i32, %arg2: memref<1000x128xf32, #tpu.memory_space<vmem>>, %arg3: memref<1x128x512xf32, #tpu.memory_space<vmem>>, %arg4: memref<1x1000x512xf32, #tpu.memory_space<vmem>>) attributes {dimension_semantics = [#tpu.dimension_semantics<arbitrary>, #tpu.dimension_semantics<arbitrary>], iteration_bounds = array<i64: 2, 10>, scalar_prefetch = 0 : i64, scratch_operands = 0 : i64, tpu.core_type = #tpu.core_type<tc>, window_params = [{transform_indices = @transform_0, window_bounds = array<i64: 1000, 128>}, {transform_indices = @transform_1, window_bounds = array<i64: 1, 128, 512>}, {transform_indices = @transform_2, window_bounds = array<i64: 1, 1000, 512>}]} {
    %get3A = arith.constant 0 : index
    %get3A_0 = arith.constant 0 : index
    %get3A_1 = vector.load %arg2[%get3A, %get3A_0] : memref<1000x128xf32, #tpu.memory_space<vmem>>, vector<1000x128xf32>
    %get3A_2 = arith.constant 0 : index
    %get3A_3 = arith.constant 0 : index
    %get3A_4 = arith.constant 0 : index
    %get3A_5 = vector.load %arg3[%get3A_2, %get3A_3, %get3A_4] : memref<1x128x512xf32, #tpu.memory_space<vmem>>, vector<1x128x512xf32>
    %get3A_6 = vector.shape_cast %get3A_5 : vector<1x128x512xf32> to vector<128x512xf32>
    %dot_general3A = arith.constant dense<0.000000e+00> : vector<1000x512xf32>
    %dot_general3A_7 = tpu.matmul %get3A_1, %get3A_6, %dot_general3A {dimension_numbers = #tpu.dot_dimension_numbers<[1], [0], [0], [1], [0, 0, 1, 1], [], []>, transpose_lhs_hint = false} : vector<1000x128xf32>, vector<128x512xf32>, vector<1000x512xf32> -> vector<1000x512xf32>
    %swap3A = arith.constant 0 : index
    %swap3A_8 = arith.constant 0 : index
    %swap3A_9 = arith.constant 0 : index
    %swap3A_10 = vector.load %arg4[%swap3A, %swap3A_8, %swap3A_9] : memref<1x1000x512xf32, #tpu.memory_space<vmem>>, vector<1x1000x512xf32>
    %swap3A_11 = vector.shape_cast %swap3A_10 : vector<1x1000x512xf32> to vector<1000x512xf32>
    %swap3A_12 = vector.shape_cast %dot_general3A_7 : vector<1000x512xf32> to vector<1x1000x512xf32>
    tpu.vector_store %arg4[%swap3A, %swap3A_8, %swap3A_9], %swap3A_12 {strides = array<i32>} : memref<1x1000x512xf32, #tpu.memory_space<vmem>>, vector<1x1000x512xf32>,
    return
  }
  func.func @transform_0(%arg0: i32, %arg1: i32) -> (i32, i32) {
    %c0_i32 = arith.constant 0 : i32
    %c0_i32_0 = arith.constant 0 : i32
    return %arg1, %c0_i32 : i32, i32
  }
  func.func @transform_1(%arg0: i32, %arg1: i32) -> (i32, i32, i32) {
    %c0_i32 = arith.constant 0 : i32
    %c0_i32_0 = arith.constant 0 : i32
    %c0_i32_1 = arith.constant 0 : i32
    return %arg0, %c0_i32, %c0_i32_0 : i32, i32, i32
  }
  func.func @transform_2(%arg0: i32, %arg1: i32) -> (i32, i32, i32) {
    %c0_i32 = arith.constant 0 : i32
    %c0_i32_0 = arith.constant 0 : i32
    return %arg0, %arg1, %c0_i32 : i32, i32, i32
  }
}

module attributes {stable_mosaic.version = 14 : i64} {
  func.func @_mean_kernel(%arg0: i32, %arg1: memref<1x2048x128xf32, #tpu.memory_space<vmem>>, %arg2: memref<1x2048x128xf32, #tpu.memory_space<vmem>>, %arg3: memref<32x2048xf32, #tpu.memory_space<vmem>>, %arg4: memref<2048x256xf32, #tpu.memory_space<vmem>>) attributes {dimension_semantics = [#tpu.dimension_semantics<arbitrary>], iteration_bounds = array<i64: 5>, scalar_prefetch = 0 : i64, scratch_operands = 0 : i64, tpu.core_type = #tpu.core_type<tc>, window_params = [{transform_indices = @transform_0, window_bounds = array<i64: 1, 2048, 128>}, {transform_indices = @transform_1, window_bounds = array<i64: 1, 2048, 128>}, {transform_indices = @transform_2, window_bounds = array<i64: 32, 2048>}, {transform_indices = @transform_3, window_bounds = array<i64: 2048, 256>}]} {
    %get3A = arith.constant 0 : index
    %get3A_0 = arith.constant 0 : index
    %get3A_1 = vector.load %arg3[%get3A, %get3A_0] : memref<32x2048xf32, #tpu.memory_space<vmem>>, vector<16x2048xf32>
    %reduce_sum3A = arith.constant dense<0.000000e+00> : vector<2048xf32>
    %reduce_sum3A_2 = vector.multi_reduction <add>, %get3A_1, %reduce_sum3A [0] : vector<16x2048xf32> to vector<2048xf32>
    %max3A = arith.constant 1.000000e+00 : f32
    %max3A_3 = vector.broadcast %max3A : f32 to vector<2048xf32>
    %max3A_4 = arith.maximumf %reduce_sum3A_2, %max3A_3 : vector<2048xf32>
    %div3A = arith.constant 1.000000e+00 : f32
    %div3A_5 = vector.broadcast %div3A : f32 to vector<2048xf32>
    %div3A_6 = arith.divf %div3A_5, %max3A_4 : vector<2048xf32>
    %get3A_7 = arith.constant 0 : index
    %get3A_8 = arith.constant 0 : index
    %get3A_9 = arith.constant 0 : index
    %get3A_10 = vector.load %arg1[%get3A_7, %get3A_8, %get3A_9] : memref<1x2048x128xf32, #tpu.memory_space<vmem>>, vector<1x2048x128xf32>
    %get3A_11 = vector.shape_cast %get3A_10 : vector<1x2048x128xf32> to vector<2048x128xf32>
    %max3A_12 = arith.constant 0.000000e+00 : f32
    %max3A_13 = vector.broadcast %max3A_12 : f32 to vector<2048x128xf32>
    %max3A_14 = arith.maximumf %get3A_11, %max3A_13 : vector<2048x128xf32>
    %broadcast_in_dim3A = vector.shape_cast %div3A_6 : vector<2048xf32> to vector<2048x1xf32>
    %mul3A = vector.broadcast %broadcast_in_dim3A : vector<2048x1xf32> to vector<2048x128xf32>
    %mul3A_15 = arith.mulf %max3A_14, %mul3A : vector<2048x128xf32>
    %swap3A = arith.constant 0 : index
    %swap3A_16 = arith.constant 0 : index
    %swap3A_17 = vector.load %arg4[%swap3A, %swap3A_16] : memref<2048x256xf32, #tpu.memory_space<vmem>>, vector<2048x128xf32>
    tpu.vector_store %arg4[%swap3A, %swap3A_16], %mul3A_15 {strides = array<i32>} : memref<2048x256xf32, #tpu.memory_space<vmem>>, vector<2048x128xf32>,
    %get3A_18 = arith.constant 0 : index
    %get3A_19 = arith.constant 0 : index
    %get3A_20 = arith.constant 0 : index
    %get3A_21 = vector.load %arg2[%get3A_18, %get3A_19, %get3A_20] : memref<1x2048x128xf32, #tpu.memory_space<vmem>>, vector<1x2048x128xf32>
    %get3A_22 = vector.shape_cast %get3A_21 : vector<1x2048x128xf32> to vector<2048x128xf32>
    %max3A_23 = arith.constant 0.000000e+00 : f32
    %max3A_24 = vector.broadcast %max3A_23 : f32 to vector<2048x128xf32>
    %max3A_25 = arith.maximumf %get3A_22, %max3A_24 : vector<2048x128xf32>
    %broadcast_in_dim3A_26 = vector.shape_cast %div3A_6 : vector<2048xf32> to vector<2048x1xf32>
    %mul3A_27 = vector.broadcast %broadcast_in_dim3A_26 : vector<2048x1xf32> to vector<2048x128xf32>
    %mul3A_28 = arith.mulf %max3A_25, %mul3A_27 : vector<2048x128xf32>
    %swap3A_29 = arith.constant 0 : index
    %swap3A_30 = arith.constant 128 : index
    %swap3A_31 = vector.load %arg4[%swap3A_29, %swap3A_30] : memref<2048x256xf32, #tpu.memory_space<vmem>>, vector<2048x128xf32>
    tpu.vector_store %arg4[%swap3A_29, %swap3A_30], %mul3A_28 {strides = array<i32>} : memref<2048x256xf32, #tpu.memory_space<vmem>>, vector<2048x128xf32>,
    return
  }
  func.func @transform_0(%arg0: i32) -> (i32, i32, i32) {
    %c0_i32 = arith.constant 0 : i32
    %c0_i32_0 = arith.constant 0 : i32
    %c0_i32_1 = arith.constant 0 : i32
    return %c0_i32, %arg0, %c0_i32_0 : i32, i32, i32
  }
  func.func @transform_1(%arg0: i32) -> (i32, i32, i32) {
    %c1_i32 = arith.constant 1 : i32
    %c0_i32 = arith.constant 0 : i32
    %c0_i32_0 = arith.constant 0 : i32
    return %c1_i32, %arg0, %c0_i32 : i32, i32, i32
  }
  func.func @transform_2(%arg0: i32) -> (i32, i32) {
    %c0_i32 = arith.constant 0 : i32
    %c0_i32_0 = arith.constant 0 : i32
    return %c0_i32, %arg0 : i32, i32
  }
  func.func @transform_3(%arg0: i32) -> (i32, i32) {
    %c0_i32 = arith.constant 0 : i32
    %c0_i32_0 = arith.constant 0 : i32
    return %arg0, %c0_i32 : i32, i32
  }
}

</mosaic_0001>

<sc_bundles>
// kernel: kernel.5.cloned.1.call-start
scs
__scs_entry_jumppad:
0x0: {  	(pc) =	sbr.rel $0x88, $3  }
0x1: {  	(tag) =	ssettag $0x0;
	lr =	simm.s32 $0x1  }
0x2: {  	[smem:$0x3F9C] =	sst lr;
	_ =	strace $0xD0000000  }
0x3: {  	_ = 	snop  }
0x4: {  	_ = 	snop  }
0x5: {  	_ = 	snop  }
0x6: {  	_ = 	snop  }
0x7: {  	_ = 	snop  }
__scs_overlays_trampoline_lowered:
0x8: {  	[smem:$0x3FAB] =	sst s0  }
0x9: {  	[smem:$0x3FAC] =	sst s1  }
0xa: {  	[smem:$0x3FAD] =	sst s2  }
0xb: {  	[smem:$0x3FAE] =	sst s3  }
0xc: {  	[smem:$0x3FAF] =	sst s4  }
0xd: {  	[smem:$0x3FB0] =	sst s5  }
0xe: {  	[smem:$0x3FB1] =	sst s6  }
0xf: {  	[smem:$0x3FB2] =	sst s7  }
0x10: {  	[smem:$0x3FB3] =	sst s8  }
0x11: {  	[smem:$0x3FB4] =	sst s9;
	s0 =	simm.s32 @!p0 $0x0  }
0x12: {  	s1 =	sld [smem:$0x3F9A];
	s0 =	simm.s32 @p0 $0x1  }
0x13: {  	[smem:$0x3FB5] =	sst s0;
	s0 =	simm.s32 @!p1 $0x0  }
0x14: {  	s2 =	sld [smem:$0x3F99];
	s0 =	simm.s32 @p1 $0x1  }
0x15: {  	[smem:$0x3FB6] =	sst s0;
	s0 =	simm.s32 @!p2 $0x0  }
0x16: {  	s3 =	sld [smem:$0x3FDB];
	s0 =	simm.s32 @p2 $0x1  }
0x17: {  	s4 =	simm.s32 $0x1BF5;
	[smem:$0x3FB8] =	sst s0  }
0x18: {  	s0 =	sld [smem:$0x3F9B];
	_ =	swait.ge [sflag:s4], $0x0  }
0x19: {  	s7 =	sld [smem:$0x3F9C]  }
0x1a: {  	s8 =	sadd.s32 $0xFFFFE003, lr  }
0x1b: {  	s9 =	sadd.s32 $0xFFFFFEF7, lr;
	s5 =	simm.s32 $0xFFFFFFFF;
	p2 =	slt.u32 s8, $0xFFFFF086  }
0x1c: {  	p1 =	slt.u32 s9, $0xF7A;
	s5 =	simm.s32 @!p2 $0x0  }
0x1d: {  	s5 =	simm.s32 @p1 $0x1;
	p0 =	seq.s32 s7, s2  }
0x1e: {  	s7 =	smul.u32 @!p0 $0xF7A, s2;
	p2 =	seq.s32 @!p0 s5, $0x0  }
0x1f: {  	s9 =	smul.u32 $0xF7A, s1;
	s8 =	simm.s32 @!p0 $0x1BF5;
	p2 =	por !p2, p0  }
0x20: {  	[sflag:s8] =	ssyncset.s32 @!p0 $0xFFFFF086;
	s6 =	sadd.s32 @!p0 s3, s7;
	s7 =	simm.s32 @!p0 $0x108  }
0x21: {  	s3 =	sadd.s32 s3, s9;
	s6 =	sadd.s32 @!p0 $0x88, s6;
	s7 =	simm.s32 @p2 $0x1082  }
0x22: {  	[simem:s7], [sflag:s8] =	dma.local @!p0 [hbm:s6], $0xF7A  }
0x23: {  	s9 =	sor.u32 $0xD0000000, s2;
	s6 =	simm.s32 $0x108;
	_ =	swait.ge @!p0 [sflag:s8], $0x0  }
0x24: {  	s3 =	sadd.s32 $0x88, s3;
	s6 =	simm.s32 @!p1 $0x1082;
	[sflag:s4] =	ssyncset.s32 $0xFFFFF086  }
0x25: {  	[simem:s6], [sflag:s4] =	dma.local [hbm:s3], $0xF7A  }
0x26: {  	[smem:$0x3F9C] =	sst s1;
	(tag) =	ssettag s2;
	_ =	strace s9  }
0x27: {  	s1 =	sld [smem:$0x3FAC]  }
0x28: {  	s2 =	sld [smem:$0x3FAD]  }
0x29: {  	s4 =	sld [smem:$0x3FAF]  }
0x2a: {  	p0 =	seq.s32 s5, $0x0;
	s5 =	sld [smem:$0x3FB0]  }
0x2b: {  	s6 =	sld [smem:$0x3FB1]  }
0x2c: {  	s7 =	sld [smem:$0x3FB2]  }
0x2d: {  	s3 =	simm.s32 $0x108;
	s8 =	sld [smem:$0x3FB3]  }
0x2e: {  	s3 =	simm.s32 @!p0 $0x1082;
	s9 =	sld [smem:$0x3FB4]  }
0x2f: {  	lr =	sadd.s32 s0, s3;
	s0 =	sld [smem:$0x3FAB]  }
0x30: {  	s3 =	sld [smem:$0x3FAE]  }
0x31: {  	[smem:$0x3FB7] =	sst s10  }
0x32: {  	s10 =	sld [smem:$0x3FB5];
	_ =	sdelay $0x3  }
0x33: {  	p0 =	seq.s32 s10, $0x1;
	s10 =	sld [smem:$0x3FB7];
	_ =	sdelay $0x3  }
0x34: {  	[smem:$0x3FB7] =	sst s10  }
0x35: {  	s10 =	sld [smem:$0x3FB6];
	_ =	sdelay $0x3  }
0x36: {  	p1 =	seq.s32 s10, $0x1;
	s10 =	sld [smem:$0x3FB7];
	_ =	sdelay $0x3  }
0x37: {  	[smem:$0x3FB7] =	sst s10  }
0x38: {  	s10 =	sld [smem:$0x3FB8]  }
0x39: {  	_ = 	snop;
	(pc) =	sbr.ind lr, $3  }
0x3a: {  	_ = 	snop  }
0x3b: {  	_ = 	snop  }
0x3c: {  	p2 =	seq.s32 s10, $0x1;
	s10 =	sld [smem:$0x3FB7]  }
0x3d: {  	_ =	shalt  }
0x3e: {  	_ =	shalt  }
0x3f: {  	_ =	shalt  }
0x40: {  	_ =	shalt  }
0x41: {  	_ =	shalt  }
0x42: {  	_ =	shalt  }
0x43: {  	_ =	shalt  }
0x44: {  	_ =	shalt  }
0x45: {  	_ =	shalt  }
0x46: {  	_ =	shalt  }
0x47: {  	_ =	shalt  }
0x48: {  	_ =	shalt  }
0x49: {  	_ =	shalt  }
0x4a: {  	_ =	shalt  }
0x4b: {  	_ =	shalt  }
0x4c: {  	_ =	shalt  }
0x4d: {  	_ =	shalt  }
0x4e: {  	_ =	shalt  }
0x4f: {  	_ =	shalt  }
0x50: {  	_ =	shalt  }
0x51: {  	_ =	shalt  }
0x52: {  	_ =	shalt  }
0x53: {  	_ =	shalt  }
0x54: {  	_ =	shalt  }
0x55: {  	_ =	shalt  }
0x56: {  	_ =	shalt  }
0x57: {  	_ =	shalt  }
0x58: {  	_ =	shalt  }
0x59: {  	_ =	shalt  }
0x5a: {  	_ =	shalt  }
0x5b: {  	_ =	shalt  }
0x5c: {  	_ =	shalt  }
0x5d: {  	_ =	shalt  }
0x5e: {  	_ =	shalt  }
0x5f: {  	_ =	shalt  }
0x60: {  	_ =	shalt  }
0x61: {  	_ =	shalt  }
0x62: {  	_ =	shalt  }
0x63: {  	_ =	shalt  }
0x64: {  	_ =	shalt  }
0x65: {  	_ =	shalt  }
0x66: {  	_ =	shalt  }
0x67: {  	_ =	shalt  }
0x68: {  	_ =	shalt  }
0x69: {  	_ =	shalt  }
0x6a: {  	_ =	shalt  }
0x6b: {  	_ =	shalt  }
0x6c: {  	_ =	shalt  }
0x6d: {  	_ =	shalt  }
0x6e: {  	_ =	shalt  }
0x6f: {  	_ =	shalt  }
0x70: {  	_ =	shalt  }
0x71: {  	_ =	shalt  }
0x72: {  	_ =	shalt  }
0x73: {  	_ =	shalt  }
0x74: {  	_ =	shalt  }
0x75: {  	_ =	shalt  }
0x76: {  	_ =	shalt  }
0x77: {  	_ =	shalt  }
0x78: {  	_ =	shalt  }
0x79: {  	_ =	shalt  }
0x7a: {  	_ =	shalt  }
0x7b: {  	_ =	shalt  }
0x7c: {  	_ =	shalt  }
0x7d: {  	_ =	shalt  }
0x7e: {  	_ =	shalt  }
0x7f: {  	_ =	shalt  }
0x80: {  	_ =	shalt  }
0x81: {  	_ =	shalt  }
0x82: {  	_ =	shalt  }
0x83: {  	_ =	shalt  }
0x84: {  	_ =	shalt  }
0x85: {  	_ =	shalt  }
0x86: {  	_ =	shalt  }
0x87: {  	_ =	shalt  }
.Lfunc_end0:
.L_simem_size_0:
called_computation_lowered:
.L_overlay_start_0:
0x88: {  	s2 =	sld [smem:$0x3FD9]  }
0x89: {  	s3 =	sld [smem:$0x3FFE];
	_ =	sdelay $0x1  }
0x8a: {  	s1 =	srdreg.scid  }
0x8b: {  	s0 =	sand.u32 $0x1, s1  }
0x8c: {  	s17 =	sshll.u32 s0, $0xA;
	s2 =	sadd.s32 s3, s2  }
0x8d: {  	s2 =	sadd.s32 s2, s17  }
0x8e: {  	[smem:$0x3FC3] =	sst s2  }
0x8f: {  	_ = 	snop  }
0x90: {  	s2 =	sld [smem:$0x3FC5]  }
0x91: {  	s18 =	sld [smem:$0x3FD0];
	(tm) =	ssettm $0x1  }
0x92: {  	s4 =	sld [smem:$0x3FFB];
	_ =	sdelay $0x3  }
0x93: {  	_ =	strace s4  }
0x94: {  	s4 =	sld [smem:$0x3FFC];
	_ =	sdelay $0x3  }
0x95: {  	_ =	strace s4  }
0x96: {  	s4 =	sld [smem:$0x3FFD];
	_ =	sdelay $0x3  }
0x97: {  	_ =	strace s4  }
0x98: {  	_ =	strace $0x8FFFFFFF  }
0x99: {  	s19 =	sld [smem:$0x3FDB];
	_ =	sdelay $0x1  }
0x9a: {  	s5 =	simm.s32 $_scs_section_size  }
0x9b: {  	s6 =	simm.s32 $_size__tile_overlayer_lowered;
	s7 =	simm.s32 $_tile_overlayer_lowered  }
0x9c: {  	s22 =	simm.s32 $0x1BFF;
	s21 =	sshll.u32 s7, $0x1;
	s4 =	sadd.s32 s5, s19  }
0x9d: {  	s8 =	simm.s32 $0x0;
	s20 =	sshll.u32 s6, $0x1;
	s6 =	sadd.s32 s21, s4  }
0x9e: {  	[timem:s8], [sflag:s22] =	dma.local [hbm:s6], s20  }
0x9f: {  	_ =	swait.ge [sflag:s22], s20  }
0xa0: {  	s5 =	ssub.s32 $0x0, s20;
	[sflag:s22] =	ssyncset.done $0x0  }
0xa1: {  	[sflag:s22] =	ssyncadd.s32 s5;
	_ =	sdelay $0x1  }
0xa2: {  	s23 =	simm.s32 $0x1B8B  }
0xa3: {  	_ =	swait.ge [sflag:s23], $0x1  }
0xa4: {  	[sflag:s23] =	ssyncset.done $0x0  }
0xa5: {  	s25 =	simm.s32 $0x1B8E;
	s24 =	sld [smem:$0x3FFE];
	[sflag:s23] =	ssyncadd.s32 $0xFFFFFFFF  }
0xa6: {  	s26 =	simm.s32 $execute0_lowered;
	[smem:$0x3FD2] =	sst s25  }
0xa7: {  	s6 =	sshll.u32 s26, $0x1;
	_ =	strace $0x80000046;
	[dreg:$0x1] =	wrdreg $0xFFFFFFFF  }
0xa8: {  	s28 =	simm.s32 $_size_execute0_lowered;
	s4 =	sadd.s32 s4, s6;
	[dreg:$0x0] =	wrdreg $0x0  }
0xa9: {  	s6 =	sshll.u32 s28, $0x1;
	[dreg:$0x2] =	wrdreg s4  }
0xaa: {  	[dreg:$0x3] =	wrdreg s6  }
0xab: {  	[dreg:$0x4] =	wrdreg $0xC0  }
0xac: {  	_ =	task [dreg:s8], $0x5FFFF  }
0xad: {  	[dreg:$0x1] =	wrdreg $0xFFFFFFFF  }
0xae: {  	[dreg:$0x0] =	wrdreg $0x60  }
0xaf: {  	[dreg:$0x2] =	wrdreg s24  }
0xb0: {  	[dreg:$0x3] =	wrdreg s18  }
0xb1: {  	[dreg:$0x4] =	wrdreg s2  }
0xb2: {  	[dreg:$0x5] =	wrdreg $0xBE800  }
0xb3: {  	[dreg:$0x6] =	wrdreg $0x9  }
0xb4: {  	_ =	task.clear_ibuf [dreg:s8], $0x7FFFF;
	_ =	strace $0x90000046  }
0xb5: {  	s29 =	simm.s32 $0x9;
	_ =	strace $0x80000048  }
0xb6: {  	_ =	swait.ge [sflag:s29], $0x1  }
0xb7: {  	[sflag:s29] =	ssyncadd.s32 $0xFFFFFFFF  }
0xb8: {  	_ =	strace $0x90000048  }
0xb9: {  	_ =	sfence  }
0xba: {  	s30 =	sld [smem:$0x0];
	_ =	sdelay $0x2  }
0xbb: {  	s31 =	sshll.u32 s1, $0xD;
	s1 =	sshrl.u32 s1, $0x2  }
0xbc: {  	s3 =	sand.u32 $0x4000, s31;
	s1 =	sadd.s32 s1, s30  }
0xbd: {  	s0 =	sor.u32 s3, s0;
	s1 =	sshll.u32 s1, $0x11  }
0xbe: {  	s0 =	sor.u32 s1, s0  }
0xbf: {  	s0 =	sadd.s32 $0x8F2B, s0  }
0xc0: {  	[sflag:s0] =	ssyncadd.remote.s32 $0x1  }
0xc1: {  	_ =	sfence.sel $0xFFFF  }
0xc2: {  	[dreg:$0x0] =	wrdreg $0xFFFFFFFF;
	(pc) =	sbr.abs _section_cstart, $3  }
0xc3: {  	[dreg:$0x1] =	wrdreg $0xFFFFFFFF  }
0xc4: {  	_ =	task.clear_ibuf [dreg:s8], $0x2FFFF;
	_ =	strace $0x9FFFFFFF  }
0xc5: {  	(tm) =	ssettm $0x7FFFFFFF  }
tec
execute0_lowered:
.L_overlay_start_1:
0x0: {  	(tag) =	ssettag $0x1  }
0x1: {  	s1 =	srdreg.scid  }
0x2: {  	s0 =	rddreg [dreg:$0x0];
	s31 =	simm.s32 $0x0;
	s24 =	stileid.u32  }
0x3: {  	s28 =	simm.s32 $0x10;
	s29 =	simm.s32 $0x7900;
	s30 =	simm.s32 $0x2  }
0x4: {  	s1 =	sand.u32 $0x1, s1;
	[smem:$0x7FF] =	sst s31;
	s5 =	smul.u32 $0x280, s24  }
0x5: {  	s20 =	sadd.s32 $0x1E6000, s0;
	s2 =	sshll.u32 s1, $0x4;
	s3 =	ssub.s32 $0x2, s1  }
0x6: {  	s19 =	smul.u32 $0x2800, s1;
	s2 =	sor.u32 s24, s2;
	s22 =	sshrl.u32 s3, $0x1  }
0x7: {  	s18 =	sor.u32 $0x28, s5;
	s16 =	sor.u32 $0x50, s5;
	s17 =	sor.u32 $0x78, s5  }
0x8: {  	s14 =	sadd.s32 $0xA0, s5;
	s12 =	sadd.s32 $0xC8, s5;
	s13 =	sadd.s32 $0xF0, s5  }
0x9: {  	s9 =	sadd.s32 $0x118, s5;
	s10 =	sadd.s32 $0x140, s5;
	s11 =	sadd.s32 $0x168, s5  }
0xa: {  	s8 =	sadd.s32 $0x190, s5;
	s6 =	sadd.s32 $0x1B8, s5;
	s7 =	sadd.s32 $0x1E0, s5  }
0xb: {  	s4 =	sadd.s32 $0x208, s5;
	s15 =	smul.u32 $0x500, s2;
	s2 =	ssub.s32 s3, s22  }
0xc: {  	s21 =	sadd.s32 s5, s19;
	s3 =	sadd.s32 $0x230, s5;
	s5 =	sadd.s32 $0x258, s5  }
0xd: {  	s23 =	sadd.s32 s19, s18;
	s22 =	sadd.s32 s19, s16;
	s21 =	sshll.u32 s21, $0x4  }
0xe: {  	s16 =	sshll.u32 s16, $0x7;
	s25 =	sshll.u32 s22, $0x4;
	s21 =	sadd.s32 s20, s21  }
0xf: {  	[dreg:$0x5] =	wrdreg s21;
	s21 =	sshll.u32 s23, $0x4;
	s23 =	sadd.s32 s19, s17  }
0x10: {  	s21 =	sadd.s32 s20, s21;
	s26 =	sshll.u32 s23, $0x4;
	s23 =	sadd.s32 s19, s14  }
0x11: {  	[dreg:$0x6] =	wrdreg s21;
	s21 =	sadd.s32 s20, s25;
	s22 =	sadd.s32 s20, s26  }
0x12: {  	s25 =	sadd.s32 s19, s12;
	s26 =	sadd.s32 s19, s13;
	[dreg:$0x7] =	wrdreg s21  }
0x13: {  	[dreg:$0x8] =	wrdreg s22;
	s21 =	sshll.u32 s23, $0x4;
	s25 =	sshll.u32 s25, $0x4  }
0x14: {  	s26 =	sshll.u32 s26, $0x4;
	s23 =	sadd.s32 s19, s9;
	s21 =	sadd.s32 s20, s21  }
0x15: {  	s22 =	sadd.s32 s20, s26;
	s26 =	sadd.s32 s19, s11;
	[dreg:$0x9] =	wrdreg s21  }
0x16: {  	s21 =	sadd.s32 s20, s25;
	[dreg:$0xb] =	wrdreg s22;
	s25 =	sadd.s32 s19, s10  }
0x17: {  	s26 =	sshll.u32 s26, $0x4;
	[dreg:$0xa] =	wrdreg s21;
	s21 =	sshll.u32 s23, $0x4  }
0x18: {  	s25 =	sshll.u32 s25, $0x4;
	s22 =	sadd.s32 s20, s26;
	s23 =	sadd.s32 s19, s8  }
0x19: {  	s26 =	sadd.s32 s19, s7;
	s21 =	sadd.s32 s20, s21;
	[dreg:$0xe] =	wrdreg s22  }
0x1a: {  	s26 =	sshll.u32 s26, $0x4;
	[dreg:$0xc] =	wrdreg s21;
	s21 =	sadd.s32 s20, s25  }
0x1b: {  	s25 =	sadd.s32 s19, s6;
	[dreg:$0xd] =	wrdreg s21;
	s21 =	sshll.u32 s23, $0x4  }
0x1c: {  	s25 =	sshll.u32 s25, $0x4;
	s23 =	sadd.s32 s20, s26;
	s26 =	sadd.s32 s19, s3  }
0x1d: {  	s21 =	sadd.s32 s20, s21;
	[dreg:$0x11] =	wrdreg s23;
	s23 =	sshll.u32 s26, $0x4  }
0x1e: {  	[dreg:$0xf] =	wrdreg s21;
	s21 =	sadd.s32 s20, s25;
	s25 =	sadd.s32 s19, s4  }
0x1f: {  	s26 =	smul.u32 $0x50000, s24;
	[dreg:$0x10] =	wrdreg s21;
	s21 =	sshll.u32 s25, $0x4  }
0x20: {  	s25 =	sadd.s32 s19, s5;
	s19 =	rddreg [dreg:$0x3];
	s21 =	sadd.s32 s20, s21  }
0x21: {  	s22 =	sshll.u32 s25, $0x4;
	[dreg:$0x12] =	wrdreg s21;
	s21 =	sadd.s32 s20, s23  }
0x22: {  	s20 =	sadd.s32 s20, s22;
	s23 =	sshrl.u32 s26, $0x2;
	[dreg:$0x13] =	wrdreg s21  }
0x23: {  	s17 =	sshll.u32 s17, $0x7;
	[dreg:$0x14] =	wrdreg s20;
	s20 =	sadd.s32 s23, s19  }
0x24: {  	s16 =	sadd.s32 s16, s19;
	_ =	strace $0x80000047;
	[dreg:$0x15] =	wrdreg s20  }
0x25: {  	s14 =	sshll.u32 s14, $0x7;
	s25 =	sadd.s32 s17, s19;
	[dreg:$0x17] =	wrdreg s16  }
0x26: {  	s12 =	sshll.u32 s12, $0x7;
	s14 =	sadd.s32 s14, s19;
	[dreg:$0x18] =	wrdreg s25  }
0x27: {  	s13 =	sshll.u32 s13, $0x7;
	s12 =	sadd.s32 s12, s19;
	[dreg:$0x19] =	wrdreg s14  }
0x28: {  	s9 =	sshll.u32 s9, $0x7;
	s26 =	sadd.s32 s13, s19;
	[dreg:$0x1a] =	wrdreg s12  }
0x29: {  	s8 =	sshll.u32 s8, $0x7;
	s9 =	sadd.s32 s9, s19;
	[dreg:$0x1b] =	wrdreg s26  }
0x2a: {  	s6 =	sshll.u32 s6, $0x7;
	s8 =	sadd.s32 s8, s19;
	[dreg:$0x1c] =	wrdreg s9  }
0x2b: {  	s18 =	sshll.u32 s18, $0x7;
	s6 =	sadd.s32 s6, s19;
	[dreg:$0x1f] =	wrdreg s8  }
0x2c: {  	s17 =	sshll.u32 s1, $0x7;
	s1 =	smul.u32 $0x190, s1;
	[smem:$0x7F1] =	sst s6  }
0x2d: {  	s15 =	sadd.s32 s15, s0;
	s7 =	sshll.u32 s7, $0x7;
	[smem:$0x7F2] =	sst s17  }
0x2e: {  	s22 =	smul.u32 $0x2710, s24;
	s21 =	sadd.s32 $0x6A000, s0;
	[smem:$0x7F3] =	sst s1  }
0x2f: {  	s3 =	sshll.u32 s3, $0x7;
	s4 =	sshll.u32 s4, $0x7;
	[smem:$0x7F5] =	sst s21  }
0x30: {  	s18 =	sadd.s32 s18, s19;
	s23 =	sadd.s32 $0x1DC000, s15;
	[smem:$0x7F6] =	sst s22  }
0x31: {  	s3 =	sadd.s32 s3, s19;
	s13 =	sshll.u32 s11, $0x7;
	[smem:$0x7F7] =	sst s23  }
0x32: {  	s11 =	sadd.s32 $0x9C100, s0;
	s12 =	sshll.u32 s10, $0x7;
	[dreg:$0x16] =	wrdreg s18  }
0x33: {  	s14 =	sadd.s32 s13, s19;
	s6 =	sadd.s32 s7, s19;
	[smem:$0x7FC] =	sst s3  }
0x34: {  	s7 =	sadd.s32 s4, s19;
	s20 =	sadd.s32 $0x6000, s0;
	[dreg:$0x1e] =	wrdreg s14  }
0x35: {  	s16 =	sshll.u32 s5, $0x7;
	s25 =	smax.u32 s2, $0x1;
	[smem:$0x7F4] =	sst s20  }
0x36: {  	s8 =	sadd.s32 $0x9C000, s0;
	s26 =	smul.u32 $0x19, s24;
	[smem:$0x7F8] =	sst s25  }
0x37: {  	s2 =	simm.s32 $0x8100;
	s22 =	simm.s32 $0x3900;
	[smem:$0x7FA] =	sst s6  }
0x38: {  	s23 =	simm.s32 $0x4100;
	s9 =	sadd.s32 s12, s19;
	[smem:$0x7FB] =	sst s7  }
0x39: {  	v0 =	vlaneseq.u32;
	s24 =	simm.s32 $0x4900;
	s1 =	simm.s32 $0x0;
	[dreg:$0x1d] =	wrdreg s9  }
0x3a: {  	v1 =	vimm.f32 $0.0e+00;
	vm0 =	vmmov $0xffff;
	v3 =	vshrl.u32 v0, $0x3;
	s4 =	sadd.s32 s16, s19;
	s20 =	simm.s32 $0x3;
	[smem:$0x7F9] =	sst s26  }
0x3b: {  	v2 =	vand.u32 $0x7, v0;
	v4 =	vor.u32 $0x8, v0;
	v3 =	vmul.u32 $0x8, v3;
	s25 =	simm.s32 $0x5100;
	s26 =	simm.s32 $0x1;
	[smem:$0x7FD] =	sst s4  }
.LBB2_1:
0x3c: {  	[smem:$0x7F0] =	sst s1  }
0x3d: {  	s0 =	rddreg [dreg:$0x2];
	s21 =	simm.s32 $0xBD00  }
0x3e: {  	[tilespmem:s21], [sflag:$0x3] =	stream.linear.gather [hbm4b:s0+s31], $0x100, $0x38;
	[tilespmem:$0x1FE80] =	vst v63  }
0x3f: {  	_ =	swait.ge [sflag:s20], $0x100  }
0x40: {  	s31 =	sld [smem:$0x7F2]  }
0x41: {  	[sflag:s20] =	ssyncset.done $0x0  }
0x42: {  	[sflag:s20] =	ssyncadd.s32 $0xFFFFFF00  }
0x43: {  	v5 =	vld [tilespmem:s31+$0xBD00];
	_ =	sdelay $0x4  }
0x44: {  	[tilespmem:$0xBE00] =	vst v5  }
0x45: {  	v5 =	vld [tilespmem:s31+$0xBD10];
	_ =	sdelay $0x4  }
0x46: {  	[tilespmem:$0xBE10] =	vst v5  }
0x47: {  	v5 =	vld [tilespmem:s31+$0xBD20];
	_ =	sdelay $0x4  }
0x48: {  	[tilespmem:$0xBE20] =	vst v5  }
0x49: {  	v5 =	vld [tilespmem:s31+$0xBD30];
	_ =	sdelay $0x4  }
0x4a: {  	[tilespmem:$0xBE30] =	vst v5  }
0x4b: {  	v5 =	vld [tilespmem:s31+$0xBD40];
	_ =	sdelay $0x4  }
0x4c: {  	[tilespmem:$0xBE40] =	vst v5  }
0x4d: {  	v5 =	vld [tilespmem:s31+$0xBD50];
	_ =	sdelay $0x4  }
0x4e: {  	[tilespmem:$0xBE50] =	vst v5  }
0x4f: {  	v5 =	vld [tilespmem:s31+$0xBD60];
	_ =	sdelay $0x4  }
0x50: {  	[tilespmem:$0xBE60] =	vst v5  }
0x51: {  	v5 =	vld [tilespmem:s31+$0xBD70];
	_ =	sdelay $0x4  }
0x52: {  	s1 =	simm.s32 $0x200;
	s0 =	simm.s32 $0x0;
	[tilespmem:$0xBE70] =	vst v5  }
.LBB2_2:
0x53: {  	p0 =	sne.s32 s1, $0x4E00;
	[tilespmem:s0+$0x8170] =	vst v1  }
0x54: {  	[tilespmem:s0+$0x8100] =	vst v1  }
0x55: {  	[tilespmem:s0+$0x8110] =	vst v1  }
.Ltmp0:
0x56: {  	[tilespmem:s0+$0x8120] =	vst v1;
	(pc) =	sbr.rel @p0 .LBB2_2-.Ltmp0, $4  }
0x57: {  	[tilespmem:s0+$0x8130] =	vst v1  }
0x58: {  	[tilespmem:s0+$0x8140] =	vst v1  }
0x59: {  	[tilespmem:s0+$0x8150] =	vst v1  }
0x5a: {  	[tilespmem:s0+$0x8160] =	vst v1;
	s0 =	sshra.s32 s1, $0x2;
	s1 =	sadd.s32 $0x200, s1  }
0x5b: {  	[tilespmem:s0+$0x8170] =	vst v1  }
0x5c: {  	[tilespmem:s0+$0x8100] =	vst v1  }
0x5d: {  	[tilespmem:s0+$0x8110] =	vst v1  }
0x5e: {  	[tilespmem:s0+$0x8120] =	vst v1  }
0x5f: {  	[tilespmem:s0+$0x8130] =	vst v1  }
0x60: {  	[tilespmem:s0+$0x8140] =	vst v1  }
0x61: {  	[tilespmem:s0+$0x8150] =	vst v1  }
0x62: {  	[tilespmem:s0+$0x8160] =	vst v1;
	s0 =	simm.s32 $0x40;
	s1 =	simm.s32 $0x0  }
.LBB2_4:
0x63: {  	p0 =	sne.s32 s0, $0x9FC0;
	[tilespmem:s1+$0x9500] =	vst v1;
	s1 =	smov.u32 s0;
	s0 =	sadd.s32 $0x40, s0  }
.Ltmp1:
0x64: {  	(pc) =	sbr.rel @p0 .LBB2_4-.Ltmp1, $2  }
0x65: {  	_ =	sdelay $0x2  }
0x66: {  	s1 =	sshra.s32 s1, $0x2  }
0x67: {  	[tilespmem:s1+$0x9500] =	vst v1;
	s0 =	rddreg [dreg:$0x15]  }
0x68: {  	[spmem:s0] =	stream.linear.scatter [tilespmem:s2], [sflag:$0x3], $0x1400, $0x38;
	[tilespmem:$0x1FE80] =	vst v63  }
0x69: {  	_ =	swait.ge [sflag:s20], $0x1400  }
0x6a: {  	[sflag:s20] =	ssyncset.done $0x0  }
0x6b: {  	[sflag:s20] =	ssyncadd.s32 $0xFFFFEC00  }
0x6c: {  	[spmem:s18] =	stream.linear.scatter [tilespmem:s2], [sflag:$0x3], $0x1400, $0x38;
	[tilespmem:$0x1FE80] =	vst v63  }
0x6d: {  	_ =	swait.ge [sflag:s20], $0x1400  }
0x6e: {  	[sflag:s20] =	ssyncset.done $0x0  }
0x6f: {  	s10 =	rddreg [dreg:$0x17];
	[sflag:s20] =	ssyncadd.s32 $0xFFFFEC00  }
0x70: {  	[spmem:s10] =	stream.linear.scatter [tilespmem:s2], [sflag:$0x3], $0x1400, $0x38;
	[tilespmem:$0x1FE80] =	vst v63  }
0x71: {  	_ =	swait.ge [sflag:s20], $0x1400  }
0x72: {  	[sflag:s20] =	ssyncset.done $0x0  }
0x73: {  	s12 =	rddreg [dreg:$0x18];
	[sflag:s20] =	ssyncadd.s32 $0xFFFFEC00  }
0x74: {  	[spmem:s12] =	stream.linear.scatter [tilespmem:s2], [sflag:$0x3], $0x1400, $0x38;
	[tilespmem:$0x1FE80] =	vst v63  }
0x75: {  	_ =	swait.ge [sflag:s20], $0x1400  }
0x76: {  	[sflag:s20] =	ssyncset.done $0x0  }
0x77: {  	s13 =	rddreg [dreg:$0x19];
	[sflag:s20] =	ssyncadd.s32 $0xFFFFEC00  }
0x78: {  	[spmem:s13] =	stream.linear.scatter [tilespmem:s2], [sflag:$0x3], $0x1400, $0x38;
	[tilespmem:$0x1FE80] =	vst v63  }
0x79: {  	_ =	swait.ge [sflag:s20], $0x1400  }
0x7a: {  	[sflag:s20] =	ssyncset.done $0x0  }
0x7b: {  	s14 =	rddreg [dreg:$0x1a];
	[sflag:s20] =	ssyncadd.s32 $0xFFFFEC00  }
0x7c: {  	[spmem:s14] =	stream.linear.scatter [tilespmem:s2], [sflag:$0x3], $0x1400, $0x38;
	[tilespmem:$0x1FE80] =	vst v63  }
0x7d: {  	_ =	swait.ge [sflag:s20], $0x1400  }
0x7e: {  	[sflag:s20] =	ssyncset.done $0x0  }
0x7f: {  	s15 =	rddreg [dreg:$0x1b];
	[sflag:s20] =	ssyncadd.s32 $0xFFFFEC00  }
0x80: {  	[spmem:s15] =	stream.linear.scatter [tilespmem:s2], [sflag:$0x3], $0x1400, $0x38;
	[tilespmem:$0x1FE80] =	vst v63  }
0x81: {  	_ =	swait.ge [sflag:s20], $0x1400  }
0x82: {  	[sflag:s20] =	ssyncset.done $0x0  }
0x83: {  	s16 =	rddreg [dreg:$0x1c];
	[sflag:s20] =	ssyncadd.s32 $0xFFFFEC00  }
0x84: {  	[spmem:s16] =	stream.linear.scatter [tilespmem:s2], [sflag:$0x3], $0x1400, $0x38;
	[tilespmem:$0x1FE80] =	vst v63  }
0x85: {  	_ =	swait.ge [sflag:s20], $0x1400  }
0x86: {  	[sflag:s20] =	ssyncset.done $0x0  }
0x87: {  	s17 =	rddreg [dreg:$0x1d];
	[sflag:s20] =	ssyncadd.s32 $0xFFFFEC00  }
0x88: {  	[spmem:s17] =	stream.linear.scatter [tilespmem:s2], [sflag:$0x3], $0x1400, $0x38;
	[tilespmem:$0x1FE80] =	vst v63  }
0x89: {  	_ =	swait.ge [sflag:s20], $0x1400  }
0x8a: {  	[sflag:s20] =	ssyncset.done $0x0  }
0x8b: {  	s18 =	rddreg [dreg:$0x1e];
	[sflag:s20] =	ssyncadd.s32 $0xFFFFEC00  }
0x8c: {  	[spmem:s18] =	stream.linear.scatter [tilespmem:s2], [sflag:$0x3], $0x1400, $0x38;
	[tilespmem:$0x1FE80] =	vst v63  }
0x8d: {  	_ =	swait.ge [sflag:s20], $0x1400  }
0x8e: {  	[sflag:s20] =	ssyncset.done $0x0  }
0x8f: {  	s21 =	rddreg [dreg:$0x1f];
	[sflag:s20] =	ssyncadd.s32 $0xFFFFEC00  }
0x90: {  	[spmem:s21] =	stream.linear.scatter [tilespmem:s2], [sflag:$0x3], $0x1400, $0x38;
	[tilespmem:$0x1FE80] =	vst v63  }
0x91: {  	_ =	swait.ge [sflag:s20], $0x1400  }
0x92: {  	s31 =	sld [smem:$0x7F1]  }
0x93: {  	[sflag:s20] =	ssyncset.done $0x0  }
0x94: {  	[sflag:s20] =	ssyncadd.s32 $0xFFFFEC00  }
0x95: {  	[spmem:s31] =	stream.linear.scatter [tilespmem:s2], [sflag:$0x3], $0x1400, $0x38;
	[tilespmem:$0x1FE80] =	vst v63  }
0x96: {  	_ =	swait.ge [sflag:s20], $0x1400  }
0x97: {  	[sflag:s20] =	ssyncset.done $0x0  }
0x98: {  	[sflag:s20] =	ssyncadd.s32 $0xFFFFEC00  }
0x99: {  	[spmem:s6] =	stream.linear.scatter [tilespmem:s2], [sflag:$0x3], $0x1400, $0x38;
	[tilespmem:$0x1FE80] =	vst v63  }
0x9a: {  	_ =	swait.ge [sflag:s20], $0x1400  }
0x9b: {  	[sflag:s20] =	ssyncset.done $0x0  }
0x9c: {  	[sflag:s20] =	ssyncadd.s32 $0xFFFFEC00  }
0x9d: {  	[spmem:s7] =	stream.linear.scatter [tilespmem:s2], [sflag:$0x3], $0x1400, $0x38;
	[tilespmem:$0x1FE80] =	vst v63  }
0x9e: {  	_ =	swait.ge [sflag:s20], $0x1400  }
0x9f: {  	[sflag:s20] =	ssyncset.done $0x0  }
0xa0: {  	[sflag:s20] =	ssyncadd.s32 $0xFFFFEC00  }
0xa1: {  	[spmem:s3] =	stream.linear.scatter [tilespmem:s2], [sflag:$0x3], $0x1400, $0x38;
	[tilespmem:$0x1FE80] =	vst v63  }
0xa2: {  	_ =	swait.ge [sflag:s20], $0x1400  }
0xa3: {  	[sflag:s20] =	ssyncset.done $0x0  }
0xa4: {  	[sflag:s20] =	ssyncadd.s32 $0xFFFFEC00  }
0xa5: {  	[spmem:s4] =	stream.linear.scatter [tilespmem:s2], [sflag:$0x3], $0x1400, $0x38;
	[tilespmem:$0x1FE80] =	vst v63  }
0xa6: {  	_ =	swait.ge [sflag:s20], $0x1400  }
0xa7: {  	[sflag:s20] =	ssyncset.done $0x0  }
0xa8: {  	[sflag:s20] =	ssyncadd.s32 $0xFFFFEC00  }
0xa9: {  	[bflag:$0x0] =	sbarrier.arrive $0xFFFF  }
0xaa: {  	v5 =	vld [tilespmem:$0xBE00]  }
0xab: {  	v6 =	vld [tilespmem:$0xBE10]  }
0xac: {  	v7 =	vld [tilespmem:$0xBE20]  }
0xad: {  	v8 =	vld [tilespmem:$0xBE30]  }
0xae: {  	v9 =	vld [tilespmem:$0xBE40]  }
0xaf: {  	v10 =	vld [tilespmem:$0xBE50]  }
0xb0: {  	v11 =	vld [tilespmem:$0xBE60]  }
0xb1: {  	s0 =	simm.s32 $0x0;
	v12 =	vld [tilespmem:$0xBE70]  }
.LBB2_6:
0xb2: {  	s1 =	sld [smem:$0x7F9]  }
0xb3: {  	s2 =	sld [smem:$0x7F3];
	_ =	sdelay $0x1  }
0xb4: {  	s3 =	sld [smem:$0x7F4];
	s1 =	sadd.s32 s1, s0  }
0xb5: {  	s2 =	sadd.s32 s2, s1  }
0xb6: {  	s2 =	sshll.u32 s2, $0x9  }
0xb7: {  	s4 =	simm.s32 $0x0;
	s2 =	sadd.s32 s3, s2  }
0xb8: {  	[tilespmem:s4], [sflag:$0x3] =	stream.linear.gather [hbm4b:s2+s4], $0xC80, $0x38;
	[tilespmem:$0x1FE80] =	vst v63  }
0xb9: {  	_ =	swait.ge [sflag:s20], $0xC80  }
0xba: {  	s16 =	sld [smem:$0x7F5];
	_ =	sdelay $0x1  }
0xbb: {  	s17 =	simm.s32 $0x1000;
	s1 =	sshll.u32 s1, $0x9;
	[sflag:s20] =	ssyncset.done $0x0  }
0xbc: {  	s18 =	sld [smem:$0x7F6];
	[sflag:s20] =	ssyncadd.s32 $0xFFFFF380;
	s1 =	sadd.s32 s16, s1  }
0xbd: {  	[tilespmem:s17], [sflag:$0x3] =	stream.linear.gather [hbm4b:s1+s4], $0xC80, $0x38;
	[tilespmem:$0x1FE80] =	vst v63  }
0xbe: {  	s15 =	smul.u32 $0x190, s0;
	_ =	swait.ge [sflag:s20], $0xC80  }
0xbf: {  	[sflag:s20] =	ssyncset.done $0x0  }
0xc0: {  	s1 =	sadd.s32 s18, s15;
	[sflag:s20] =	ssyncadd.s32 $0xFFFFF380  }
0xc1: {  	s1 =	sshll.u32 s1, $0x1;
	s21 =	rddreg [dreg:$0x1]  }
0xc2: {  	s31 =	simm.s32 $0x2000;
	s1 =	sadd.s32 s21, s1  }
0xc3: {  	[tilespmem:s31], [sflag:$0x3] =	stream.linear.gather [hbm4b:s1+s4], $0x1900, $0x38;
	[tilespmem:$0x1FE80] =	vst v63  }
0xc4: {  	_ =	swait.ge [sflag:s20], $0x1900  }
0xc5: {  	[sflag:s20] =	ssyncset.done $0x0  }
0xc6: {  	[sflag:s20] =	ssyncadd.s32 $0xFFFFE700  }
0xc7: {  	v13 =	vld [tilespmem:$0x0];
	_ =	sdelay $0x4  }
0xc8: {  	v14 =	vshll.u32 v13, $0x2  }
0xc9: {  	v13 =	vand.u32 $0x7, v13;
	v14 =	vand.u32 $0xFFFFFFE0, v14  }
0xca: {  	v13 =	vor.u32 v13, v14  }
0xcb: {  	v14 =	vperm.xlane v13, v2;
	_ =	sdelay $0x1  }
0xcc: {  	v14 =	vadd.s32 v3, v14;
	_ =	sdelay $0x2  }
0xcd: {  	v13 =	vperm.xlane v13, v4;
	_ =	sdelay $0x1  }
0xce: {  	v13 =	vadd.s32 v3, v13;
	[tilespmem:s22], [sflag:$0x1] =	stream.indirect_vreg.gather [hbm4b:s8+s4], $0x80, v14, vm0, $0xb8;
	[tilespmem:$0x1FE80] =	vst v63  }
0xcf: {  	_ = 	snop  }
0xd0: {  	[tilespmem:s23], [sflag:$0x1] =	stream.indirect_vreg.gather [hbm4b:s11+s4], $0x80, v14, vm0, $0xb8;
	[tilespmem:$0x1FE80] =	vst v63  }
.Ltmp2:
0xd1: {  	_ = 	snop;
	(pc) =	sbr.rel .LBB2_7-.Ltmp2, $4  }
0xd2: {  	_ = 	snop  }
0xd3: {  	[tilespmem:s24], [sflag:$0x1] =	stream.indirect_vreg.gather [hbm4b:s8+s4], $0x80, v13, vm0, $0xb8;
	[tilespmem:$0x1FE80] =	vst v63  }
0xd4: {  	s18 =	simm.s32 $0x0  }
0xd5: {  	[tilespmem:s25], [sflag:$0x1] =	stream.indirect_vreg.gather [hbm4b:s11+s4], $0x80, v13, vm0, $0xb8;
	[tilespmem:$0x1FE80] =	vst v63  }
.LBB2_13:
0xd6: {  	s1 =	sadd.s32 s1, s9;
	[tilespmem:s5+$0x7970] =	vst v13;
	s3 =	sadd.s32 $0x200, s3  }
0xd7: {  	s4 =	sand.u32 $0x380, s31;
	v13 =	vld [tilespmem:s1+$0x0];
	s21 =	sand.u32 $0x1000, s3  }
0xd8: {  	s1 =	sor.u32 s4, s21  }
0xd9: {  	v14 =	vld [tilespmem:s1+$0x5900];
	_ =	sdelay $0x1  }
0xda: {  	v15 =	vld [tilespmem:s1+$0x5D00]  }
0xdb: {  	v16 =	vbroadcast v13, $0x0  }
0xdc: {  	v17 =	vld [tilespmem:s1+$0x6100]  }
0xdd: {  	v18 =	vbroadcast v13, $0x1;
	v14 =	vmul.f32 v14, v16  }
0xde: {  	v19 =	vld [tilespmem:s1+$0x6500]  }
0xdf: {  	v20 =	vbroadcast v13, $0x2;
	v15 =	vmul.f32 v15, v18;
	v14 =	vadd.f32 v14, v5;
	_ =	sdelay $0x1  }
0xe0: {  	v13 =	vbroadcast v13, $0x3;
	v14 =	vadd.f32 v15, v14;
	v15 =	vmul.f32 v17, v20;
	_ =	sdelay $0x1  }
0xe1: {  	v14 =	vadd.f32 v15, v14;
	v15 =	vmul.f32 v19, v13;
	_ =	sdelay $0x1  }
0xe2: {  	v14 =	vadd.f32 v15, v14;
	_ =	sdelay $0x1  }
0xe3: {  	s3 =	sshra.s32 s3, $0x2;
	v14 =	vmax.f32 v14, $0.0e+00  }
0xe4: {  	[tilespmem:s3+$0x7900] =	vst v14  }
0xe5: {  	v14 =	vld [tilespmem:s1+$0x5910];
	_ =	sdelay $0x1  }
0xe6: {  	v15 =	vld [tilespmem:s1+$0x5D10];
	_ =	sdelay $0x1  }
0xe7: {  	v50 =	vld [tilespmem:s1+$0x6110]  }
0xe8: {  	v14 =	vmul.f32 v14, v16  }
0xe9: {  	v51 =	vld [tilespmem:s1+$0x6510]  }
0xea: {  	v15 =	vmul.f32 v15, v18;
	v14 =	vadd.f32 v14, v6;
	_ =	sdelay $0x1  }
0xeb: {  	v14 =	vadd.f32 v15, v14;
	v15 =	vmul.f32 v50, v20;
	_ =	sdelay $0x1  }
0xec: {  	v14 =	vadd.f32 v15, v14;
	v15 =	vmul.f32 v51, v13;
	_ =	sdelay $0x1  }
0xed: {  	v14 =	vadd.f32 v15, v14;
	_ =	sdelay $0x1  }
0xee: {  	v14 =	vmax.f32 v14, $0.0e+00  }
0xef: {  	[tilespmem:s3+$0x7910] =	vst v14  }
0xf0: {  	v14 =	vld [tilespmem:s1+$0x5920];
	_ =	sdelay $0x1  }
0xf1: {  	v15 =	vld [tilespmem:s1+$0x5D20];
	_ =	sdelay $0x1  }
0xf2: {  	v52 =	vld [tilespmem:s1+$0x6120]  }
0xf3: {  	v14 =	vmul.f32 v14, v16  }
0xf4: {  	v53 =	vld [tilespmem:s1+$0x6520]  }
0xf5: {  	v15 =	vmul.f32 v15, v18;
	v14 =	vadd.f32 v14, v7;
	_ =	sdelay $0x1  }
0xf6: {  	v14 =	vadd.f32 v15, v14;
	v15 =	vmul.f32 v52, v20;
	_ =	sdelay $0x1  }
0xf7: {  	v14 =	vadd.f32 v15, v14;
	v15 =	vmul.f32 v53, v13;
	_ =	sdelay $0x1  }
0xf8: {  	v14 =	vadd.f32 v15, v14;
	_ =	sdelay $0x1  }
0xf9: {  	v14 =	vmax.f32 v14, $0.0e+00  }
0xfa: {  	[tilespmem:s3+$0x7920] =	vst v14  }
0xfb: {  	v14 =	vld [tilespmem:s1+$0x5930];
	_ =	sdelay $0x1  }
0xfc: {  	v15 =	vld [tilespmem:s1+$0x5D30];
	_ =	sdelay $0x1  }
0xfd: {  	v54 =	vld [tilespmem:s1+$0x6130]  }
0xfe: {  	v14 =	vmul.f32 v14, v16  }
0xff: {  	v55 =	vld [tilespmem:s1+$0x6530]  }
0x100: {  	v15 =	vmul.f32 v15, v18;
	v14 =	vadd.f32 v14, v8;
	_ =	sdelay $0x1  }
0x101: {  	v14 =	vadd.f32 v15, v14;
	v15 =	vmul.f32 v54, v20;
	_ =	sdelay $0x1  }
0x102: {  	v14 =	vadd.f32 v15, v14;
	v15 =	vmul.f32 v55, v13;
	_ =	sdelay $0x1  }
0x103: {  	v14 =	vadd.f32 v15, v14;
	_ =	sdelay $0x1  }
0x104: {  	v14 =	vmax.f32 v14, $0.0e+00  }
0x105: {  	[tilespmem:s3+$0x7930] =	vst v14  }
0x106: {  	v14 =	vld [tilespmem:s1+$0x5940];
	_ =	sdelay $0x1  }
0x107: {  	v15 =	vld [tilespmem:s1+$0x5D40];
	_ =	sdelay $0x1  }
0x108: {  	v56 =	vld [tilespmem:s1+$0x6140]  }
0x109: {  	v14 =	vmul.f32 v14, v16  }
0x10a: {  	v57 =	vld [tilespmem:s1+$0x6540]  }
0x10b: {  	v15 =	vmul.f32 v15, v18;
	v14 =	vadd.f32 v14, v9;
	_ =	sdelay $0x1  }
0x10c: {  	v14 =	vadd.f32 v15, v14;
	v15 =	vmul.f32 v56, v20;
	_ =	sdelay $0x1  }
0x10d: {  	v14 =	vadd.f32 v15, v14;
	v15 =	vmul.f32 v57, v13;
	_ =	sdelay $0x1  }
0x10e: {  	v14 =	vadd.f32 v15, v14;
	_ =	sdelay $0x1  }
0x10f: {  	v14 =	vmax.f32 v14, $0.0e+00  }
0x110: {  	[tilespmem:s3+$0x7940] =	vst v14  }
0x111: {  	v14 =	vld [tilespmem:s1+$0x5950];
	_ =	sdelay $0x1  }
0x112: {  	v15 =	vld [tilespmem:s1+$0x5D50];
	_ =	sdelay $0x1  }
0x113: {  	v58 =	vld [tilespmem:s1+$0x6150]  }
0x114: {  	v14 =	vmul.f32 v14, v16  }
0x115: {  	v59 =	vld [tilespmem:s1+$0x6550]  }
0x116: {  	v15 =	vmul.f32 v15, v18;
	v14 =	vadd.f32 v14, v10;
	_ =	sdelay $0x1  }
0x117: {  	v17 =	vmul.f32 v58, v20;
	v14 =	vadd.f32 v15, v14;
	_ =	sdelay $0x1  }
0x118: {  	v15 =	vmul.f32 v59, v13;
	v14 =	vadd.f32 v17, v14;
	_ =	sdelay $0x1  }
0x119: {  	v14 =	vadd.f32 v15, v14;
	_ =	sdelay $0x1  }
0x11a: {  	v14 =	vmax.f32 v14, $0.0e+00  }
0x11b: {  	[tilespmem:s3+$0x7950] =	vst v14  }
0x11c: {  	v14 =	vld [tilespmem:s1+$0x5960];
	_ =	sdelay $0x1  }
0x11d: {  	v15 =	vld [tilespmem:s1+$0x5D60];
	_ =	sdelay $0x1  }
0x11e: {  	v60 =	vld [tilespmem:s1+$0x6160]  }
0x11f: {  	v14 =	vmul.f32 v14, v16  }
0x120: {  	v61 =	vld [tilespmem:s1+$0x6560]  }
0x121: {  	v15 =	vmul.f32 v15, v18;
	v14 =	vadd.f32 v14, v11;
	_ =	sdelay $0x1  }
0x122: {  	v17 =	vmul.f32 v60, v20;
	v14 =	vadd.f32 v15, v14;
	_ =	sdelay $0x1  }
0x123: {  	v15 =	vmul.f32 v61, v13;
	v14 =	vadd.f32 v17, v14;
	_ =	sdelay $0x1  }
0x124: {  	v14 =	vadd.f32 v15, v14;
	_ =	sdelay $0x1  }
0x125: {  	v14 =	vmax.f32 v14, $0.0e+00  }
0x126: {  	[tilespmem:s3+$0x7960] =	vst v14  }
0x127: {  	v14 =	vld [tilespmem:s1+$0x5970];
	_ =	sdelay $0x1  }
0x128: {  	v15 =	vld [tilespmem:s1+$0x5D70];
	_ =	sdelay $0x1  }
0x129: {  	v62 =	vld [tilespmem:s1+$0x6170]  }
0x12a: {  	v14 =	vmul.f32 v14, v16  }
0x12b: {  	v63 =	vld [tilespmem:s1+$0x6570]  }
0x12c: {  	v15 =	vmul.f32 v15, v18;
	v14 =	vadd.f32 v14, v12;
	_ =	sdelay $0x1  }
0x12d: {  	v17 =	vmul.f32 v62, v20;
	v14 =	vadd.f32 v15, v14;
	_ =	sdelay $0x1  }
0x12e: {  	v13 =	vmul.f32 v63, v13;
	v14 =	vadd.f32 v17, v14;
	_ =	sdelay $0x1  }
0x12f: {  	v13 =	vadd.f32 v13, v14;
	_ =	sdelay $0x1  }
0x130: {  	v13 =	vmax.f32 v13, $0.0e+00  }
0x131: {  	s1 =	simm.s32 $0x3;
	[tilespmem:s3+$0x7970] =	vst v13  }
.LBB2_14:
0x132: {  	s18 =	sadd.s32 $0x1, s18  }
0x133: {  	s2 =	sshrl.u32 s2, $0x2;
	p0 =	sne.s32 s18, $0x19  }
.Ltmp3:
0x134: {  	s2 =	sadd.s32 $0x1000, s2;
	(pc) =	sbr.rel @!p0 .LBB2_15-.Ltmp3, $4  }
0x135: {  	[spmem:s19] =	stream.indirect.scatter.add.f32 [tilespmem:s29], [sflag:s1], $0x80, s2, s28, $0xb8;
	[tilespmem:$0x1FE80] =	vst v63  }
0x136: {  	_ =	swait.ge [sflag:s1], $0x800  }
0x137: {  	[sflag:s1] =	ssyncset.done $0x0  }
0x138: {  	[sflag:s1] =	ssyncadd.s32 $0xFFFFF800  }
.LBB2_7:
0x139: {  	s1 =	sand.u32 $0x1, s18  }
0x13a: {  	p0 =	seq.s32 s1, $0x1  }
.Ltmp4:
0x13b: {  	_ = 	snop;
	(pc) =	sbr.rel @p0 .LBB2_11-.Ltmp4, $1  }
0x13c: {  	_ =	sdelay $0x3  }
0x13d: {  	s1 =	sor.u32 $0x1, s18  }
0x13e: {  	p0 =	sgt.u32 s1, $0x18  }
0x13f: {  	s1 =	sshll.u32 @!p0 s1, $0x7  }
0x140: {  	s1 =	sand.u32 @!p0 $0x3FFFFF80, s1  }
0x141: {  	v13 =	vld @!p0 [tilespmem:s1+$0x0];
	_ =	sdelay $0x4  }
0x142: {  	v14 =	vshll.u32 @!p0 v13, $0x2  }
0x143: {  	v15 =	vlaneseq.u32 @!p0;
	v13 =	vand.u32 @!p0 $0x7, v13;
	v14 =	vand.u32 @!p0 $0xFFFFFFE0, v14  }
0x144: {  	v16 =	vshrl.u32 @!p0 v15, $0x3;
	v13 =	vor.u32 @!p0 v13, v14;
	v14 =	vand.u32 @!p0 $0x7, v15  }
0x145: {  	v16 =	vmul.u32 @!p0 $0x8, v16;
	v14 =	vperm.xlane @!p0 v13, v14;
	_ =	sdelay $0x1  }
0x146: {  	v14 =	vadd.s32 @!p0 v16, v14  }
0x147: {  	v15 =	vor.u32 @!p0 $0x8, v15  }
0x148: {  	v13 =	vperm.xlane @!p0 v13, v15;
	_ =	sdelay $0x1  }
0x149: {  	vm1 =	vmmov @!p0 $0xffff;
	s2 =	simm.s32 @!p0 $0x5900;
	s1 =	simm.s32 @!p0 $0x0;
	v13 =	vadd.s32 @!p0 v16, v13  }
0x14a: {  	[tilespmem:s2], [sflag:$0x2] =	stream.indirect_vreg.gather @!p0 [hbm4b:s8+s1], $0x80, v14, vm1, $0xb8;
	[tilespmem:$0x1FE80] =	vst v63  }
0x14b: {  	s2 =	simm.s32 @!p0 $0x6100  }
0x14c: {  	[tilespmem:s2], [sflag:$0x2] =	stream.indirect_vreg.gather @!p0 [hbm4b:s11+s1], $0x80, v14, vm1, $0xb8;
	[tilespmem:$0x1FE80] =	vst v63  }
0x14d: {  	s2 =	simm.s32 @!p0 $0x6900  }
0x14e: {  	[tilespmem:s2], [sflag:$0x2] =	stream.indirect_vreg.gather @!p0 [hbm4b:s8+s1], $0x80, v13, vm1, $0xb8;
	[tilespmem:$0x1FE80] =	vst v63  }
0x14f: {  	s15 =	sshll.u32 s18, $0x8;
	s2 =	simm.s32 @!p0 $0x7100  }
0x150: {  	[tilespmem:s2], [sflag:$0x2] =	stream.indirect_vreg.gather @!p0 [hbm4b:s11+s1], $0x80, v13, vm1, $0xb8;
	[tilespmem:$0x1FE80] =	vst v63  }
0x151: {  	s1 =	sand.u32 $0x3FFFFF00, s15;
	s2 =	simm.s32 $0x0  }
0x152: {  	_ =	swait.ge [sflag:s26], $0x2000;
	s3 =	sadd.s32 $0x2000, s1;
	s16 =	sand.u32 $0x80, s2  }
0x153: {  	s4 =	sand.u32 $0x70, s2;
	[sflag:s26] =	ssyncset.done $0x0;
	s1 =	sadd.s32 s16, s3  }
0x154: {  	[sflag:s26] =	ssyncadd.s32 $0xFFFFE000;
	s1 =	sadd.s32 s4, s1  }
0x155: {  	s17 =	sand.u32 $0x1000, s2;
	s21 =	sand.u32 $0x380, s2;
	v13 =	vld [tilespmem:s1+$0x0]  }
0x156: {  	s1 =	sor.u32 s21, s17  }
0x157: {  	v14 =	vld [tilespmem:s1+$0x3900];
	_ =	sdelay $0x1  }
0x158: {  	v15 =	vld [tilespmem:s1+$0x3D00]  }
0x159: {  	v49 =	vbroadcast v13, $0x0  }
0x15a: {  	v17 =	vld [tilespmem:s1+$0x4100]  }
0x15b: {  	v18 =	vbroadcast v13, $0x1;
	v14 =	vmul.f32 v14, v49  }
0x15c: {  	v19 =	vld [tilespmem:s1+$0x4500]  }
0x15d: {  	v20 =	vbroadcast v13, $0x2;
	v15 =	vmul.f32 v15, v18;
	v14 =	vadd.f32 v14, v5;
	_ =	sdelay $0x1  }
0x15e: {  	v13 =	vbroadcast v13, $0x3;
	v14 =	vadd.f32 v15, v14;
	v15 =	vmul.f32 v17, v20;
	_ =	sdelay $0x1  }
0x15f: {  	v14 =	vadd.f32 v15, v14;
	v15 =	vmul.f32 v19, v13;
	_ =	sdelay $0x1  }
0x160: {  	v14 =	vadd.f32 v15, v14;
	_ =	sdelay $0x1  }
0x161: {  	s4 =	simm.s32 $0x0;
	v14 =	vmax.f32 v14, $0.0e+00  }
0x162: {  	[tilespmem:s4+$0x7900] =	vst v14  }
0x163: {  	v14 =	vld [tilespmem:s1+$0x3910];
	_ =	sdelay $0x1  }
0x164: {  	v15 =	vld [tilespmem:s1+$0x3D10];
	_ =	sdelay $0x1  }
0x165: {  	v50 =	vld [tilespmem:s1+$0x4110]  }
0x166: {  	v14 =	vmul.f32 v14, v49  }
0x167: {  	v51 =	vld [tilespmem:s1+$0x4510]  }
0x168: {  	v15 =	vmul.f32 v15, v18;
	v14 =	vadd.f32 v14, v6;
	_ =	sdelay $0x1  }
0x169: {  	v14 =	vadd.f32 v15, v14;
	v15 =	vmul.f32 v50, v20;
	_ =	sdelay $0x1  }
0x16a: {  	v14 =	vadd.f32 v15, v14;
	v15 =	vmul.f32 v51, v13;
	_ =	sdelay $0x1  }
0x16b: {  	v14 =	vadd.f32 v15, v14;
	_ =	sdelay $0x1  }
0x16c: {  	v14 =	vmax.f32 v14, $0.0e+00  }
0x16d: {  	[tilespmem:s4+$0x7910] =	vst v14  }
0x16e: {  	v14 =	vld [tilespmem:s1+$0x3920];
	_ =	sdelay $0x1  }
0x16f: {  	v15 =	vld [tilespmem:s1+$0x3D20];
	_ =	sdelay $0x1  }
0x170: {  	v52 =	vld [tilespmem:s1+$0x4120]  }
0x171: {  	v14 =	vmul.f32 v14, v49  }
0x172: {  	v53 =	vld [tilespmem:s1+$0x4520]  }
0x173: {  	v15 =	vmul.f32 v15, v18;
	v14 =	vadd.f32 v14, v7;
	_ =	sdelay $0x1  }
0x174: {  	v14 =	vadd.f32 v15, v14;
	v15 =	vmul.f32 v52, v20;
	_ =	sdelay $0x1  }
0x175: {  	v14 =	vadd.f32 v15, v14;
	v15 =	vmul.f32 v53, v13;
	_ =	sdelay $0x1  }
0x176: {  	v14 =	vadd.f32 v15, v14;
	_ =	sdelay $0x1  }
0x177: {  	v14 =	vmax.f32 v14, $0.0e+00  }
0x178: {  	[tilespmem:s4+$0x7920] =	vst v14  }
0x179: {  	v14 =	vld [tilespmem:s1+$0x3930];
	_ =	sdelay $0x1  }
0x17a: {  	v15 =	vld [tilespmem:s1+$0x3D30];
	_ =	sdelay $0x1  }
0x17b: {  	v54 =	vld [tilespmem:s1+$0x4130]  }
0x17c: {  	v14 =	vmul.f32 v14, v49  }
0x17d: {  	v55 =	vld [tilespmem:s1+$0x4530]  }
0x17e: {  	v15 =	vmul.f32 v15, v18;
	v14 =	vadd.f32 v14, v8;
	_ =	sdelay $0x1  }
0x17f: {  	v14 =	vadd.f32 v15, v14;
	v15 =	vmul.f32 v54, v20;
	_ =	sdelay $0x1  }
0x180: {  	v14 =	vadd.f32 v15, v14;
	v15 =	vmul.f32 v55, v13;
	_ =	sdelay $0x1  }
0x181: {  	v14 =	vadd.f32 v15, v14;
	_ =	sdelay $0x1  }
0x182: {  	v14 =	vmax.f32 v14, $0.0e+00  }
0x183: {  	[tilespmem:s4+$0x7930] =	vst v14  }
0x184: {  	v14 =	vld [tilespmem:s1+$0x3940];
	_ =	sdelay $0x1  }
0x185: {  	v15 =	vld [tilespmem:s1+$0x3D40];
	_ =	sdelay $0x1  }
0x186: {  	v56 =	vld [tilespmem:s1+$0x4140]  }
0x187: {  	v14 =	vmul.f32 v14, v49  }
0x188: {  	v57 =	vld [tilespmem:s1+$0x4540]  }
0x189: {  	v15 =	vmul.f32 v15, v18;
	v14 =	vadd.f32 v14, v9;
	_ =	sdelay $0x1  }
0x18a: {  	v14 =	vadd.f32 v15, v14;
	v15 =	vmul.f32 v56, v20;
	_ =	sdelay $0x1  }
0x18b: {  	v14 =	vadd.f32 v15, v14;
	v15 =	vmul.f32 v57, v13;
	_ =	sdelay $0x1  }
0x18c: {  	v14 =	vadd.f32 v15, v14;
	_ =	sdelay $0x1  }
0x18d: {  	v14 =	vmax.f32 v14, $0.0e+00  }
0x18e: {  	[tilespmem:s4+$0x7940] =	vst v14  }
0x18f: {  	v14 =	vld [tilespmem:s1+$0x3950];
	_ =	sdelay $0x1  }
0x190: {  	v15 =	vld [tilespmem:s1+$0x3D50];
	_ =	sdelay $0x1  }
0x191: {  	v58 =	vld [tilespmem:s1+$0x4150]  }
0x192: {  	v14 =	vmul.f32 v14, v49  }
0x193: {  	v59 =	vld [tilespmem:s1+$0x4550]  }
0x194: {  	v15 =	vmul.f32 v15, v18;
	v14 =	vadd.f32 v14, v10;
	_ =	sdelay $0x1  }
0x195: {  	v17 =	vmul.f32 v58, v20;
	v14 =	vadd.f32 v15, v14;
	_ =	sdelay $0x1  }
0x196: {  	v15 =	vmul.f32 v59, v13;
	v14 =	vadd.f32 v17, v14;
	_ =	sdelay $0x1  }
0x197: {  	v14 =	vadd.f32 v15, v14;
	_ =	sdelay $0x1  }
0x198: {  	v14 =	vmax.f32 v14, $0.0e+00  }
0x199: {  	[tilespmem:s4+$0x7950] =	vst v14  }
0x19a: {  	v14 =	vld [tilespmem:s1+$0x3960];
	_ =	sdelay $0x1  }
0x19b: {  	v15 =	vld [tilespmem:s1+$0x3D60];
	_ =	sdelay $0x1  }
0x19c: {  	v60 =	vld [tilespmem:s1+$0x4160]  }
0x19d: {  	v14 =	vmul.f32 v14, v49  }
0x19e: {  	v61 =	vld [tilespmem:s1+$0x4560]  }
0x19f: {  	v15 =	vmul.f32 v15, v18;
	v14 =	vadd.f32 v14, v11;
	_ =	sdelay $0x1  }
0x1a0: {  	v17 =	vmul.f32 v60, v20;
	v14 =	vadd.f32 v15, v14;
	_ =	sdelay $0x1  }
0x1a1: {  	v15 =	vmul.f32 v61, v13;
	v14 =	vadd.f32 v17, v14;
	_ =	sdelay $0x1  }
0x1a2: {  	v14 =	vadd.f32 v15, v14;
	_ =	sdelay $0x1  }
0x1a3: {  	v14 =	vmax.f32 v14, $0.0e+00  }
0x1a4: {  	[tilespmem:s4+$0x7960] =	vst v14  }
0x1a5: {  	v14 =	vld [tilespmem:s1+$0x3970];
	_ =	sdelay $0x1  }
0x1a6: {  	v15 =	vld [tilespmem:s1+$0x3D70];
	_ =	sdelay $0x1  }
0x1a7: {  	v62 =	vld [tilespmem:s1+$0x4170]  }
0x1a8: {  	v14 =	vmul.f32 v14, v49  }
0x1a9: {  	v63 =	vld [tilespmem:s1+$0x4570]  }
0x1aa: {  	v15 =	vmul.f32 v15, v18;
	v14 =	vadd.f32 v14, v12;
	_ =	sdelay $0x1  }
0x1ab: {  	v17 =	vmul.f32 v62, v20;
	v14 =	vadd.f32 v15, v14;
	_ =	sdelay $0x1  }
0x1ac: {  	v13 =	vmul.f32 v63, v13;
	v14 =	vadd.f32 v17, v14;
	_ =	sdelay $0x1  }
0x1ad: {  	s31 =	simm.s32 $0x10;
	v13 =	vadd.f32 v13, v14  }
0x1ae: {  	s6 =	simm.s32 $0x20;
	s5 =	sand.u32 $0x80, s31  }
0x1af: {  	s7 =	sadd.s32 s5, s3;
	s5 =	simm.s32 $0x80;
	s1 =	sand.u32 $0x70, s31;
	v13 =	vmax.f32 v13, $0.0e+00  }
.LBB2_9:
0x1b0: {  	s7 =	sadd.s32 s1, s7  }
0x1b1: {  	[tilespmem:s4+$0x7970] =	vst v13;
	s2 =	sadd.s32 $0x200, s2;
	s1 =	smov.u32 s6;
	s31 =	sadd.s32 $0x10, s6  }
0x1b2: {  	p0 =	sne.s32 s6, $0xF0;
	s6 =	sand.u32 $0x380, s5;
	v13 =	vld [tilespmem:s7+$0x0];
	s4 =	sand.u32 $0x1000, s2  }
0x1b3: {  	s6 =	sor.u32 s6, s4  }
0x1b4: {  	v17 =	vld [tilespmem:s6+$0x3900];
	_ =	sdelay $0x1  }
0x1b5: {  	v18 =	vld [tilespmem:s6+$0x3D00]  }
0x1b6: {  	v16 =	vbroadcast v13, $0x0;
	v14 =	vbroadcast v13, $0x1  }
0x1b7: {  	v15 =	vbroadcast v13, $0x2;
	v13 =	vbroadcast v13, $0x3;
	v19 =	vld [tilespmem:s6+$0x4100]  }
0x1b8: {  	v17 =	vmul.f32 v17, v16  }
0x1b9: {  	v20 =	vld [tilespmem:s6+$0x4500]  }
0x1ba: {  	v17 =	vadd.f32 v17, v5;
	v18 =	vmul.f32 v18, v14;
	_ =	sdelay $0x1  }
0x1bb: {  	v17 =	vadd.f32 v18, v17;
	v18 =	vmul.f32 v19, v15;
	_ =	sdelay $0x1  }
0x1bc: {  	v17 =	vadd.f32 v18, v17;
	v18 =	vmul.f32 v20, v13;
	_ =	sdelay $0x1  }
0x1bd: {  	v17 =	vadd.f32 v18, v17;
	_ =	sdelay $0x1  }
0x1be: {  	s4 =	sshra.s32 s2, $0x2;
	v17 =	vmax.f32 v17, $0.0e+00  }
0x1bf: {  	[tilespmem:s4+$0x7900] =	vst v17  }
0x1c0: {  	v17 =	vld [tilespmem:s6+$0x3910];
	_ =	sdelay $0x1  }
0x1c1: {  	v18 =	vld [tilespmem:s6+$0x3D10];
	_ =	sdelay $0x1  }
0x1c2: {  	v19 =	vld [tilespmem:s6+$0x4110]  }
0x1c3: {  	v17 =	vmul.f32 v17, v16  }
0x1c4: {  	v20 =	vld [tilespmem:s6+$0x4510]  }
0x1c5: {  	v17 =	vadd.f32 v17, v6;
	v18 =	vmul.f32 v18, v14;
	_ =	sdelay $0x1  }
0x1c6: {  	v17 =	vadd.f32 v18, v17;
	v18 =	vmul.f32 v19, v15;
	_ =	sdelay $0x1  }
0x1c7: {  	v17 =	vadd.f32 v18, v17;
	v18 =	vmul.f32 v20, v13;
	_ =	sdelay $0x1  }
0x1c8: {  	v17 =	vadd.f32 v18, v17;
	_ =	sdelay $0x1  }
0x1c9: {  	v17 =	vmax.f32 v17, $0.0e+00  }
0x1ca: {  	[tilespmem:s4+$0x7910] =	vst v17  }
0x1cb: {  	v17 =	vld [tilespmem:s6+$0x3920];
	_ =	sdelay $0x1  }
0x1cc: {  	v18 =	vld [tilespmem:s6+$0x3D20];
	_ =	sdelay $0x1  }
0x1cd: {  	v19 =	vld [tilespmem:s6+$0x4120]  }
0x1ce: {  	v17 =	vmul.f32 v17, v16  }
0x1cf: {  	v20 =	vld [tilespmem:s6+$0x4520]  }
0x1d0: {  	v17 =	vadd.f32 v17, v7;
	v18 =	vmul.f32 v18, v14;
	_ =	sdelay $0x1  }
0x1d1: {  	v17 =	vadd.f32 v18, v17;
	v18 =	vmul.f32 v19, v15;
	_ =	sdelay $0x1  }
0x1d2: {  	v17 =	vadd.f32 v18, v17;
	v18 =	vmul.f32 v20, v13;
	_ =	sdelay $0x1  }
0x1d3: {  	v17 =	vadd.f32 v18, v17;
	_ =	sdelay $0x1  }
0x1d4: {  	v17 =	vmax.f32 v17, $0.0e+00  }
0x1d5: {  	[tilespmem:s4+$0x7920] =	vst v17  }
0x1d6: {  	v17 =	vld [tilespmem:s6+$0x3930];
	_ =	sdelay $0x1  }
0x1d7: {  	v18 =	vld [tilespmem:s6+$0x3D30];
	_ =	sdelay $0x1  }
0x1d8: {  	v19 =	vld [tilespmem:s6+$0x4130]  }
0x1d9: {  	v17 =	vmul.f32 v17, v16  }
0x1da: {  	v20 =	vld [tilespmem:s6+$0x4530]  }
0x1db: {  	v17 =	vadd.f32 v17, v8;
	v18 =	vmul.f32 v18, v14;
	_ =	sdelay $0x1  }
0x1dc: {  	v17 =	vadd.f32 v18, v17;
	v18 =	vmul.f32 v19, v15;
	_ =	sdelay $0x1  }
0x1dd: {  	v17 =	vadd.f32 v18, v17;
	v18 =	vmul.f32 v20, v13;
	_ =	sdelay $0x1  }
0x1de: {  	v17 =	vadd.f32 v18, v17;
	_ =	sdelay $0x1  }
0x1df: {  	v17 =	vmax.f32 v17, $0.0e+00  }
0x1e0: {  	[tilespmem:s4+$0x7930] =	vst v17  }
0x1e1: {  	v17 =	vld [tilespmem:s6+$0x3940];
	_ =	sdelay $0x1  }
0x1e2: {  	v18 =	vld [tilespmem:s6+$0x3D40];
	_ =	sdelay $0x1  }
0x1e3: {  	v19 =	vld [tilespmem:s6+$0x4140]  }
0x1e4: {  	v17 =	vmul.f32 v17, v16  }
0x1e5: {  	v20 =	vld [tilespmem:s6+$0x4540]  }
0x1e6: {  	v17 =	vadd.f32 v17, v9;
	v18 =	vmul.f32 v18, v14;
	_ =	sdelay $0x1  }
0x1e7: {  	v17 =	vadd.f32 v18, v17;
	v18 =	vmul.f32 v19, v15;
	_ =	sdelay $0x1  }
0x1e8: {  	v17 =	vadd.f32 v18, v17;
	v18 =	vmul.f32 v20, v13;
	_ =	sdelay $0x1  }
0x1e9: {  	v17 =	vadd.f32 v18, v17;
	_ =	sdelay $0x1  }
0x1ea: {  	v17 =	vmax.f32 v17, $0.0e+00  }
0x1eb: {  	[tilespmem:s4+$0x7940] =	vst v17  }
0x1ec: {  	v17 =	vld [tilespmem:s6+$0x3950]  }
0x1ed: {  	v18 =	vld [tilespmem:s6+$0x3D50]  }
0x1ee: {  	v19 =	vld [tilespmem:s6+$0x4150]  }
0x1ef: {  	v20 =	vld [tilespmem:s6+$0x4550];
	_ =	sdelay $0x1  }
0x1f0: {  	v17 =	vmul.f32 v17, v16  }
0x1f1: {  	v18 =	vmul.f32 v18, v14  }
0x1f2: {  	v17 =	vadd.f32 v17, v10;
	v19 =	vmul.f32 v19, v15  }
0x1f3: {  	v20 =	vmul.f32 v20, v13  }
0x1f4: {  	v17 =	vadd.f32 v18, v17;
	_ =	sdelay $0x1  }
0x1f5: {  	v17 =	vadd.f32 v19, v17;
	_ =	sdelay $0x1  }
0x1f6: {  	v17 =	vadd.f32 v20, v17;
	_ =	sdelay $0x1  }
0x1f7: {  	v17 =	vmax.f32 v17, $0.0e+00  }
0x1f8: {  	[tilespmem:s4+$0x7950] =	vst v17  }
0x1f9: {  	v17 =	vld [tilespmem:s6+$0x3960]  }
0x1fa: {  	v18 =	vld [tilespmem:s6+$0x3D60]  }
0x1fb: {  	v19 =	vld [tilespmem:s6+$0x4160]  }
0x1fc: {  	v20 =	vld [tilespmem:s6+$0x4560];
	_ =	sdelay $0x1  }
0x1fd: {  	v17 =	vmul.f32 v17, v16  }
0x1fe: {  	v18 =	vmul.f32 v18, v14  }
0x1ff: {  	v17 =	vadd.f32 v17, v11;
	v19 =	vmul.f32 v19, v15  }
0x200: {  	v20 =	vmul.f32 v20, v13  }
0x201: {  	v17 =	vadd.f32 v18, v17;
	_ =	sdelay $0x1  }
0x202: {  	v17 =	vadd.f32 v19, v17;
	_ =	sdelay $0x1  }
0x203: {  	v17 =	vadd.f32 v20, v17;
	_ =	sdelay $0x1  }
0x204: {  	v17 =	vmax.f32 v17, $0.0e+00  }
0x205: {  	[tilespmem:s4+$0x7960] =	vst v17  }
0x206: {  	v17 =	vld [tilespmem:s6+$0x3970]  }
0x207: {  	v18 =	vld [tilespmem:s6+$0x3D70]  }
0x208: {  	v19 =	vld [tilespmem:s6+$0x4170]  }
0x209: {  	v20 =	vld [tilespmem:s6+$0x4570];
	_ =	sdelay $0x1  }
0x20a: {  	v16 =	vmul.f32 v17, v16  }
0x20b: {  	v14 =	vmul.f32 v18, v14  }
0x20c: {  	v16 =	vadd.f32 v16, v12;
	v15 =	vmul.f32 v19, v15  }
0x20d: {  	v13 =	vmul.f32 v20, v13  }
0x20e: {  	v14 =	vadd.f32 v14, v16;
	_ =	sdelay $0x1  }
.Ltmp5:
0x20f: {  	v14 =	vadd.f32 v15, v14;
	(pc) =	sbr.rel @p0 .LBB2_9-.Ltmp5, $4  }
0x210: {  	_ = 	snop  }
0x211: {  	v13 =	vadd.f32 v13, v14  }
0x212: {  	s5 =	sadd.s32 $0x80, s5;
	s6 =	sand.u32 $0x80, s1  }
0x213: {  	s1 =	sand.u32 $0x70, s1;
	s7 =	sadd.s32 s6, s3;
	s6 =	smov.u32 s31;
	v13 =	vmax.f32 v13, $0.0e+00  }
0x214: {  	s1 =	sadd.s32 s1, s7;
	[tilespmem:s4+$0x7970] =	vst v13;
	s2 =	sadd.s32 $0x200, s2  }
0x215: {  	s3 =	sand.u32 $0x380, s5;
	v13 =	vld [tilespmem:s1+$0x0];
	s31 =	sand.u32 $0x1000, s2  }
0x216: {  	s1 =	sor.u32 s3, s31  }
0x217: {  	v14 =	vld [tilespmem:s1+$0x3900];
	_ =	sdelay $0x1  }
0x218: {  	v15 =	vld [tilespmem:s1+$0x3D00]  }
0x219: {  	v16 =	vbroadcast v13, $0x0  }
0x21a: {  	v17 =	vld [tilespmem:s1+$0x4100]  }
0x21b: {  	v18 =	vbroadcast v13, $0x1;
	v14 =	vmul.f32 v14, v16  }
0x21c: {  	v19 =	vld [tilespmem:s1+$0x4500]  }
0x21d: {  	v20 =	vbroadcast v13, $0x2;
	v15 =	vmul.f32 v15, v18;
	v14 =	vadd.f32 v14, v5;
	_ =	sdelay $0x1  }
0x21e: {  	v13 =	vbroadcast v13, $0x3;
	v14 =	vadd.f32 v15, v14;
	v15 =	vmul.f32 v17, v20;
	_ =	sdelay $0x1  }
0x21f: {  	v14 =	vadd.f32 v15, v14;
	v15 =	vmul.f32 v19, v13;
	_ =	sdelay $0x1  }
0x220: {  	v14 =	vadd.f32 v15, v14;
	_ =	sdelay $0x1  }
0x221: {  	s2 =	sshra.s32 s2, $0x2;
	v14 =	vmax.f32 v14, $0.0e+00  }
0x222: {  	[tilespmem:s2+$0x7900] =	vst v14  }
0x223: {  	v14 =	vld [tilespmem:s1+$0x3910];
	_ =	sdelay $0x1  }
0x224: {  	v15 =	vld [tilespmem:s1+$0x3D10];
	_ =	sdelay $0x1  }
0x225: {  	v50 =	vld [tilespmem:s1+$0x4110]  }
0x226: {  	v14 =	vmul.f32 v14, v16  }
0x227: {  	v51 =	vld [tilespmem:s1+$0x4510]  }
0x228: {  	v15 =	vmul.f32 v15, v18;
	v14 =	vadd.f32 v14, v6;
	_ =	sdelay $0x1  }
0x229: {  	v14 =	vadd.f32 v15, v14;
	v15 =	vmul.f32 v50, v20;
	_ =	sdelay $0x1  }
0x22a: {  	v14 =	vadd.f32 v15, v14;
	v15 =	vmul.f32 v51, v13;
	_ =	sdelay $0x1  }
0x22b: {  	v14 =	vadd.f32 v15, v14;
	_ =	sdelay $0x1  }
0x22c: {  	v14 =	vmax.f32 v14, $0.0e+00  }
0x22d: {  	[tilespmem:s2+$0x7910] =	vst v14  }
0x22e: {  	v14 =	vld [tilespmem:s1+$0x3920];
	_ =	sdelay $0x1  }
0x22f: {  	v15 =	vld [tilespmem:s1+$0x3D20];
	_ =	sdelay $0x1  }
0x230: {  	v52 =	vld [tilespmem:s1+$0x4120]  }
0x231: {  	v14 =	vmul.f32 v14, v16  }
0x232: {  	v53 =	vld [tilespmem:s1+$0x4520]  }
0x233: {  	v15 =	vmul.f32 v15, v18;
	v14 =	vadd.f32 v14, v7;
	_ =	sdelay $0x1  }
0x234: {  	v14 =	vadd.f32 v15, v14;
	v15 =	vmul.f32 v52, v20;
	_ =	sdelay $0x1  }
0x235: {  	v14 =	vadd.f32 v15, v14;
	v15 =	vmul.f32 v53, v13;
	_ =	sdelay $0x1  }
0x236: {  	v14 =	vadd.f32 v15, v14;
	_ =	sdelay $0x1  }
0x237: {  	v14 =	vmax.f32 v14, $0.0e+00  }
0x238: {  	[tilespmem:s2+$0x7920] =	vst v14  }
0x239: {  	v14 =	vld [tilespmem:s1+$0x3930];
	_ =	sdelay $0x1  }
0x23a: {  	v15 =	vld [tilespmem:s1+$0x3D30];
	_ =	sdelay $0x1  }
0x23b: {  	v54 =	vld [tilespmem:s1+$0x4130]  }
0x23c: {  	v14 =	vmul.f32 v14, v16  }
0x23d: {  	v55 =	vld [tilespmem:s1+$0x4530]  }
0x23e: {  	v15 =	vmul.f32 v15, v18;
	v14 =	vadd.f32 v14, v8;
	_ =	sdelay $0x1  }
0x23f: {  	v14 =	vadd.f32 v15, v14;
	v15 =	vmul.f32 v54, v20;
	_ =	sdelay $0x1  }
0x240: {  	v14 =	vadd.f32 v15, v14;
	v15 =	vmul.f32 v55, v13;
	_ =	sdelay $0x1  }
0x241: {  	v14 =	vadd.f32 v15, v14;
	_ =	sdelay $0x1  }
0x242: {  	v14 =	vmax.f32 v14, $0.0e+00  }
0x243: {  	[tilespmem:s2+$0x7930] =	vst v14  }
0x244: {  	v14 =	vld [tilespmem:s1+$0x3940];
	_ =	sdelay $0x1  }
0x245: {  	v15 =	vld [tilespmem:s1+$0x3D40];
	_ =	sdelay $0x1  }
0x246: {  	v56 =	vld [tilespmem:s1+$0x4140]  }
0x247: {  	v14 =	vmul.f32 v14, v16  }
0x248: {  	v57 =	vld [tilespmem:s1+$0x4540]  }
0x249: {  	v15 =	vmul.f32 v15, v18;
	v14 =	vadd.f32 v14, v9;
	_ =	sdelay $0x1  }
0x24a: {  	v14 =	vadd.f32 v15, v14;
	v15 =	vmul.f32 v56, v20;
	_ =	sdelay $0x1  }
0x24b: {  	v14 =	vadd.f32 v15, v14;
	v15 =	vmul.f32 v57, v13;
	_ =	sdelay $0x1  }
0x24c: {  	v14 =	vadd.f32 v15, v14;
	_ =	sdelay $0x1  }
0x24d: {  	v14 =	vmax.f32 v14, $0.0e+00  }
0x24e: {  	[tilespmem:s2+$0x7940] =	vst v14  }
0x24f: {  	v14 =	vld [tilespmem:s1+$0x3950];
	_ =	sdelay $0x1  }
0x250: {  	v15 =	vld [tilespmem:s1+$0x3D50];
	_ =	sdelay $0x1  }
0x251: {  	v58 =	vld [tilespmem:s1+$0x4150]  }
0x252: {  	v14 =	vmul.f32 v14, v16  }
0x253: {  	v59 =	vld [tilespmem:s1+$0x4550]  }
0x254: {  	v15 =	vmul.f32 v15, v18;
	v14 =	vadd.f32 v14, v10;
	_ =	sdelay $0x1  }
0x255: {  	v17 =	vmul.f32 v58, v20;
	v14 =	vadd.f32 v15, v14;
	_ =	sdelay $0x1  }
0x256: {  	v15 =	vmul.f32 v59, v13;
	v14 =	vadd.f32 v17, v14;
	_ =	sdelay $0x1  }
0x257: {  	v14 =	vadd.f32 v15, v14;
	_ =	sdelay $0x1  }
0x258: {  	v14 =	vmax.f32 v14, $0.0e+00  }
0x259: {  	[tilespmem:s2+$0x7950] =	vst v14  }
0x25a: {  	v14 =	vld [tilespmem:s1+$0x3960];
	_ =	sdelay $0x1  }
0x25b: {  	v15 =	vld [tilespmem:s1+$0x3D60];
	_ =	sdelay $0x1  }
0x25c: {  	v60 =	vld [tilespmem:s1+$0x4160]  }
0x25d: {  	v14 =	vmul.f32 v14, v16  }
0x25e: {  	v61 =	vld [tilespmem:s1+$0x4560]  }
0x25f: {  	v15 =	vmul.f32 v15, v18;
	v14 =	vadd.f32 v14, v11;
	_ =	sdelay $0x1  }
0x260: {  	v17 =	vmul.f32 v60, v20;
	v14 =	vadd.f32 v15, v14;
	_ =	sdelay $0x1  }
0x261: {  	v15 =	vmul.f32 v61, v13;
	v14 =	vadd.f32 v17, v14;
	_ =	sdelay $0x1  }
0x262: {  	v14 =	vadd.f32 v15, v14;
	_ =	sdelay $0x1  }
0x263: {  	v14 =	vmax.f32 v14, $0.0e+00  }
0x264: {  	[tilespmem:s2+$0x7960] =	vst v14  }
0x265: {  	v14 =	vld [tilespmem:s1+$0x3970];
	_ =	sdelay $0x1  }
0x266: {  	v15 =	vld [tilespmem:s1+$0x3D70];
	_ =	sdelay $0x1  }
0x267: {  	v62 =	vld [tilespmem:s1+$0x4170]  }
0x268: {  	v14 =	vmul.f32 v14, v16  }
0x269: {  	v63 =	vld [tilespmem:s1+$0x4570]  }
0x26a: {  	v15 =	vmul.f32 v15, v18;
	v14 =	vadd.f32 v14, v12;
	_ =	sdelay $0x1  }
0x26b: {  	v17 =	vmul.f32 v62, v20;
	v14 =	vadd.f32 v15, v14;
	_ =	sdelay $0x1  }
0x26c: {  	v13 =	vmul.f32 v63, v13;
	v14 =	vadd.f32 v17, v14  }
.Ltmp6:
0x26d: {  	_ = 	snop;
	(pc) =	sbr.rel .LBB2_14-.Ltmp6, $3  }
0x26e: {  	v13 =	vadd.f32 v13, v14;
	_ =	sdelay $0x1  }
0x26f: {  	v13 =	vmax.f32 v13, $0.0e+00  }
0x270: {  	s1 =	simm.s32 $0x4;
	[tilespmem:s2+$0x7970] =	vst v13;
	s2 =	sshll.u32 s18, $0x9  }
.LBB2_11:
0x271: {  	s2 =	sshll.u32 s18, $0x9  }
0x272: {  	s1 =	sshrl.u32 s2, $0x2  }
0x273: {  	v13 =	vld [tilespmem:s1+$0x80];
	_ =	sdelay $0x4  }
0x274: {  	v14 =	vshll.u32 v13, $0x2  }
0x275: {  	v13 =	vand.u32 $0x7, v13;
	v14 =	vand.u32 $0xFFFFFFE0, v14  }
0x276: {  	v13 =	vor.u32 v13, v14  }
0x277: {  	v14 =	vperm.xlane v13, v2;
	_ =	sdelay $0x1  }
0x278: {  	v14 =	vadd.s32 v3, v14;
	_ =	sdelay $0x1  }
0x279: {  	v13 =	vperm.xlane v13, v4;
	_ =	sdelay $0x1  }
0x27a: {  	s3 =	simm.s32 $0x0;
	v13 =	vadd.s32 v3, v13  }
0x27b: {  	[tilespmem:s22], [sflag:$0x1] =	stream.indirect_vreg.gather [hbm4b:s8+s3], $0x80, v14, vm0, $0xb8;
	[tilespmem:$0x1FE80] =	vst v63  }
0x27c: {  	_ = 	snop  }
0x27d: {  	[tilespmem:s23], [sflag:$0x1] =	stream.indirect_vreg.gather [hbm4b:s11+s3], $0x80, v14, vm0, $0xb8;
	[tilespmem:$0x1FE80] =	vst v63  }
0x27e: {  	s14 =	sshll.u32 s18, $0x8  }
0x27f: {  	[tilespmem:s24], [sflag:$0x1] =	stream.indirect_vreg.gather [hbm4b:s8+s3], $0x80, v13, vm0, $0xb8;
	[tilespmem:$0x1FE80] =	vst v63  }
0x280: {  	s1 =	sand.u32 $0x3FFFFF00, s14  }
0x281: {  	[tilespmem:s25], [sflag:$0x1] =	stream.indirect_vreg.gather [hbm4b:s11+s3], $0x80, v13, vm0, $0xb8;
	[tilespmem:$0x1FE80] =	vst v63  }
0x282: {  	s15 =	sand.u32 $0x80, s3;
	s4 =	sadd.s32 $0x2000, s1;
	_ =	swait.ge [sflag:s30], $0x2000  }
0x283: {  	s5 =	sand.u32 $0x70, s3;
	s1 =	sadd.s32 s15, s4;
	[sflag:s30] =	ssyncset.done $0x0  }
0x284: {  	s1 =	sadd.s32 s5, s1;
	[sflag:s30] =	ssyncadd.s32 $0xFFFFE000  }
0x285: {  	s16 =	sand.u32 $0x1000, s3;
	s17 =	sand.u32 $0x380, s3;
	v13 =	vld [tilespmem:s1+$0x0]  }
0x286: {  	s1 =	sor.u32 s17, s16  }
0x287: {  	v14 =	vld [tilespmem:s1+$0x5900];
	_ =	sdelay $0x1  }
0x288: {  	v15 =	vld [tilespmem:s1+$0x5D00]  }
0x289: {  	v16 =	vbroadcast v13, $0x0  }
0x28a: {  	v17 =	vld [tilespmem:s1+$0x6100]  }
0x28b: {  	v18 =	vbroadcast v13, $0x1;
	v14 =	vmul.f32 v14, v16  }
0x28c: {  	v19 =	vld [tilespmem:s1+$0x6500]  }
0x28d: {  	v20 =	vbroadcast v13, $0x2;
	v15 =	vmul.f32 v15, v18;
	v14 =	vadd.f32 v14, v5;
	_ =	sdelay $0x1  }
0x28e: {  	v13 =	vbroadcast v13, $0x3;
	v14 =	vadd.f32 v15, v14;
	v15 =	vmul.f32 v17, v20;
	_ =	sdelay $0x1  }
0x28f: {  	v14 =	vadd.f32 v15, v14;
	v15 =	vmul.f32 v19, v13;
	_ =	sdelay $0x1  }
0x290: {  	v14 =	vadd.f32 v15, v14;
	_ =	sdelay $0x1  }
0x291: {  	s5 =	simm.s32 $0x0;
	v14 =	vmax.f32 v14, $0.0e+00  }
0x292: {  	[tilespmem:s5+$0x7900] =	vst v14  }
0x293: {  	v14 =	vld [tilespmem:s1+$0x5910];
	_ =	sdelay $0x1  }
0x294: {  	v15 =	vld [tilespmem:s1+$0x5D10];
	_ =	sdelay $0x1  }
0x295: {  	v50 =	vld [tilespmem:s1+$0x6110]  }
0x296: {  	v14 =	vmul.f32 v14, v16  }
0x297: {  	v51 =	vld [tilespmem:s1+$0x6510]  }
0x298: {  	v15 =	vmul.f32 v15, v18;
	v14 =	vadd.f32 v14, v6;
	_ =	sdelay $0x1  }
0x299: {  	v14 =	vadd.f32 v15, v14;
	v15 =	vmul.f32 v50, v20;
	_ =	sdelay $0x1  }
0x29a: {  	v14 =	vadd.f32 v15, v14;
	v15 =	vmul.f32 v51, v13;
	_ =	sdelay $0x1  }
0x29b: {  	v14 =	vadd.f32 v15, v14;
	_ =	sdelay $0x1  }
0x29c: {  	v14 =	vmax.f32 v14, $0.0e+00  }
0x29d: {  	[tilespmem:s5+$0x7910] =	vst v14  }
0x29e: {  	v14 =	vld [tilespmem:s1+$0x5920];
	_ =	sdelay $0x1  }
0x29f: {  	v15 =	vld [tilespmem:s1+$0x5D20];
	_ =	sdelay $0x1  }
0x2a0: {  	v52 =	vld [tilespmem:s1+$0x6120]  }
0x2a1: {  	v14 =	vmul.f32 v14, v16  }
0x2a2: {  	v53 =	vld [tilespmem:s1+$0x6520]  }
0x2a3: {  	v15 =	vmul.f32 v15, v18;
	v14 =	vadd.f32 v14, v7;
	_ =	sdelay $0x1  }
0x2a4: {  	v14 =	vadd.f32 v15, v14;
	v15 =	vmul.f32 v52, v20;
	_ =	sdelay $0x1  }
0x2a5: {  	v14 =	vadd.f32 v15, v14;
	v15 =	vmul.f32 v53, v13;
	_ =	sdelay $0x1  }
0x2a6: {  	v14 =	vadd.f32 v15, v14;
	_ =	sdelay $0x1  }
0x2a7: {  	v14 =	vmax.f32 v14, $0.0e+00  }
0x2a8: {  	[tilespmem:s5+$0x7920] =	vst v14  }
0x2a9: {  	v14 =	vld [tilespmem:s1+$0x5930];
	_ =	sdelay $0x1  }
0x2aa: {  	v15 =	vld [tilespmem:s1+$0x5D30];
	_ =	sdelay $0x1  }
0x2ab: {  	v54 =	vld [tilespmem:s1+$0x6130]  }
0x2ac: {  	v14 =	vmul.f32 v14, v16  }
0x2ad: {  	v55 =	vld [tilespmem:s1+$0x6530]  }
0x2ae: {  	v15 =	vmul.f32 v15, v18;
	v14 =	vadd.f32 v14, v8;
	_ =	sdelay $0x1  }
0x2af: {  	v14 =	vadd.f32 v15, v14;
	v15 =	vmul.f32 v54, v20;
	_ =	sdelay $0x1  }
0x2b0: {  	v14 =	vadd.f32 v15, v14;
	v15 =	vmul.f32 v55, v13;
	_ =	sdelay $0x1  }
0x2b1: {  	v14 =	vadd.f32 v15, v14;
	_ =	sdelay $0x1  }
0x2b2: {  	v14 =	vmax.f32 v14, $0.0e+00  }
0x2b3: {  	[tilespmem:s5+$0x7930] =	vst v14  }
0x2b4: {  	v14 =	vld [tilespmem:s1+$0x5940];
	_ =	sdelay $0x1  }
0x2b5: {  	v15 =	vld [tilespmem:s1+$0x5D40];
	_ =	sdelay $0x1  }
0x2b6: {  	v56 =	vld [tilespmem:s1+$0x6140]  }
0x2b7: {  	v14 =	vmul.f32 v14, v16  }
0x2b8: {  	v57 =	vld [tilespmem:s1+$0x6540]  }
0x2b9: {  	v15 =	vmul.f32 v15, v18;
	v14 =	vadd.f32 v14, v9;
	_ =	sdelay $0x1  }
0x2ba: {  	v14 =	vadd.f32 v15, v14;
	v15 =	vmul.f32 v56, v20;
	_ =	sdelay $0x1  }
0x2bb: {  	v14 =	vadd.f32 v15, v14;
	v15 =	vmul.f32 v57, v13;
	_ =	sdelay $0x1  }
0x2bc: {  	v14 =	vadd.f32 v15, v14;
	_ =	sdelay $0x1  }
0x2bd: {  	v14 =	vmax.f32 v14, $0.0e+00  }
0x2be: {  	[tilespmem:s5+$0x7940] =	vst v14  }
0x2bf: {  	v14 =	vld [tilespmem:s1+$0x5950];
	_ =	sdelay $0x1  }
0x2c0: {  	v15 =	vld [tilespmem:s1+$0x5D50];
	_ =	sdelay $0x1  }
0x2c1: {  	v58 =	vld [tilespmem:s1+$0x6150]  }
0x2c2: {  	v14 =	vmul.f32 v14, v16  }
0x2c3: {  	v59 =	vld [tilespmem:s1+$0x6550]  }
0x2c4: {  	v15 =	vmul.f32 v15, v18;
	v14 =	vadd.f32 v14, v10;
	_ =	sdelay $0x1  }
0x2c5: {  	v17 =	vmul.f32 v58, v20;
	v14 =	vadd.f32 v15, v14;
	_ =	sdelay $0x1  }
0x2c6: {  	v15 =	vmul.f32 v59, v13;
	v14 =	vadd.f32 v17, v14;
	_ =	sdelay $0x1  }
0x2c7: {  	v14 =	vadd.f32 v15, v14;
	_ =	sdelay $0x1  }
0x2c8: {  	v14 =	vmax.f32 v14, $0.0e+00  }
0x2c9: {  	[tilespmem:s5+$0x7950] =	vst v14  }
0x2ca: {  	v14 =	vld [tilespmem:s1+$0x5960];
	_ =	sdelay $0x1  }
0x2cb: {  	v15 =	vld [tilespmem:s1+$0x5D60];
	_ =	sdelay $0x1  }
0x2cc: {  	v60 =	vld [tilespmem:s1+$0x6160]  }
0x2cd: {  	v14 =	vmul.f32 v14, v16  }
0x2ce: {  	v61 =	vld [tilespmem:s1+$0x6560]  }
0x2cf: {  	v15 =	vmul.f32 v15, v18;
	v14 =	vadd.f32 v14, v11;
	_ =	sdelay $0x1  }
0x2d0: {  	v17 =	vmul.f32 v60, v20;
	v14 =	vadd.f32 v15, v14;
	_ =	sdelay $0x1  }
0x2d1: {  	v15 =	vmul.f32 v61, v13;
	v14 =	vadd.f32 v17, v14;
	_ =	sdelay $0x1  }
0x2d2: {  	v14 =	vadd.f32 v15, v14;
	_ =	sdelay $0x1  }
0x2d3: {  	v14 =	vmax.f32 v14, $0.0e+00  }
0x2d4: {  	[tilespmem:s5+$0x7960] =	vst v14  }
0x2d5: {  	v14 =	vld [tilespmem:s1+$0x5970];
	_ =	sdelay $0x1  }
0x2d6: {  	v15 =	vld [tilespmem:s1+$0x5D70];
	_ =	sdelay $0x1  }
0x2d7: {  	v62 =	vld [tilespmem:s1+$0x6170]  }
0x2d8: {  	v14 =	vmul.f32 v14, v16  }
0x2d9: {  	v63 =	vld [tilespmem:s1+$0x6570]  }
0x2da: {  	v15 =	vmul.f32 v15, v18;
	v14 =	vadd.f32 v14, v12;
	_ =	sdelay $0x1  }
0x2db: {  	v17 =	vmul.f32 v62, v20;
	v14 =	vadd.f32 v15, v14;
	_ =	sdelay $0x1  }
0x2dc: {  	v13 =	vmul.f32 v63, v13;
	v14 =	vadd.f32 v17, v14;
	_ =	sdelay $0x1  }
0x2dd: {  	s21 =	simm.s32 $0x10;
	v13 =	vadd.f32 v13, v14  }
0x2de: {  	s7 =	simm.s32 $0x20;
	s6 =	sand.u32 $0x80, s21  }
0x2df: {  	s31 =	simm.s32 $0x80;
	s9 =	sadd.s32 s6, s4;
	s1 =	sand.u32 $0x70, s21;
	v13 =	vmax.f32 v13, $0.0e+00  }
.LBB2_12:
0x2e0: {  	s9 =	sadd.s32 s1, s9  }
0x2e1: {  	[tilespmem:s5+$0x7970] =	vst v13;
	s3 =	sadd.s32 $0x200, s3;
	s1 =	smov.u32 s7;
	s6 =	sadd.s32 $0x10, s7  }
0x2e2: {  	p0 =	sne.s32 s7, $0xF0;
	s7 =	sand.u32 $0x380, s31;
	v13 =	vld [tilespmem:s9+$0x0];
	s5 =	sand.u32 $0x1000, s3  }
0x2e3: {  	s15 =	sor.u32 s7, s5  }
0x2e4: {  	v17 =	vld [tilespmem:s15+$0x5900];
	_ =	sdelay $0x1  }
0x2e5: {  	v18 =	vld [tilespmem:s15+$0x5D00]  }
0x2e6: {  	v16 =	vbroadcast v13, $0x0;
	v14 =	vbroadcast v13, $0x1  }
0x2e7: {  	v15 =	vbroadcast v13, $0x2;
	v13 =	vbroadcast v13, $0x3;
	v19 =	vld [tilespmem:s15+$0x6100]  }
0x2e8: {  	v17 =	vmul.f32 v17, v16  }
0x2e9: {  	v20 =	vld [tilespmem:s15+$0x6500]  }
0x2ea: {  	v17 =	vadd.f32 v17, v5;
	v18 =	vmul.f32 v18, v14;
	_ =	sdelay $0x1  }
0x2eb: {  	v17 =	vadd.f32 v18, v17;
	v18 =	vmul.f32 v19, v15;
	_ =	sdelay $0x1  }
0x2ec: {  	v17 =	vadd.f32 v18, v17;
	v18 =	vmul.f32 v20, v13;
	_ =	sdelay $0x1  }
0x2ed: {  	v17 =	vadd.f32 v18, v17;
	_ =	sdelay $0x1  }
0x2ee: {  	s5 =	sshra.s32 s3, $0x2;
	v17 =	vmax.f32 v17, $0.0e+00  }
0x2ef: {  	[tilespmem:s5+$0x7900] =	vst v17  }
0x2f0: {  	v17 =	vld [tilespmem:s15+$0x5910];
	_ =	sdelay $0x1  }
0x2f1: {  	v18 =	vld [tilespmem:s15+$0x5D10];
	_ =	sdelay $0x1  }
0x2f2: {  	v19 =	vld [tilespmem:s15+$0x6110]  }
0x2f3: {  	v17 =	vmul.f32 v17, v16  }
0x2f4: {  	v20 =	vld [tilespmem:s15+$0x6510]  }
0x2f5: {  	v17 =	vadd.f32 v17, v6;
	v18 =	vmul.f32 v18, v14;
	_ =	sdelay $0x1  }
0x2f6: {  	v17 =	vadd.f32 v18, v17;
	v18 =	vmul.f32 v19, v15;
	_ =	sdelay $0x1  }
0x2f7: {  	v17 =	vadd.f32 v18, v17;
	v18 =	vmul.f32 v20, v13;
	_ =	sdelay $0x1  }
0x2f8: {  	v17 =	vadd.f32 v18, v17;
	_ =	sdelay $0x1  }
0x2f9: {  	v17 =	vmax.f32 v17, $0.0e+00  }
0x2fa: {  	[tilespmem:s5+$0x7910] =	vst v17  }
0x2fb: {  	v17 =	vld [tilespmem:s15+$0x5920];
	_ =	sdelay $0x1  }
0x2fc: {  	v18 =	vld [tilespmem:s15+$0x5D20];
	_ =	sdelay $0x1  }
0x2fd: {  	v19 =	vld [tilespmem:s15+$0x6120]  }
0x2fe: {  	v17 =	vmul.f32 v17, v16  }
0x2ff: {  	v20 =	vld [tilespmem:s15+$0x6520]  }
0x300: {  	v17 =	vadd.f32 v17, v7;
	v18 =	vmul.f32 v18, v14;
	_ =	sdelay $0x1  }
0x301: {  	v17 =	vadd.f32 v18, v17;
	v18 =	vmul.f32 v19, v15;
	_ =	sdelay $0x1  }
0x302: {  	v17 =	vadd.f32 v18, v17;
	v18 =	vmul.f32 v20, v13;
	_ =	sdelay $0x1  }
0x303: {  	v17 =	vadd.f32 v18, v17;
	_ =	sdelay $0x1  }
0x304: {  	v17 =	vmax.f32 v17, $0.0e+00  }
0x305: {  	[tilespmem:s5+$0x7920] =	vst v17  }
0x306: {  	v17 =	vld [tilespmem:s15+$0x5930];
	_ =	sdelay $0x1  }
0x307: {  	v18 =	vld [tilespmem:s15+$0x5D30];
	_ =	sdelay $0x1  }
0x308: {  	v19 =	vld [tilespmem:s15+$0x6130]  }
0x309: {  	v17 =	vmul.f32 v17, v16  }
0x30a: {  	v20 =	vld [tilespmem:s15+$0x6530]  }
0x30b: {  	v17 =	vadd.f32 v17, v8;
	v18 =	vmul.f32 v18, v14;
	_ =	sdelay $0x1  }
0x30c: {  	v17 =	vadd.f32 v18, v17;
	v18 =	vmul.f32 v19, v15;
	_ =	sdelay $0x1  }
0x30d: {  	v17 =	vadd.f32 v18, v17;
	v18 =	vmul.f32 v20, v13;
	_ =	sdelay $0x1  }
0x30e: {  	v17 =	vadd.f32 v18, v17;
	_ =	sdelay $0x1  }
0x30f: {  	v17 =	vmax.f32 v17, $0.0e+00  }
0x310: {  	[tilespmem:s5+$0x7930] =	vst v17  }
0x311: {  	v17 =	vld [tilespmem:s15+$0x5940];
	_ =	sdelay $0x1  }
0x312: {  	v18 =	vld [tilespmem:s15+$0x5D40];
	_ =	sdelay $0x1  }
0x313: {  	v19 =	vld [tilespmem:s15+$0x6140]  }
0x314: {  	v17 =	vmul.f32 v17, v16  }
0x315: {  	v20 =	vld [tilespmem:s15+$0x6540]  }
0x316: {  	v17 =	vadd.f32 v17, v9;
	v18 =	vmul.f32 v18, v14;
	_ =	sdelay $0x1  }
0x317: {  	v17 =	vadd.f32 v18, v17;
	v18 =	vmul.f32 v19, v15;
	_ =	sdelay $0x1  }
0x318: {  	v17 =	vadd.f32 v18, v17;
	v18 =	vmul.f32 v20, v13;
	_ =	sdelay $0x1  }
0x319: {  	v17 =	vadd.f32 v18, v17;
	_ =	sdelay $0x1  }
0x31a: {  	v17 =	vmax.f32 v17, $0.0e+00  }
0x31b: {  	[tilespmem:s5+$0x7940] =	vst v17  }
0x31c: {  	v17 =	vld [tilespmem:s15+$0x5950]  }
0x31d: {  	v18 =	vld [tilespmem:s15+$0x5D50]  }
0x31e: {  	v19 =	vld [tilespmem:s15+$0x6150]  }
0x31f: {  	v20 =	vld [tilespmem:s15+$0x6550];
	_ =	sdelay $0x1  }
0x320: {  	v17 =	vmul.f32 v17, v16  }
0x321: {  	v18 =	vmul.f32 v18, v14  }
0x322: {  	v17 =	vadd.f32 v17, v10;
	v19 =	vmul.f32 v19, v15  }
0x323: {  	v20 =	vmul.f32 v20, v13  }
0x324: {  	v17 =	vadd.f32 v18, v17;
	_ =	sdelay $0x1  }
0x325: {  	v17 =	vadd.f32 v19, v17;
	_ =	sdelay $0x1  }
0x326: {  	v17 =	vadd.f32 v20, v17;
	_ =	sdelay $0x1  }
0x327: {  	v17 =	vmax.f32 v17, $0.0e+00  }
0x328: {  	[tilespmem:s5+$0x7950] =	vst v17  }
0x329: {  	v17 =	vld [tilespmem:s15+$0x5960]  }
0x32a: {  	v18 =	vld [tilespmem:s15+$0x5D60]  }
0x32b: {  	v19 =	vld [tilespmem:s15+$0x6160]  }
0x32c: {  	v20 =	vld [tilespmem:s15+$0x6560];
	_ =	sdelay $0x1  }
0x32d: {  	v17 =	vmul.f32 v17, v16  }
0x32e: {  	v18 =	vmul.f32 v18, v14  }
0x32f: {  	v17 =	vadd.f32 v17, v11;
	v19 =	vmul.f32 v19, v15  }
0x330: {  	v20 =	vmul.f32 v20, v13  }
0x331: {  	v17 =	vadd.f32 v18, v17;
	_ =	sdelay $0x1  }
0x332: {  	v17 =	vadd.f32 v19, v17;
	_ =	sdelay $0x1  }
0x333: {  	v17 =	vadd.f32 v20, v17;
	_ =	sdelay $0x1  }
0x334: {  	v17 =	vmax.f32 v17, $0.0e+00  }
0x335: {  	[tilespmem:s5+$0x7960] =	vst v17  }
0x336: {  	v17 =	vld [tilespmem:s15+$0x5970]  }
0x337: {  	v18 =	vld [tilespmem:s15+$0x5D70]  }
0x338: {  	v19 =	vld [tilespmem:s15+$0x6170]  }
0x339: {  	v20 =	vld [tilespmem:s15+$0x6570];
	_ =	sdelay $0x1  }
0x33a: {  	v16 =	vmul.f32 v17, v16  }
0x33b: {  	v14 =	vmul.f32 v18, v14  }
0x33c: {  	v16 =	vadd.f32 v16, v12;
	v15 =	vmul.f32 v19, v15  }
0x33d: {  	v13 =	vmul.f32 v20, v13  }
0x33e: {  	v14 =	vadd.f32 v14, v16;
	_ =	sdelay $0x1  }
.Ltmp7:
0x33f: {  	v14 =	vadd.f32 v15, v14;
	(pc) =	sbr.rel @p0 .LBB2_12-.Ltmp7, $4  }
0x340: {  	_ = 	snop  }
0x341: {  	v13 =	vadd.f32 v13, v14  }
0x342: {  	s31 =	sadd.s32 $0x80, s31;
	s7 =	sand.u32 $0x80, s1  }
0x343: {  	s1 =	sand.u32 $0x70, s1;
	s9 =	sadd.s32 s7, s4;
	s7 =	smov.u32 s6;
	v13 =	vmax.f32 v13, $0.0e+00  }
.Ltmp8:
0x344: {  	_ = 	snop;
	(pc) =	sbr.rel .LBB2_13-.Ltmp8, $1  }
0x345: {  	_ =	sdelay $0x3  }
.LBB2_15:
0x346: {  	s1 =	simm.s32 $0x0  }
0x347: {  	v13 =	vld [tilespmem:s1+$0x1000];
	_ =	sdelay $0x4  }
0x348: {  	(v2sf) =	vpush v13, $0x0;
	_ =	sdelay $0x7  }
0x349: {  	(v2sf) =	vpush v13, $0x1;
	_ =	sdelay $0x6  }
0x34a: {  	s5 =	spop (v2sf)  }
0x34b: {  	(v2sf) =	vpush v13, $0x2;
	s2 =	sand.u32 $0xFFFFFFF0, s5  }
0x34c: {  	v14 =	vld [tilespmem:s2+$0x9500]  }
0x34d: {  	s1 =	sand.u32 $0xF, s5  }
0x34e: {  	v15 =	vmov s1  }
0x34f: {  	vm1 =	veq.s32 v15, v0  }
0x350: {  	v15 =	vsel vm1, $0x3F800000, v1  }
0x351: {  	v14 =	vadd.f32 v15, v14  }
0x352: {  	s6 =	spop (v2sf)  }
0x353: {  	(v2sf) =	vpush v13, $0x3;
	s7 =	sand.u32 $0xFFFFFFF0, s6;
	[tilespmem:s2+$0x9500] =	vst v14  }
0x354: {  	v14 =	vld [tilespmem:s7+$0x9500]  }
0x355: {  	s1 =	sand.u32 $0xF, s6  }
0x356: {  	v15 =	vmov s1  }
0x357: {  	vm1 =	veq.s32 v15, v0  }
0x358: {  	v15 =	vsel vm1, $0x3F800000, v1  }
0x359: {  	v14 =	vadd.f32 v15, v14  }
0x35a: {  	s9 =	spop (v2sf)  }
0x35b: {  	(v2sf) =	vpush v13, $0x4;
	s10 =	sand.u32 $0xFFFFFFF0, s9;
	[tilespmem:s7+$0x9500] =	vst v14  }
0x35c: {  	v14 =	vld [tilespmem:s10+$0x9500]  }
0x35d: {  	s1 =	sand.u32 $0xF, s9  }
0x35e: {  	v15 =	vmov s1  }
0x35f: {  	vm1 =	veq.s32 v15, v0  }
0x360: {  	v15 =	vsel vm1, $0x3F800000, v1  }
0x361: {  	v14 =	vadd.f32 v15, v14  }
0x362: {  	s12 =	spop (v2sf)  }
0x363: {  	(v2sf) =	vpush v13, $0x5;
	s13 =	sand.u32 $0xFFFFFFF0, s12;
	[tilespmem:s10+$0x9500] =	vst v14  }
0x364: {  	v14 =	vld [tilespmem:s13+$0x9500]  }
0x365: {  	s1 =	sand.u32 $0xF, s12  }
0x366: {  	v15 =	vmov s1  }
0x367: {  	vm1 =	veq.s32 v15, v0  }
0x368: {  	v15 =	vsel vm1, $0x3F800000, v1  }
0x369: {  	v14 =	vadd.f32 v14, v15  }
0x36a: {  	s14 =	spop (v2sf)  }
0x36b: {  	(v2sf) =	vpush v13, $0x6;
	s15 =	sand.u32 $0xFFFFFFF0, s14;
	[tilespmem:s13+$0x9500] =	vst v14  }
0x36c: {  	v14 =	vld [tilespmem:s15+$0x9500]  }
0x36d: {  	s1 =	sand.u32 $0xF, s14  }
0x36e: {  	v15 =	vmov s1  }
0x36f: {  	vm1 =	veq.s32 v15, v0  }
0x370: {  	v15 =	vsel vm1, $0x3F800000, v1  }
0x371: {  	v14 =	vadd.f32 v14, v15  }
0x372: {  	s16 =	spop (v2sf)  }
0x373: {  	(v2sf) =	vpush v13, $0x7;
	s17 =	sand.u32 $0xFFFFFFF0, s16;
	[tilespmem:s15+$0x9500] =	vst v14  }
0x374: {  	v14 =	vld [tilespmem:s17+$0x9500]  }
0x375: {  	s1 =	sand.u32 $0xF, s16  }
0x376: {  	v15 =	vmov s1  }
0x377: {  	vm1 =	veq.s32 v15, v0  }
0x378: {  	v15 =	vsel vm1, $0x3F800000, v1  }
0x379: {  	v14 =	vadd.f32 v14, v15  }
0x37a: {  	s18 =	spop (v2sf)  }
0x37b: {  	(v2sf) =	vpush v13, $0x8;
	s21 =	sand.u32 $0xFFFFFFF0, s18;
	[tilespmem:s17+$0x9500] =	vst v14  }
0x37c: {  	v14 =	vld [tilespmem:s21+$0x9500]  }
0x37d: {  	s1 =	sand.u32 $0xF, s18  }
0x37e: {  	v15 =	vmov s1  }
0x37f: {  	vm1 =	veq.s32 v15, v0  }
0x380: {  	v15 =	vsel vm1, $0x3F800000, v1  }
0x381: {  	v14 =	vadd.f32 v14, v15  }
0x382: {  	s31 =	spop (v2sf)  }
0x383: {  	(v2sf) =	vpush v13, $0x9;
	s3 =	sand.u32 $0xFFFFFFF0, s31;
	[tilespmem:s21+$0x9500] =	vst v14  }
0x384: {  	v14 =	vld [tilespmem:s3+$0x9500]  }
0x385: {  	s1 =	sand.u32 $0xF, s31  }
0x386: {  	v15 =	vmov s1  }
0x387: {  	vm1 =	veq.s32 v15, v0  }
0x388: {  	v15 =	vsel vm1, $0x3F800000, v1  }
0x389: {  	v14 =	vadd.f32 v14, v15  }
0x38a: {  	s4 =	spop (v2sf)  }
0x38b: {  	(v2sf) =	vpush v13, $0xA;
	s5 =	sand.u32 $0xFFFFFFF0, s4;
	[tilespmem:s3+$0x9500] =	vst v14  }
0x38c: {  	v14 =	vld [tilespmem:s5+$0x9500]  }
0x38d: {  	s1 =	sand.u32 $0xF, s4  }
0x38e: {  	v15 =	vmov s1  }
0x38f: {  	vm1 =	veq.s32 v15, v0  }
0x390: {  	v15 =	vsel vm1, $0x3F800000, v1  }
0x391: {  	v14 =	vadd.f32 v14, v15  }
0x392: {  	s6 =	spop (v2sf)  }
0x393: {  	(v2sf) =	vpush v13, $0xB;
	s7 =	sand.u32 $0xFFFFFFF0, s6;
	[tilespmem:s5+$0x9500] =	vst v14  }
0x394: {  	v14 =	vld [tilespmem:s7+$0x9500]  }
0x395: {  	s1 =	sand.u32 $0xF, s6  }
0x396: {  	v15 =	vmov s1  }
0x397: {  	vm1 =	veq.s32 v15, v0  }
0x398: {  	v15 =	vsel vm1, $0x3F800000, v1  }
0x399: {  	v14 =	vadd.f32 v14, v15  }
0x39a: {  	s9 =	spop (v2sf)  }
0x39b: {  	(v2sf) =	vpush v13, $0xC;
	s10 =	sand.u32 $0xFFFFFFF0, s9;
	[tilespmem:s7+$0x9500] =	vst v14  }
0x39c: {  	v14 =	vld [tilespmem:s10+$0x9500]  }
0x39d: {  	s1 =	sand.u32 $0xF, s9  }
0x39e: {  	v15 =	vmov s1  }
0x39f: {  	vm1 =	veq.s32 v15, v0  }
0x3a0: {  	v15 =	vsel vm1, $0x3F800000, v1  }
0x3a1: {  	v14 =	vadd.f32 v14, v15  }
0x3a2: {  	s12 =	spop (v2sf)  }
0x3a3: {  	(v2sf) =	vpush v13, $0xD;
	s13 =	sand.u32 $0xFFFFFFF0, s12;
	[tilespmem:s10+$0x9500] =	vst v14  }
0x3a4: {  	v14 =	vld [tilespmem:s13+$0x9500]  }
0x3a5: {  	s1 =	sand.u32 $0xF, s12  }
0x3a6: {  	v15 =	vmov s1  }
0x3a7: {  	vm1 =	veq.s32 v15, v0  }
0x3a8: {  	v15 =	vsel vm1, $0x3F800000, v1  }
0x3a9: {  	v14 =	vadd.f32 v14, v15  }
0x3aa: {  	s14 =	spop (v2sf)  }
0x3ab: {  	(v2sf) =	vpush v13, $0xE;
	s15 =	sand.u32 $0xFFFFFFF0, s14;
	[tilespmem:s13+$0x9500] =	vst v14  }
0x3ac: {  	v14 =	vld [tilespmem:s15+$0x9500]  }
0x3ad: {  	s1 =	sand.u32 $0xF, s14  }
0x3ae: {  	v15 =	vmov s1  }
0x3af: {  	vm1 =	veq.s32 v15, v0  }
0x3b0: {  	v15 =	vsel vm1, $0x3F800000, v1  }
0x3b1: {  	v14 =	vadd.f32 v14, v15  }
0x3b2: {  	s16 =	spop (v2sf)  }
0x3b3: {  	(v2sf) =	vpush v13, $0xF;
	s17 =	sand.u32 $0xFFFFFFF0, s16;
	[tilespmem:s15+$0x9500] =	vst v14  }
0x3b4: {  	v13 =	vld [tilespmem:s17+$0x9500]  }
0x3b5: {  	s1 =	sand.u32 $0xF, s16  }
0x3b6: {  	v14 =	vmov s1  }
0x3b7: {  	vm1 =	veq.s32 v14, v0  }
0x3b8: {  	v14 =	vsel vm1, $0x3F800000, v1  }
0x3b9: {  	v13 =	vadd.f32 v13, v14  }
0x3ba: {  	s18 =	spop (v2sf)  }
0x3bb: {  	s21 =	sand.u32 $0xFFFFFFF0, s18;
	[tilespmem:s17+$0x9500] =	vst v13  }
0x3bc: {  	v13 =	vld [tilespmem:s21+$0x9500]  }
0x3bd: {  	s1 =	sand.u32 $0xF, s18  }
0x3be: {  	v14 =	vmov s1  }
0x3bf: {  	vm1 =	veq.s32 v14, v0  }
0x3c0: {  	v14 =	vsel vm1, $0x3F800000, v1  }
0x3c1: {  	v13 =	vadd.f32 v13, v14  }
0x3c2: {  	s3 =	spop (v2sf)  }
0x3c3: {  	s1 =	sand.u32 $0xFFFFFFF0, s3;
	[tilespmem:s21+$0x9500] =	vst v13  }
0x3c4: {  	v13 =	vld [tilespmem:s1+$0x9500]  }
0x3c5: {  	s31 =	sand.u32 $0xF, s3  }
0x3c6: {  	v14 =	vmov s31  }
0x3c7: {  	vm1 =	veq.s32 v14, v0  }
0x3c8: {  	v14 =	vsel vm1, $0x3F800000, v1  }
0x3c9: {  	s2 =	simm.s32 $0x200;
	s3 =	simm.s32 $0x400;
	v13 =	vadd.f32 v13, v14  }
.LBB2_16:
0x3ca: {  	p0 =	sne.s32 s3, $0x3000  }
0x3cb: {  	s4 =	sshra.s32 s2, $0x2;
	s2 =	smov.u32 s3;
	s3 =	sadd.s32 $0x200, s3;
	[tilespmem:s1+$0x9500] =	vst v13  }
0x3cc: {  	v13 =	vld [tilespmem:s4+$0x1000];
	_ =	sdelay $0x4  }
0x3cd: {  	(v2sf) =	vpush v13, $0x0  }
0x3ce: {  	(v2sf) =	vpush v13, $0x1  }
0x3cf: {  	(v2sf) =	vpush v13, $0x2  }
0x3d0: {  	(v2sf) =	vpush v13, $0x3  }
0x3d1: {  	(v2sf) =	vpush v13, $0x4  }
0x3d2: {  	(v2sf) =	vpush v13, $0x5  }
0x3d3: {  	(v2sf) =	vpush v13, $0x6  }
0x3d4: {  	(v2sf) =	vpush v13, $0x7  }
0x3d5: {  	(v2sf) =	vpush v13, $0x8  }
0x3d6: {  	(v2sf) =	vpush v13, $0x9  }
0x3d7: {  	(v2sf) =	vpush v13, $0xA  }
0x3d8: {  	(v2sf) =	vpush v13, $0xB  }
0x3d9: {  	(v2sf) =	vpush v13, $0xC  }
0x3da: {  	(v2sf) =	vpush v13, $0xD  }
0x3db: {  	(v2sf) =	vpush v13, $0xE  }
0x3dc: {  	s1 =	spop (v2sf);
	(v2sf) =	vpush v13, $0xF  }
0x3dd: {  	s4 =	sand.u32 $0xF, s1;
	s1 =	sand.u32 $0xFFFFFFF0, s1;
	s5 =	spop (v2sf)  }
0x3de: {  	v13 =	vmov s4;
	v14 =	vld [tilespmem:s1+$0x9500];
	s4 =	sand.u32 $0xF, s5;
	s12 =	spop (v2sf)  }
0x3df: {  	vm2 =	veq.s32 v13, v0;
	v13 =	vmov s4;
	s4 =	sand.u32 $0xF, s12;
	s10 =	spop (v2sf)  }
0x3e0: {  	vm1 =	veq.s32 v13, v0;
	v13 =	vmov s4;
	s4 =	sand.u32 $0xF, s10;
	s9 =	spop (v2sf)  }
0x3e1: {  	vm14 =	veq.s32 v13, v0;
	v13 =	vmov s4;
	s4 =	sand.u32 $0xF, s9;
	s7 =	spop (v2sf)  }
0x3e2: {  	v15 =	vsel vm2, $0x3F800000, v1;
	vm13 =	veq.s32 v13, v0;
	v13 =	vmov s4;
	s4 =	sand.u32 $0xF, s7;
	s21 =	spop (v2sf)  }
0x3e3: {  	v14 =	vadd.f32 v15, v14;
	vm12 =	veq.s32 v13, v0;
	v13 =	vmov s4;
	s4 =	sand.u32 $0xF, s21;
	s14 =	spop (v2sf)  }
0x3e4: {  	vm11 =	veq.s32 v13, v0;
	v13 =	vmov s4;
	s4 =	sand.u32 $0xF, s14;
	s13 =	spop (v2sf)  }
0x3e5: {  	s16 =	sand.u32 $0xFFFFFFF0, s5;
	[tilespmem:s1+$0x9500] =	vst v14;
	vm10 =	veq.s32 v13, v0;
	v13 =	vmov s4;
	s1 =	sand.u32 $0xF, s13;
	s31 =	spop (v2sf)  }
0x3e6: {  	v14 =	vld [tilespmem:s16+$0x9500];
	vm9 =	veq.s32 v13, v0;
	v13 =	vmov s1;
	s1 =	sand.u32 $0xF, s31;
	s18 =	spop (v2sf)  }
0x3e7: {  	vm8 =	veq.s32 v13, v0;
	v13 =	vmov s1;
	s1 =	sand.u32 $0xF, s18;
	s15 =	spop (v2sf)  }
0x3e8: {  	vm7 =	veq.s32 v13, v0;
	v13 =	vmov s1;
	s1 =	sand.u32 $0xF, s15;
	s6 =	spop (v2sf)  }
0x3e9: {  	vm6 =	veq.s32 v13, v0;
	v13 =	vmov s1;
	s1 =	sand.u32 $0xF, s6;
	s5 =	spop (v2sf)  }
0x3ea: {  	v15 =	vsel vm1, $0x3F800000, v1;
	vm5 =	veq.s32 v13, v0;
	v13 =	vmov s1;
	s1 =	sand.u32 $0xF, s5;
	s4 =	spop (v2sf)  }
0x3eb: {  	v14 =	vadd.f32 v15, v14;
	vm4 =	veq.s32 v13, v0;
	v13 =	vmov s1;
	s17 =	sand.u32 $0xF, s4;
	s1 =	spop (v2sf)  }
0x3ec: {  	vm3 =	veq.s32 v13, v0;
	v13 =	vmov s17;
	s17 =	sand.u32 $0xF, s1  }
0x3ed: {  	s12 =	sand.u32 $0xFFFFFFF0, s12;
	[tilespmem:s16+$0x9500] =	vst v14;
	vm2 =	veq.s32 v13, v0;
	v13 =	vmov s17  }
0x3ee: {  	v14 =	vld [tilespmem:s12+$0x9500];
	vm1 =	veq.s32 v13, v0;
	_ =	sdelay $0x3  }
0x3ef: {  	v13 =	vsel vm14, $0x3F800000, v1  }
0x3f0: {  	v13 =	vadd.f32 v13, v14;
	_ =	sdelay $0x1  }
0x3f1: {  	s10 =	sand.u32 $0xFFFFFFF0, s10;
	[tilespmem:s12+$0x9500] =	vst v13  }
0x3f2: {  	v13 =	vld [tilespmem:s10+$0x9500];
	_ =	sdelay $0x3  }
0x3f3: {  	v14 =	vsel vm13, $0x3F800000, v1  }
0x3f4: {  	v13 =	vadd.f32 v13, v14;
	_ =	sdelay $0x1  }
0x3f5: {  	s9 =	sand.u32 $0xFFFFFFF0, s9;
	[tilespmem:s10+$0x9500] =	vst v13  }
0x3f6: {  	v13 =	vld [tilespmem:s9+$0x9500];
	_ =	sdelay $0x3  }
0x3f7: {  	v14 =	vsel vm12, $0x3F800000, v1  }
0x3f8: {  	v13 =	vadd.f32 v13, v14;
	_ =	sdelay $0x1  }
0x3f9: {  	s7 =	sand.u32 $0xFFFFFFF0, s7;
	[tilespmem:s9+$0x9500] =	vst v13  }
0x3fa: {  	v13 =	vld [tilespmem:s7+$0x9500];
	_ =	sdelay $0x3  }
0x3fb: {  	v14 =	vsel vm11, $0x3F800000, v1  }
0x3fc: {  	v13 =	vadd.f32 v13, v14;
	_ =	sdelay $0x1  }
0x3fd: {  	[tilespmem:s7+$0x9500] =	vst v13;
	s7 =	sand.u32 $0xFFFFFFF0, s21  }
0x3fe: {  	v13 =	vld [tilespmem:s7+$0x9500];
	_ =	sdelay $0x3  }
0x3ff: {  	v14 =	vsel vm10, $0x3F800000, v1  }
0x400: {  	v13 =	vadd.f32 v13, v14;
	_ =	sdelay $0x1  }
0x401: {  	[tilespmem:s7+$0x9500] =	vst v13;
	s7 =	sand.u32 $0xFFFFFFF0, s14  }
0x402: {  	v13 =	vld [tilespmem:s7+$0x9500];
	_ =	sdelay $0x3  }
0x403: {  	v14 =	vsel vm9, $0x3F800000, v1  }
0x404: {  	v13 =	vadd.f32 v13, v14;
	_ =	sdelay $0x1  }
0x405: {  	[tilespmem:s7+$0x9500] =	vst v13;
	s7 =	sand.u32 $0xFFFFFFF0, s13  }
0x406: {  	v13 =	vld [tilespmem:s7+$0x9500];
	_ =	sdelay $0x3  }
0x407: {  	v14 =	vsel vm8, $0x3F800000, v1  }
0x408: {  	v13 =	vadd.f32 v13, v14;
	_ =	sdelay $0x1  }
0x409: {  	[tilespmem:s7+$0x9500] =	vst v13;
	s7 =	sand.u32 $0xFFFFFFF0, s31  }
0x40a: {  	v13 =	vld [tilespmem:s7+$0x9500];
	_ =	sdelay $0x3  }
0x40b: {  	v14 =	vsel vm7, $0x3F800000, v1  }
0x40c: {  	v13 =	vadd.f32 v13, v14;
	_ =	sdelay $0x1  }
0x40d: {  	[tilespmem:s7+$0x9500] =	vst v13;
	s7 =	sand.u32 $0xFFFFFFF0, s18  }
0x40e: {  	v13 =	vld [tilespmem:s7+$0x9500];
	_ =	sdelay $0x3  }
0x40f: {  	v14 =	vsel vm6, $0x3F800000, v1  }
0x410: {  	v13 =	vadd.f32 v13, v14;
	_ =	sdelay $0x1  }
0x411: {  	[tilespmem:s7+$0x9500] =	vst v13;
	s7 =	sand.u32 $0xFFFFFFF0, s15  }
0x412: {  	v13 =	vld [tilespmem:s7+$0x9500];
	_ =	sdelay $0x3  }
0x413: {  	v14 =	vsel vm5, $0x3F800000, v1  }
0x414: {  	v13 =	vadd.f32 v13, v14;
	_ =	sdelay $0x1  }
0x415: {  	s6 =	sand.u32 $0xFFFFFFF0, s6;
	[tilespmem:s7+$0x9500] =	vst v13  }
0x416: {  	v13 =	vld [tilespmem:s6+$0x9500];
	_ =	sdelay $0x3  }
0x417: {  	v14 =	vsel vm4, $0x3F800000, v1  }
0x418: {  	v13 =	vadd.f32 v13, v14;
	_ =	sdelay $0x1  }
0x419: {  	s5 =	sand.u32 $0xFFFFFFF0, s5;
	[tilespmem:s6+$0x9500] =	vst v13  }
0x41a: {  	v13 =	vld [tilespmem:s5+$0x9500];
	_ =	sdelay $0x3  }
0x41b: {  	v14 =	vsel vm3, $0x3F800000, v1  }
0x41c: {  	v13 =	vadd.f32 v13, v14;
	_ =	sdelay $0x1  }
0x41d: {  	s4 =	sand.u32 $0xFFFFFFF0, s4;
	[tilespmem:s5+$0x9500] =	vst v13  }
0x41e: {  	v13 =	vld [tilespmem:s4+$0x9500];
	_ =	sdelay $0x3  }
0x41f: {  	v14 =	vsel vm2, $0x3F800000, v1  }
0x420: {  	v13 =	vadd.f32 v13, v14;
	_ =	sdelay $0x1  }
0x421: {  	s1 =	sand.u32 $0xFFFFFFF0, s1;
	[tilespmem:s4+$0x9500] =	vst v13  }
0x422: {  	v13 =	vld [tilespmem:s1+$0x9500]  }
.Ltmp9:
0x423: {  	(pc) =	sbr.rel @p0 .LBB2_16-.Ltmp9, $3  }
0x424: {  	_ =	sdelay $0x1  }
0x425: {  	v14 =	vsel vm1, $0x3F800000, v1  }
0x426: {  	v13 =	vadd.f32 v13, v14  }
0x427: {  	_ = 	snop  }
0x428: {  	s2 =	sshra.s32 s2, $0x2;
	[tilespmem:s1+$0x9500] =	vst v13  }
0x429: {  	v13 =	vld [tilespmem:s2+$0x1000];
	_ =	sdelay $0x4  }
0x42a: {  	(v2sf) =	vpush v13, $0x0;
	_ =	sdelay $0x7  }
0x42b: {  	(v2sf) =	vpush v13, $0x1;
	_ =	sdelay $0x6  }
0x42c: {  	s3 =	spop (v2sf)  }
0x42d: {  	(v2sf) =	vpush v13, $0x2;
	s4 =	sand.u32 $0xFFFFFFF0, s3  }
0x42e: {  	v14 =	vld [tilespmem:s4+$0x9500]  }
0x42f: {  	s1 =	sand.u32 $0xF, s3  }
0x430: {  	v15 =	vmov s1  }
0x431: {  	vm1 =	veq.s32 v15, v0  }
0x432: {  	v15 =	vsel vm1, $0x3F800000, v1  }
0x433: {  	v14 =	vadd.f32 v15, v14  }
0x434: {  	s5 =	spop (v2sf)  }
0x435: {  	(v2sf) =	vpush v13, $0x3;
	s6 =	sand.u32 $0xFFFFFFF0, s5;
	[tilespmem:s4+$0x9500] =	vst v14  }
0x436: {  	v14 =	vld [tilespmem:s6+$0x9500]  }
0x437: {  	s1 =	sand.u32 $0xF, s5  }
0x438: {  	v15 =	vmov s1  }
0x439: {  	vm1 =	veq.s32 v15, v0  }
0x43a: {  	v15 =	vsel vm1, $0x3F800000, v1  }
0x43b: {  	v14 =	vadd.f32 v15, v14  }
0x43c: {  	s7 =	spop (v2sf)  }
0x43d: {  	(v2sf) =	vpush v13, $0x4;
	s9 =	sand.u32 $0xFFFFFFF0, s7;
	[tilespmem:s6+$0x9500] =	vst v14  }
0x43e: {  	v14 =	vld [tilespmem:s9+$0x9500]  }
0x43f: {  	s1 =	sand.u32 $0xF, s7  }
0x440: {  	v15 =	vmov s1  }
0x441: {  	vm1 =	veq.s32 v15, v0  }
0x442: {  	v15 =	vsel vm1, $0x3F800000, v1  }
0x443: {  	v14 =	vadd.f32 v15, v14  }
0x444: {  	s10 =	spop (v2sf)  }
0x445: {  	(v2sf) =	vpush v13, $0x5;
	s12 =	sand.u32 $0xFFFFFFF0, s10;
	[tilespmem:s9+$0x9500] =	vst v14  }
0x446: {  	v14 =	vld [tilespmem:s12+$0x9500]  }
0x447: {  	s1 =	sand.u32 $0xF, s10  }
0x448: {  	v15 =	vmov s1  }
0x449: {  	vm1 =	veq.s32 v15, v0  }
0x44a: {  	v15 =	vsel vm1, $0x3F800000, v1  }
0x44b: {  	v14 =	vadd.f32 v14, v15  }
0x44c: {  	s13 =	spop (v2sf)  }
0x44d: {  	(v2sf) =	vpush v13, $0x6;
	s14 =	sand.u32 $0xFFFFFFF0, s13;
	[tilespmem:s12+$0x9500] =	vst v14  }
0x44e: {  	v14 =	vld [tilespmem:s14+$0x9500]  }
0x44f: {  	s1 =	sand.u32 $0xF, s13  }
0x450: {  	v15 =	vmov s1  }
0x451: {  	vm1 =	veq.s32 v15, v0  }
0x452: {  	v15 =	vsel vm1, $0x3F800000, v1  }
0x453: {  	v14 =	vadd.f32 v14, v15  }
0x454: {  	s15 =	spop (v2sf)  }
0x455: {  	(v2sf) =	vpush v13, $0x7;
	s16 =	sand.u32 $0xFFFFFFF0, s15;
	[tilespmem:s14+$0x9500] =	vst v14  }
0x456: {  	v14 =	vld [tilespmem:s16+$0x9500]  }
0x457: {  	s1 =	sand.u32 $0xF, s15  }
0x458: {  	v15 =	vmov s1  }
0x459: {  	vm1 =	veq.s32 v15, v0  }
0x45a: {  	v15 =	vsel vm1, $0x3F800000, v1  }
0x45b: {  	v14 =	vadd.f32 v14, v15  }
0x45c: {  	s17 =	spop (v2sf)  }
0x45d: {  	(v2sf) =	vpush v13, $0x8;
	s18 =	sand.u32 $0xFFFFFFF0, s17;
	[tilespmem:s16+$0x9500] =	vst v14  }
0x45e: {  	v14 =	vld [tilespmem:s18+$0x9500]  }
0x45f: {  	s1 =	sand.u32 $0xF, s17  }
0x460: {  	v15 =	vmov s1  }
0x461: {  	vm1 =	veq.s32 v15, v0  }
0x462: {  	v15 =	vsel vm1, $0x3F800000, v1  }
0x463: {  	v14 =	vadd.f32 v14, v15  }
0x464: {  	s21 =	spop (v2sf)  }
0x465: {  	(v2sf) =	vpush v13, $0x9;
	s31 =	sand.u32 $0xFFFFFFF0, s21;
	[tilespmem:s18+$0x9500] =	vst v14  }
0x466: {  	v14 =	vld [tilespmem:s31+$0x9500]  }
0x467: {  	s1 =	sand.u32 $0xF, s21  }
0x468: {  	v15 =	vmov s1  }
0x469: {  	vm1 =	veq.s32 v15, v0  }
0x46a: {  	v15 =	vsel vm1, $0x3F800000, v1  }
0x46b: {  	v14 =	vadd.f32 v14, v15  }
0x46c: {  	s3 =	spop (v2sf)  }
0x46d: {  	(v2sf) =	vpush v13, $0xA;
	s4 =	sand.u32 $0xFFFFFFF0, s3;
	[tilespmem:s31+$0x9500] =	vst v14  }
0x46e: {  	v14 =	vld [tilespmem:s4+$0x9500]  }
0x46f: {  	s1 =	sand.u32 $0xF, s3  }
0x470: {  	v15 =	vmov s1  }
0x471: {  	vm1 =	veq.s32 v15, v0  }
0x472: {  	v15 =	vsel vm1, $0x3F800000, v1  }
0x473: {  	v14 =	vadd.f32 v14, v15  }
0x474: {  	s5 =	spop (v2sf)  }
0x475: {  	(v2sf) =	vpush v13, $0xB;
	s6 =	sand.u32 $0xFFFFFFF0, s5;
	[tilespmem:s4+$0x9500] =	vst v14  }
0x476: {  	v14 =	vld [tilespmem:s6+$0x9500]  }
0x477: {  	s1 =	sand.u32 $0xF, s5  }
0x478: {  	v15 =	vmov s1  }
0x479: {  	vm1 =	veq.s32 v15, v0  }
0x47a: {  	v15 =	vsel vm1, $0x3F800000, v1  }
0x47b: {  	v14 =	vadd.f32 v14, v15  }
0x47c: {  	s7 =	spop (v2sf)  }
0x47d: {  	(v2sf) =	vpush v13, $0xC;
	s9 =	sand.u32 $0xFFFFFFF0, s7;
	[tilespmem:s6+$0x9500] =	vst v14  }
0x47e: {  	v14 =	vld [tilespmem:s9+$0x9500]  }
0x47f: {  	s1 =	sand.u32 $0xF, s7  }
0x480: {  	v15 =	vmov s1  }
0x481: {  	vm1 =	veq.s32 v15, v0  }
0x482: {  	v15 =	vsel vm1, $0x3F800000, v1  }
0x483: {  	v14 =	vadd.f32 v14, v15  }
0x484: {  	s10 =	spop (v2sf)  }
0x485: {  	(v2sf) =	vpush v13, $0xD;
	s12 =	sand.u32 $0xFFFFFFF0, s10;
	[tilespmem:s9+$0x9500] =	vst v14  }
0x486: {  	v14 =	vld [tilespmem:s12+$0x9500]  }
0x487: {  	s1 =	sand.u32 $0xF, s10  }
0x488: {  	v15 =	vmov s1  }
0x489: {  	vm1 =	veq.s32 v15, v0  }
0x48a: {  	v15 =	vsel vm1, $0x3F800000, v1  }
0x48b: {  	v14 =	vadd.f32 v14, v15  }
0x48c: {  	s13 =	spop (v2sf)  }
0x48d: {  	(v2sf) =	vpush v13, $0xE;
	s14 =	sand.u32 $0xFFFFFFF0, s13;
	[tilespmem:s12+$0x9500] =	vst v14  }
0x48e: {  	v14 =	vld [tilespmem:s14+$0x9500]  }
0x48f: {  	s1 =	sand.u32 $0xF, s13  }
0x490: {  	v15 =	vmov s1  }
0x491: {  	vm1 =	veq.s32 v15, v0  }
0x492: {  	v15 =	vsel vm1, $0x3F800000, v1  }
0x493: {  	v14 =	vadd.f32 v14, v15  }
0x494: {  	s15 =	spop (v2sf)  }
0x495: {  	(v2sf) =	vpush v13, $0xF;
	s16 =	sand.u32 $0xFFFFFFF0, s15;
	[tilespmem:s14+$0x9500] =	vst v14  }
0x496: {  	v13 =	vld [tilespmem:s16+$0x9500]  }
0x497: {  	s1 =	sand.u32 $0xF, s15  }
0x498: {  	v14 =	vmov s1  }
0x499: {  	vm1 =	veq.s32 v14, v0  }
0x49a: {  	v14 =	vsel vm1, $0x3F800000, v1  }
0x49b: {  	v13 =	vadd.f32 v13, v14  }
0x49c: {  	s17 =	spop (v2sf)  }
0x49d: {  	s18 =	sand.u32 $0xFFFFFFF0, s17;
	[tilespmem:s16+$0x9500] =	vst v13  }
0x49e: {  	v13 =	vld [tilespmem:s18+$0x9500]  }
0x49f: {  	s1 =	sand.u32 $0xF, s17  }
0x4a0: {  	v14 =	vmov s1  }
0x4a1: {  	vm1 =	veq.s32 v14, v0  }
0x4a2: {  	v14 =	vsel vm1, $0x3F800000, v1  }
0x4a3: {  	v13 =	vadd.f32 v13, v14  }
0x4a4: {  	s21 =	spop (v2sf)  }
0x4a5: {  	s31 =	sand.u32 $0xFFFFFFF0, s21;
	[tilespmem:s18+$0x9500] =	vst v13  }
0x4a6: {  	v13 =	vld [tilespmem:s31+$0x9500]  }
0x4a7: {  	s0 =	sadd.s32 $0x1, s0;
	s1 =	sand.u32 $0xF, s21  }
0x4a8: {  	p0 =	sne.s32 s0, $0x19;
	v14 =	vmov s1  }
.Ltmp10:
0x4a9: {  	vm1 =	veq.s32 v14, v0;
	(pc) =	sbr.rel @p0 .LBB2_6-.Ltmp10, $3  }
0x4aa: {  	v14 =	vsel vm1, $0x3F800000, v1  }
0x4ab: {  	v13 =	vadd.f32 v13, v14;
	_ =	sdelay $0x1  }
0x4ac: {  	[tilespmem:s31+$0x9500] =	vst v13  }
0x4ad: {  	[bflag:$0x0] =	sbarrier.arrive $0xFFFF  }
0x4ae: {  	s2 =	simm.s32 $0x8100;
	s0 =	rddreg [dreg:$0x15]  }
0x4af: {  	[tilespmem:s2], [sflag:$0x3] =	stream.linear.gather [spmem:s0], $0x1400, $0x38;
	[tilespmem:$0x1FE80] =	vst v63  }
0x4b0: {  	_ =	swait.ge [sflag:s20], $0x1400  }
0x4b1: {  	[sflag:s20] =	ssyncset.done $0x0  }
0x4b2: {  	s31 =	simm.s32 $0x0;
	s3 =	rddreg [dreg:$0x5];
	[sflag:s20] =	ssyncadd.s32 $0xFFFFEC00  }
0x4b3: {  	[hbm4b:s3+s31] =	stream.linear.scatter [tilespmem:s2], [sflag:$0x3], $0x1400, $0x38;
	[tilespmem:$0x1FE80] =	vst v63  }
0x4b4: {  	_ =	swait.ge [sflag:s20], $0x1400  }
0x4b5: {  	[sflag:s20] =	ssyncset.done $0x0  }
0x4b6: {  	s18 =	rddreg [dreg:$0x16];
	[sflag:s20] =	ssyncadd.s32 $0xFFFFEC00  }
0x4b7: {  	[tilespmem:s2], [sflag:$0x3] =	stream.linear.gather [spmem:s18], $0x1400, $0x38;
	[tilespmem:$0x1FE80] =	vst v63  }
0x4b8: {  	_ =	swait.ge [sflag:s20], $0x1400  }
0x4b9: {  	[sflag:s20] =	ssyncset.done $0x0  }
0x4ba: {  	s4 =	rddreg [dreg:$0x6];
	[sflag:s20] =	ssyncadd.s32 $0xFFFFEC00  }
0x4bb: {  	[hbm4b:s4+s31] =	stream.linear.scatter [tilespmem:s2], [sflag:$0x3], $0x1400, $0x38;
	[tilespmem:$0x1FE80] =	vst v63  }
0x4bc: {  	_ =	swait.ge [sflag:s20], $0x1400  }
0x4bd: {  	[sflag:s20] =	ssyncset.done $0x0  }
0x4be: {  	s5 =	rddreg [dreg:$0x17];
	[sflag:s20] =	ssyncadd.s32 $0xFFFFEC00  }
0x4bf: {  	[tilespmem:s2], [sflag:$0x3] =	stream.linear.gather [spmem:s5], $0x1400, $0x38;
	[tilespmem:$0x1FE80] =	vst v63  }
0x4c0: {  	_ =	swait.ge [sflag:s20], $0x1400  }
0x4c1: {  	[sflag:s20] =	ssyncset.done $0x0  }
0x4c2: {  	s6 =	rddreg [dreg:$0x7];
	[sflag:s20] =	ssyncadd.s32 $0xFFFFEC00  }
0x4c3: {  	[hbm4b:s6+s31] =	stream.linear.scatter [tilespmem:s2], [sflag:$0x3], $0x1400, $0x38;
	[tilespmem:$0x1FE80] =	vst v63  }
0x4c4: {  	_ =	swait.ge [sflag:s20], $0x1400  }
0x4c5: {  	[sflag:s20] =	ssyncset.done $0x0  }
0x4c6: {  	s7 =	rddreg [dreg:$0x18];
	[sflag:s20] =	ssyncadd.s32 $0xFFFFEC00  }
0x4c7: {  	[tilespmem:s2], [sflag:$0x3] =	stream.linear.gather [spmem:s7], $0x1400, $0x38;
	[tilespmem:$0x1FE80] =	vst v63  }
0x4c8: {  	_ =	swait.ge [sflag:s20], $0x1400  }
0x4c9: {  	[sflag:s20] =	ssyncset.done $0x0  }
0x4ca: {  	s9 =	rddreg [dreg:$0x8];
	[sflag:s20] =	ssyncadd.s32 $0xFFFFEC00  }
0x4cb: {  	[hbm4b:s9+s31] =	stream.linear.scatter [tilespmem:s2], [sflag:$0x3], $0x1400, $0x38;
	[tilespmem:$0x1FE80] =	vst v63  }
0x4cc: {  	_ =	swait.ge [sflag:s20], $0x1400  }
0x4cd: {  	[sflag:s20] =	ssyncset.done $0x0  }
0x4ce: {  	s10 =	rddreg [dreg:$0x19];
	[sflag:s20] =	ssyncadd.s32 $0xFFFFEC00  }
0x4cf: {  	[tilespmem:s2], [sflag:$0x3] =	stream.linear.gather [spmem:s10], $0x1400, $0x38;
	[tilespmem:$0x1FE80] =	vst v63  }
0x4d0: {  	_ =	swait.ge [sflag:s20], $0x1400  }
0x4d1: {  	[sflag:s20] =	ssyncset.done $0x0  }
0x4d2: {  	s12 =	rddreg [dreg:$0x9];
	[sflag:s20] =	ssyncadd.s32 $0xFFFFEC00  }
0x4d3: {  	[hbm4b:s12+s31] =	stream.linear.scatter [tilespmem:s2], [sflag:$0x3], $0x1400, $0x38;
	[tilespmem:$0x1FE80] =	vst v63  }
0x4d4: {  	_ =	swait.ge [sflag:s20], $0x1400  }
0x4d5: {  	[sflag:s20] =	ssyncset.done $0x0  }
0x4d6: {  	s13 =	rddreg [dreg:$0x1a];
	[sflag:s20] =	ssyncadd.s32 $0xFFFFEC00  }
0x4d7: {  	[tilespmem:s2], [sflag:$0x3] =	stream.linear.gather [spmem:s13], $0x1400, $0x38;
	[tilespmem:$0x1FE80] =	vst v63  }
0x4d8: {  	_ =	swait.ge [sflag:s20], $0x1400  }
0x4d9: {  	[sflag:s20] =	ssyncset.done $0x0  }
0x4da: {  	s14 =	rddreg [dreg:$0xa];
	[sflag:s20] =	ssyncadd.s32 $0xFFFFEC00  }
0x4db: {  	[hbm4b:s14+s31] =	stream.linear.scatter [tilespmem:s2], [sflag:$0x3], $0x1400, $0x38;
	[tilespmem:$0x1FE80] =	vst v63  }
0x4dc: {  	_ =	swait.ge [sflag:s20], $0x1400  }
0x4dd: {  	[sflag:s20] =	ssyncset.done $0x0  }
0x4de: {  	s15 =	rddreg [dreg:$0x1b];
	[sflag:s20] =	ssyncadd.s32 $0xFFFFEC00  }
0x4df: {  	[tilespmem:s2], [sflag:$0x3] =	stream.linear.gather [spmem:s15], $0x1400, $0x38;
	[tilespmem:$0x1FE80] =	vst v63  }
0x4e0: {  	_ =	swait.ge [sflag:s20], $0x1400  }
0x4e1: {  	[sflag:s20] =	ssyncset.done $0x0  }
0x4e2: {  	s16 =	rddreg [dreg:$0xb];
	[sflag:s20] =	ssyncadd.s32 $0xFFFFEC00  }
0x4e3: {  	[hbm4b:s16+s31] =	stream.linear.scatter [tilespmem:s2], [sflag:$0x3], $0x1400, $0x38;
	[tilespmem:$0x1FE80] =	vst v63  }
0x4e4: {  	_ =	swait.ge [sflag:s20], $0x1400  }
0x4e5: {  	[sflag:s20] =	ssyncset.done $0x0  }
0x4e6: {  	s17 =	rddreg [dreg:$0x1c];
	[sflag:s20] =	ssyncadd.s32 $0xFFFFEC00  }
0x4e7: {  	[tilespmem:s2], [sflag:$0x3] =	stream.linear.gather [spmem:s17], $0x1400, $0x38;
	[tilespmem:$0x1FE80] =	vst v63  }
0x4e8: {  	_ =	swait.ge [sflag:s20], $0x1400  }
0x4e9: {  	[sflag:s20] =	ssyncset.done $0x0  }
0x4ea: {  	s21 =	rddreg [dreg:$0xc];
	[sflag:s20] =	ssyncadd.s32 $0xFFFFEC00  }
0x4eb: {  	[hbm4b:s21+s31] =	stream.linear.scatter [tilespmem:s2], [sflag:$0x3], $0x1400, $0x38;
	[tilespmem:$0x1FE80] =	vst v63  }
0x4ec: {  	_ =	swait.ge [sflag:s20], $0x1400  }
0x4ed: {  	[sflag:s20] =	ssyncset.done $0x0  }
0x4ee: {  	s1 =	rddreg [dreg:$0x1d];
	[sflag:s20] =	ssyncadd.s32 $0xFFFFEC00  }
0x4ef: {  	[tilespmem:s2], [sflag:$0x3] =	stream.linear.gather [spmem:s1], $0x1400, $0x38;
	[tilespmem:$0x1FE80] =	vst v63  }
0x4f0: {  	_ =	swait.ge [sflag:s20], $0x1400  }
0x4f1: {  	[sflag:s20] =	ssyncset.done $0x0  }
0x4f2: {  	s3 =	rddreg [dreg:$0xd];
	[sflag:s20] =	ssyncadd.s32 $0xFFFFEC00  }
0x4f3: {  	[hbm4b:s3+s31] =	stream.linear.scatter [tilespmem:s2], [sflag:$0x3], $0x1400, $0x38;
	[tilespmem:$0x1FE80] =	vst v63  }
0x4f4: {  	_ =	swait.ge [sflag:s20], $0x1400  }
0x4f5: {  	[sflag:s20] =	ssyncset.done $0x0  }
0x4f6: {  	s4 =	rddreg [dreg:$0x1e];
	[sflag:s20] =	ssyncadd.s32 $0xFFFFEC00  }
0x4f7: {  	[tilespmem:s2], [sflag:$0x3] =	stream.linear.gather [spmem:s4], $0x1400, $0x38;
	[tilespmem:$0x1FE80] =	vst v63  }
0x4f8: {  	_ =	swait.ge [sflag:s20], $0x1400  }
0x4f9: {  	[sflag:s20] =	ssyncset.done $0x0  }
0x4fa: {  	s5 =	rddreg [dreg:$0xe];
	[sflag:s20] =	ssyncadd.s32 $0xFFFFEC00  }
0x4fb: {  	[hbm4b:s5+s31] =	stream.linear.scatter [tilespmem:s2], [sflag:$0x3], $0x1400, $0x38;
	[tilespmem:$0x1FE80] =	vst v63  }
0x4fc: {  	_ =	swait.ge [sflag:s20], $0x1400  }
0x4fd: {  	[sflag:s20] =	ssyncset.done $0x0  }
0x4fe: {  	s6 =	rddreg [dreg:$0x1f];
	[sflag:s20] =	ssyncadd.s32 $0xFFFFEC00  }
0x4ff: {  	[tilespmem:s2], [sflag:$0x3] =	stream.linear.gather [spmem:s6], $0x1400, $0x38;
	[tilespmem:$0x1FE80] =	vst v63  }
0x500: {  	_ =	swait.ge [sflag:s20], $0x1400  }
0x501: {  	[sflag:s20] =	ssyncset.done $0x0  }
0x502: {  	s7 =	rddreg [dreg:$0xf];
	[sflag:s20] =	ssyncadd.s32 $0xFFFFEC00  }
0x503: {  	[hbm4b:s7+s31] =	stream.linear.scatter [tilespmem:s2], [sflag:$0x3], $0x1400, $0x38;
	[tilespmem:$0x1FE80] =	vst v63  }
0x504: {  	_ =	swait.ge [sflag:s20], $0x1400  }
0x505: {  	s9 =	sld [smem:$0x7F1]  }
0x506: {  	[sflag:s20] =	ssyncset.done $0x0  }
0x507: {  	[sflag:s20] =	ssyncadd.s32 $0xFFFFEC00  }
0x508: {  	[tilespmem:s2], [sflag:$0x3] =	stream.linear.gather [spmem:s9], $0x1400, $0x38;
	[tilespmem:$0x1FE80] =	vst v63  }
0x509: {  	_ =	swait.ge [sflag:s20], $0x1400  }
0x50a: {  	[sflag:s20] =	ssyncset.done $0x0  }
0x50b: {  	s10 =	rddreg [dreg:$0x10];
	[sflag:s20] =	ssyncadd.s32 $0xFFFFEC00  }
0x50c: {  	[hbm4b:s10+s31] =	stream.linear.scatter [tilespmem:s2], [sflag:$0x3], $0x1400, $0x38;
	[tilespmem:$0x1FE80] =	vst v63  }
0x50d: {  	_ =	swait.ge [sflag:s20], $0x1400  }
0x50e: {  	s6 =	sld [smem:$0x7FA]  }
0x50f: {  	[sflag:s20] =	ssyncset.done $0x0  }
0x510: {  	[sflag:s20] =	ssyncadd.s32 $0xFFFFEC00  }
0x511: {  	[tilespmem:s2], [sflag:$0x3] =	stream.linear.gather [spmem:s6], $0x1400, $0x38;
	[tilespmem:$0x1FE80] =	vst v63  }
0x512: {  	_ =	swait.ge [sflag:s20], $0x1400  }
0x513: {  	[sflag:s20] =	ssyncset.done $0x0  }
0x514: {  	s12 =	rddreg [dreg:$0x11];
	[sflag:s20] =	ssyncadd.s32 $0xFFFFEC00  }
0x515: {  	[hbm4b:s12+s31] =	stream.linear.scatter [tilespmem:s2], [sflag:$0x3], $0x1400, $0x38;
	[tilespmem:$0x1FE80] =	vst v63  }
0x516: {  	_ =	swait.ge [sflag:s20], $0x1400  }
0x517: {  	s7 =	sld [smem:$0x7FB]  }
0x518: {  	[sflag:s20] =	ssyncset.done $0x0  }
0x519: {  	[sflag:s20] =	ssyncadd.s32 $0xFFFFEC00  }
0x51a: {  	[tilespmem:s2], [sflag:$0x3] =	stream.linear.gather [spmem:s7], $0x1400, $0x38;
	[tilespmem:$0x1FE80] =	vst v63  }
0x51b: {  	_ =	swait.ge [sflag:s20], $0x1400  }
0x51c: {  	[sflag:s20] =	ssyncset.done $0x0  }
0x51d: {  	s13 =	rddreg [dreg:$0x12];
	[sflag:s20] =	ssyncadd.s32 $0xFFFFEC00  }
0x51e: {  	[hbm4b:s13+s31] =	stream.linear.scatter [tilespmem:s2], [sflag:$0x3], $0x1400, $0x38;
	[tilespmem:$0x1FE80] =	vst v63  }
0x51f: {  	_ =	swait.ge [sflag:s20], $0x1400  }
0x520: {  	s3 =	sld [smem:$0x7FC]  }
0x521: {  	[sflag:s20] =	ssyncset.done $0x0  }
0x522: {  	[sflag:s20] =	ssyncadd.s32 $0xFFFFEC00  }
0x523: {  	[tilespmem:s2], [sflag:$0x3] =	stream.linear.gather [spmem:s3], $0x1400, $0x38;
	[tilespmem:$0x1FE80] =	vst v63  }
0x524: {  	_ =	swait.ge [sflag:s20], $0x1400  }
0x525: {  	[sflag:s20] =	ssyncset.done $0x0  }
0x526: {  	s14 =	rddreg [dreg:$0x13];
	[sflag:s20] =	ssyncadd.s32 $0xFFFFEC00  }
0x527: {  	[hbm4b:s14+s31] =	stream.linear.scatter [tilespmem:s2], [sflag:$0x3], $0x1400, $0x38;
	[tilespmem:$0x1FE80] =	vst v63  }
0x528: {  	_ =	swait.ge [sflag:s20], $0x1400  }
0x529: {  	s4 =	sld [smem:$0x7FD]  }
0x52a: {  	[sflag:s20] =	ssyncset.done $0x0  }
0x52b: {  	[sflag:s20] =	ssyncadd.s32 $0xFFFFEC00  }
0x52c: {  	[tilespmem:s2], [sflag:$0x3] =	stream.linear.gather [spmem:s4], $0x1400, $0x38;
	[tilespmem:$0x1FE80] =	vst v63  }
0x52d: {  	_ =	swait.ge [sflag:s20], $0x1400  }
0x52e: {  	[sflag:s20] =	ssyncset.done $0x0  }
0x52f: {  	s15 =	rddreg [dreg:$0x14];
	[sflag:s20] =	ssyncadd.s32 $0xFFFFEC00  }
0x530: {  	[hbm4b:s15+s31] =	stream.linear.scatter [tilespmem:s2], [sflag:$0x3], $0x1400, $0x38;
	[tilespmem:$0x1FE80] =	vst v63  }
0x531: {  	_ =	swait.ge [sflag:s20], $0x1400  }
0x532: {  	s16 =	sld [smem:$0x7F7]  }
0x533: {  	[sflag:s20] =	ssyncset.done $0x0  }
0x534: {  	s1 =	simm.s32 $0x9500;
	[sflag:s20] =	ssyncadd.s32 $0xFFFFEC00  }
0x535: {  	[hbm4b:s16+s31] =	stream.linear.scatter [tilespmem:s1], [sflag:$0x3], $0x2800, $0x38;
	[tilespmem:$0x1FE80] =	vst v63  }
0x536: {  	_ =	swait.ge [sflag:s20], $0x2800  }
0x537: {  	s17 =	sld [smem:$0x7F0]  }
0x538: {  	s21 =	sld [smem:$0x7F8];
	_ =	sdelay $0x1  }
0x539: {  	s1 =	sadd.s32 $0x1, s17  }
0x53a: {  	p0 =	sne.s32 s1, s21  }
.Ltmp11:
0x53b: {  	_ = 	snop;
	(pc) =	sbr.rel @p0 .LBB2_1-.Ltmp11, $3  }
0x53c: {  	_ =	sdelay $0x1  }
0x53d: {  	[sflag:s20] =	ssyncset.done $0x0  }
0x53e: {  	[sflag:s20] =	ssyncadd.s32 $0xFFFFD800  }
0x53f: {  	_ =	sfence.sel $0x180000  }
0x540: {  	[bflag:$0x0] =	sbarrier.arrive $0xFFFF  }
0x541: {  	_ =	strace $0x90000047  }
0x542: {  	s0 =	stileid.u32;
	[bflag:$0x2] =	sbarrier.arrive $0xFFFF  }
0x543: {  	p0 =	sne.s32 s0, $0x0;
	s0 =	rddreg [dreg:$0x4]  }
0x544: {  	s0 =	sadd.s32 @!p0 $0x100000, s0  }
0x545: {  	[sflag:s0] =	ssyncadd.tile.s32 @!p0 $0x1;
	_ =	shalt  }
.Lfunc_end2:
_tile_overlayer_lowered:
.L_overlay_start_2:
0x546: {  	(tag) =	ssettag $0x2  }
0x547: {  	s0 =	rddreg [dreg:$0x0];
	s2 =	stileid.u32  }
0x548: {  	s1 =	rddreg [dreg:$0x1];
	p0 =	sne.s32 s2, $0x0  }
0x549: {  	s3 =	rddreg [dreg:$0x2];
	[bflag:$0x3] =	sbarrier.arrive $0xFFFF;
	s2 =	simm.s32 @!p0 $0x1C03  }
0x54a: {  	[timem:s3], [sflag:s2] =	dma.local @!p0 [hbm:s0], s1  }
0x54b: {  	s0 =	simm.s32 @!p0 $0x3  }
0x54c: {  	_ =	swait.ge @!p0 [sflag:s0], s1  }
0x54d: {  	s1 =	ssub.s32 @!p0 $0x0, s1;
	[sflag:s0] =	ssyncset.done @!p0 $0x0  }
0x54e: {  	[sflag:s0] =	ssyncadd.s32 @!p0 s1  }
0x54f: {  	[bflag:$0x3] =	sbarrier.arrive $0xFFFF  }
0x550: {  	_ =	shalt  }

</sc_bundles>
